<compile_context>
chip_gen: v7x
topology: tpu7x:2x2x1
jax: 0.10.2.dev20260603
libtpu: 0.0.44.dev20260713+nightly
codegen_flags: <defaults>
</compile_context>

<pallas_src>
import functools

import jax
import jax.numpy as jnp
from jax import lax
from jax.experimental import pallas as pl
from jax.experimental.pallas import tpu as pltpu
from jax.experimental.pallas import tpu_sc as plsc

_N = 10000
_E = 320000
_D = 128
_K = 32
_P = 2048
_CHUNK = 125
_NROWS2D = _E // _CHUNK
_NC, _NS = 2, 16
_NW = _NC * _NS
_PER_TILE = _NROWS2D // _NW
_ZROWS = 400
_NZCHUNK = _N // _ZROWS
_PPT = _P // _NW
_BN = 2000



def _make_segsum(width):
    wpv = width // 16
    mesh = plsc.VectorSubcoreMesh(core_axis_name="c", subcore_axis_name="s", num_cores=_NC, num_subcores=_NS)

    @functools.partial(
        pl.kernel,
        out_type=(
            jax.ShapeDtypeStruct((_N, width), jnp.float32),
            jax.ShapeDtypeStruct((_N, width), jnp.float32),
        ),
        mesh=mesh,
        compiler_params=pltpu.CompilerParams(use_tc_tiling_on_sc=False),
        scratch_types=[
            pltpu.VMEM((_PER_TILE, _CHUNK), jnp.int32),
            pltpu.VMEM((_PER_TILE, _CHUNK), jnp.int32),
            pltpu.VMEM((_CHUNK, width), jnp.float32),
            pltpu.VMEM((_ZROWS, width), jnp.float32),
            pltpu.VMEM_SHARED((_N, width), jnp.float32),
            pltpu.SemaphoreType.DMA,
        ],
    )
    def seg(y_hbm, src_hbm, dst_hbm, out0_hbm, out1_hbm,
            src_v, dst_v, rows_v, zbuf, acc_sh, sem):
        cid = lax.axis_index("c")
        sid = lax.axis_index("s")
        wid = cid * _NS + sid

        def zstore(i, carry):
            r = i // wpv
            c = i % wpv
            zbuf[r, pl.ds(c * 16, 16)] = jnp.zeros((16,), jnp.float32)
            return carry

        lax.fori_loop(0, _ZROWS * wpv, zstore, 0)
        for z in range((_NZCHUNK + _NS - 1) // _NS):
            cb = (z * _NS + sid) * _ZROWS

            @pl.when(z * _NS + sid < _NZCHUNK)
            def _():
                pltpu.sync_copy(zbuf, acc_sh.at[pl.ds(cb, _ZROWS)])

        pltpu.sync_copy(src_hbm.at[pl.ds(wid * _PER_TILE, _PER_TILE)], src_v)
        pltpu.sync_copy(dst_hbm.at[pl.ds(wid * _PER_TILE, _PER_TILE)], dst_v)
        plsc.subcore_barrier()

        def body(j, carry):
            pltpu.async_copy(y_hbm.at[src_v.at[j]], rows_v, sem).wait()
            pltpu.sync_copy(rows_v, acc_sh.at[dst_v.at[j]], add=True)
            return carry

        lax.fori_loop(0, _PER_TILE, body, 0)
        plsc.subcore_barrier()

        for z in range((_NZCHUNK + _NS - 1) // _NS):
            cb = (z * _NS + sid) * _ZROWS
            rows = pl.ds(cb, _ZROWS)

            @pl.when((z * _NS + sid < _NZCHUNK) & (cid == 0))
            def _():
                pltpu.sync_copy(acc_sh.at[rows], out0_hbm.at[rows])

            @pl.when((z * _NS + sid < _NZCHUNK) & (cid == 1))
            def _():
                pltpu.sync_copy(acc_sh.at[rows], out1_hbm.at[rows])

    return seg


def _make_pair_gather():
    mesh = plsc.VectorSubcoreMesh(core_axis_name="c", subcore_axis_name="s", num_cores=_NC, num_subcores=_NS)

    @functools.partial(
        pl.kernel,
        out_type=(
            jax.ShapeDtypeStruct((_P, 64), jnp.float32),
            jax.ShapeDtypeStruct((_P, 64), jnp.float32),
        ),
        mesh=mesh,
        compiler_params=pltpu.CompilerParams(use_tc_tiling_on_sc=False),
        scratch_types=[
            pltpu.VMEM((_PPT,), jnp.int32),
            pltpu.VMEM((_PPT, 64), jnp.float32),
            pltpu.SemaphoreType.DMA,
        ],
    )
    def g(zsub_hbm, pos_hbm, neg_hbm, opos_hbm, oneg_hbm, idx_v, rows_v, sem):
        cid = lax.axis_index("c")
        sid = lax.axis_index("s")
        wid = cid * _NS + sid
        sl = pl.ds(wid * _PPT, _PPT)
        pltpu.sync_copy(pos_hbm.at[sl], idx_v)
        pltpu.async_copy(zsub_hbm.at[idx_v], rows_v, sem).wait()
        pltpu.sync_copy(rows_v, opos_hbm.at[sl])
        pltpu.sync_copy(neg_hbm.at[sl], idx_v)
        pltpu.async_copy(zsub_hbm.at[idx_v], rows_v, sem).wait()
        pltpu.sync_copy(rows_v, oneg_hbm.at[sl])

    return g


_seg64 = _make_segsum(64)
_seg48 = _make_segsum(48)
_pair_gather = _make_pair_gather()



def _row_spec(c):
    return pl.BlockSpec((_BN, c), lambda i: (i, 0))


def _full_spec(shape):
    return pl.BlockSpec(shape, lambda i: (0,) * len(shape))


def _tc_call(body, out_shapes, in_specs, out_specs):
    return pl.pallas_call(
        body,
        grid=(_N // _BN,),
        out_shape=out_shapes,
        in_specs=in_specs,
        out_specs=out_specs,
    )


def _pre_body(x_ref, xs_ref, w_ref, ox_ref, os_ref):
    ox_ref[...] = jnp.dot(x_ref[...], w_ref[...], preferred_element_type=jnp.float32)
    os_ref[...] = jnp.dot(xs_ref[...], w_ref[...], preferred_element_type=jnp.float32)


def _mid1_body(yx_ref, ys_ref, p0x_ref, p1x_ref, p0s_ref, p1s_ref, b1_ref,
               w2_ref, o_ref):
    b = b1_ref[...]
    hx = jnp.maximum(yx_ref[...] + p0x_ref[...] + p1x_ref[...] + b, 0.0)
    hs = jnp.maximum(ys_ref[...] + p0s_ref[...] + p1s_ref[...] + b, 0.0)
    a = jnp.dot(hx, w2_ref[...], preferred_element_type=jnp.float32)
    c = jnp.dot(hs, w2_ref[...], preferred_element_type=jnp.float32)
    o_ref[...] = jnp.concatenate([a, c], axis=1)


def _mid2_body(y2_ref, q0_ref, q1_ref, b2_ref, bl_ref, bw1_ref, bb1_ref,
               bw2_ref, bb2_ref, zb_ref, znb_ref):
    b = b2_ref[...]
    z = y2_ref[...] + q0_ref[...] + q1_ref[...] + jnp.concatenate([b, b], axis=1)
    zb_ref[...] = z
    e = jnp.dot(bl_ref[...], bw1_ref[...], preferred_element_type=jnp.float32)
    e = jnp.maximum(e + bb1_ref[...], 0.0)
    be = jnp.dot(e, bw2_ref[...], preferred_element_type=jnp.float32) + bb2_ref[...]
    znb_ref[...] = jnp.concatenate([z[:, :32], be], axis=1)


def _poolfin_body(a0_ref, a1_ref, bw1_ref, bb1_ref, bw2_ref, bb2_ref,
                  zs_ref, lb_ref):
    zs = (a0_ref[...] + a1_ref[...]) * (1.0 / _K)
    zs_ref[...] = zs
    t = jnp.dot(zs[:, :32], bw1_ref[...], preferred_element_type=jnp.float32)
    t = jnp.maximum(t + bb1_ref[...], 0.0)
    lb_ref[...] = jnp.dot(t, bw2_ref[...], preferred_element_type=jnp.float32) + bb2_ref[...]


def _mid3_body(znb_ref, d0_ref, d1_ref, w_ref, b_ref, o_ref):
    agg = znb_ref[...] + d0_ref[...] + d1_ref[...]
    h = jnp.dot(agg, w_ref[...], preferred_element_type=jnp.float32) + b_ref[...]
    o_ref[...] = jnp.maximum(h, 0.0)


def _fin_body(h_ref, e0_ref, e1_ref, w_ref, b_ref, o_ref):
    agg = h_ref[...] + e0_ref[...] + e1_ref[...]
    o_ref[...] = jnp.dot(agg, w_ref[...], preferred_element_type=jnp.float32) + b_ref[...]


def _bil_body(gp_ref, gn_ref, w_ref, bb_ref, lp_ref, ln_ref):
    gp = gp_ref[...]
    gn = gn_ref[...]
    aw = jnp.dot(gp[:, :32], w_ref[...], preferred_element_type=jnp.float32)
    lp_ref[...] = jnp.sum(aw * gp[:, 32:], axis=1, keepdims=True) + bb_ref[...]
    ln_ref[...] = jnp.sum(aw * gn[:, 32:], axis=1, keepdims=True) + bb_ref[...]



def kernel(x, x_shf, edge_index, sub_node_list, positive_ind, negative_ind,
           batch_labels, enc_W1, enc_b1, enc_W2, enc_b2, dec_W1, dec_b1,
           dec_W2, dec_b2, be_W1, be_b1, be_W2, be_b2, bd_W1, bd_b1, bd_W2,
           bd_b2, bil_W, bil_b):
    f32 = jnp.float32
    src2d = edge_index[0].reshape(_NROWS2D, _CHUNK)
    dst2d = edge_index[1].reshape(_NROWS2D, _CHUNK)
    sub2d = sub_node_list.reshape(_NROWS2D, _CHUNK)
    dstpool2d = jnp.repeat(
        jnp.arange(_N, dtype=jnp.int32), _K).reshape(_NROWS2D, _CHUNK)

    eb1 = enc_b1.reshape(1, 64)
    eb2 = enc_b2.reshape(1, 32)
    db1 = dec_b1.reshape(1, 64)
    db2 = dec_b2.reshape(1, _D)
    beb1 = be_b1.reshape(1, -1)
    beb2 = be_b2.reshape(1, -1)
    bdb1 = bd_b1.reshape(1, -1)
    bdb2 = bd_b2.reshape(1, -1)
    bilb = bil_b.reshape(1, 1)
    mid = be_W1.shape[1]

    y1x, y1s = _tc_call(
        _pre_body,
        (jax.ShapeDtypeStruct((_N, 64), f32), jax.ShapeDtypeStruct((_N, 64), f32)),
        [_row_spec(128), _row_spec(128), _full_spec((128, 64))],
        [_row_spec(64), _row_spec(64)],
    )(x, x_shf, enc_W1)
    p0x, p1x = _seg64(y1x, src2d, dst2d)
    p0s, p1s = _seg64(y1s, src2d, dst2d)

    y2 = _tc_call(
        _mid1_body, jax.ShapeDtypeStruct((_N, 64), f32),
        [_row_spec(64), _row_spec(64), _row_spec(64), _row_spec(64),
         _row_spec(64), _row_spec(64), _full_spec((1, 64)),
         _full_spec((64, 32))],
        _row_spec(64),
    )(y1x, y1s, p0x, p1x, p0s, p1s, eb1, enc_W2)

    q0, q1 = _seg64(y2, src2d, dst2d)
    z_both, znb = _tc_call(
        _mid2_body,
        (jax.ShapeDtypeStruct((_N, 64), f32), jax.ShapeDtypeStruct((_N, 48), f32)),
        [_row_spec(64), _row_spec(64), _row_spec(64), _full_spec((1, 32)),
         _row_spec(8), _full_spec((8, mid)), _full_spec((1, mid)),
         _full_spec((mid, 16)), _full_spec((1, 16))],
        [_row_spec(64), _row_spec(48)],
    )(y2, q0, q1, eb2, batch_labels, be_W1, beb1, be_W2, beb2)

    a0, a1 = _seg64(z_both, sub2d, dstpool2d)
    d0, d1 = _seg48(znb, src2d, dst2d)

    zsub_both, logits_batch = _tc_call(
        _poolfin_body,
        (jax.ShapeDtypeStruct((_N, 64), f32), jax.ShapeDtypeStruct((_N, 8), f32)),
        [_row_spec(64), _row_spec(64), _full_spec((32, 16)), _full_spec((1, 16)),
         _full_spec((16, 8)), _full_spec((1, 8))],
        [_row_spec(64), _row_spec(8)],
    )(a0, a1, bd_W1, bdb1, bd_W2, bdb2)

    h_dec = _tc_call(
        _mid3_body, jax.ShapeDtypeStruct((_N, 64), f32),
        [_row_spec(48), _row_spec(48), _row_spec(48),
         _full_spec((48, 64)), _full_spec((1, 64))],
        _row_spec(64),
    )(znb, d0, d1, dec_W1, db1)

    e0, e1 = _seg64(h_dec, src2d, dst2d)
    gp, gn = _pair_gather(zsub_both, positive_ind, negative_ind)

    recon = _tc_call(
        _fin_body, jax.ShapeDtypeStruct((_N, _D), f32),
        [_row_spec(64), _row_spec(64), _row_spec(64),
         _full_spec((64, _D)), _full_spec((1, _D))],
        _row_spec(_D),
    )(h_dec, e0, e1, dec_W2, db2)

    lp, ln = pl.pallas_call(
        _bil_body,
        grid=(1,),
        out_shape=(jax.ShapeDtypeStruct((_P, 1), f32),
                   jax.ShapeDtypeStruct((_P, 1), f32)),
        in_specs=[_full_spec((_P, 64)), _full_spec((_P, 64)),
                  _full_spec((32, 32)), _full_spec((1, 1))],
        out_specs=[_full_spec((_P, 1)), _full_spec((_P, 1))],
    )(gp, gn, bil_W, bilb)

    return (zsub_both[:, :32], zsub_both[:, 32:], recon,
            lp.reshape(-1), ln.reshape(-1), logits_batch)

# --- scband reference (transcript-rebuilt; emitter-appended) ---
"""Pipeline reference for scband-que-st-80315888435764 (READ-ONLY COPY).

The authoritative reference and input builder live on the scoring server;
editing this copy changes nothing except your own understanding.
"""

import jax, jax.numpy as jnp
import numpy as np

N, E, D, K, P, B, ZD, DBD = 10000, 320000, 128, 32, 2048, 8, 32, 16

def _gin(x, src, dst, W, b):
    agg = x + jax.ops.segment_sum(x[src], dst, num_segments=x.shape[0])
    return agg @ W + b

def setup_inputs(seed: int = 0):
    key = jax.random.key(seed)
    ks = jax.random.split(key, 32)
    inp = {}
    inp['x'] = jax.random.normal(ks[0], (N, D), dtype=jnp.float32)
    inp['x_shf'] = jax.random.normal(ks[1], (N, D), dtype=jnp.float32)
    inp['edge_index'] = jax.random.randint(ks[2], (2, E), 0, N, dtype=jnp.int32)
    inp['sub_node_list'] = jax.random.randint(ks[3], (N, K), 0, N, dtype=jnp.int32)
    inp['positive_ind'] = jax.random.randint(ks[4], (P,), 0, N, dtype=jnp.int32)
    inp['negative_ind'] = jax.random.randint(ks[5], (P,), 0, N, dtype=jnp.int32)
    inp['batch_labels'] = jax.random.uniform(ks[6], (N, B), dtype=jnp.float32)
    def w(k, i, o):
        return jax.random.normal(k, (i, o), dtype=jnp.float32) * (1.0 / np.sqrt(i))
    inp['enc_W1'] = w(ks[7], D, 64); inp['enc_b1'] = jnp.zeros((64,), jnp.float32)
    inp['enc_W2'] = w(ks[8], 64, ZD); inp['enc_b2'] = jnp.zeros((ZD,), jnp.float32)
    inp['dec_W1'] = w(ks[9], ZD + DBD, 64); inp['dec_b1'] = jnp.zeros((64,), jnp.float32)
    inp['dec_W2'] = w(ks[10], 64, D); inp['dec_b2'] = jnp.zeros((D,), jnp.float32)
    mid = (B + DBD) // 2
    inp['be_W1'] = w(ks[11], B, mid); inp['be_b1'] = jnp.zeros((mid,), jnp.float32)
    inp['be_W2'] = w(ks[12], mid, DBD); inp['be_b2'] = jnp.zeros((DBD,), jnp.float32)
    inp['bd_W1'] = w(ks[13], ZD, 16); inp['bd_b1'] = jnp.zeros((16,), jnp.float32)
    inp['bd_W2'] = w(ks[14], 16, B); inp['bd_b2'] = jnp.zeros((B,), jnp.float32)
    inp['bil_W'] = w(ks[15], ZD, ZD); inp['bil_b'] = jnp.zeros((), jnp.float32)
    return inp

def reference(x, x_shf, edge_index, sub_node_list, positive_ind, negative_ind, batch_labels, enc_W1, enc_b1, enc_W2, enc_b2, dec_W1, dec_b1, dec_W2, dec_b2, be_W1, be_b1, be_W2, be_b2, bd_W1, bd_b1, bd_W2, bd_b2, bil_W, bil_b):
    src, dst = edge_index[0], edge_index[1]
    def encode(xx):
        h = jax.nn.relu(_gin(xx, src, dst, enc_W1, enc_b1))
        return _gin(h, src, dst, enc_W2, enc_b2)
    z_node = encode(x)
    z_sub = jnp.mean(z_node[sub_node_list], axis=1)
    z_node_shf = encode(x_shf)
    z_sub_shf = jnp.mean(z_node_shf[sub_node_list], axis=1)
    batch_emb = jax.nn.relu(batch_labels @ be_W1 + be_b1) @ be_W2 + be_b2
    def bilinear(a, c):
        return jnp.sum((a @ bil_W) * c, axis=1) + bil_b
    logits_positive = bilinear(z_sub[positive_ind], z_sub_shf[positive_ind])
    logits_negative = bilinear(z_sub[positive_ind], z_sub_shf[negative_ind])
    logits_batch = jax.nn.relu(z_sub @ bd_W1 + bd_b1) @ bd_W2 + bd_b2
    z_node_batch = jnp.concatenate([z_node, batch_emb], axis=1)
    h = jax.nn.relu(_gin(z_node_batch, src, dst, dec_W1, dec_b1))
    recon = _gin(h, src, dst, dec_W2, dec_b2)
    return (z_sub, z_sub_shf, recon, logits_positive, logits_negative, logits_batch)

if __name__ == "__main__":
    import jax
    _d = setup_inputs()
    print(jax.jit(kernel)(*tuple(_d.values())))

</pallas_src>

<mosaic_0001>
#map = affine_map<(d0, d1) -> (0, 0)>
module attributes {stable_mosaic.version = 14 : i64} {
  func.func @seg(%arg0: i32, %arg1: i32, %arg2: memref<10000x64xf32, #tpu.memory_space<hbm>>, %arg3: memref<2560x125xi32, #tpu.memory_space<hbm>>, %arg4: memref<2560x125xi32, #tpu.memory_space<hbm>>, %arg5: memref<10000x64xf32, #tpu.memory_space<hbm>>, %arg6: memref<10000x64xf32, #tpu.memory_space<hbm>>, %arg7: memref<80x125xi32, #tpu.memory_space<vmem>>, %arg8: memref<80x125xi32, #tpu.memory_space<vmem>>, %arg9: memref<125x64xf32, #tpu.memory_space<vmem>>, %arg10: memref<400x64xf32, #tpu.memory_space<vmem>>, %arg11: memref<10000x64xf32, #tpu.memory_space<vmem_shared>>, %arg12: memref<!tpu.dma_semaphore, #tpu.memory_space<semaphore_mem>>) attributes {dimension_semantics = [#tpu.dimension_semantics<core_parallel>, #tpu.dimension_semantics<subcore_parallel>], iteration_bounds = array<i64: 2, 16>, scalar_prefetch = 0 : i64, scratch_operands = 6 : i64, tpu.core_type = #tpu.core_type<sc_vector_subcore>, window_params = [{transform_indices = #map}, {transform_indices = #map}, {transform_indices = #map}, {transform_indices = #map}, {transform_indices = #map}]} {
    %mul3A = arith.constant 16 : i32
    %mul3A_0 = arith.muli %arg0, %mul3A : i32
    %add3A = arith.addi %mul3A_0, %arg1 : i32
    %scan3A = arith.constant 0 : i32
    %scan3A_1 = arith.constant 0 : i32
    %scan3A_2 = arith.constant 1600 : i32
    %scan3A_3 = arith.addi %scan3A_1, %scan3A_2 : i32
    %scan3A_4 = arith.constant 1 : i32
    scf.for %scan3A_82 = %scan3A_1 to %scan3A_3 step %scan3A_4  : i32 {
      %jit3A = arith.constant 4 : i32
      %div3A = arith.divsi %scan3A_82, %jit3A : i32
      %sign3A = arith.constant 0 : i32
      %sign3A_83 = arith.cmpi sgt, %scan3A_82, %sign3A : i32
      %sign3A_84 = arith.extui %sign3A_83 : i1 to i32
      %sign3A_85 = arith.constant 0 : i32
      %sign3A_86 = arith.cmpi slt, %scan3A_82, %sign3A_85 : i32
      %sign3A_87 = arith.extui %sign3A_86 : i1 to i32
      %sign3A_88 = arith.subi %sign3A_84, %sign3A_87 : i32
      %sign3A_89 = arith.constant 0 : i32
      %sign3A_90 = arith.cmpi sgt, %jit3A, %sign3A_89 : i32
      %sign3A_91 = arith.extui %sign3A_90 : i1 to i32
      %sign3A_92 = arith.constant 0 : i32
      %sign3A_93 = arith.cmpi slt, %jit3A, %sign3A_92 : i32
      %sign3A_94 = arith.extui %sign3A_93 : i1 to i32
      %sign3A_95 = arith.subi %sign3A_91, %sign3A_94 : i32
      %ne3A = arith.cmpi ne, %sign3A_88, %sign3A_95 : i32
      %rem3A = arith.remsi %scan3A_82, %jit3A : i32
      %ne3A_96 = arith.constant 0 : i32
      %ne3A_97 = arith.cmpi ne, %rem3A, %ne3A_96 : i32
      %and3A_98 = arith.andi %ne3A, %ne3A_97 : i1
      %sub3A = arith.constant 1 : i32
      %sub3A_99 = arith.subi %div3A, %sub3A : i32
      %select_n3A = arith.select %and3A_98, %sub3A_99, %div3A : i32
      %jit3A_100 = arith.constant 4 : i32
      %eq3A_101 = arith.constant 0 : i32
      %eq3A_102 = arith.cmpi eq, %jit3A_100, %eq3A_101 : i32
      %jit3A_103 = arith.constant 1 : i32
      %select_n3A_104 = arith.select %eq3A_102, %jit3A_103, %jit3A_100 : i32
      %rem3A_105 = arith.remsi %scan3A_82, %select_n3A_104 : i32
      %ne3A_106 = arith.constant 0 : i32
      %ne3A_107 = arith.cmpi ne, %rem3A_105, %ne3A_106 : i32
      %lt3A_108 = arith.constant 0 : i32
      %lt3A_109 = arith.cmpi slt, %rem3A_105, %lt3A_108 : i32
      %lt3A_110 = arith.constant 0 : i32
      %lt3A_111 = arith.cmpi slt, %select_n3A_104, %lt3A_110 : i32
      %ne3A_112 = arith.xori %lt3A_109, %lt3A_111 : i1
      %and3A_113 = arith.andi %ne3A_112, %ne3A_107 : i1
      %add3A_114 = arith.addi %rem3A_105, %select_n3A_104 : i32
      %select_n3A_115 = arith.select %and3A_113, %add3A_114, %rem3A_105 : i32
      %broadcast_in_dim3A = arith.constant 0.000000e+00 : f32
      %broadcast_in_dim3A_116 = vector.broadcast %broadcast_in_dim3A : f32 to vector<16xf32>
      %mul3A_117 = arith.constant 16 : i32
      %mul3A_118 = arith.muli %select_n3A_115, %mul3A_117 : i32
      %swap3A = arith.index_cast %select_n3A : i32 to index
      %swap3A_119 = arith.index_cast %mul3A_118 : i32 to index
      %swap3A_120 = tpu.vector_load %arg10[%swap3A, %swap3A_119] {strides = array<i32>} : memref<400x64xf32, #tpu.memory_space<vmem>>, vector<1x16xf32>,
      %swap3A_121 = vector.shape_cast %swap3A_120 : vector<1x16xf32> to vector<16xf32>
      %swap3A_122 = vector.shape_cast %broadcast_in_dim3A_116 : vector<16xf32> to vector<1x16xf32>
      tpu.vector_store %arg10[%swap3A, %swap3A_119], %swap3A_122 {strides = array<i32>} : memref<400x64xf32, #tpu.memory_space<vmem>>, vector<1x16xf32>,
    }
    %scan3A_5 = arith.constant 1600 : i32
    %add3A_6 = arith.constant 0 : i32
    %add3A_7 = arith.addi %add3A_6, %arg1 : i32
    %mul3A_8 = arith.constant 400 : i32
    %mul3A_9 = arith.muli %add3A_7, %mul3A_8 : i32
    %add3A_10 = arith.constant 0 : i32
    %add3A_11 = arith.addi %add3A_10, %arg1 : i32
    %lt3A = arith.constant 25 : i32
    %lt3A_12 = arith.cmpi slt, %add3A_11, %lt3A : i32
    %convert_element_type3A = arith.extui %lt3A_12 : i1 to i32
    %cond3A = arith.constant 0 : i32
    %cond3A_13 = arith.cmpi ne, %convert_element_type3A, %cond3A : i32
    scf.if %cond3A_13 {
      "tpu.region"() ({
        %run_scoped3A = tpu.sem_alloc : memref<!tpu.dma_semaphore, #tpu.memory_space<semaphore_mem>>
        %dma_start3A = arith.constant 0 : i32
        %dma_start3A_82 = tpu.memref_slice %arg11[%mul3A_9, %dma_start3A] : memref<10000x64xf32, #tpu.memory_space<vmem_shared>> -> memref<400x64xf32, #tpu.memory_space<vmem_shared>>
        %dma_start3A_83 = arith.constant 0 : i32
        %dma_start3A_84 = tpu.memref_slice %arg11[%mul3A_9, %dma_start3A_83] : memref<10000x64xf32, #tpu.memory_space<vmem_shared>> -> memref<400x64xf32, #tpu.memory_space<vmem_shared>>
        tpu.enqueue_dma source(%arg10 : memref<400x64xf32, #tpu.memory_space<vmem>>) target(%dma_start3A_84 : memref<400x64xf32, #tpu.memory_space<vmem_shared>>) target_semaphore(%run_scoped3A : memref<!tpu.dma_semaphore, #tpu.memory_space<semaphore_mem>>)
        %dma_wait3A = arith.constant 0 : i32
        %dma_wait3A_85 = tpu.memref_slice %arg11[%mul3A_9, %dma_wait3A] : memref<10000x64xf32, #tpu.memory_space<vmem_shared>> -> memref<400x64xf32, #tpu.memory_space<vmem_shared>>
        %dma_wait3A_86 = arith.constant 0 : i32
        %dma_wait3A_87 = tpu.memref_slice %arg11[%mul3A_9, %dma_wait3A_86] : memref<10000x64xf32, #tpu.memory_space<vmem_shared>> -> memref<400x64xf32, #tpu.memory_space<vmem_shared>>
        tpu.wait_dma2 semaphore(%run_scoped3A : memref<!tpu.dma_semaphore, #tpu.memory_space<semaphore_mem>>) src(%arg10 : memref<400x64xf32, #tpu.memory_space<vmem>>) dst(%dma_wait3A_87 : memref<400x64xf32, #tpu.memory_space<vmem_shared>>)
        tpu.yield
      }) : () -> ()
    } else {
    }
    %add3A_14 = arith.constant 16 : i32
    %add3A_15 = arith.addi %add3A_14, %arg1 : i32
    %mul3A_16 = arith.constant 400 : i32
    %mul3A_17 = arith.muli %add3A_15, %mul3A_16 : i32
    %add3A_18 = arith.constant 16 : i32
    %add3A_19 = arith.addi %add3A_18, %arg1 : i32
    %lt3A_20 = arith.constant 25 : i32
    %lt3A_21 = arith.cmpi slt, %add3A_19, %lt3A_20 : i32
    %convert_element_type3A_22 = arith.extui %lt3A_21 : i1 to i32
    %cond3A_23 = arith.constant 0 : i32
    %cond3A_24 = arith.cmpi ne, %convert_element_type3A_22, %cond3A_23 : i32
    scf.if %cond3A_24 {
      "tpu.region"() ({
        %run_scoped3A = tpu.sem_alloc : memref<!tpu.dma_semaphore, #tpu.memory_space<semaphore_mem>>
        %dma_start3A = arith.constant 0 : i32
        %dma_start3A_82 = tpu.memref_slice %arg11[%mul3A_17, %dma_start3A] : memref<10000x64xf32, #tpu.memory_space<vmem_shared>> -> memref<400x64xf32, #tpu.memory_space<vmem_shared>>
        %dma_start3A_83 = arith.constant 0 : i32
        %dma_start3A_84 = tpu.memref_slice %arg11[%mul3A_17, %dma_start3A_83] : memref<10000x64xf32, #tpu.memory_space<vmem_shared>> -> memref<400x64xf32, #tpu.memory_space<vmem_shared>>
        tpu.enqueue_dma source(%arg10 : memref<400x64xf32, #tpu.memory_space<vmem>>) target(%dma_start3A_84 : memref<400x64xf32, #tpu.memory_space<vmem_shared>>) target_semaphore(%run_scoped3A : memref<!tpu.dma_semaphore, #tpu.memory_space<semaphore_mem>>)
        %dma_wait3A = arith.constant 0 : i32
        %dma_wait3A_85 = tpu.memref_slice %arg11[%mul3A_17, %dma_wait3A] : memref<10000x64xf32, #tpu.memory_space<vmem_shared>> -> memref<400x64xf32, #tpu.memory_space<vmem_shared>>
        %dma_wait3A_86 = arith.constant 0 : i32
        %dma_wait3A_87 = tpu.memref_slice %arg11[%mul3A_17, %dma_wait3A_86] : memref<10000x64xf32, #tpu.memory_space<vmem_shared>> -> memref<400x64xf32, #tpu.memory_space<vmem_shared>>
        tpu.wait_dma2 semaphore(%run_scoped3A : memref<!tpu.dma_semaphore, #tpu.memory_space<semaphore_mem>>) src(%arg10 : memref<400x64xf32, #tpu.memory_space<vmem>>) dst(%dma_wait3A_87 : memref<400x64xf32, #tpu.memory_space<vmem_shared>>)
        tpu.yield
      }) : () -> ()
    } else {
    }
    %mul3A_25 = arith.constant 80 : i32
    %mul3A_26 = arith.muli %add3A, %mul3A_25 : i32
    "tpu.region"() ({
      %run_scoped3A = tpu.sem_alloc : memref<!tpu.dma_semaphore, #tpu.memory_space<semaphore_mem>>
      %dma_start3A = arith.constant 0 : i32
      %dma_start3A_82 = tpu.memref_slice %arg3[%mul3A_26, %dma_start3A] : memref<2560x125xi32, #tpu.memory_space<hbm>> -> memref<80x125xi32, #tpu.memory_space<hbm>>
      %dma_start3A_83 = arith.constant 0 : i32
      %dma_start3A_84 = tpu.memref_slice %arg3[%mul3A_26, %dma_start3A_83] : memref<2560x125xi32, #tpu.memory_space<hbm>> -> memref<80x125xi32, #tpu.memory_space<hbm>>
      tpu.enqueue_dma source(%dma_start3A_84 : memref<80x125xi32, #tpu.memory_space<hbm>>) target(%arg7 : memref<80x125xi32, #tpu.memory_space<vmem>>) target_semaphore(%run_scoped3A : memref<!tpu.dma_semaphore, #tpu.memory_space<semaphore_mem>>)
      %dma_wait3A = arith.constant 0 : i32
      %dma_wait3A_85 = tpu.memref_slice %arg3[%mul3A_26, %dma_wait3A] : memref<2560x125xi32, #tpu.memory_space<hbm>> -> memref<80x125xi32, #tpu.memory_space<hbm>>
      %dma_wait3A_86 = arith.constant 0 : i32
      %dma_wait3A_87 = tpu.memref_slice %arg3[%mul3A_26, %dma_wait3A_86] : memref<2560x125xi32, #tpu.memory_space<hbm>> -> memref<80x125xi32, #tpu.memory_space<hbm>>
      tpu.wait_dma2 semaphore(%run_scoped3A : memref<!tpu.dma_semaphore, #tpu.memory_space<semaphore_mem>>) src(%dma_wait3A_87 : memref<80x125xi32, #tpu.memory_space<hbm>>) dst(%arg7 : memref<80x125xi32, #tpu.memory_space<vmem>>)
      tpu.yield
    }) : () -> ()
    %mul3A_27 = arith.constant 80 : i32
    %mul3A_28 = arith.muli %add3A, %mul3A_27 : i32
    "tpu.region"() ({
      %run_scoped3A = tpu.sem_alloc : memref<!tpu.dma_semaphore, #tpu.memory_space<semaphore_mem>>
      %dma_start3A = arith.constant 0 : i32
      %dma_start3A_82 = tpu.memref_slice %arg4[%mul3A_28, %dma_start3A] : memref<2560x125xi32, #tpu.memory_space<hbm>> -> memref<80x125xi32, #tpu.memory_space<hbm>>
      %dma_start3A_83 = arith.constant 0 : i32
      %dma_start3A_84 = tpu.memref_slice %arg4[%mul3A_28, %dma_start3A_83] : memref<2560x125xi32, #tpu.memory_space<hbm>> -> memref<80x125xi32, #tpu.memory_space<hbm>>
      tpu.enqueue_dma source(%dma_start3A_84 : memref<80x125xi32, #tpu.memory_space<hbm>>) target(%arg8 : memref<80x125xi32, #tpu.memory_space<vmem>>) target_semaphore(%run_scoped3A : memref<!tpu.dma_semaphore, #tpu.memory_space<semaphore_mem>>)
      %dma_wait3A = arith.constant 0 : i32
      %dma_wait3A_85 = tpu.memref_slice %arg4[%mul3A_28, %dma_wait3A] : memref<2560x125xi32, #tpu.memory_space<hbm>> -> memref<80x125xi32, #tpu.memory_space<hbm>>
      %dma_wait3A_86 = arith.constant 0 : i32
      %dma_wait3A_87 = tpu.memref_slice %arg4[%mul3A_28, %dma_wait3A_86] : memref<2560x125xi32, #tpu.memory_space<hbm>> -> memref<80x125xi32, #tpu.memory_space<hbm>>
      tpu.wait_dma2 semaphore(%run_scoped3A : memref<!tpu.dma_semaphore, #tpu.memory_space<semaphore_mem>>) src(%dma_wait3A_87 : memref<80x125xi32, #tpu.memory_space<hbm>>) dst(%arg8 : memref<80x125xi32, #tpu.memory_space<vmem>>)
      tpu.yield
    }) : () -> ()
    %barrier3A = arith.constant 0 : index
    tpu.barrier barrier_id(%barrier3A)
    %scan3A_29 = arith.constant 0 : i32
    %scan3A_30 = arith.constant 0 : i32
    %scan3A_31 = arith.constant 80 : i32
    %scan3A_32 = arith.addi %scan3A_30, %scan3A_31 : i32
    %scan3A_33 = arith.constant 1 : i32
    scf.for %scan3A_82 = %scan3A_30 to %scan3A_32 step %scan3A_33  : i32 {
      %dma_start3A = arith.constant 0 : i32
      %dma_start3A_83 = tpu.memref_slice %arg7[%scan3A_82, %dma_start3A] : memref<80x125xi32, #tpu.memory_space<vmem>> -> memref<1x125xi32, #tpu.memory_space<vmem>>
      %dma_start3A_84 = tpu.memref_squeeze %dma_start3A_83 : memref<1x125xi32, #tpu.memory_space<vmem>> -> memref<125xi32, #tpu.memory_space<vmem>>
      %dma_start3A_85 = arith.constant 0 : i32
      %dma_start3A_86 = arith.constant 0 : i32
      %dma_start3A_87 = tpu.memref_slice %arg2[%dma_start3A_85, %dma_start3A_86] : memref<10000x64xf32, #tpu.memory_space<hbm>> -> memref<10000x64xf32, #tpu.memory_space<hbm>>
      tpu.enqueue_indirect_dma source(%dma_start3A_87 : memref<10000x64xf32, #tpu.memory_space<hbm>>) target(%arg9 : memref<125x64xf32, #tpu.memory_space<vmem>>) offsets(%dma_start3A_84 : memref<125xi32, #tpu.memory_space<vmem>>) semaphore(%arg12 : memref<!tpu.dma_semaphore, #tpu.memory_space<semaphore_mem>>)
      %dma_wait3A = arith.constant 0 : i32
      %dma_wait3A_88 = tpu.memref_slice %arg7[%scan3A_82, %dma_wait3A] : memref<80x125xi32, #tpu.memory_space<vmem>> -> memref<1x125xi32, #tpu.memory_space<vmem>>
      %dma_wait3A_89 = tpu.memref_squeeze %dma_wait3A_88 : memref<1x125xi32, #tpu.memory_space<vmem>> -> memref<125xi32, #tpu.memory_space<vmem>>
      %dma_wait3A_90 = arith.constant 0 : i32
      %dma_wait3A_91 = arith.constant 0 : i32
      %dma_wait3A_92 = tpu.memref_slice %arg2[%dma_wait3A_90, %dma_wait3A_91] : memref<10000x64xf32, #tpu.memory_space<hbm>> -> memref<10000x64xf32, #tpu.memory_space<hbm>>
      tpu.wait_indirect_dma semaphore(%arg12 : memref<!tpu.dma_semaphore, #tpu.memory_space<semaphore_mem>>) src(%dma_wait3A_92 : memref<10000x64xf32, #tpu.memory_space<hbm>>) dst(%arg9 : memref<125x64xf32, #tpu.memory_space<vmem>>)
      "tpu.region"() ({
        %run_scoped3A = tpu.sem_alloc : memref<!tpu.dma_semaphore, #tpu.memory_space<semaphore_mem>>
        %dma_start3A_93 = arith.constant 0 : i32
        %dma_start3A_94 = tpu.memref_slice %arg8[%scan3A_82, %dma_start3A_93] : memref<80x125xi32, #tpu.memory_space<vmem>> -> memref<1x125xi32, #tpu.memory_space<vmem>>
        %dma_start3A_95 = tpu.memref_squeeze %dma_start3A_94 : memref<1x125xi32, #tpu.memory_space<vmem>> -> memref<125xi32, #tpu.memory_space<vmem>>
        %dma_start3A_96 = arith.constant 0 : i32
        %dma_start3A_97 = arith.constant 0 : i32
        %dma_start3A_98 = tpu.memref_slice %arg11[%dma_start3A_96, %dma_start3A_97] : memref<10000x64xf32, #tpu.memory_space<vmem_shared>> -> memref<10000x64xf32, #tpu.memory_space<vmem_shared>>
        tpu.enqueue_indirect_dma source(%arg9 : memref<125x64xf32, #tpu.memory_space<vmem>>) target(%dma_start3A_98 : memref<10000x64xf32, #tpu.memory_space<vmem_shared>>) offsets(%dma_start3A_95 : memref<125xi32, #tpu.memory_space<vmem>>) semaphore(%run_scoped3A : memref<!tpu.dma_semaphore, #tpu.memory_space<semaphore_mem>>) {add = true}
        %dma_wait3A_99 = arith.constant 0 : i32
        %dma_wait3A_100 = tpu.memref_slice %arg8[%scan3A_82, %dma_wait3A_99] : memref<80x125xi32, #tpu.memory_space<vmem>> -> memref<1x125xi32, #tpu.memory_space<vmem>>
        %dma_wait3A_101 = tpu.memref_squeeze %dma_wait3A_100 : memref<1x125xi32, #tpu.memory_space<vmem>> -> memref<125xi32, #tpu.memory_space<vmem>>
        %dma_wait3A_102 = arith.constant 0 : i32
        %dma_wait3A_103 = arith.constant 0 : i32
        %dma_wait3A_104 = tpu.memref_slice %arg11[%dma_wait3A_102, %dma_wait3A_103] : memref<10000x64xf32, #tpu.memory_space<vmem_shared>> -> memref<10000x64xf32, #tpu.memory_space<vmem_shared>>
        tpu.wait_indirect_dma semaphore(%run_scoped3A : memref<!tpu.dma_semaphore, #tpu.memory_space<semaphore_mem>>) src(%arg9 : memref<125x64xf32, #tpu.memory_space<vmem>>) dst(%dma_wait3A_104 : memref<10000x64xf32, #tpu.memory_space<vmem_shared>>)
        tpu.yield
      }) : () -> ()
    }
    %scan3A_34 = arith.constant 80 : i32
    %barrier3A_35 = arith.constant 0 : index
    tpu.barrier barrier_id(%barrier3A_35)
    %add3A_36 = arith.constant 0 : i32
    %add3A_37 = arith.addi %add3A_36, %arg1 : i32
    %mul3A_38 = arith.constant 400 : i32
    %mul3A_39 = arith.muli %add3A_37, %mul3A_38 : i32
    %add3A_40 = arith.constant 0 : i32
    %add3A_41 = arith.addi %add3A_40, %arg1 : i32
    %lt3A_42 = arith.constant 25 : i32
    %lt3A_43 = arith.cmpi slt, %add3A_41, %lt3A_42 : i32
    %eq3A = arith.constant 0 : i32
    %eq3A_44 = arith.cmpi eq, %arg0, %eq3A : i32
    %and3A = arith.andi %lt3A_43, %eq3A_44 : i1
    %convert_element_type3A_45 = arith.extui %and3A : i1 to i32
    %cond3A_46 = arith.constant 0 : i32
    %cond3A_47 = arith.cmpi ne, %convert_element_type3A_45, %cond3A_46 : i32
    scf.if %cond3A_47 {
      "tpu.region"() ({
        %run_scoped3A = tpu.sem_alloc : memref<!tpu.dma_semaphore, #tpu.memory_space<semaphore_mem>>
        %dma_start3A = arith.constant 0 : i32
        %dma_start3A_82 = tpu.memref_slice %arg5[%mul3A_39, %dma_start3A] : memref<10000x64xf32, #tpu.memory_space<hbm>> -> memref<400x64xf32, #tpu.memory_space<hbm>>
        %dma_start3A_83 = arith.constant 0 : i32
        %dma_start3A_84 = tpu.memref_slice %arg11[%mul3A_39, %dma_start3A_83] : memref<10000x64xf32, #tpu.memory_space<vmem_shared>> -> memref<400x64xf32, #tpu.memory_space<vmem_shared>>
        tpu.enqueue_dma source(%dma_start3A_84 : memref<400x64xf32, #tpu.memory_space<vmem_shared>>) target(%dma_start3A_82 : memref<400x64xf32, #tpu.memory_space<hbm>>) target_semaphore(%run_scoped3A : memref<!tpu.dma_semaphore, #tpu.memory_space<semaphore_mem>>)
        %dma_wait3A = arith.constant 0 : i32
        %dma_wait3A_85 = tpu.memref_slice %arg5[%mul3A_39, %dma_wait3A] : memref<10000x64xf32, #tpu.memory_space<hbm>> -> memref<400x64xf32, #tpu.memory_space<hbm>>
        %dma_wait3A_86 = arith.constant 0 : i32
        %dma_wait3A_87 = tpu.memref_slice %arg11[%mul3A_39, %dma_wait3A_86] : memref<10000x64xf32, #tpu.memory_space<vmem_shared>> -> memref<400x64xf32, #tpu.memory_space<vmem_shared>>
        tpu.wait_dma2 semaphore(%run_scoped3A : memref<!tpu.dma_semaphore, #tpu.memory_space<semaphore_mem>>) src(%dma_wait3A_87 : memref<400x64xf32, #tpu.memory_space<vmem_shared>>) dst(%dma_wait3A_85 : memref<400x64xf32, #tpu.memory_space<hbm>>)
        tpu.yield
      }) : () -> ()
    } else {
    }
    %add3A_48 = arith.constant 0 : i32
    %add3A_49 = arith.addi %add3A_48, %arg1 : i32
    %lt3A_50 = arith.constant 25 : i32
    %lt3A_51 = arith.cmpi slt, %add3A_49, %lt3A_50 : i32
    %eq3A_52 = arith.constant 1 : i32
    %eq3A_53 = arith.cmpi eq, %arg0, %eq3A_52 : i32
    %and3A_54 = arith.andi %lt3A_51, %eq3A_53 : i1
    %convert_element_type3A_55 = arith.extui %and3A_54 : i1 to i32
    %cond3A_56 = arith.constant 0 : i32
    %cond3A_57 = arith.cmpi ne, %convert_element_type3A_55, %cond3A_56 : i32
    scf.if %cond3A_57 {
      "tpu.region"() ({
        %run_scoped3A = tpu.sem_alloc : memref<!tpu.dma_semaphore, #tpu.memory_space<semaphore_mem>>
        %dma_start3A = arith.constant 0 : i32
        %dma_start3A_82 = tpu.memref_slice %arg6[%mul3A_39, %dma_start3A] : memref<10000x64xf32, #tpu.memory_space<hbm>> -> memref<400x64xf32, #tpu.memory_space<hbm>>
        %dma_start3A_83 = arith.constant 0 : i32
        %dma_start3A_84 = tpu.memref_slice %arg11[%mul3A_39, %dma_start3A_83] : memref<10000x64xf32, #tpu.memory_space<vmem_shared>> -> memref<400x64xf32, #tpu.memory_space<vmem_shared>>
        tpu.enqueue_dma source(%dma_start3A_84 : memref<400x64xf32, #tpu.memory_space<vmem_shared>>) target(%dma_start3A_82 : memref<400x64xf32, #tpu.memory_space<hbm>>) target_semaphore(%run_scoped3A : memref<!tpu.dma_semaphore, #tpu.memory_space<semaphore_mem>>)
        %dma_wait3A = arith.constant 0 : i32
        %dma_wait3A_85 = tpu.memref_slice %arg6[%mul3A_39, %dma_wait3A] : memref<10000x64xf32, #tpu.memory_space<hbm>> -> memref<400x64xf32, #tpu.memory_space<hbm>>
        %dma_wait3A_86 = arith.constant 0 : i32
        %dma_wait3A_87 = tpu.memref_slice %arg11[%mul3A_39, %dma_wait3A_86] : memref<10000x64xf32, #tpu.memory_space<vmem_shared>> -> memref<400x64xf32, #tpu.memory_space<vmem_shared>>
        tpu.wait_dma2 semaphore(%run_scoped3A : memref<!tpu.dma_semaphore, #tpu.memory_space<semaphore_mem>>) src(%dma_wait3A_87 : memref<400x64xf32, #tpu.memory_space<vmem_shared>>) dst(%dma_wait3A_85 : memref<400x64xf32, #tpu.memory_space<hbm>>)
        tpu.yield
      }) : () -> ()
    } else {
    }
    %add3A_58 = arith.constant 16 : i32
    %add3A_59 = arith.addi %add3A_58, %arg1 : i32
    %mul3A_60 = arith.constant 400 : i32
    %mul3A_61 = arith.muli %add3A_59, %mul3A_60 : i32
    %add3A_62 = arith.constant 16 : i32
    %add3A_63 = arith.addi %add3A_62, %arg1 : i32
    %lt3A_64 = arith.constant 25 : i32
    %lt3A_65 = arith.cmpi slt, %add3A_63, %lt3A_64 : i32
    %eq3A_66 = arith.constant 0 : i32
    %eq3A_67 = arith.cmpi eq, %arg0, %eq3A_66 : i32
    %and3A_68 = arith.andi %lt3A_65, %eq3A_67 : i1
    %convert_element_type3A_69 = arith.extui %and3A_68 : i1 to i32
    %cond3A_70 = arith.constant 0 : i32
    %cond3A_71 = arith.cmpi ne, %convert_element_type3A_69, %cond3A_70 : i32
    scf.if %cond3A_71 {
      "tpu.region"() ({
        %run_scoped3A = tpu.sem_alloc : memref<!tpu.dma_semaphore, #tpu.memory_space<semaphore_mem>>
        %dma_start3A = arith.constant 0 : i32
        %dma_start3A_82 = tpu.memref_slice %arg5[%mul3A_61, %dma_start3A] : memref<10000x64xf32, #tpu.memory_space<hbm>> -> memref<400x64xf32, #tpu.memory_space<hbm>>
        %dma_start3A_83 = arith.constant 0 : i32
        %dma_start3A_84 = tpu.memref_slice %arg11[%mul3A_61, %dma_start3A_83] : memref<10000x64xf32, #tpu.memory_space<vmem_shared>> -> memref<400x64xf32, #tpu.memory_space<vmem_shared>>
        tpu.enqueue_dma source(%dma_start3A_84 : memref<400x64xf32, #tpu.memory_space<vmem_shared>>) target(%dma_start3A_82 : memref<400x64xf32, #tpu.memory_space<hbm>>) target_semaphore(%run_scoped3A : memref<!tpu.dma_semaphore, #tpu.memory_space<semaphore_mem>>)
        %dma_wait3A = arith.constant 0 : i32
        %dma_wait3A_85 = tpu.memref_slice %arg5[%mul3A_61, %dma_wait3A] : memref<10000x64xf32, #tpu.memory_space<hbm>> -> memref<400x64xf32, #tpu.memory_space<hbm>>
        %dma_wait3A_86 = arith.constant 0 : i32
        %dma_wait3A_87 = tpu.memref_slice %arg11[%mul3A_61, %dma_wait3A_86] : memref<10000x64xf32, #tpu.memory_space<vmem_shared>> -> memref<400x64xf32, #tpu.memory_space<vmem_shared>>
        tpu.wait_dma2 semaphore(%run_scoped3A : memref<!tpu.dma_semaphore, #tpu.memory_space<semaphore_mem>>) src(%dma_wait3A_87 : memref<400x64xf32, #tpu.memory_space<vmem_shared>>) dst(%dma_wait3A_85 : memref<400x64xf32, #tpu.memory_space<hbm>>)
        tpu.yield
      }) : () -> ()
    } else {
    }
    %add3A_72 = arith.constant 16 : i32
    %add3A_73 = arith.addi %add3A_72, %arg1 : i32
    %lt3A_74 = arith.constant 25 : i32
    %lt3A_75 = arith.cmpi slt, %add3A_73, %lt3A_74 : i32
    %eq3A_76 = arith.constant 1 : i32
    %eq3A_77 = arith.cmpi eq, %arg0, %eq3A_76 : i32
    %and3A_78 = arith.andi %lt3A_75, %eq3A_77 : i1
    %convert_element_type3A_79 = arith.extui %and3A_78 : i1 to i32
    %cond3A_80 = arith.constant 0 : i32
    %cond3A_81 = arith.cmpi ne, %convert_element_type3A_79, %cond3A_80 : i32
    scf.if %cond3A_81 {
      "tpu.region"() ({
        %run_scoped3A = tpu.sem_alloc : memref<!tpu.dma_semaphore, #tpu.memory_space<semaphore_mem>>
        %dma_start3A = arith.constant 0 : i32
        %dma_start3A_82 = tpu.memref_slice %arg6[%mul3A_61, %dma_start3A] : memref<10000x64xf32, #tpu.memory_space<hbm>> -> memref<400x64xf32, #tpu.memory_space<hbm>>
        %dma_start3A_83 = arith.constant 0 : i32
        %dma_start3A_84 = tpu.memref_slice %arg11[%mul3A_61, %dma_start3A_83] : memref<10000x64xf32, #tpu.memory_space<vmem_shared>> -> memref<400x64xf32, #tpu.memory_space<vmem_shared>>
        tpu.enqueue_dma source(%dma_start3A_84 : memref<400x64xf32, #tpu.memory_space<vmem_shared>>) target(%dma_start3A_82 : memref<400x64xf32, #tpu.memory_space<hbm>>) target_semaphore(%run_scoped3A : memref<!tpu.dma_semaphore, #tpu.memory_space<semaphore_mem>>)
        %dma_wait3A = arith.constant 0 : i32
        %dma_wait3A_85 = tpu.memref_slice %arg6[%mul3A_61, %dma_wait3A] : memref<10000x64xf32, #tpu.memory_space<hbm>> -> memref<400x64xf32, #tpu.memory_space<hbm>>
        %dma_wait3A_86 = arith.constant 0 : i32
        %dma_wait3A_87 = tpu.memref_slice %arg11[%mul3A_61, %dma_wait3A_86] : memref<10000x64xf32, #tpu.memory_space<vmem_shared>> -> memref<400x64xf32, #tpu.memory_space<vmem_shared>>
        tpu.wait_dma2 semaphore(%run_scoped3A : memref<!tpu.dma_semaphore, #tpu.memory_space<semaphore_mem>>) src(%dma_wait3A_87 : memref<400x64xf32, #tpu.memory_space<vmem_shared>>) dst(%dma_wait3A_85 : memref<400x64xf32, #tpu.memory_space<hbm>>)
        tpu.yield
      }) : () -> ()
    } else {
    }
    return
  }
}

#map = affine_map<(d0, d1) -> (0, 0)>
module attributes {stable_mosaic.version = 14 : i64} {
  func.func @seg(%arg0: i32, %arg1: i32, %arg2: memref<10000x64xf32, #tpu.memory_space<hbm>>, %arg3: memref<2560x125xi32, #tpu.memory_space<hbm>>, %arg4: memref<2560x125xi32, #tpu.memory_space<hbm>>, %arg5: memref<10000x64xf32, #tpu.memory_space<hbm>>, %arg6: memref<10000x64xf32, #tpu.memory_space<hbm>>, %arg7: memref<80x125xi32, #tpu.memory_space<vmem>>, %arg8: memref<80x125xi32, #tpu.memory_space<vmem>>, %arg9: memref<125x64xf32, #tpu.memory_space<vmem>>, %arg10: memref<400x64xf32, #tpu.memory_space<vmem>>, %arg11: memref<10000x64xf32, #tpu.memory_space<vmem_shared>>, %arg12: memref<!tpu.dma_semaphore, #tpu.memory_space<semaphore_mem>>) attributes {dimension_semantics = [#tpu.dimension_semantics<core_parallel>, #tpu.dimension_semantics<subcore_parallel>], iteration_bounds = array<i64: 2, 16>, scalar_prefetch = 0 : i64, scratch_operands = 6 : i64, tpu.core_type = #tpu.core_type<sc_vector_subcore>, window_params = [{transform_indices = #map}, {transform_indices = #map}, {transform_indices = #map}, {transform_indices = #map}, {transform_indices = #map}]} {
    %mul3A = arith.constant 16 : i32
    %mul3A_0 = arith.muli %arg0, %mul3A : i32
    %add3A = arith.addi %mul3A_0, %arg1 : i32
    %scan3A = arith.constant 0 : i32
    %scan3A_1 = arith.constant 0 : i32
    %scan3A_2 = arith.constant 1600 : i32
    %scan3A_3 = arith.addi %scan3A_1, %scan3A_2 : i32
    %scan3A_4 = arith.constant 1 : i32
    scf.for %scan3A_82 = %scan3A_1 to %scan3A_3 step %scan3A_4  : i32 {
      %jit3A = arith.constant 4 : i32
      %div3A = arith.divsi %scan3A_82, %jit3A : i32
      %sign3A = arith.constant 0 : i32
      %sign3A_83 = arith.cmpi sgt, %scan3A_82, %sign3A : i32
      %sign3A_84 = arith.extui %sign3A_83 : i1 to i32
      %sign3A_85 = arith.constant 0 : i32
      %sign3A_86 = arith.cmpi slt, %scan3A_82, %sign3A_85 : i32
      %sign3A_87 = arith.extui %sign3A_86 : i1 to i32
      %sign3A_88 = arith.subi %sign3A_84, %sign3A_87 : i32
      %sign3A_89 = arith.constant 0 : i32
      %sign3A_90 = arith.cmpi sgt, %jit3A, %sign3A_89 : i32
      %sign3A_91 = arith.extui %sign3A_90 : i1 to i32
      %sign3A_92 = arith.constant 0 : i32
      %sign3A_93 = arith.cmpi slt, %jit3A, %sign3A_92 : i32
      %sign3A_94 = arith.extui %sign3A_93 : i1 to i32
      %sign3A_95 = arith.subi %sign3A_91, %sign3A_94 : i32
      %ne3A = arith.cmpi ne, %sign3A_88, %sign3A_95 : i32
      %rem3A = arith.remsi %scan3A_82, %jit3A : i32
      %ne3A_96 = arith.constant 0 : i32
      %ne3A_97 = arith.cmpi ne, %rem3A, %ne3A_96 : i32
      %and3A_98 = arith.andi %ne3A, %ne3A_97 : i1
      %sub3A = arith.constant 1 : i32
      %sub3A_99 = arith.subi %div3A, %sub3A : i32
      %select_n3A = arith.select %and3A_98, %sub3A_99, %div3A : i32
      %jit3A_100 = arith.constant 4 : i32
      %eq3A_101 = arith.constant 0 : i32
      %eq3A_102 = arith.cmpi eq, %jit3A_100, %eq3A_101 : i32
      %jit3A_103 = arith.constant 1 : i32
      %select_n3A_104 = arith.select %eq3A_102, %jit3A_103, %jit3A_100 : i32
      %rem3A_105 = arith.remsi %scan3A_82, %select_n3A_104 : i32
      %ne3A_106 = arith.constant 0 : i32
      %ne3A_107 = arith.cmpi ne, %rem3A_105, %ne3A_106 : i32
      %lt3A_108 = arith.constant 0 : i32
      %lt3A_109 = arith.cmpi slt, %rem3A_105, %lt3A_108 : i32
      %lt3A_110 = arith.constant 0 : i32
      %lt3A_111 = arith.cmpi slt, %select_n3A_104, %lt3A_110 : i32
      %ne3A_112 = arith.xori %lt3A_109, %lt3A_111 : i1
      %and3A_113 = arith.andi %ne3A_112, %ne3A_107 : i1
      %add3A_114 = arith.addi %rem3A_105, %select_n3A_104 : i32
      %select_n3A_115 = arith.select %and3A_113, %add3A_114, %rem3A_105 : i32
      %broadcast_in_dim3A = arith.constant 0.000000e+00 : f32
      %broadcast_in_dim3A_116 = vector.broadcast %broadcast_in_dim3A : f32 to vector<16xf32>
      %mul3A_117 = arith.constant 16 : i32
      %mul3A_118 = arith.muli %select_n3A_115, %mul3A_117 : i32
      %swap3A = arith.index_cast %select_n3A : i32 to index
      %swap3A_119 = arith.index_cast %mul3A_118 : i32 to index
      %swap3A_120 = tpu.vector_load %arg10[%swap3A, %swap3A_119] {strides = array<i32>} : memref<400x64xf32, #tpu.memory_space<vmem>>, vector<1x16xf32>,
      %swap3A_121 = vector.shape_cast %swap3A_120 : vector<1x16xf32> to vector<16xf32>
      %swap3A_122 = vector.shape_cast %broadcast_in_dim3A_116 : vector<16xf32> to vector<1x16xf32>
      tpu.vector_store %arg10[%swap3A, %swap3A_119], %swap3A_122 {strides = array<i32>} : memref<400x64xf32, #tpu.memory_space<vmem>>, vector<1x16xf32>,
    }
    %scan3A_5 = arith.constant 1600 : i32
    %add3A_6 = arith.constant 0 : i32
    %add3A_7 = arith.addi %add3A_6, %arg1 : i32
    %mul3A_8 = arith.constant 400 : i32
    %mul3A_9 = arith.muli %add3A_7, %mul3A_8 : i32
    %add3A_10 = arith.constant 0 : i32
    %add3A_11 = arith.addi %add3A_10, %arg1 : i32
    %lt3A = arith.constant 25 : i32
    %lt3A_12 = arith.cmpi slt, %add3A_11, %lt3A : i32
    %convert_element_type3A = arith.extui %lt3A_12 : i1 to i32
    %cond3A = arith.constant 0 : i32
    %cond3A_13 = arith.cmpi ne, %convert_element_type3A, %cond3A : i32
    scf.if %cond3A_13 {
      "tpu.region"() ({
        %run_scoped3A = tpu.sem_alloc : memref<!tpu.dma_semaphore, #tpu.memory_space<semaphore_mem>>
        %dma_start3A = arith.constant 0 : i32
        %dma_start3A_82 = tpu.memref_slice %arg11[%mul3A_9, %dma_start3A] : memref<10000x64xf32, #tpu.memory_space<vmem_shared>> -> memref<400x64xf32, #tpu.memory_space<vmem_shared>>
        %dma_start3A_83 = arith.constant 0 : i32
        %dma_start3A_84 = tpu.memref_slice %arg11[%mul3A_9, %dma_start3A_83] : memref<10000x64xf32, #tpu.memory_space<vmem_shared>> -> memref<400x64xf32, #tpu.memory_space<vmem_shared>>
        tpu.enqueue_dma source(%arg10 : memref<400x64xf32, #tpu.memory_space<vmem>>) target(%dma_start3A_84 : memref<400x64xf32, #tpu.memory_space<vmem_shared>>) target_semaphore(%run_scoped3A : memref<!tpu.dma_semaphore, #tpu.memory_space<semaphore_mem>>)
        %dma_wait3A = arith.constant 0 : i32
        %dma_wait3A_85 = tpu.memref_slice %arg11[%mul3A_9, %dma_wait3A] : memref<10000x64xf32, #tpu.memory_space<vmem_shared>> -> memref<400x64xf32, #tpu.memory_space<vmem_shared>>
        %dma_wait3A_86 = arith.constant 0 : i32
        %dma_wait3A_87 = tpu.memref_slice %arg11[%mul3A_9, %dma_wait3A_86] : memref<10000x64xf32, #tpu.memory_space<vmem_shared>> -> memref<400x64xf32, #tpu.memory_space<vmem_shared>>
        tpu.wait_dma2 semaphore(%run_scoped3A : memref<!tpu.dma_semaphore, #tpu.memory_space<semaphore_mem>>) src(%arg10 : memref<400x64xf32, #tpu.memory_space<vmem>>) dst(%dma_wait3A_87 : memref<400x64xf32, #tpu.memory_space<vmem_shared>>)
        tpu.yield
      }) : () -> ()
    } else {
    }
    %add3A_14 = arith.constant 16 : i32
    %add3A_15 = arith.addi %add3A_14, %arg1 : i32
    %mul3A_16 = arith.constant 400 : i32
    %mul3A_17 = arith.muli %add3A_15, %mul3A_16 : i32
    %add3A_18 = arith.constant 16 : i32
    %add3A_19 = arith.addi %add3A_18, %arg1 : i32
    %lt3A_20 = arith.constant 25 : i32
    %lt3A_21 = arith.cmpi slt, %add3A_19, %lt3A_20 : i32
    %convert_element_type3A_22 = arith.extui %lt3A_21 : i1 to i32
    %cond3A_23 = arith.constant 0 : i32
    %cond3A_24 = arith.cmpi ne, %convert_element_type3A_22, %cond3A_23 : i32
    scf.if %cond3A_24 {
      "tpu.region"() ({
        %run_scoped3A = tpu.sem_alloc : memref<!tpu.dma_semaphore, #tpu.memory_space<semaphore_mem>>
        %dma_start3A = arith.constant 0 : i32
        %dma_start3A_82 = tpu.memref_slice %arg11[%mul3A_17, %dma_start3A] : memref<10000x64xf32, #tpu.memory_space<vmem_shared>> -> memref<400x64xf32, #tpu.memory_space<vmem_shared>>
        %dma_start3A_83 = arith.constant 0 : i32
        %dma_start3A_84 = tpu.memref_slice %arg11[%mul3A_17, %dma_start3A_83] : memref<10000x64xf32, #tpu.memory_space<vmem_shared>> -> memref<400x64xf32, #tpu.memory_space<vmem_shared>>
        tpu.enqueue_dma source(%arg10 : memref<400x64xf32, #tpu.memory_space<vmem>>) target(%dma_start3A_84 : memref<400x64xf32, #tpu.memory_space<vmem_shared>>) target_semaphore(%run_scoped3A : memref<!tpu.dma_semaphore, #tpu.memory_space<semaphore_mem>>)
        %dma_wait3A = arith.constant 0 : i32
        %dma_wait3A_85 = tpu.memref_slice %arg11[%mul3A_17, %dma_wait3A] : memref<10000x64xf32, #tpu.memory_space<vmem_shared>> -> memref<400x64xf32, #tpu.memory_space<vmem_shared>>
        %dma_wait3A_86 = arith.constant 0 : i32
        %dma_wait3A_87 = tpu.memref_slice %arg11[%mul3A_17, %dma_wait3A_86] : memref<10000x64xf32, #tpu.memory_space<vmem_shared>> -> memref<400x64xf32, #tpu.memory_space<vmem_shared>>
        tpu.wait_dma2 semaphore(%run_scoped3A : memref<!tpu.dma_semaphore, #tpu.memory_space<semaphore_mem>>) src(%arg10 : memref<400x64xf32, #tpu.memory_space<vmem>>) dst(%dma_wait3A_87 : memref<400x64xf32, #tpu.memory_space<vmem_shared>>)
        tpu.yield
      }) : () -> ()
    } else {
    }
    %mul3A_25 = arith.constant 80 : i32
    %mul3A_26 = arith.muli %add3A, %mul3A_25 : i32
    "tpu.region"() ({
      %run_scoped3A = tpu.sem_alloc : memref<!tpu.dma_semaphore, #tpu.memory_space<semaphore_mem>>
      %dma_start3A = arith.constant 0 : i32
      %dma_start3A_82 = tpu.memref_slice %arg3[%mul3A_26, %dma_start3A] : memref<2560x125xi32, #tpu.memory_space<hbm>> -> memref<80x125xi32, #tpu.memory_space<hbm>>
      %dma_start3A_83 = arith.constant 0 : i32
      %dma_start3A_84 = tpu.memref_slice %arg3[%mul3A_26, %dma_start3A_83] : memref<2560x125xi32, #tpu.memory_space<hbm>> -> memref<80x125xi32, #tpu.memory_space<hbm>>
      tpu.enqueue_dma source(%dma_start3A_84 : memref<80x125xi32, #tpu.memory_space<hbm>>) target(%arg7 : memref<80x125xi32, #tpu.memory_space<vmem>>) target_semaphore(%run_scoped3A : memref<!tpu.dma_semaphore, #tpu.memory_space<semaphore_mem>>)
      %dma_wait3A = arith.constant 0 : i32
      %dma_wait3A_85 = tpu.memref_slice %arg3[%mul3A_26, %dma_wait3A] : memref<2560x125xi32, #tpu.memory_space<hbm>> -> memref<80x125xi32, #tpu.memory_space<hbm>>
      %dma_wait3A_86 = arith.constant 0 : i32
      %dma_wait3A_87 = tpu.memref_slice %arg3[%mul3A_26, %dma_wait3A_86] : memref<2560x125xi32, #tpu.memory_space<hbm>> -> memref<80x125xi32, #tpu.memory_space<hbm>>
      tpu.wait_dma2 semaphore(%run_scoped3A : memref<!tpu.dma_semaphore, #tpu.memory_space<semaphore_mem>>) src(%dma_wait3A_87 : memref<80x125xi32, #tpu.memory_space<hbm>>) dst(%arg7 : memref<80x125xi32, #tpu.memory_space<vmem>>)
      tpu.yield
    }) : () -> ()
    %mul3A_27 = arith.constant 80 : i32
    %mul3A_28 = arith.muli %add3A, %mul3A_27 : i32
    "tpu.region"() ({
      %run_scoped3A = tpu.sem_alloc : memref<!tpu.dma_semaphore, #tpu.memory_space<semaphore_mem>>
      %dma_start3A = arith.constant 0 : i32
      %dma_start3A_82 = tpu.memref_slice %arg4[%mul3A_28, %dma_start3A] : memref<2560x125xi32, #tpu.memory_space<hbm>> -> memref<80x125xi32, #tpu.memory_space<hbm>>
      %dma_start3A_83 = arith.constant 0 : i32
      %dma_start3A_84 = tpu.memref_slice %arg4[%mul3A_28, %dma_start3A_83] : memref<2560x125xi32, #tpu.memory_space<hbm>> -> memref<80x125xi32, #tpu.memory_space<hbm>>
      tpu.enqueue_dma source(%dma_start3A_84 : memref<80x125xi32, #tpu.memory_space<hbm>>) target(%arg8 : memref<80x125xi32, #tpu.memory_space<vmem>>) target_semaphore(%run_scoped3A : memref<!tpu.dma_semaphore, #tpu.memory_space<semaphore_mem>>)
      %dma_wait3A = arith.constant 0 : i32
      %dma_wait3A_85 = tpu.memref_slice %arg4[%mul3A_28, %dma_wait3A] : memref<2560x125xi32, #tpu.memory_space<hbm>> -> memref<80x125xi32, #tpu.memory_space<hbm>>
      %dma_wait3A_86 = arith.constant 0 : i32
      %dma_wait3A_87 = tpu.memref_slice %arg4[%mul3A_28, %dma_wait3A_86] : memref<2560x125xi32, #tpu.memory_space<hbm>> -> memref<80x125xi32, #tpu.memory_space<hbm>>
      tpu.wait_dma2 semaphore(%run_scoped3A : memref<!tpu.dma_semaphore, #tpu.memory_space<semaphore_mem>>) src(%dma_wait3A_87 : memref<80x125xi32, #tpu.memory_space<hbm>>) dst(%arg8 : memref<80x125xi32, #tpu.memory_space<vmem>>)
      tpu.yield
    }) : () -> ()
    %barrier3A = arith.constant 0 : index
    tpu.barrier barrier_id(%barrier3A)
    %scan3A_29 = arith.constant 0 : i32
    %scan3A_30 = arith.constant 0 : i32
    %scan3A_31 = arith.constant 80 : i32
    %scan3A_32 = arith.addi %scan3A_30, %scan3A_31 : i32
    %scan3A_33 = arith.constant 1 : i32
    scf.for %scan3A_82 = %scan3A_30 to %scan3A_32 step %scan3A_33  : i32 {
      %dma_start3A = arith.constant 0 : i32
      %dma_start3A_83 = tpu.memref_slice %arg7[%scan3A_82, %dma_start3A] : memref<80x125xi32, #tpu.memory_space<vmem>> -> memref<1x125xi32, #tpu.memory_space<vmem>>
      %dma_start3A_84 = tpu.memref_squeeze %dma_start3A_83 : memref<1x125xi32, #tpu.memory_space<vmem>> -> memref<125xi32, #tpu.memory_space<vmem>>
      %dma_start3A_85 = arith.constant 0 : i32
      %dma_start3A_86 = arith.constant 0 : i32
      %dma_start3A_87 = tpu.memref_slice %arg2[%dma_start3A_85, %dma_start3A_86] : memref<10000x64xf32, #tpu.memory_space<hbm>> -> memref<10000x64xf32, #tpu.memory_space<hbm>>
      tpu.enqueue_indirect_dma source(%dma_start3A_87 : memref<10000x64xf32, #tpu.memory_space<hbm>>) target(%arg9 : memref<125x64xf32, #tpu.memory_space<vmem>>) offsets(%dma_start3A_84 : memref<125xi32, #tpu.memory_space<vmem>>) semaphore(%arg12 : memref<!tpu.dma_semaphore, #tpu.memory_space<semaphore_mem>>)
      %dma_wait3A = arith.constant 0 : i32
      %dma_wait3A_88 = tpu.memref_slice %arg7[%scan3A_82, %dma_wait3A] : memref<80x125xi32, #tpu.memory_space<vmem>> -> memref<1x125xi32, #tpu.memory_space<vmem>>
      %dma_wait3A_89 = tpu.memref_squeeze %dma_wait3A_88 : memref<1x125xi32, #tpu.memory_space<vmem>> -> memref<125xi32, #tpu.memory_space<vmem>>
      %dma_wait3A_90 = arith.constant 0 : i32
      %dma_wait3A_91 = arith.constant 0 : i32
      %dma_wait3A_92 = tpu.memref_slice %arg2[%dma_wait3A_90, %dma_wait3A_91] : memref<10000x64xf32, #tpu.memory_space<hbm>> -> memref<10000x64xf32, #tpu.memory_space<hbm>>
      tpu.wait_indirect_dma semaphore(%arg12 : memref<!tpu.dma_semaphore, #tpu.memory_space<semaphore_mem>>) src(%dma_wait3A_92 : memref<10000x64xf32, #tpu.memory_space<hbm>>) dst(%arg9 : memref<125x64xf32, #tpu.memory_space<vmem>>)
      "tpu.region"() ({
        %run_scoped3A = tpu.sem_alloc : memref<!tpu.dma_semaphore, #tpu.memory_space<semaphore_mem>>
        %dma_start3A_93 = arith.constant 0 : i32
        %dma_start3A_94 = tpu.memref_slice %arg8[%scan3A_82, %dma_start3A_93] : memref<80x125xi32, #tpu.memory_space<vmem>> -> memref<1x125xi32, #tpu.memory_space<vmem>>
        %dma_start3A_95 = tpu.memref_squeeze %dma_start3A_94 : memref<1x125xi32, #tpu.memory_space<vmem>> -> memref<125xi32, #tpu.memory_space<vmem>>
        %dma_start3A_96 = arith.constant 0 : i32
        %dma_start3A_97 = arith.constant 0 : i32
        %dma_start3A_98 = tpu.memref_slice %arg11[%dma_start3A_96, %dma_start3A_97] : memref<10000x64xf32, #tpu.memory_space<vmem_shared>> -> memref<10000x64xf32, #tpu.memory_space<vmem_shared>>
        tpu.enqueue_indirect_dma source(%arg9 : memref<125x64xf32, #tpu.memory_space<vmem>>) target(%dma_start3A_98 : memref<10000x64xf32, #tpu.memory_space<vmem_shared>>) offsets(%dma_start3A_95 : memref<125xi32, #tpu.memory_space<vmem>>) semaphore(%run_scoped3A : memref<!tpu.dma_semaphore, #tpu.memory_space<semaphore_mem>>) {add = true}
        %dma_wait3A_99 = arith.constant 0 : i32
        %dma_wait3A_100 = tpu.memref_slice %arg8[%scan3A_82, %dma_wait3A_99] : memref<80x125xi32, #tpu.memory_space<vmem>> -> memref<1x125xi32, #tpu.memory_space<vmem>>
        %dma_wait3A_101 = tpu.memref_squeeze %dma_wait3A_100 : memref<1x125xi32, #tpu.memory_space<vmem>> -> memref<125xi32, #tpu.memory_space<vmem>>
        %dma_wait3A_102 = arith.constant 0 : i32
        %dma_wait3A_103 = arith.constant 0 : i32
        %dma_wait3A_104 = tpu.memref_slice %arg11[%dma_wait3A_102, %dma_wait3A_103] : memref<10000x64xf32, #tpu.memory_space<vmem_shared>> -> memref<10000x64xf32, #tpu.memory_space<vmem_shared>>
        tpu.wait_indirect_dma semaphore(%run_scoped3A : memref<!tpu.dma_semaphore, #tpu.memory_space<semaphore_mem>>) src(%arg9 : memref<125x64xf32, #tpu.memory_space<vmem>>) dst(%dma_wait3A_104 : memref<10000x64xf32, #tpu.memory_space<vmem_shared>>)
        tpu.yield
      }) : () -> ()
    }
    %scan3A_34 = arith.constant 80 : i32
    %barrier3A_35 = arith.constant 0 : index
    tpu.barrier barrier_id(%barrier3A_35)
    %add3A_36 = arith.constant 0 : i32
    %add3A_37 = arith.addi %add3A_36, %arg1 : i32
    %mul3A_38 = arith.constant 400 : i32
    %mul3A_39 = arith.muli %add3A_37, %mul3A_38 : i32
    %add3A_40 = arith.constant 0 : i32
    %add3A_41 = arith.addi %add3A_40, %arg1 : i32
    %lt3A_42 = arith.constant 25 : i32
    %lt3A_43 = arith.cmpi slt, %add3A_41, %lt3A_42 : i32
    %eq3A = arith.constant 0 : i32
    %eq3A_44 = arith.cmpi eq, %arg0, %eq3A : i32
    %and3A = arith.andi %lt3A_43, %eq3A_44 : i1
    %convert_element_type3A_45 = arith.extui %and3A : i1 to i32
    %cond3A_46 = arith.constant 0 : i32
    %cond3A_47 = arith.cmpi ne, %convert_element_type3A_45, %cond3A_46 : i32
    scf.if %cond3A_47 {
      "tpu.region"() ({
        %run_scoped3A = tpu.sem_alloc : memref<!tpu.dma_semaphore, #tpu.memory_space<semaphore_mem>>
        %dma_start3A = arith.constant 0 : i32
        %dma_start3A_82 = tpu.memref_slice %arg5[%mul3A_39, %dma_start3A] : memref<10000x64xf32, #tpu.memory_space<hbm>> -> memref<400x64xf32, #tpu.memory_space<hbm>>
        %dma_start3A_83 = arith.constant 0 : i32
        %dma_start3A_84 = tpu.memref_slice %arg11[%mul3A_39, %dma_start3A_83] : memref<10000x64xf32, #tpu.memory_space<vmem_shared>> -> memref<400x64xf32, #tpu.memory_space<vmem_shared>>
        tpu.enqueue_dma source(%dma_start3A_84 : memref<400x64xf32, #tpu.memory_space<vmem_shared>>) target(%dma_start3A_82 : memref<400x64xf32, #tpu.memory_space<hbm>>) target_semaphore(%run_scoped3A : memref<!tpu.dma_semaphore, #tpu.memory_space<semaphore_mem>>)
        %dma_wait3A = arith.constant 0 : i32
        %dma_wait3A_85 = tpu.memref_slice %arg5[%mul3A_39, %dma_wait3A] : memref<10000x64xf32, #tpu.memory_space<hbm>> -> memref<400x64xf32, #tpu.memory_space<hbm>>
        %dma_wait3A_86 = arith.constant 0 : i32
        %dma_wait3A_87 = tpu.memref_slice %arg11[%mul3A_39, %dma_wait3A_86] : memref<10000x64xf32, #tpu.memory_space<vmem_shared>> -> memref<400x64xf32, #tpu.memory_space<vmem_shared>>
        tpu.wait_dma2 semaphore(%run_scoped3A : memref<!tpu.dma_semaphore, #tpu.memory_space<semaphore_mem>>) src(%dma_wait3A_87 : memref<400x64xf32, #tpu.memory_space<vmem_shared>>) dst(%dma_wait3A_85 : memref<400x64xf32, #tpu.memory_space<hbm>>)
        tpu.yield
      }) : () -> ()
    } else {
    }
    %add3A_48 = arith.constant 0 : i32
    %add3A_49 = arith.addi %add3A_48, %arg1 : i32
    %lt3A_50 = arith.constant 25 : i32
    %lt3A_51 = arith.cmpi slt, %add3A_49, %lt3A_50 : i32
    %eq3A_52 = arith.constant 1 : i32
    %eq3A_53 = arith.cmpi eq, %arg0, %eq3A_52 : i32
    %and3A_54 = arith.andi %lt3A_51, %eq3A_53 : i1
    %convert_element_type3A_55 = arith.extui %and3A_54 : i1 to i32
    %cond3A_56 = arith.constant 0 : i32
    %cond3A_57 = arith.cmpi ne, %convert_element_type3A_55, %cond3A_56 : i32
    scf.if %cond3A_57 {
      "tpu.region"() ({
        %run_scoped3A = tpu.sem_alloc : memref<!tpu.dma_semaphore, #tpu.memory_space<semaphore_mem>>
        %dma_start3A = arith.constant 0 : i32
        %dma_start3A_82 = tpu.memref_slice %arg6[%mul3A_39, %dma_start3A] : memref<10000x64xf32, #tpu.memory_space<hbm>> -> memref<400x64xf32, #tpu.memory_space<hbm>>
        %dma_start3A_83 = arith.constant 0 : i32
        %dma_start3A_84 = tpu.memref_slice %arg11[%mul3A_39, %dma_start3A_83] : memref<10000x64xf32, #tpu.memory_space<vmem_shared>> -> memref<400x64xf32, #tpu.memory_space<vmem_shared>>
        tpu.enqueue_dma source(%dma_start3A_84 : memref<400x64xf32, #tpu.memory_space<vmem_shared>>) target(%dma_start3A_82 : memref<400x64xf32, #tpu.memory_space<hbm>>) target_semaphore(%run_scoped3A : memref<!tpu.dma_semaphore, #tpu.memory_space<semaphore_mem>>)
        %dma_wait3A = arith.constant 0 : i32
        %dma_wait3A_85 = tpu.memref_slice %arg6[%mul3A_39, %dma_wait3A] : memref<10000x64xf32, #tpu.memory_space<hbm>> -> memref<400x64xf32, #tpu.memory_space<hbm>>
        %dma_wait3A_86 = arith.constant 0 : i32
        %dma_wait3A_87 = tpu.memref_slice %arg11[%mul3A_39, %dma_wait3A_86] : memref<10000x64xf32, #tpu.memory_space<vmem_shared>> -> memref<400x64xf32, #tpu.memory_space<vmem_shared>>
        tpu.wait_dma2 semaphore(%run_scoped3A : memref<!tpu.dma_semaphore, #tpu.memory_space<semaphore_mem>>) src(%dma_wait3A_87 : memref<400x64xf32, #tpu.memory_space<vmem_shared>>) dst(%dma_wait3A_85 : memref<400x64xf32, #tpu.memory_space<hbm>>)
        tpu.yield
      }) : () -> ()
    } else {
    }
    %add3A_58 = arith.constant 16 : i32
    %add3A_59 = arith.addi %add3A_58, %arg1 : i32
    %mul3A_60 = arith.constant 400 : i32
    %mul3A_61 = arith.muli %add3A_59, %mul3A_60 : i32
    %add3A_62 = arith.constant 16 : i32
    %add3A_63 = arith.addi %add3A_62, %arg1 : i32
    %lt3A_64 = arith.constant 25 : i32
    %lt3A_65 = arith.cmpi slt, %add3A_63, %lt3A_64 : i32
    %eq3A_66 = arith.constant 0 : i32
    %eq3A_67 = arith.cmpi eq, %arg0, %eq3A_66 : i32
    %and3A_68 = arith.andi %lt3A_65, %eq3A_67 : i1
    %convert_element_type3A_69 = arith.extui %and3A_68 : i1 to i32
    %cond3A_70 = arith.constant 0 : i32
    %cond3A_71 = arith.cmpi ne, %convert_element_type3A_69, %cond3A_70 : i32
    scf.if %cond3A_71 {
      "tpu.region"() ({
        %run_scoped3A = tpu.sem_alloc : memref<!tpu.dma_semaphore, #tpu.memory_space<semaphore_mem>>
        %dma_start3A = arith.constant 0 : i32
        %dma_start3A_82 = tpu.memref_slice %arg5[%mul3A_61, %dma_start3A] : memref<10000x64xf32, #tpu.memory_space<hbm>> -> memref<400x64xf32, #tpu.memory_space<hbm>>
        %dma_start3A_83 = arith.constant 0 : i32
        %dma_start3A_84 = tpu.memref_slice %arg11[%mul3A_61, %dma_start3A_83] : memref<10000x64xf32, #tpu.memory_space<vmem_shared>> -> memref<400x64xf32, #tpu.memory_space<vmem_shared>>
        tpu.enqueue_dma source(%dma_start3A_84 : memref<400x64xf32, #tpu.memory_space<vmem_shared>>) target(%dma_start3A_82 : memref<400x64xf32, #tpu.memory_space<hbm>>) target_semaphore(%run_scoped3A : memref<!tpu.dma_semaphore, #tpu.memory_space<semaphore_mem>>)
        %dma_wait3A = arith.constant 0 : i32
        %dma_wait3A_85 = tpu.memref_slice %arg5[%mul3A_61, %dma_wait3A] : memref<10000x64xf32, #tpu.memory_space<hbm>> -> memref<400x64xf32, #tpu.memory_space<hbm>>
        %dma_wait3A_86 = arith.constant 0 : i32
        %dma_wait3A_87 = tpu.memref_slice %arg11[%mul3A_61, %dma_wait3A_86] : memref<10000x64xf32, #tpu.memory_space<vmem_shared>> -> memref<400x64xf32, #tpu.memory_space<vmem_shared>>
        tpu.wait_dma2 semaphore(%run_scoped3A : memref<!tpu.dma_semaphore, #tpu.memory_space<semaphore_mem>>) src(%dma_wait3A_87 : memref<400x64xf32, #tpu.memory_space<vmem_shared>>) dst(%dma_wait3A_85 : memref<400x64xf32, #tpu.memory_space<hbm>>)
        tpu.yield
      }) : () -> ()
    } else {
    }
    %add3A_72 = arith.constant 16 : i32
    %add3A_73 = arith.addi %add3A_72, %arg1 : i32
    %lt3A_74 = arith.constant 25 : i32
    %lt3A_75 = arith.cmpi slt, %add3A_73, %lt3A_74 : i32
    %eq3A_76 = arith.constant 1 : i32
    %eq3A_77 = arith.cmpi eq, %arg0, %eq3A_76 : i32
    %and3A_78 = arith.andi %lt3A_75, %eq3A_77 : i1
    %convert_element_type3A_79 = arith.extui %and3A_78 : i1 to i32
    %cond3A_80 = arith.constant 0 : i32
    %cond3A_81 = arith.cmpi ne, %convert_element_type3A_79, %cond3A_80 : i32
    scf.if %cond3A_81 {
      "tpu.region"() ({
        %run_scoped3A = tpu.sem_alloc : memref<!tpu.dma_semaphore, #tpu.memory_space<semaphore_mem>>
        %dma_start3A = arith.constant 0 : i32
        %dma_start3A_82 = tpu.memref_slice %arg6[%mul3A_61, %dma_start3A] : memref<10000x64xf32, #tpu.memory_space<hbm>> -> memref<400x64xf32, #tpu.memory_space<hbm>>
        %dma_start3A_83 = arith.constant 0 : i32
        %dma_start3A_84 = tpu.memref_slice %arg11[%mul3A_61, %dma_start3A_83] : memref<10000x64xf32, #tpu.memory_space<vmem_shared>> -> memref<400x64xf32, #tpu.memory_space<vmem_shared>>
        tpu.enqueue_dma source(%dma_start3A_84 : memref<400x64xf32, #tpu.memory_space<vmem_shared>>) target(%dma_start3A_82 : memref<400x64xf32, #tpu.memory_space<hbm>>) target_semaphore(%run_scoped3A : memref<!tpu.dma_semaphore, #tpu.memory_space<semaphore_mem>>)
        %dma_wait3A = arith.constant 0 : i32
        %dma_wait3A_85 = tpu.memref_slice %arg6[%mul3A_61, %dma_wait3A] : memref<10000x64xf32, #tpu.memory_space<hbm>> -> memref<400x64xf32, #tpu.memory_space<hbm>>
        %dma_wait3A_86 = arith.constant 0 : i32
        %dma_wait3A_87 = tpu.memref_slice %arg11[%mul3A_61, %dma_wait3A_86] : memref<10000x64xf32, #tpu.memory_space<vmem_shared>> -> memref<400x64xf32, #tpu.memory_space<vmem_shared>>
        tpu.wait_dma2 semaphore(%run_scoped3A : memref<!tpu.dma_semaphore, #tpu.memory_space<semaphore_mem>>) src(%dma_wait3A_87 : memref<400x64xf32, #tpu.memory_space<vmem_shared>>) dst(%dma_wait3A_85 : memref<400x64xf32, #tpu.memory_space<hbm>>)
        tpu.yield
      }) : () -> ()
    } else {
    }
    return
  }
}

#map = affine_map<(d0, d1) -> (0, 0)>
module attributes {stable_mosaic.version = 14 : i64} {
  func.func @seg(%arg0: i32, %arg1: i32, %arg2: memref<10000x64xf32, #tpu.memory_space<hbm>>, %arg3: memref<2560x125xi32, #tpu.memory_space<hbm>>, %arg4: memref<2560x125xi32, #tpu.memory_space<hbm>>, %arg5: memref<10000x64xf32, #tpu.memory_space<hbm>>, %arg6: memref<10000x64xf32, #tpu.memory_space<hbm>>, %arg7: memref<80x125xi32, #tpu.memory_space<vmem>>, %arg8: memref<80x125xi32, #tpu.memory_space<vmem>>, %arg9: memref<125x64xf32, #tpu.memory_space<vmem>>, %arg10: memref<400x64xf32, #tpu.memory_space<vmem>>, %arg11: memref<10000x64xf32, #tpu.memory_space<vmem_shared>>, %arg12: memref<!tpu.dma_semaphore, #tpu.memory_space<semaphore_mem>>) attributes {dimension_semantics = [#tpu.dimension_semantics<core_parallel>, #tpu.dimension_semantics<subcore_parallel>], iteration_bounds = array<i64: 2, 16>, scalar_prefetch = 0 : i64, scratch_operands = 6 : i64, tpu.core_type = #tpu.core_type<sc_vector_subcore>, window_params = [{transform_indices = #map}, {transform_indices = #map}, {transform_indices = #map}, {transform_indices = #map}, {transform_indices = #map}]} {
    %mul3A = arith.constant 16 : i32
    %mul3A_0 = arith.muli %arg0, %mul3A : i32
    %add3A = arith.addi %mul3A_0, %arg1 : i32
    %scan3A = arith.constant 0 : i32
    %scan3A_1 = arith.constant 0 : i32
    %scan3A_2 = arith.constant 1600 : i32
    %scan3A_3 = arith.addi %scan3A_1, %scan3A_2 : i32
    %scan3A_4 = arith.constant 1 : i32
    scf.for %scan3A_82 = %scan3A_1 to %scan3A_3 step %scan3A_4  : i32 {
      %jit3A = arith.constant 4 : i32
      %div3A = arith.divsi %scan3A_82, %jit3A : i32
      %sign3A = arith.constant 0 : i32
      %sign3A_83 = arith.cmpi sgt, %scan3A_82, %sign3A : i32
      %sign3A_84 = arith.extui %sign3A_83 : i1 to i32
      %sign3A_85 = arith.constant 0 : i32
      %sign3A_86 = arith.cmpi slt, %scan3A_82, %sign3A_85 : i32
      %sign3A_87 = arith.extui %sign3A_86 : i1 to i32
      %sign3A_88 = arith.subi %sign3A_84, %sign3A_87 : i32
      %sign3A_89 = arith.constant 0 : i32
      %sign3A_90 = arith.cmpi sgt, %jit3A, %sign3A_89 : i32
      %sign3A_91 = arith.extui %sign3A_90 : i1 to i32
      %sign3A_92 = arith.constant 0 : i32
      %sign3A_93 = arith.cmpi slt, %jit3A, %sign3A_92 : i32
      %sign3A_94 = arith.extui %sign3A_93 : i1 to i32
      %sign3A_95 = arith.subi %sign3A_91, %sign3A_94 : i32
      %ne3A = arith.cmpi ne, %sign3A_88, %sign3A_95 : i32
      %rem3A = arith.remsi %scan3A_82, %jit3A : i32
      %ne3A_96 = arith.constant 0 : i32
      %ne3A_97 = arith.cmpi ne, %rem3A, %ne3A_96 : i32
      %and3A_98 = arith.andi %ne3A, %ne3A_97 : i1
      %sub3A = arith.constant 1 : i32
      %sub3A_99 = arith.subi %div3A, %sub3A : i32
      %select_n3A = arith.select %and3A_98, %sub3A_99, %div3A : i32
      %jit3A_100 = arith.constant 4 : i32
      %eq3A_101 = arith.constant 0 : i32
      %eq3A_102 = arith.cmpi eq, %jit3A_100, %eq3A_101 : i32
      %jit3A_103 = arith.constant 1 : i32
      %select_n3A_104 = arith.select %eq3A_102, %jit3A_103, %jit3A_100 : i32
      %rem3A_105 = arith.remsi %scan3A_82, %select_n3A_104 : i32
      %ne3A_106 = arith.constant 0 : i32
      %ne3A_107 = arith.cmpi ne, %rem3A_105, %ne3A_106 : i32
      %lt3A_108 = arith.constant 0 : i32
      %lt3A_109 = arith.cmpi slt, %rem3A_105, %lt3A_108 : i32
      %lt3A_110 = arith.constant 0 : i32
      %lt3A_111 = arith.cmpi slt, %select_n3A_104, %lt3A_110 : i32
      %ne3A_112 = arith.xori %lt3A_109, %lt3A_111 : i1
      %and3A_113 = arith.andi %ne3A_112, %ne3A_107 : i1
      %add3A_114 = arith.addi %rem3A_105, %select_n3A_104 : i32
      %select_n3A_115 = arith.select %and3A_113, %add3A_114, %rem3A_105 : i32
      %broadcast_in_dim3A = arith.constant 0.000000e+00 : f32
      %broadcast_in_dim3A_116 = vector.broadcast %broadcast_in_dim3A : f32 to vector<16xf32>
      %mul3A_117 = arith.constant 16 : i32
      %mul3A_118 = arith.muli %select_n3A_115, %mul3A_117 : i32
      %swap3A = arith.index_cast %select_n3A : i32 to index
      %swap3A_119 = arith.index_cast %mul3A_118 : i32 to index
      %swap3A_120 = tpu.vector_load %arg10[%swap3A, %swap3A_119] {strides = array<i32>} : memref<400x64xf32, #tpu.memory_space<vmem>>, vector<1x16xf32>,
      %swap3A_121 = vector.shape_cast %swap3A_120 : vector<1x16xf32> to vector<16xf32>
      %swap3A_122 = vector.shape_cast %broadcast_in_dim3A_116 : vector<16xf32> to vector<1x16xf32>
      tpu.vector_store %arg10[%swap3A, %swap3A_119], %swap3A_122 {strides = array<i32>} : memref<400x64xf32, #tpu.memory_space<vmem>>, vector<1x16xf32>,
    }
    %scan3A_5 = arith.constant 1600 : i32
    %add3A_6 = arith.constant 0 : i32
    %add3A_7 = arith.addi %add3A_6, %arg1 : i32
    %mul3A_8 = arith.constant 400 : i32
    %mul3A_9 = arith.muli %add3A_7, %mul3A_8 : i32
    %add3A_10 = arith.constant 0 : i32
    %add3A_11 = arith.addi %add3A_10, %arg1 : i32
    %lt3A = arith.constant 25 : i32
    %lt3A_12 = arith.cmpi slt, %add3A_11, %lt3A : i32
    %convert_element_type3A = arith.extui %lt3A_12 : i1 to i32
    %cond3A = arith.constant 0 : i32
    %cond3A_13 = arith.cmpi ne, %convert_element_type3A, %cond3A : i32
    scf.if %cond3A_13 {
      "tpu.region"() ({
        %run_scoped3A = tpu.sem_alloc : memref<!tpu.dma_semaphore, #tpu.memory_space<semaphore_mem>>
        %dma_start3A = arith.constant 0 : i32
        %dma_start3A_82 = tpu.memref_slice %arg11[%mul3A_9, %dma_start3A] : memref<10000x64xf32, #tpu.memory_space<vmem_shared>> -> memref<400x64xf32, #tpu.memory_space<vmem_shared>>
        %dma_start3A_83 = arith.constant 0 : i32
        %dma_start3A_84 = tpu.memref_slice %arg11[%mul3A_9, %dma_start3A_83] : memref<10000x64xf32, #tpu.memory_space<vmem_shared>> -> memref<400x64xf32, #tpu.memory_space<vmem_shared>>
        tpu.enqueue_dma source(%arg10 : memref<400x64xf32, #tpu.memory_space<vmem>>) target(%dma_start3A_84 : memref<400x64xf32, #tpu.memory_space<vmem_shared>>) target_semaphore(%run_scoped3A : memref<!tpu.dma_semaphore, #tpu.memory_space<semaphore_mem>>)
        %dma_wait3A = arith.constant 0 : i32
        %dma_wait3A_85 = tpu.memref_slice %arg11[%mul3A_9, %dma_wait3A] : memref<10000x64xf32, #tpu.memory_space<vmem_shared>> -> memref<400x64xf32, #tpu.memory_space<vmem_shared>>
        %dma_wait3A_86 = arith.constant 0 : i32
        %dma_wait3A_87 = tpu.memref_slice %arg11[%mul3A_9, %dma_wait3A_86] : memref<10000x64xf32, #tpu.memory_space<vmem_shared>> -> memref<400x64xf32, #tpu.memory_space<vmem_shared>>
        tpu.wait_dma2 semaphore(%run_scoped3A : memref<!tpu.dma_semaphore, #tpu.memory_space<semaphore_mem>>) src(%arg10 : memref<400x64xf32, #tpu.memory_space<vmem>>) dst(%dma_wait3A_87 : memref<400x64xf32, #tpu.memory_space<vmem_shared>>)
        tpu.yield
      }) : () -> ()
    } else {
    }
    %add3A_14 = arith.constant 16 : i32
    %add3A_15 = arith.addi %add3A_14, %arg1 : i32
    %mul3A_16 = arith.constant 400 : i32
    %mul3A_17 = arith.muli %add3A_15, %mul3A_16 : i32
    %add3A_18 = arith.constant 16 : i32
    %add3A_19 = arith.addi %add3A_18, %arg1 : i32
    %lt3A_20 = arith.constant 25 : i32
    %lt3A_21 = arith.cmpi slt, %add3A_19, %lt3A_20 : i32
    %convert_element_type3A_22 = arith.extui %lt3A_21 : i1 to i32
    %cond3A_23 = arith.constant 0 : i32
    %cond3A_24 = arith.cmpi ne, %convert_element_type3A_22, %cond3A_23 : i32
    scf.if %cond3A_24 {
      "tpu.region"() ({
        %run_scoped3A = tpu.sem_alloc : memref<!tpu.dma_semaphore, #tpu.memory_space<semaphore_mem>>
        %dma_start3A = arith.constant 0 : i32
        %dma_start3A_82 = tpu.memref_slice %arg11[%mul3A_17, %dma_start3A] : memref<10000x64xf32, #tpu.memory_space<vmem_shared>> -> memref<400x64xf32, #tpu.memory_space<vmem_shared>>
        %dma_start3A_83 = arith.constant 0 : i32
        %dma_start3A_84 = tpu.memref_slice %arg11[%mul3A_17, %dma_start3A_83] : memref<10000x64xf32, #tpu.memory_space<vmem_shared>> -> memref<400x64xf32, #tpu.memory_space<vmem_shared>>
        tpu.enqueue_dma source(%arg10 : memref<400x64xf32, #tpu.memory_space<vmem>>) target(%dma_start3A_84 : memref<400x64xf32, #tpu.memory_space<vmem_shared>>) target_semaphore(%run_scoped3A : memref<!tpu.dma_semaphore, #tpu.memory_space<semaphore_mem>>)
        %dma_wait3A = arith.constant 0 : i32
        %dma_wait3A_85 = tpu.memref_slice %arg11[%mul3A_17, %dma_wait3A] : memref<10000x64xf32, #tpu.memory_space<vmem_shared>> -> memref<400x64xf32, #tpu.memory_space<vmem_shared>>
        %dma_wait3A_86 = arith.constant 0 : i32
        %dma_wait3A_87 = tpu.memref_slice %arg11[%mul3A_17, %dma_wait3A_86] : memref<10000x64xf32, #tpu.memory_space<vmem_shared>> -> memref<400x64xf32, #tpu.memory_space<vmem_shared>>
        tpu.wait_dma2 semaphore(%run_scoped3A : memref<!tpu.dma_semaphore, #tpu.memory_space<semaphore_mem>>) src(%arg10 : memref<400x64xf32, #tpu.memory_space<vmem>>) dst(%dma_wait3A_87 : memref<400x64xf32, #tpu.memory_space<vmem_shared>>)
        tpu.yield
      }) : () -> ()
    } else {
    }
    %mul3A_25 = arith.constant 80 : i32
    %mul3A_26 = arith.muli %add3A, %mul3A_25 : i32
    "tpu.region"() ({
      %run_scoped3A = tpu.sem_alloc : memref<!tpu.dma_semaphore, #tpu.memory_space<semaphore_mem>>
      %dma_start3A = arith.constant 0 : i32
      %dma_start3A_82 = tpu.memref_slice %arg3[%mul3A_26, %dma_start3A] : memref<2560x125xi32, #tpu.memory_space<hbm>> -> memref<80x125xi32, #tpu.memory_space<hbm>>
      %dma_start3A_83 = arith.constant 0 : i32
      %dma_start3A_84 = tpu.memref_slice %arg3[%mul3A_26, %dma_start3A_83] : memref<2560x125xi32, #tpu.memory_space<hbm>> -> memref<80x125xi32, #tpu.memory_space<hbm>>
      tpu.enqueue_dma source(%dma_start3A_84 : memref<80x125xi32, #tpu.memory_space<hbm>>) target(%arg7 : memref<80x125xi32, #tpu.memory_space<vmem>>) target_semaphore(%run_scoped3A : memref<!tpu.dma_semaphore, #tpu.memory_space<semaphore_mem>>)
      %dma_wait3A = arith.constant 0 : i32
      %dma_wait3A_85 = tpu.memref_slice %arg3[%mul3A_26, %dma_wait3A] : memref<2560x125xi32, #tpu.memory_space<hbm>> -> memref<80x125xi32, #tpu.memory_space<hbm>>
      %dma_wait3A_86 = arith.constant 0 : i32
      %dma_wait3A_87 = tpu.memref_slice %arg3[%mul3A_26, %dma_wait3A_86] : memref<2560x125xi32, #tpu.memory_space<hbm>> -> memref<80x125xi32, #tpu.memory_space<hbm>>
      tpu.wait_dma2 semaphore(%run_scoped3A : memref<!tpu.dma_semaphore, #tpu.memory_space<semaphore_mem>>) src(%dma_wait3A_87 : memref<80x125xi32, #tpu.memory_space<hbm>>) dst(%arg7 : memref<80x125xi32, #tpu.memory_space<vmem>>)
      tpu.yield
    }) : () -> ()
    %mul3A_27 = arith.constant 80 : i32
    %mul3A_28 = arith.muli %add3A, %mul3A_27 : i32
    "tpu.region"() ({
      %run_scoped3A = tpu.sem_alloc : memref<!tpu.dma_semaphore, #tpu.memory_space<semaphore_mem>>
      %dma_start3A = arith.constant 0 : i32
      %dma_start3A_82 = tpu.memref_slice %arg4[%mul3A_28, %dma_start3A] : memref<2560x125xi32, #tpu.memory_space<hbm>> -> memref<80x125xi32, #tpu.memory_space<hbm>>
      %dma_start3A_83 = arith.constant 0 : i32
      %dma_start3A_84 = tpu.memref_slice %arg4[%mul3A_28, %dma_start3A_83] : memref<2560x125xi32, #tpu.memory_space<hbm>> -> memref<80x125xi32, #tpu.memory_space<hbm>>
      tpu.enqueue_dma source(%dma_start3A_84 : memref<80x125xi32, #tpu.memory_space<hbm>>) target(%arg8 : memref<80x125xi32, #tpu.memory_space<vmem>>) target_semaphore(%run_scoped3A : memref<!tpu.dma_semaphore, #tpu.memory_space<semaphore_mem>>)
      %dma_wait3A = arith.constant 0 : i32
      %dma_wait3A_85 = tpu.memref_slice %arg4[%mul3A_28, %dma_wait3A] : memref<2560x125xi32, #tpu.memory_space<hbm>> -> memref<80x125xi32, #tpu.memory_space<hbm>>
      %dma_wait3A_86 = arith.constant 0 : i32
      %dma_wait3A_87 = tpu.memref_slice %arg4[%mul3A_28, %dma_wait3A_86] : memref<2560x125xi32, #tpu.memory_space<hbm>> -> memref<80x125xi32, #tpu.memory_space<hbm>>
      tpu.wait_dma2 semaphore(%run_scoped3A : memref<!tpu.dma_semaphore, #tpu.memory_space<semaphore_mem>>) src(%dma_wait3A_87 : memref<80x125xi32, #tpu.memory_space<hbm>>) dst(%arg8 : memref<80x125xi32, #tpu.memory_space<vmem>>)
      tpu.yield
    }) : () -> ()
    %barrier3A = arith.constant 0 : index
    tpu.barrier barrier_id(%barrier3A)
    %scan3A_29 = arith.constant 0 : i32
    %scan3A_30 = arith.constant 0 : i32
    %scan3A_31 = arith.constant 80 : i32
    %scan3A_32 = arith.addi %scan3A_30, %scan3A_31 : i32
    %scan3A_33 = arith.constant 1 : i32
    scf.for %scan3A_82 = %scan3A_30 to %scan3A_32 step %scan3A_33  : i32 {
      %dma_start3A = arith.constant 0 : i32
      %dma_start3A_83 = tpu.memref_slice %arg7[%scan3A_82, %dma_start3A] : memref<80x125xi32, #tpu.memory_space<vmem>> -> memref<1x125xi32, #tpu.memory_space<vmem>>
      %dma_start3A_84 = tpu.memref_squeeze %dma_start3A_83 : memref<1x125xi32, #tpu.memory_space<vmem>> -> memref<125xi32, #tpu.memory_space<vmem>>
      %dma_start3A_85 = arith.constant 0 : i32
      %dma_start3A_86 = arith.constant 0 : i32
      %dma_start3A_87 = tpu.memref_slice %arg2[%dma_start3A_85, %dma_start3A_86] : memref<10000x64xf32, #tpu.memory_space<hbm>> -> memref<10000x64xf32, #tpu.memory_space<hbm>>
      tpu.enqueue_indirect_dma source(%dma_start3A_87 : memref<10000x64xf32, #tpu.memory_space<hbm>>) target(%arg9 : memref<125x64xf32, #tpu.memory_space<vmem>>) offsets(%dma_start3A_84 : memref<125xi32, #tpu.memory_space<vmem>>) semaphore(%arg12 : memref<!tpu.dma_semaphore, #tpu.memory_space<semaphore_mem>>)
      %dma_wait3A = arith.constant 0 : i32
      %dma_wait3A_88 = tpu.memref_slice %arg7[%scan3A_82, %dma_wait3A] : memref<80x125xi32, #tpu.memory_space<vmem>> -> memref<1x125xi32, #tpu.memory_space<vmem>>
      %dma_wait3A_89 = tpu.memref_squeeze %dma_wait3A_88 : memref<1x125xi32, #tpu.memory_space<vmem>> -> memref<125xi32, #tpu.memory_space<vmem>>
      %dma_wait3A_90 = arith.constant 0 : i32
      %dma_wait3A_91 = arith.constant 0 : i32
      %dma_wait3A_92 = tpu.memref_slice %arg2[%dma_wait3A_90, %dma_wait3A_91] : memref<10000x64xf32, #tpu.memory_space<hbm>> -> memref<10000x64xf32, #tpu.memory_space<hbm>>
      tpu.wait_indirect_dma semaphore(%arg12 : memref<!tpu.dma_semaphore, #tpu.memory_space<semaphore_mem>>) src(%dma_wait3A_92 : memref<10000x64xf32, #tpu.memory_space<hbm>>) dst(%arg9 : memref<125x64xf32, #tpu.memory_space<vmem>>)
      "tpu.region"() ({
        %run_scoped3A = tpu.sem_alloc : memref<!tpu.dma_semaphore, #tpu.memory_space<semaphore_mem>>
        %dma_start3A_93 = arith.constant 0 : i32
        %dma_start3A_94 = tpu.memref_slice %arg8[%scan3A_82, %dma_start3A_93] : memref<80x125xi32, #tpu.memory_space<vmem>> -> memref<1x125xi32, #tpu.memory_space<vmem>>
        %dma_start3A_95 = tpu.memref_squeeze %dma_start3A_94 : memref<1x125xi32, #tpu.memory_space<vmem>> -> memref<125xi32, #tpu.memory_space<vmem>>
        %dma_start3A_96 = arith.constant 0 : i32
        %dma_start3A_97 = arith.constant 0 : i32
        %dma_start3A_98 = tpu.memref_slice %arg11[%dma_start3A_96, %dma_start3A_97] : memref<10000x64xf32, #tpu.memory_space<vmem_shared>> -> memref<10000x64xf32, #tpu.memory_space<vmem_shared>>
        tpu.enqueue_indirect_dma source(%arg9 : memref<125x64xf32, #tpu.memory_space<vmem>>) target(%dma_start3A_98 : memref<10000x64xf32, #tpu.memory_space<vmem_shared>>) offsets(%dma_start3A_95 : memref<125xi32, #tpu.memory_space<vmem>>) semaphore(%run_scoped3A : memref<!tpu.dma_semaphore, #tpu.memory_space<semaphore_mem>>) {add = true}
        %dma_wait3A_99 = arith.constant 0 : i32
        %dma_wait3A_100 = tpu.memref_slice %arg8[%scan3A_82, %dma_wait3A_99] : memref<80x125xi32, #tpu.memory_space<vmem>> -> memref<1x125xi32, #tpu.memory_space<vmem>>
        %dma_wait3A_101 = tpu.memref_squeeze %dma_wait3A_100 : memref<1x125xi32, #tpu.memory_space<vmem>> -> memref<125xi32, #tpu.memory_space<vmem>>
        %dma_wait3A_102 = arith.constant 0 : i32
        %dma_wait3A_103 = arith.constant 0 : i32
        %dma_wait3A_104 = tpu.memref_slice %arg11[%dma_wait3A_102, %dma_wait3A_103] : memref<10000x64xf32, #tpu.memory_space<vmem_shared>> -> memref<10000x64xf32, #tpu.memory_space<vmem_shared>>
        tpu.wait_indirect_dma semaphore(%run_scoped3A : memref<!tpu.dma_semaphore, #tpu.memory_space<semaphore_mem>>) src(%arg9 : memref<125x64xf32, #tpu.memory_space<vmem>>) dst(%dma_wait3A_104 : memref<10000x64xf32, #tpu.memory_space<vmem_shared>>)
        tpu.yield
      }) : () -> ()
    }
    %scan3A_34 = arith.constant 80 : i32
    %barrier3A_35 = arith.constant 0 : index
    tpu.barrier barrier_id(%barrier3A_35)
    %add3A_36 = arith.constant 0 : i32
    %add3A_37 = arith.addi %add3A_36, %arg1 : i32
    %mul3A_38 = arith.constant 400 : i32
    %mul3A_39 = arith.muli %add3A_37, %mul3A_38 : i32
    %add3A_40 = arith.constant 0 : i32
    %add3A_41 = arith.addi %add3A_40, %arg1 : i32
    %lt3A_42 = arith.constant 25 : i32
    %lt3A_43 = arith.cmpi slt, %add3A_41, %lt3A_42 : i32
    %eq3A = arith.constant 0 : i32
    %eq3A_44 = arith.cmpi eq, %arg0, %eq3A : i32
    %and3A = arith.andi %lt3A_43, %eq3A_44 : i1
    %convert_element_type3A_45 = arith.extui %and3A : i1 to i32
    %cond3A_46 = arith.constant 0 : i32
    %cond3A_47 = arith.cmpi ne, %convert_element_type3A_45, %cond3A_46 : i32
    scf.if %cond3A_47 {
      "tpu.region"() ({
        %run_scoped3A = tpu.sem_alloc : memref<!tpu.dma_semaphore, #tpu.memory_space<semaphore_mem>>
        %dma_start3A = arith.constant 0 : i32
        %dma_start3A_82 = tpu.memref_slice %arg5[%mul3A_39, %dma_start3A] : memref<10000x64xf32, #tpu.memory_space<hbm>> -> memref<400x64xf32, #tpu.memory_space<hbm>>
        %dma_start3A_83 = arith.constant 0 : i32
        %dma_start3A_84 = tpu.memref_slice %arg11[%mul3A_39, %dma_start3A_83] : memref<10000x64xf32, #tpu.memory_space<vmem_shared>> -> memref<400x64xf32, #tpu.memory_space<vmem_shared>>
        tpu.enqueue_dma source(%dma_start3A_84 : memref<400x64xf32, #tpu.memory_space<vmem_shared>>) target(%dma_start3A_82 : memref<400x64xf32, #tpu.memory_space<hbm>>) target_semaphore(%run_scoped3A : memref<!tpu.dma_semaphore, #tpu.memory_space<semaphore_mem>>)
        %dma_wait3A = arith.constant 0 : i32
        %dma_wait3A_85 = tpu.memref_slice %arg5[%mul3A_39, %dma_wait3A] : memref<10000x64xf32, #tpu.memory_space<hbm>> -> memref<400x64xf32, #tpu.memory_space<hbm>>
        %dma_wait3A_86 = arith.constant 0 : i32
        %dma_wait3A_87 = tpu.memref_slice %arg11[%mul3A_39, %dma_wait3A_86] : memref<10000x64xf32, #tpu.memory_space<vmem_shared>> -> memref<400x64xf32, #tpu.memory_space<vmem_shared>>
        tpu.wait_dma2 semaphore(%run_scoped3A : memref<!tpu.dma_semaphore, #tpu.memory_space<semaphore_mem>>) src(%dma_wait3A_87 : memref<400x64xf32, #tpu.memory_space<vmem_shared>>) dst(%dma_wait3A_85 : memref<400x64xf32, #tpu.memory_space<hbm>>)
        tpu.yield
      }) : () -> ()
    } else {
    }
    %add3A_48 = arith.constant 0 : i32
    %add3A_49 = arith.addi %add3A_48, %arg1 : i32
    %lt3A_50 = arith.constant 25 : i32
    %lt3A_51 = arith.cmpi slt, %add3A_49, %lt3A_50 : i32
    %eq3A_52 = arith.constant 1 : i32
    %eq3A_53 = arith.cmpi eq, %arg0, %eq3A_52 : i32
    %and3A_54 = arith.andi %lt3A_51, %eq3A_53 : i1
    %convert_element_type3A_55 = arith.extui %and3A_54 : i1 to i32
    %cond3A_56 = arith.constant 0 : i32
    %cond3A_57 = arith.cmpi ne, %convert_element_type3A_55, %cond3A_56 : i32
    scf.if %cond3A_57 {
      "tpu.region"() ({
        %run_scoped3A = tpu.sem_alloc : memref<!tpu.dma_semaphore, #tpu.memory_space<semaphore_mem>>
        %dma_start3A = arith.constant 0 : i32
        %dma_start3A_82 = tpu.memref_slice %arg6[%mul3A_39, %dma_start3A] : memref<10000x64xf32, #tpu.memory_space<hbm>> -> memref<400x64xf32, #tpu.memory_space<hbm>>
        %dma_start3A_83 = arith.constant 0 : i32
        %dma_start3A_84 = tpu.memref_slice %arg11[%mul3A_39, %dma_start3A_83] : memref<10000x64xf32, #tpu.memory_space<vmem_shared>> -> memref<400x64xf32, #tpu.memory_space<vmem_shared>>
        tpu.enqueue_dma source(%dma_start3A_84 : memref<400x64xf32, #tpu.memory_space<vmem_shared>>) target(%dma_start3A_82 : memref<400x64xf32, #tpu.memory_space<hbm>>) target_semaphore(%run_scoped3A : memref<!tpu.dma_semaphore, #tpu.memory_space<semaphore_mem>>)
        %dma_wait3A = arith.constant 0 : i32
        %dma_wait3A_85 = tpu.memref_slice %arg6[%mul3A_39, %dma_wait3A] : memref<10000x64xf32, #tpu.memory_space<hbm>> -> memref<400x64xf32, #tpu.memory_space<hbm>>
        %dma_wait3A_86 = arith.constant 0 : i32
        %dma_wait3A_87 = tpu.memref_slice %arg11[%mul3A_39, %dma_wait3A_86] : memref<10000x64xf32, #tpu.memory_space<vmem_shared>> -> memref<400x64xf32, #tpu.memory_space<vmem_shared>>
        tpu.wait_dma2 semaphore(%run_scoped3A : memref<!tpu.dma_semaphore, #tpu.memory_space<semaphore_mem>>) src(%dma_wait3A_87 : memref<400x64xf32, #tpu.memory_space<vmem_shared>>) dst(%dma_wait3A_85 : memref<400x64xf32, #tpu.memory_space<hbm>>)
        tpu.yield
      }) : () -> ()
    } else {
    }
    %add3A_58 = arith.constant 16 : i32
    %add3A_59 = arith.addi %add3A_58, %arg1 : i32
    %mul3A_60 = arith.constant 400 : i32
    %mul3A_61 = arith.muli %add3A_59, %mul3A_60 : i32
    %add3A_62 = arith.constant 16 : i32
    %add3A_63 = arith.addi %add3A_62, %arg1 : i32
    %lt3A_64 = arith.constant 25 : i32
    %lt3A_65 = arith.cmpi slt, %add3A_63, %lt3A_64 : i32
    %eq3A_66 = arith.constant 0 : i32
    %eq3A_67 = arith.cmpi eq, %arg0, %eq3A_66 : i32
    %and3A_68 = arith.andi %lt3A_65, %eq3A_67 : i1
    %convert_element_type3A_69 = arith.extui %and3A_68 : i1 to i32
    %cond3A_70 = arith.constant 0 : i32
    %cond3A_71 = arith.cmpi ne, %convert_element_type3A_69, %cond3A_70 : i32
    scf.if %cond3A_71 {
      "tpu.region"() ({
        %run_scoped3A = tpu.sem_alloc : memref<!tpu.dma_semaphore, #tpu.memory_space<semaphore_mem>>
        %dma_start3A = arith.constant 0 : i32
        %dma_start3A_82 = tpu.memref_slice %arg5[%mul3A_61, %dma_start3A] : memref<10000x64xf32, #tpu.memory_space<hbm>> -> memref<400x64xf32, #tpu.memory_space<hbm>>
        %dma_start3A_83 = arith.constant 0 : i32
        %dma_start3A_84 = tpu.memref_slice %arg11[%mul3A_61, %dma_start3A_83] : memref<10000x64xf32, #tpu.memory_space<vmem_shared>> -> memref<400x64xf32, #tpu.memory_space<vmem_shared>>
        tpu.enqueue_dma source(%dma_start3A_84 : memref<400x64xf32, #tpu.memory_space<vmem_shared>>) target(%dma_start3A_82 : memref<400x64xf32, #tpu.memory_space<hbm>>) target_semaphore(%run_scoped3A : memref<!tpu.dma_semaphore, #tpu.memory_space<semaphore_mem>>)
        %dma_wait3A = arith.constant 0 : i32
        %dma_wait3A_85 = tpu.memref_slice %arg5[%mul3A_61, %dma_wait3A] : memref<10000x64xf32, #tpu.memory_space<hbm>> -> memref<400x64xf32, #tpu.memory_space<hbm>>
        %dma_wait3A_86 = arith.constant 0 : i32
        %dma_wait3A_87 = tpu.memref_slice %arg11[%mul3A_61, %dma_wait3A_86] : memref<10000x64xf32, #tpu.memory_space<vmem_shared>> -> memref<400x64xf32, #tpu.memory_space<vmem_shared>>
        tpu.wait_dma2 semaphore(%run_scoped3A : memref<!tpu.dma_semaphore, #tpu.memory_space<semaphore_mem>>) src(%dma_wait3A_87 : memref<400x64xf32, #tpu.memory_space<vmem_shared>>) dst(%dma_wait3A_85 : memref<400x64xf32, #tpu.memory_space<hbm>>)
        tpu.yield
      }) : () -> ()
    } else {
    }
    %add3A_72 = arith.constant 16 : i32
    %add3A_73 = arith.addi %add3A_72, %arg1 : i32
    %lt3A_74 = arith.constant 25 : i32
    %lt3A_75 = arith.cmpi slt, %add3A_73, %lt3A_74 : i32
    %eq3A_76 = arith.constant 1 : i32
    %eq3A_77 = arith.cmpi eq, %arg0, %eq3A_76 : i32
    %and3A_78 = arith.andi %lt3A_75, %eq3A_77 : i1
    %convert_element_type3A_79 = arith.extui %and3A_78 : i1 to i32
    %cond3A_80 = arith.constant 0 : i32
    %cond3A_81 = arith.cmpi ne, %convert_element_type3A_79, %cond3A_80 : i32
    scf.if %cond3A_81 {
      "tpu.region"() ({
        %run_scoped3A = tpu.sem_alloc : memref<!tpu.dma_semaphore, #tpu.memory_space<semaphore_mem>>
        %dma_start3A = arith.constant 0 : i32
        %dma_start3A_82 = tpu.memref_slice %arg6[%mul3A_61, %dma_start3A] : memref<10000x64xf32, #tpu.memory_space<hbm>> -> memref<400x64xf32, #tpu.memory_space<hbm>>
        %dma_start3A_83 = arith.constant 0 : i32
        %dma_start3A_84 = tpu.memref_slice %arg11[%mul3A_61, %dma_start3A_83] : memref<10000x64xf32, #tpu.memory_space<vmem_shared>> -> memref<400x64xf32, #tpu.memory_space<vmem_shared>>
        tpu.enqueue_dma source(%dma_start3A_84 : memref<400x64xf32, #tpu.memory_space<vmem_shared>>) target(%dma_start3A_82 : memref<400x64xf32, #tpu.memory_space<hbm>>) target_semaphore(%run_scoped3A : memref<!tpu.dma_semaphore, #tpu.memory_space<semaphore_mem>>)
        %dma_wait3A = arith.constant 0 : i32
        %dma_wait3A_85 = tpu.memref_slice %arg6[%mul3A_61, %dma_wait3A] : memref<10000x64xf32, #tpu.memory_space<hbm>> -> memref<400x64xf32, #tpu.memory_space<hbm>>
        %dma_wait3A_86 = arith.constant 0 : i32
        %dma_wait3A_87 = tpu.memref_slice %arg11[%mul3A_61, %dma_wait3A_86] : memref<10000x64xf32, #tpu.memory_space<vmem_shared>> -> memref<400x64xf32, #tpu.memory_space<vmem_shared>>
        tpu.wait_dma2 semaphore(%run_scoped3A : memref<!tpu.dma_semaphore, #tpu.memory_space<semaphore_mem>>) src(%dma_wait3A_87 : memref<400x64xf32, #tpu.memory_space<vmem_shared>>) dst(%dma_wait3A_85 : memref<400x64xf32, #tpu.memory_space<hbm>>)
        tpu.yield
      }) : () -> ()
    } else {
    }
    return
  }
}

#map = affine_map<(d0, d1) -> (0, 0)>
module attributes {stable_mosaic.version = 14 : i64} {
  func.func @seg(%arg0: i32, %arg1: i32, %arg2: memref<10000x64xf32, #tpu.memory_space<hbm>>, %arg3: memref<2560x125xi32, #tpu.memory_space<hbm>>, %arg4: memref<2560x125xi32, #tpu.memory_space<hbm>>, %arg5: memref<10000x64xf32, #tpu.memory_space<hbm>>, %arg6: memref<10000x64xf32, #tpu.memory_space<hbm>>, %arg7: memref<80x125xi32, #tpu.memory_space<vmem>>, %arg8: memref<80x125xi32, #tpu.memory_space<vmem>>, %arg9: memref<125x64xf32, #tpu.memory_space<vmem>>, %arg10: memref<400x64xf32, #tpu.memory_space<vmem>>, %arg11: memref<10000x64xf32, #tpu.memory_space<vmem_shared>>, %arg12: memref<!tpu.dma_semaphore, #tpu.memory_space<semaphore_mem>>) attributes {dimension_semantics = [#tpu.dimension_semantics<core_parallel>, #tpu.dimension_semantics<subcore_parallel>], iteration_bounds = array<i64: 2, 16>, scalar_prefetch = 0 : i64, scratch_operands = 6 : i64, tpu.core_type = #tpu.core_type<sc_vector_subcore>, window_params = [{transform_indices = #map}, {transform_indices = #map}, {transform_indices = #map}, {transform_indices = #map}, {transform_indices = #map}]} {
    %mul3A = arith.constant 16 : i32
    %mul3A_0 = arith.muli %arg0, %mul3A : i32
    %add3A = arith.addi %mul3A_0, %arg1 : i32
    %scan3A = arith.constant 0 : i32
    %scan3A_1 = arith.constant 0 : i32
    %scan3A_2 = arith.constant 1600 : i32
    %scan3A_3 = arith.addi %scan3A_1, %scan3A_2 : i32
    %scan3A_4 = arith.constant 1 : i32
    scf.for %scan3A_82 = %scan3A_1 to %scan3A_3 step %scan3A_4  : i32 {
      %jit3A = arith.constant 4 : i32
      %div3A = arith.divsi %scan3A_82, %jit3A : i32
      %sign3A = arith.constant 0 : i32
      %sign3A_83 = arith.cmpi sgt, %scan3A_82, %sign3A : i32
      %sign3A_84 = arith.extui %sign3A_83 : i1 to i32
      %sign3A_85 = arith.constant 0 : i32
      %sign3A_86 = arith.cmpi slt, %scan3A_82, %sign3A_85 : i32
      %sign3A_87 = arith.extui %sign3A_86 : i1 to i32
      %sign3A_88 = arith.subi %sign3A_84, %sign3A_87 : i32
      %sign3A_89 = arith.constant 0 : i32
      %sign3A_90 = arith.cmpi sgt, %jit3A, %sign3A_89 : i32
      %sign3A_91 = arith.extui %sign3A_90 : i1 to i32
      %sign3A_92 = arith.constant 0 : i32
      %sign3A_93 = arith.cmpi slt, %jit3A, %sign3A_92 : i32
      %sign3A_94 = arith.extui %sign3A_93 : i1 to i32
      %sign3A_95 = arith.subi %sign3A_91, %sign3A_94 : i32
      %ne3A = arith.cmpi ne, %sign3A_88, %sign3A_95 : i32
      %rem3A = arith.remsi %scan3A_82, %jit3A : i32
      %ne3A_96 = arith.constant 0 : i32
      %ne3A_97 = arith.cmpi ne, %rem3A, %ne3A_96 : i32
      %and3A_98 = arith.andi %ne3A, %ne3A_97 : i1
      %sub3A = arith.constant 1 : i32
      %sub3A_99 = arith.subi %div3A, %sub3A : i32
      %select_n3A = arith.select %and3A_98, %sub3A_99, %div3A : i32
      %jit3A_100 = arith.constant 4 : i32
      %eq3A_101 = arith.constant 0 : i32
      %eq3A_102 = arith.cmpi eq, %jit3A_100, %eq3A_101 : i32
      %jit3A_103 = arith.constant 1 : i32
      %select_n3A_104 = arith.select %eq3A_102, %jit3A_103, %jit3A_100 : i32
      %rem3A_105 = arith.remsi %scan3A_82, %select_n3A_104 : i32
      %ne3A_106 = arith.constant 0 : i32
      %ne3A_107 = arith.cmpi ne, %rem3A_105, %ne3A_106 : i32
      %lt3A_108 = arith.constant 0 : i32
      %lt3A_109 = arith.cmpi slt, %rem3A_105, %lt3A_108 : i32
      %lt3A_110 = arith.constant 0 : i32
      %lt3A_111 = arith.cmpi slt, %select_n3A_104, %lt3A_110 : i32
      %ne3A_112 = arith.xori %lt3A_109, %lt3A_111 : i1
      %and3A_113 = arith.andi %ne3A_112, %ne3A_107 : i1
      %add3A_114 = arith.addi %rem3A_105, %select_n3A_104 : i32
      %select_n3A_115 = arith.select %and3A_113, %add3A_114, %rem3A_105 : i32
      %broadcast_in_dim3A = arith.constant 0.000000e+00 : f32
      %broadcast_in_dim3A_116 = vector.broadcast %broadcast_in_dim3A : f32 to vector<16xf32>
      %mul3A_117 = arith.constant 16 : i32
      %mul3A_118 = arith.muli %select_n3A_115, %mul3A_117 : i32
      %swap3A = arith.index_cast %select_n3A : i32 to index
      %swap3A_119 = arith.index_cast %mul3A_118 : i32 to index
      %swap3A_120 = tpu.vector_load %arg10[%swap3A, %swap3A_119] {strides = array<i32>} : memref<400x64xf32, #tpu.memory_space<vmem>>, vector<1x16xf32>,
      %swap3A_121 = vector.shape_cast %swap3A_120 : vector<1x16xf32> to vector<16xf32>
      %swap3A_122 = vector.shape_cast %broadcast_in_dim3A_116 : vector<16xf32> to vector<1x16xf32>
      tpu.vector_store %arg10[%swap3A, %swap3A_119], %swap3A_122 {strides = array<i32>} : memref<400x64xf32, #tpu.memory_space<vmem>>, vector<1x16xf32>,
    }
    %scan3A_5 = arith.constant 1600 : i32
    %add3A_6 = arith.constant 0 : i32
    %add3A_7 = arith.addi %add3A_6, %arg1 : i32
    %mul3A_8 = arith.constant 400 : i32
    %mul3A_9 = arith.muli %add3A_7, %mul3A_8 : i32
    %add3A_10 = arith.constant 0 : i32
    %add3A_11 = arith.addi %add3A_10, %arg1 : i32
    %lt3A = arith.constant 25 : i32
    %lt3A_12 = arith.cmpi slt, %add3A_11, %lt3A : i32
    %convert_element_type3A = arith.extui %lt3A_12 : i1 to i32
    %cond3A = arith.constant 0 : i32
    %cond3A_13 = arith.cmpi ne, %convert_element_type3A, %cond3A : i32
    scf.if %cond3A_13 {
      "tpu.region"() ({
        %run_scoped3A = tpu.sem_alloc : memref<!tpu.dma_semaphore, #tpu.memory_space<semaphore_mem>>
        %dma_start3A = arith.constant 0 : i32
        %dma_start3A_82 = tpu.memref_slice %arg11[%mul3A_9, %dma_start3A] : memref<10000x64xf32, #tpu.memory_space<vmem_shared>> -> memref<400x64xf32, #tpu.memory_space<vmem_shared>>
        %dma_start3A_83 = arith.constant 0 : i32
        %dma_start3A_84 = tpu.memref_slice %arg11[%mul3A_9, %dma_start3A_83] : memref<10000x64xf32, #tpu.memory_space<vmem_shared>> -> memref<400x64xf32, #tpu.memory_space<vmem_shared>>
        tpu.enqueue_dma source(%arg10 : memref<400x64xf32, #tpu.memory_space<vmem>>) target(%dma_start3A_84 : memref<400x64xf32, #tpu.memory_space<vmem_shared>>) target_semaphore(%run_scoped3A : memref<!tpu.dma_semaphore, #tpu.memory_space<semaphore_mem>>)
        %dma_wait3A = arith.constant 0 : i32
        %dma_wait3A_85 = tpu.memref_slice %arg11[%mul3A_9, %dma_wait3A] : memref<10000x64xf32, #tpu.memory_space<vmem_shared>> -> memref<400x64xf32, #tpu.memory_space<vmem_shared>>
        %dma_wait3A_86 = arith.constant 0 : i32
        %dma_wait3A_87 = tpu.memref_slice %arg11[%mul3A_9, %dma_wait3A_86] : memref<10000x64xf32, #tpu.memory_space<vmem_shared>> -> memref<400x64xf32, #tpu.memory_space<vmem_shared>>
        tpu.wait_dma2 semaphore(%run_scoped3A : memref<!tpu.dma_semaphore, #tpu.memory_space<semaphore_mem>>) src(%arg10 : memref<400x64xf32, #tpu.memory_space<vmem>>) dst(%dma_wait3A_87 : memref<400x64xf32, #tpu.memory_space<vmem_shared>>)
        tpu.yield
      }) : () -> ()
    } else {
    }
    %add3A_14 = arith.constant 16 : i32
    %add3A_15 = arith.addi %add3A_14, %arg1 : i32
    %mul3A_16 = arith.constant 400 : i32
    %mul3A_17 = arith.muli %add3A_15, %mul3A_16 : i32
    %add3A_18 = arith.constant 16 : i32
    %add3A_19 = arith.addi %add3A_18, %arg1 : i32
    %lt3A_20 = arith.constant 25 : i32
    %lt3A_21 = arith.cmpi slt, %add3A_19, %lt3A_20 : i32
    %convert_element_type3A_22 = arith.extui %lt3A_21 : i1 to i32
    %cond3A_23 = arith.constant 0 : i32
    %cond3A_24 = arith.cmpi ne, %convert_element_type3A_22, %cond3A_23 : i32
    scf.if %cond3A_24 {
      "tpu.region"() ({
        %run_scoped3A = tpu.sem_alloc : memref<!tpu.dma_semaphore, #tpu.memory_space<semaphore_mem>>
        %dma_start3A = arith.constant 0 : i32
        %dma_start3A_82 = tpu.memref_slice %arg11[%mul3A_17, %dma_start3A] : memref<10000x64xf32, #tpu.memory_space<vmem_shared>> -> memref<400x64xf32, #tpu.memory_space<vmem_shared>>
        %dma_start3A_83 = arith.constant 0 : i32
        %dma_start3A_84 = tpu.memref_slice %arg11[%mul3A_17, %dma_start3A_83] : memref<10000x64xf32, #tpu.memory_space<vmem_shared>> -> memref<400x64xf32, #tpu.memory_space<vmem_shared>>
        tpu.enqueue_dma source(%arg10 : memref<400x64xf32, #tpu.memory_space<vmem>>) target(%dma_start3A_84 : memref<400x64xf32, #tpu.memory_space<vmem_shared>>) target_semaphore(%run_scoped3A : memref<!tpu.dma_semaphore, #tpu.memory_space<semaphore_mem>>)
        %dma_wait3A = arith.constant 0 : i32
        %dma_wait3A_85 = tpu.memref_slice %arg11[%mul3A_17, %dma_wait3A] : memref<10000x64xf32, #tpu.memory_space<vmem_shared>> -> memref<400x64xf32, #tpu.memory_space<vmem_shared>>
        %dma_wait3A_86 = arith.constant 0 : i32
        %dma_wait3A_87 = tpu.memref_slice %arg11[%mul3A_17, %dma_wait3A_86] : memref<10000x64xf32, #tpu.memory_space<vmem_shared>> -> memref<400x64xf32, #tpu.memory_space<vmem_shared>>
        tpu.wait_dma2 semaphore(%run_scoped3A : memref<!tpu.dma_semaphore, #tpu.memory_space<semaphore_mem>>) src(%arg10 : memref<400x64xf32, #tpu.memory_space<vmem>>) dst(%dma_wait3A_87 : memref<400x64xf32, #tpu.memory_space<vmem_shared>>)
        tpu.yield
      }) : () -> ()
    } else {
    }
    %mul3A_25 = arith.constant 80 : i32
    %mul3A_26 = arith.muli %add3A, %mul3A_25 : i32
    "tpu.region"() ({
      %run_scoped3A = tpu.sem_alloc : memref<!tpu.dma_semaphore, #tpu.memory_space<semaphore_mem>>
      %dma_start3A = arith.constant 0 : i32
      %dma_start3A_82 = tpu.memref_slice %arg3[%mul3A_26, %dma_start3A] : memref<2560x125xi32, #tpu.memory_space<hbm>> -> memref<80x125xi32, #tpu.memory_space<hbm>>
      %dma_start3A_83 = arith.constant 0 : i32
      %dma_start3A_84 = tpu.memref_slice %arg3[%mul3A_26, %dma_start3A_83] : memref<2560x125xi32, #tpu.memory_space<hbm>> -> memref<80x125xi32, #tpu.memory_space<hbm>>
      tpu.enqueue_dma source(%dma_start3A_84 : memref<80x125xi32, #tpu.memory_space<hbm>>) target(%arg7 : memref<80x125xi32, #tpu.memory_space<vmem>>) target_semaphore(%run_scoped3A : memref<!tpu.dma_semaphore, #tpu.memory_space<semaphore_mem>>)
      %dma_wait3A = arith.constant 0 : i32
      %dma_wait3A_85 = tpu.memref_slice %arg3[%mul3A_26, %dma_wait3A] : memref<2560x125xi32, #tpu.memory_space<hbm>> -> memref<80x125xi32, #tpu.memory_space<hbm>>
      %dma_wait3A_86 = arith.constant 0 : i32
      %dma_wait3A_87 = tpu.memref_slice %arg3[%mul3A_26, %dma_wait3A_86] : memref<2560x125xi32, #tpu.memory_space<hbm>> -> memref<80x125xi32, #tpu.memory_space<hbm>>
      tpu.wait_dma2 semaphore(%run_scoped3A : memref<!tpu.dma_semaphore, #tpu.memory_space<semaphore_mem>>) src(%dma_wait3A_87 : memref<80x125xi32, #tpu.memory_space<hbm>>) dst(%arg7 : memref<80x125xi32, #tpu.memory_space<vmem>>)
      tpu.yield
    }) : () -> ()
    %mul3A_27 = arith.constant 80 : i32
    %mul3A_28 = arith.muli %add3A, %mul3A_27 : i32
    "tpu.region"() ({
      %run_scoped3A = tpu.sem_alloc : memref<!tpu.dma_semaphore, #tpu.memory_space<semaphore_mem>>
      %dma_start3A = arith.constant 0 : i32
      %dma_start3A_82 = tpu.memref_slice %arg4[%mul3A_28, %dma_start3A] : memref<2560x125xi32, #tpu.memory_space<hbm>> -> memref<80x125xi32, #tpu.memory_space<hbm>>
      %dma_start3A_83 = arith.constant 0 : i32
      %dma_start3A_84 = tpu.memref_slice %arg4[%mul3A_28, %dma_start3A_83] : memref<2560x125xi32, #tpu.memory_space<hbm>> -> memref<80x125xi32, #tpu.memory_space<hbm>>
      tpu.enqueue_dma source(%dma_start3A_84 : memref<80x125xi32, #tpu.memory_space<hbm>>) target(%arg8 : memref<80x125xi32, #tpu.memory_space<vmem>>) target_semaphore(%run_scoped3A : memref<!tpu.dma_semaphore, #tpu.memory_space<semaphore_mem>>)
      %dma_wait3A = arith.constant 0 : i32
      %dma_wait3A_85 = tpu.memref_slice %arg4[%mul3A_28, %dma_wait3A] : memref<2560x125xi32, #tpu.memory_space<hbm>> -> memref<80x125xi32, #tpu.memory_space<hbm>>
      %dma_wait3A_86 = arith.constant 0 : i32
      %dma_wait3A_87 = tpu.memref_slice %arg4[%mul3A_28, %dma_wait3A_86] : memref<2560x125xi32, #tpu.memory_space<hbm>> -> memref<80x125xi32, #tpu.memory_space<hbm>>
      tpu.wait_dma2 semaphore(%run_scoped3A : memref<!tpu.dma_semaphore, #tpu.memory_space<semaphore_mem>>) src(%dma_wait3A_87 : memref<80x125xi32, #tpu.memory_space<hbm>>) dst(%arg8 : memref<80x125xi32, #tpu.memory_space<vmem>>)
      tpu.yield
    }) : () -> ()
    %barrier3A = arith.constant 0 : index
    tpu.barrier barrier_id(%barrier3A)
    %scan3A_29 = arith.constant 0 : i32
    %scan3A_30 = arith.constant 0 : i32
    %scan3A_31 = arith.constant 80 : i32
    %scan3A_32 = arith.addi %scan3A_30, %scan3A_31 : i32
    %scan3A_33 = arith.constant 1 : i32
    scf.for %scan3A_82 = %scan3A_30 to %scan3A_32 step %scan3A_33  : i32 {
      %dma_start3A = arith.constant 0 : i32
      %dma_start3A_83 = tpu.memref_slice %arg7[%scan3A_82, %dma_start3A] : memref<80x125xi32, #tpu.memory_space<vmem>> -> memref<1x125xi32, #tpu.memory_space<vmem>>
      %dma_start3A_84 = tpu.memref_squeeze %dma_start3A_83 : memref<1x125xi32, #tpu.memory_space<vmem>> -> memref<125xi32, #tpu.memory_space<vmem>>
      %dma_start3A_85 = arith.constant 0 : i32
      %dma_start3A_86 = arith.constant 0 : i32
      %dma_start3A_87 = tpu.memref_slice %arg2[%dma_start3A_85, %dma_start3A_86] : memref<10000x64xf32, #tpu.memory_space<hbm>> -> memref<10000x64xf32, #tpu.memory_space<hbm>>
      tpu.enqueue_indirect_dma source(%dma_start3A_87 : memref<10000x64xf32, #tpu.memory_space<hbm>>) target(%arg9 : memref<125x64xf32, #tpu.memory_space<vmem>>) offsets(%dma_start3A_84 : memref<125xi32, #tpu.memory_space<vmem>>) semaphore(%arg12 : memref<!tpu.dma_semaphore, #tpu.memory_space<semaphore_mem>>)
      %dma_wait3A = arith.constant 0 : i32
      %dma_wait3A_88 = tpu.memref_slice %arg7[%scan3A_82, %dma_wait3A] : memref<80x125xi32, #tpu.memory_space<vmem>> -> memref<1x125xi32, #tpu.memory_space<vmem>>
      %dma_wait3A_89 = tpu.memref_squeeze %dma_wait3A_88 : memref<1x125xi32, #tpu.memory_space<vmem>> -> memref<125xi32, #tpu.memory_space<vmem>>
      %dma_wait3A_90 = arith.constant 0 : i32
      %dma_wait3A_91 = arith.constant 0 : i32
      %dma_wait3A_92 = tpu.memref_slice %arg2[%dma_wait3A_90, %dma_wait3A_91] : memref<10000x64xf32, #tpu.memory_space<hbm>> -> memref<10000x64xf32, #tpu.memory_space<hbm>>
      tpu.wait_indirect_dma semaphore(%arg12 : memref<!tpu.dma_semaphore, #tpu.memory_space<semaphore_mem>>) src(%dma_wait3A_92 : memref<10000x64xf32, #tpu.memory_space<hbm>>) dst(%arg9 : memref<125x64xf32, #tpu.memory_space<vmem>>)
      "tpu.region"() ({
        %run_scoped3A = tpu.sem_alloc : memref<!tpu.dma_semaphore, #tpu.memory_space<semaphore_mem>>
        %dma_start3A_93 = arith.constant 0 : i32
        %dma_start3A_94 = tpu.memref_slice %arg8[%scan3A_82, %dma_start3A_93] : memref<80x125xi32, #tpu.memory_space<vmem>> -> memref<1x125xi32, #tpu.memory_space<vmem>>
        %dma_start3A_95 = tpu.memref_squeeze %dma_start3A_94 : memref<1x125xi32, #tpu.memory_space<vmem>> -> memref<125xi32, #tpu.memory_space<vmem>>
        %dma_start3A_96 = arith.constant 0 : i32
        %dma_start3A_97 = arith.constant 0 : i32
        %dma_start3A_98 = tpu.memref_slice %arg11[%dma_start3A_96, %dma_start3A_97] : memref<10000x64xf32, #tpu.memory_space<vmem_shared>> -> memref<10000x64xf32, #tpu.memory_space<vmem_shared>>
        tpu.enqueue_indirect_dma source(%arg9 : memref<125x64xf32, #tpu.memory_space<vmem>>) target(%dma_start3A_98 : memref<10000x64xf32, #tpu.memory_space<vmem_shared>>) offsets(%dma_start3A_95 : memref<125xi32, #tpu.memory_space<vmem>>) semaphore(%run_scoped3A : memref<!tpu.dma_semaphore, #tpu.memory_space<semaphore_mem>>) {add = true}
        %dma_wait3A_99 = arith.constant 0 : i32
        %dma_wait3A_100 = tpu.memref_slice %arg8[%scan3A_82, %dma_wait3A_99] : memref<80x125xi32, #tpu.memory_space<vmem>> -> memref<1x125xi32, #tpu.memory_space<vmem>>
        %dma_wait3A_101 = tpu.memref_squeeze %dma_wait3A_100 : memref<1x125xi32, #tpu.memory_space<vmem>> -> memref<125xi32, #tpu.memory_space<vmem>>
        %dma_wait3A_102 = arith.constant 0 : i32
        %dma_wait3A_103 = arith.constant 0 : i32
        %dma_wait3A_104 = tpu.memref_slice %arg11[%dma_wait3A_102, %dma_wait3A_103] : memref<10000x64xf32, #tpu.memory_space<vmem_shared>> -> memref<10000x64xf32, #tpu.memory_space<vmem_shared>>
        tpu.wait_indirect_dma semaphore(%run_scoped3A : memref<!tpu.dma_semaphore, #tpu.memory_space<semaphore_mem>>) src(%arg9 : memref<125x64xf32, #tpu.memory_space<vmem>>) dst(%dma_wait3A_104 : memref<10000x64xf32, #tpu.memory_space<vmem_shared>>)
        tpu.yield
      }) : () -> ()
    }
    %scan3A_34 = arith.constant 80 : i32
    %barrier3A_35 = arith.constant 0 : index
    tpu.barrier barrier_id(%barrier3A_35)
    %add3A_36 = arith.constant 0 : i32
    %add3A_37 = arith.addi %add3A_36, %arg1 : i32
    %mul3A_38 = arith.constant 400 : i32
    %mul3A_39 = arith.muli %add3A_37, %mul3A_38 : i32
    %add3A_40 = arith.constant 0 : i32
    %add3A_41 = arith.addi %add3A_40, %arg1 : i32
    %lt3A_42 = arith.constant 25 : i32
    %lt3A_43 = arith.cmpi slt, %add3A_41, %lt3A_42 : i32
    %eq3A = arith.constant 0 : i32
    %eq3A_44 = arith.cmpi eq, %arg0, %eq3A : i32
    %and3A = arith.andi %lt3A_43, %eq3A_44 : i1
    %convert_element_type3A_45 = arith.extui %and3A : i1 to i32
    %cond3A_46 = arith.constant 0 : i32
    %cond3A_47 = arith.cmpi ne, %convert_element_type3A_45, %cond3A_46 : i32
    scf.if %cond3A_47 {
      "tpu.region"() ({
        %run_scoped3A = tpu.sem_alloc : memref<!tpu.dma_semaphore, #tpu.memory_space<semaphore_mem>>
        %dma_start3A = arith.constant 0 : i32
        %dma_start3A_82 = tpu.memref_slice %arg5[%mul3A_39, %dma_start3A] : memref<10000x64xf32, #tpu.memory_space<hbm>> -> memref<400x64xf32, #tpu.memory_space<hbm>>
        %dma_start3A_83 = arith.constant 0 : i32
        %dma_start3A_84 = tpu.memref_slice %arg11[%mul3A_39, %dma_start3A_83] : memref<10000x64xf32, #tpu.memory_space<vmem_shared>> -> memref<400x64xf32, #tpu.memory_space<vmem_shared>>
        tpu.enqueue_dma source(%dma_start3A_84 : memref<400x64xf32, #tpu.memory_space<vmem_shared>>) target(%dma_start3A_82 : memref<400x64xf32, #tpu.memory_space<hbm>>) target_semaphore(%run_scoped3A : memref<!tpu.dma_semaphore, #tpu.memory_space<semaphore_mem>>)
        %dma_wait3A = arith.constant 0 : i32
        %dma_wait3A_85 = tpu.memref_slice %arg5[%mul3A_39, %dma_wait3A] : memref<10000x64xf32, #tpu.memory_space<hbm>> -> memref<400x64xf32, #tpu.memory_space<hbm>>
        %dma_wait3A_86 = arith.constant 0 : i32
        %dma_wait3A_87 = tpu.memref_slice %arg11[%mul3A_39, %dma_wait3A_86] : memref<10000x64xf32, #tpu.memory_space<vmem_shared>> -> memref<400x64xf32, #tpu.memory_space<vmem_shared>>
        tpu.wait_dma2 semaphore(%run_scoped3A : memref<!tpu.dma_semaphore, #tpu.memory_space<semaphore_mem>>) src(%dma_wait3A_87 : memref<400x64xf32, #tpu.memory_space<vmem_shared>>) dst(%dma_wait3A_85 : memref<400x64xf32, #tpu.memory_space<hbm>>)
        tpu.yield
      }) : () -> ()
    } else {
    }
    %add3A_48 = arith.constant 0 : i32
    %add3A_49 = arith.addi %add3A_48, %arg1 : i32
    %lt3A_50 = arith.constant 25 : i32
    %lt3A_51 = arith.cmpi slt, %add3A_49, %lt3A_50 : i32
    %eq3A_52 = arith.constant 1 : i32
    %eq3A_53 = arith.cmpi eq, %arg0, %eq3A_52 : i32
    %and3A_54 = arith.andi %lt3A_51, %eq3A_53 : i1
    %convert_element_type3A_55 = arith.extui %and3A_54 : i1 to i32
    %cond3A_56 = arith.constant 0 : i32
    %cond3A_57 = arith.cmpi ne, %convert_element_type3A_55, %cond3A_56 : i32
    scf.if %cond3A_57 {
      "tpu.region"() ({
        %run_scoped3A = tpu.sem_alloc : memref<!tpu.dma_semaphore, #tpu.memory_space<semaphore_mem>>
        %dma_start3A = arith.constant 0 : i32
        %dma_start3A_82 = tpu.memref_slice %arg6[%mul3A_39, %dma_start3A] : memref<10000x64xf32, #tpu.memory_space<hbm>> -> memref<400x64xf32, #tpu.memory_space<hbm>>
        %dma_start3A_83 = arith.constant 0 : i32
        %dma_start3A_84 = tpu.memref_slice %arg11[%mul3A_39, %dma_start3A_83] : memref<10000x64xf32, #tpu.memory_space<vmem_shared>> -> memref<400x64xf32, #tpu.memory_space<vmem_shared>>
        tpu.enqueue_dma source(%dma_start3A_84 : memref<400x64xf32, #tpu.memory_space<vmem_shared>>) target(%dma_start3A_82 : memref<400x64xf32, #tpu.memory_space<hbm>>) target_semaphore(%run_scoped3A : memref<!tpu.dma_semaphore, #tpu.memory_space<semaphore_mem>>)
        %dma_wait3A = arith.constant 0 : i32
        %dma_wait3A_85 = tpu.memref_slice %arg6[%mul3A_39, %dma_wait3A] : memref<10000x64xf32, #tpu.memory_space<hbm>> -> memref<400x64xf32, #tpu.memory_space<hbm>>
        %dma_wait3A_86 = arith.constant 0 : i32
        %dma_wait3A_87 = tpu.memref_slice %arg11[%mul3A_39, %dma_wait3A_86] : memref<10000x64xf32, #tpu.memory_space<vmem_shared>> -> memref<400x64xf32, #tpu.memory_space<vmem_shared>>
        tpu.wait_dma2 semaphore(%run_scoped3A : memref<!tpu.dma_semaphore, #tpu.memory_space<semaphore_mem>>) src(%dma_wait3A_87 : memref<400x64xf32, #tpu.memory_space<vmem_shared>>) dst(%dma_wait3A_85 : memref<400x64xf32, #tpu.memory_space<hbm>>)
        tpu.yield
      }) : () -> ()
    } else {
    }
    %add3A_58 = arith.constant 16 : i32
    %add3A_59 = arith.addi %add3A_58, %arg1 : i32
    %mul3A_60 = arith.constant 400 : i32
    %mul3A_61 = arith.muli %add3A_59, %mul3A_60 : i32
    %add3A_62 = arith.constant 16 : i32
    %add3A_63 = arith.addi %add3A_62, %arg1 : i32
    %lt3A_64 = arith.constant 25 : i32
    %lt3A_65 = arith.cmpi slt, %add3A_63, %lt3A_64 : i32
    %eq3A_66 = arith.constant 0 : i32
    %eq3A_67 = arith.cmpi eq, %arg0, %eq3A_66 : i32
    %and3A_68 = arith.andi %lt3A_65, %eq3A_67 : i1
    %convert_element_type3A_69 = arith.extui %and3A_68 : i1 to i32
    %cond3A_70 = arith.constant 0 : i32
    %cond3A_71 = arith.cmpi ne, %convert_element_type3A_69, %cond3A_70 : i32
    scf.if %cond3A_71 {
      "tpu.region"() ({
        %run_scoped3A = tpu.sem_alloc : memref<!tpu.dma_semaphore, #tpu.memory_space<semaphore_mem>>
        %dma_start3A = arith.constant 0 : i32
        %dma_start3A_82 = tpu.memref_slice %arg5[%mul3A_61, %dma_start3A] : memref<10000x64xf32, #tpu.memory_space<hbm>> -> memref<400x64xf32, #tpu.memory_space<hbm>>
        %dma_start3A_83 = arith.constant 0 : i32
        %dma_start3A_84 = tpu.memref_slice %arg11[%mul3A_61, %dma_start3A_83] : memref<10000x64xf32, #tpu.memory_space<vmem_shared>> -> memref<400x64xf32, #tpu.memory_space<vmem_shared>>
        tpu.enqueue_dma source(%dma_start3A_84 : memref<400x64xf32, #tpu.memory_space<vmem_shared>>) target(%dma_start3A_82 : memref<400x64xf32, #tpu.memory_space<hbm>>) target_semaphore(%run_scoped3A : memref<!tpu.dma_semaphore, #tpu.memory_space<semaphore_mem>>)
        %dma_wait3A = arith.constant 0 : i32
        %dma_wait3A_85 = tpu.memref_slice %arg5[%mul3A_61, %dma_wait3A] : memref<10000x64xf32, #tpu.memory_space<hbm>> -> memref<400x64xf32, #tpu.memory_space<hbm>>
        %dma_wait3A_86 = arith.constant 0 : i32
        %dma_wait3A_87 = tpu.memref_slice %arg11[%mul3A_61, %dma_wait3A_86] : memref<10000x64xf32, #tpu.memory_space<vmem_shared>> -> memref<400x64xf32, #tpu.memory_space<vmem_shared>>
        tpu.wait_dma2 semaphore(%run_scoped3A : memref<!tpu.dma_semaphore, #tpu.memory_space<semaphore_mem>>) src(%dma_wait3A_87 : memref<400x64xf32, #tpu.memory_space<vmem_shared>>) dst(%dma_wait3A_85 : memref<400x64xf32, #tpu.memory_space<hbm>>)
        tpu.yield
      }) : () -> ()
    } else {
    }
    %add3A_72 = arith.constant 16 : i32
    %add3A_73 = arith.addi %add3A_72, %arg1 : i32
    %lt3A_74 = arith.constant 25 : i32
    %lt3A_75 = arith.cmpi slt, %add3A_73, %lt3A_74 : i32
    %eq3A_76 = arith.constant 1 : i32
    %eq3A_77 = arith.cmpi eq, %arg0, %eq3A_76 : i32
    %and3A_78 = arith.andi %lt3A_75, %eq3A_77 : i1
    %convert_element_type3A_79 = arith.extui %and3A_78 : i1 to i32
    %cond3A_80 = arith.constant 0 : i32
    %cond3A_81 = arith.cmpi ne, %convert_element_type3A_79, %cond3A_80 : i32
    scf.if %cond3A_81 {
      "tpu.region"() ({
        %run_scoped3A = tpu.sem_alloc : memref<!tpu.dma_semaphore, #tpu.memory_space<semaphore_mem>>
        %dma_start3A = arith.constant 0 : i32
        %dma_start3A_82 = tpu.memref_slice %arg6[%mul3A_61, %dma_start3A] : memref<10000x64xf32, #tpu.memory_space<hbm>> -> memref<400x64xf32, #tpu.memory_space<hbm>>
        %dma_start3A_83 = arith.constant 0 : i32
        %dma_start3A_84 = tpu.memref_slice %arg11[%mul3A_61, %dma_start3A_83] : memref<10000x64xf32, #tpu.memory_space<vmem_shared>> -> memref<400x64xf32, #tpu.memory_space<vmem_shared>>
        tpu.enqueue_dma source(%dma_start3A_84 : memref<400x64xf32, #tpu.memory_space<vmem_shared>>) target(%dma_start3A_82 : memref<400x64xf32, #tpu.memory_space<hbm>>) target_semaphore(%run_scoped3A : memref<!tpu.dma_semaphore, #tpu.memory_space<semaphore_mem>>)
        %dma_wait3A = arith.constant 0 : i32
        %dma_wait3A_85 = tpu.memref_slice %arg6[%mul3A_61, %dma_wait3A] : memref<10000x64xf32, #tpu.memory_space<hbm>> -> memref<400x64xf32, #tpu.memory_space<hbm>>
        %dma_wait3A_86 = arith.constant 0 : i32
        %dma_wait3A_87 = tpu.memref_slice %arg11[%mul3A_61, %dma_wait3A_86] : memref<10000x64xf32, #tpu.memory_space<vmem_shared>> -> memref<400x64xf32, #tpu.memory_space<vmem_shared>>
        tpu.wait_dma2 semaphore(%run_scoped3A : memref<!tpu.dma_semaphore, #tpu.memory_space<semaphore_mem>>) src(%dma_wait3A_87 : memref<400x64xf32, #tpu.memory_space<vmem_shared>>) dst(%dma_wait3A_85 : memref<400x64xf32, #tpu.memory_space<hbm>>)
        tpu.yield
      }) : () -> ()
    } else {
    }
    return
  }
}

#map = affine_map<(d0, d1) -> (0, 0)>
module attributes {stable_mosaic.version = 14 : i64} {
  func.func @seg(%arg0: i32, %arg1: i32, %arg2: memref<10000x48xf32, #tpu.memory_space<hbm>>, %arg3: memref<2560x125xi32, #tpu.memory_space<hbm>>, %arg4: memref<2560x125xi32, #tpu.memory_space<hbm>>, %arg5: memref<10000x48xf32, #tpu.memory_space<hbm>>, %arg6: memref<10000x48xf32, #tpu.memory_space<hbm>>, %arg7: memref<80x125xi32, #tpu.memory_space<vmem>>, %arg8: memref<80x125xi32, #tpu.memory_space<vmem>>, %arg9: memref<125x48xf32, #tpu.memory_space<vmem>>, %arg10: memref<400x48xf32, #tpu.memory_space<vmem>>, %arg11: memref<10000x48xf32, #tpu.memory_space<vmem_shared>>, %arg12: memref<!tpu.dma_semaphore, #tpu.memory_space<semaphore_mem>>) attributes {dimension_semantics = [#tpu.dimension_semantics<core_parallel>, #tpu.dimension_semantics<subcore_parallel>], iteration_bounds = array<i64: 2, 16>, scalar_prefetch = 0 : i64, scratch_operands = 6 : i64, tpu.core_type = #tpu.core_type<sc_vector_subcore>, window_params = [{transform_indices = #map}, {transform_indices = #map}, {transform_indices = #map}, {transform_indices = #map}, {transform_indices = #map}]} {
    %mul3A = arith.constant 16 : i32
    %mul3A_0 = arith.muli %arg0, %mul3A : i32
    %add3A = arith.addi %mul3A_0, %arg1 : i32
    %scan3A = arith.constant 0 : i32
    %scan3A_1 = arith.constant 0 : i32
    %scan3A_2 = arith.constant 1200 : i32
    %scan3A_3 = arith.addi %scan3A_1, %scan3A_2 : i32
    %scan3A_4 = arith.constant 1 : i32
    scf.for %scan3A_82 = %scan3A_1 to %scan3A_3 step %scan3A_4  : i32 {
      %jit3A = arith.constant 3 : i32
      %div3A = arith.divsi %scan3A_82, %jit3A : i32
      %sign3A = arith.constant 0 : i32
      %sign3A_83 = arith.cmpi sgt, %scan3A_82, %sign3A : i32
      %sign3A_84 = arith.extui %sign3A_83 : i1 to i32
      %sign3A_85 = arith.constant 0 : i32
      %sign3A_86 = arith.cmpi slt, %scan3A_82, %sign3A_85 : i32
      %sign3A_87 = arith.extui %sign3A_86 : i1 to i32
      %sign3A_88 = arith.subi %sign3A_84, %sign3A_87 : i32
      %sign3A_89 = arith.constant 0 : i32
      %sign3A_90 = arith.cmpi sgt, %jit3A, %sign3A_89 : i32
      %sign3A_91 = arith.extui %sign3A_90 : i1 to i32
      %sign3A_92 = arith.constant 0 : i32
      %sign3A_93 = arith.cmpi slt, %jit3A, %sign3A_92 : i32
      %sign3A_94 = arith.extui %sign3A_93 : i1 to i32
      %sign3A_95 = arith.subi %sign3A_91, %sign3A_94 : i32
      %ne3A = arith.cmpi ne, %sign3A_88, %sign3A_95 : i32
      %rem3A = arith.remsi %scan3A_82, %jit3A : i32
      %ne3A_96 = arith.constant 0 : i32
      %ne3A_97 = arith.cmpi ne, %rem3A, %ne3A_96 : i32
      %and3A_98 = arith.andi %ne3A, %ne3A_97 : i1
      %sub3A = arith.constant 1 : i32
      %sub3A_99 = arith.subi %div3A, %sub3A : i32
      %select_n3A = arith.select %and3A_98, %sub3A_99, %div3A : i32
      %jit3A_100 = arith.constant 3 : i32
      %eq3A_101 = arith.constant 0 : i32
      %eq3A_102 = arith.cmpi eq, %jit3A_100, %eq3A_101 : i32
      %jit3A_103 = arith.constant 1 : i32
      %select_n3A_104 = arith.select %eq3A_102, %jit3A_103, %jit3A_100 : i32
      %rem3A_105 = arith.remsi %scan3A_82, %select_n3A_104 : i32
      %ne3A_106 = arith.constant 0 : i32
      %ne3A_107 = arith.cmpi ne, %rem3A_105, %ne3A_106 : i32
      %lt3A_108 = arith.constant 0 : i32
      %lt3A_109 = arith.cmpi slt, %rem3A_105, %lt3A_108 : i32
      %lt3A_110 = arith.constant 0 : i32
      %lt3A_111 = arith.cmpi slt, %select_n3A_104, %lt3A_110 : i32
      %ne3A_112 = arith.xori %lt3A_109, %lt3A_111 : i1
      %and3A_113 = arith.andi %ne3A_112, %ne3A_107 : i1
      %add3A_114 = arith.addi %rem3A_105, %select_n3A_104 : i32
      %select_n3A_115 = arith.select %and3A_113, %add3A_114, %rem3A_105 : i32
      %broadcast_in_dim3A = arith.constant 0.000000e+00 : f32
      %broadcast_in_dim3A_116 = vector.broadcast %broadcast_in_dim3A : f32 to vector<16xf32>
      %mul3A_117 = arith.constant 16 : i32
      %mul3A_118 = arith.muli %select_n3A_115, %mul3A_117 : i32
      %swap3A = arith.index_cast %select_n3A : i32 to index
      %swap3A_119 = arith.index_cast %mul3A_118 : i32 to index
      %swap3A_120 = tpu.vector_load %arg10[%swap3A, %swap3A_119] {strides = array<i32>} : memref<400x48xf32, #tpu.memory_space<vmem>>, vector<1x16xf32>,
      %swap3A_121 = vector.shape_cast %swap3A_120 : vector<1x16xf32> to vector<16xf32>
      %swap3A_122 = vector.shape_cast %broadcast_in_dim3A_116 : vector<16xf32> to vector<1x16xf32>
      tpu.vector_store %arg10[%swap3A, %swap3A_119], %swap3A_122 {strides = array<i32>} : memref<400x48xf32, #tpu.memory_space<vmem>>, vector<1x16xf32>,
    }
    %scan3A_5 = arith.constant 1200 : i32
    %add3A_6 = arith.constant 0 : i32
    %add3A_7 = arith.addi %add3A_6, %arg1 : i32
    %mul3A_8 = arith.constant 400 : i32
    %mul3A_9 = arith.muli %add3A_7, %mul3A_8 : i32
    %add3A_10 = arith.constant 0 : i32
    %add3A_11 = arith.addi %add3A_10, %arg1 : i32
    %lt3A = arith.constant 25 : i32
    %lt3A_12 = arith.cmpi slt, %add3A_11, %lt3A : i32
    %convert_element_type3A = arith.extui %lt3A_12 : i1 to i32
    %cond3A = arith.constant 0 : i32
    %cond3A_13 = arith.cmpi ne, %convert_element_type3A, %cond3A : i32
    scf.if %cond3A_13 {
      "tpu.region"() ({
        %run_scoped3A = tpu.sem_alloc : memref<!tpu.dma_semaphore, #tpu.memory_space<semaphore_mem>>
        %dma_start3A = arith.constant 0 : i32
        %dma_start3A_82 = tpu.memref_slice %arg11[%mul3A_9, %dma_start3A] : memref<10000x48xf32, #tpu.memory_space<vmem_shared>> -> memref<400x48xf32, #tpu.memory_space<vmem_shared>>
        %dma_start3A_83 = arith.constant 0 : i32
        %dma_start3A_84 = tpu.memref_slice %arg11[%mul3A_9, %dma_start3A_83] : memref<10000x48xf32, #tpu.memory_space<vmem_shared>> -> memref<400x48xf32, #tpu.memory_space<vmem_shared>>
        tpu.enqueue_dma source(%arg10 : memref<400x48xf32, #tpu.memory_space<vmem>>) target(%dma_start3A_84 : memref<400x48xf32, #tpu.memory_space<vmem_shared>>) target_semaphore(%run_scoped3A : memref<!tpu.dma_semaphore, #tpu.memory_space<semaphore_mem>>)
        %dma_wait3A = arith.constant 0 : i32
        %dma_wait3A_85 = tpu.memref_slice %arg11[%mul3A_9, %dma_wait3A] : memref<10000x48xf32, #tpu.memory_space<vmem_shared>> -> memref<400x48xf32, #tpu.memory_space<vmem_shared>>
        %dma_wait3A_86 = arith.constant 0 : i32
        %dma_wait3A_87 = tpu.memref_slice %arg11[%mul3A_9, %dma_wait3A_86] : memref<10000x48xf32, #tpu.memory_space<vmem_shared>> -> memref<400x48xf32, #tpu.memory_space<vmem_shared>>
        tpu.wait_dma2 semaphore(%run_scoped3A : memref<!tpu.dma_semaphore, #tpu.memory_space<semaphore_mem>>) src(%arg10 : memref<400x48xf32, #tpu.memory_space<vmem>>) dst(%dma_wait3A_87 : memref<400x48xf32, #tpu.memory_space<vmem_shared>>)
        tpu.yield
      }) : () -> ()
    } else {
    }
    %add3A_14 = arith.constant 16 : i32
    %add3A_15 = arith.addi %add3A_14, %arg1 : i32
    %mul3A_16 = arith.constant 400 : i32
    %mul3A_17 = arith.muli %add3A_15, %mul3A_16 : i32
    %add3A_18 = arith.constant 16 : i32
    %add3A_19 = arith.addi %add3A_18, %arg1 : i32
    %lt3A_20 = arith.constant 25 : i32
    %lt3A_21 = arith.cmpi slt, %add3A_19, %lt3A_20 : i32
    %convert_element_type3A_22 = arith.extui %lt3A_21 : i1 to i32
    %cond3A_23 = arith.constant 0 : i32
    %cond3A_24 = arith.cmpi ne, %convert_element_type3A_22, %cond3A_23 : i32
    scf.if %cond3A_24 {
      "tpu.region"() ({
        %run_scoped3A = tpu.sem_alloc : memref<!tpu.dma_semaphore, #tpu.memory_space<semaphore_mem>>
        %dma_start3A = arith.constant 0 : i32
        %dma_start3A_82 = tpu.memref_slice %arg11[%mul3A_17, %dma_start3A] : memref<10000x48xf32, #tpu.memory_space<vmem_shared>> -> memref<400x48xf32, #tpu.memory_space<vmem_shared>>
        %dma_start3A_83 = arith.constant 0 : i32
        %dma_start3A_84 = tpu.memref_slice %arg11[%mul3A_17, %dma_start3A_83] : memref<10000x48xf32, #tpu.memory_space<vmem_shared>> -> memref<400x48xf32, #tpu.memory_space<vmem_shared>>
        tpu.enqueue_dma source(%arg10 : memref<400x48xf32, #tpu.memory_space<vmem>>) target(%dma_start3A_84 : memref<400x48xf32, #tpu.memory_space<vmem_shared>>) target_semaphore(%run_scoped3A : memref<!tpu.dma_semaphore, #tpu.memory_space<semaphore_mem>>)
        %dma_wait3A = arith.constant 0 : i32
        %dma_wait3A_85 = tpu.memref_slice %arg11[%mul3A_17, %dma_wait3A] : memref<10000x48xf32, #tpu.memory_space<vmem_shared>> -> memref<400x48xf32, #tpu.memory_space<vmem_shared>>
        %dma_wait3A_86 = arith.constant 0 : i32
        %dma_wait3A_87 = tpu.memref_slice %arg11[%mul3A_17, %dma_wait3A_86] : memref<10000x48xf32, #tpu.memory_space<vmem_shared>> -> memref<400x48xf32, #tpu.memory_space<vmem_shared>>
        tpu.wait_dma2 semaphore(%run_scoped3A : memref<!tpu.dma_semaphore, #tpu.memory_space<semaphore_mem>>) src(%arg10 : memref<400x48xf32, #tpu.memory_space<vmem>>) dst(%dma_wait3A_87 : memref<400x48xf32, #tpu.memory_space<vmem_shared>>)
        tpu.yield
      }) : () -> ()
    } else {
    }
    %mul3A_25 = arith.constant 80 : i32
    %mul3A_26 = arith.muli %add3A, %mul3A_25 : i32
    "tpu.region"() ({
      %run_scoped3A = tpu.sem_alloc : memref<!tpu.dma_semaphore, #tpu.memory_space<semaphore_mem>>
      %dma_start3A = arith.constant 0 : i32
      %dma_start3A_82 = tpu.memref_slice %arg3[%mul3A_26, %dma_start3A] : memref<2560x125xi32, #tpu.memory_space<hbm>> -> memref<80x125xi32, #tpu.memory_space<hbm>>
      %dma_start3A_83 = arith.constant 0 : i32
      %dma_start3A_84 = tpu.memref_slice %arg3[%mul3A_26, %dma_start3A_83] : memref<2560x125xi32, #tpu.memory_space<hbm>> -> memref<80x125xi32, #tpu.memory_space<hbm>>
      tpu.enqueue_dma source(%dma_start3A_84 : memref<80x125xi32, #tpu.memory_space<hbm>>) target(%arg7 : memref<80x125xi32, #tpu.memory_space<vmem>>) target_semaphore(%run_scoped3A : memref<!tpu.dma_semaphore, #tpu.memory_space<semaphore_mem>>)
      %dma_wait3A = arith.constant 0 : i32
      %dma_wait3A_85 = tpu.memref_slice %arg3[%mul3A_26, %dma_wait3A] : memref<2560x125xi32, #tpu.memory_space<hbm>> -> memref<80x125xi32, #tpu.memory_space<hbm>>
      %dma_wait3A_86 = arith.constant 0 : i32
      %dma_wait3A_87 = tpu.memref_slice %arg3[%mul3A_26, %dma_wait3A_86] : memref<2560x125xi32, #tpu.memory_space<hbm>> -> memref<80x125xi32, #tpu.memory_space<hbm>>
      tpu.wait_dma2 semaphore(%run_scoped3A : memref<!tpu.dma_semaphore, #tpu.memory_space<semaphore_mem>>) src(%dma_wait3A_87 : memref<80x125xi32, #tpu.memory_space<hbm>>) dst(%arg7 : memref<80x125xi32, #tpu.memory_space<vmem>>)
      tpu.yield
    }) : () -> ()
    %mul3A_27 = arith.constant 80 : i32
    %mul3A_28 = arith.muli %add3A, %mul3A_27 : i32
    "tpu.region"() ({
      %run_scoped3A = tpu.sem_alloc : memref<!tpu.dma_semaphore, #tpu.memory_space<semaphore_mem>>
      %dma_start3A = arith.constant 0 : i32
      %dma_start3A_82 = tpu.memref_slice %arg4[%mul3A_28, %dma_start3A] : memref<2560x125xi32, #tpu.memory_space<hbm>> -> memref<80x125xi32, #tpu.memory_space<hbm>>
      %dma_start3A_83 = arith.constant 0 : i32
      %dma_start3A_84 = tpu.memref_slice %arg4[%mul3A_28, %dma_start3A_83] : memref<2560x125xi32, #tpu.memory_space<hbm>> -> memref<80x125xi32, #tpu.memory_space<hbm>>
      tpu.enqueue_dma source(%dma_start3A_84 : memref<80x125xi32, #tpu.memory_space<hbm>>) target(%arg8 : memref<80x125xi32, #tpu.memory_space<vmem>>) target_semaphore(%run_scoped3A : memref<!tpu.dma_semaphore, #tpu.memory_space<semaphore_mem>>)
      %dma_wait3A = arith.constant 0 : i32
      %dma_wait3A_85 = tpu.memref_slice %arg4[%mul3A_28, %dma_wait3A] : memref<2560x125xi32, #tpu.memory_space<hbm>> -> memref<80x125xi32, #tpu.memory_space<hbm>>
      %dma_wait3A_86 = arith.constant 0 : i32
      %dma_wait3A_87 = tpu.memref_slice %arg4[%mul3A_28, %dma_wait3A_86] : memref<2560x125xi32, #tpu.memory_space<hbm>> -> memref<80x125xi32, #tpu.memory_space<hbm>>
      tpu.wait_dma2 semaphore(%run_scoped3A : memref<!tpu.dma_semaphore, #tpu.memory_space<semaphore_mem>>) src(%dma_wait3A_87 : memref<80x125xi32, #tpu.memory_space<hbm>>) dst(%arg8 : memref<80x125xi32, #tpu.memory_space<vmem>>)
      tpu.yield
    }) : () -> ()
    %barrier3A = arith.constant 0 : index
    tpu.barrier barrier_id(%barrier3A)
    %scan3A_29 = arith.constant 0 : i32
    %scan3A_30 = arith.constant 0 : i32
    %scan3A_31 = arith.constant 80 : i32
    %scan3A_32 = arith.addi %scan3A_30, %scan3A_31 : i32
    %scan3A_33 = arith.constant 1 : i32
    scf.for %scan3A_82 = %scan3A_30 to %scan3A_32 step %scan3A_33  : i32 {
      %dma_start3A = arith.constant 0 : i32
      %dma_start3A_83 = tpu.memref_slice %arg7[%scan3A_82, %dma_start3A] : memref<80x125xi32, #tpu.memory_space<vmem>> -> memref<1x125xi32, #tpu.memory_space<vmem>>
      %dma_start3A_84 = tpu.memref_squeeze %dma_start3A_83 : memref<1x125xi32, #tpu.memory_space<vmem>> -> memref<125xi32, #tpu.memory_space<vmem>>
      %dma_start3A_85 = arith.constant 0 : i32
      %dma_start3A_86 = arith.constant 0 : i32
      %dma_start3A_87 = tpu.memref_slice %arg2[%dma_start3A_85, %dma_start3A_86] : memref<10000x48xf32, #tpu.memory_space<hbm>> -> memref<10000x48xf32, #tpu.memory_space<hbm>>
      tpu.enqueue_indirect_dma source(%dma_start3A_87 : memref<10000x48xf32, #tpu.memory_space<hbm>>) target(%arg9 : memref<125x48xf32, #tpu.memory_space<vmem>>) offsets(%dma_start3A_84 : memref<125xi32, #tpu.memory_space<vmem>>) semaphore(%arg12 : memref<!tpu.dma_semaphore, #tpu.memory_space<semaphore_mem>>)
      %dma_wait3A = arith.constant 0 : i32
      %dma_wait3A_88 = tpu.memref_slice %arg7[%scan3A_82, %dma_wait3A] : memref<80x125xi32, #tpu.memory_space<vmem>> -> memref<1x125xi32, #tpu.memory_space<vmem>>
      %dma_wait3A_89 = tpu.memref_squeeze %dma_wait3A_88 : memref<1x125xi32, #tpu.memory_space<vmem>> -> memref<125xi32, #tpu.memory_space<vmem>>
      %dma_wait3A_90 = arith.constant 0 : i32
      %dma_wait3A_91 = arith.constant 0 : i32
      %dma_wait3A_92 = tpu.memref_slice %arg2[%dma_wait3A_90, %dma_wait3A_91] : memref<10000x48xf32, #tpu.memory_space<hbm>> -> memref<10000x48xf32, #tpu.memory_space<hbm>>
      tpu.wait_indirect_dma semaphore(%arg12 : memref<!tpu.dma_semaphore, #tpu.memory_space<semaphore_mem>>) src(%dma_wait3A_92 : memref<10000x48xf32, #tpu.memory_space<hbm>>) dst(%arg9 : memref<125x48xf32, #tpu.memory_space<vmem>>)
      "tpu.region"() ({
        %run_scoped3A = tpu.sem_alloc : memref<!tpu.dma_semaphore, #tpu.memory_space<semaphore_mem>>
        %dma_start3A_93 = arith.constant 0 : i32
        %dma_start3A_94 = tpu.memref_slice %arg8[%scan3A_82, %dma_start3A_93] : memref<80x125xi32, #tpu.memory_space<vmem>> -> memref<1x125xi32, #tpu.memory_space<vmem>>
        %dma_start3A_95 = tpu.memref_squeeze %dma_start3A_94 : memref<1x125xi32, #tpu.memory_space<vmem>> -> memref<125xi32, #tpu.memory_space<vmem>>
        %dma_start3A_96 = arith.constant 0 : i32
        %dma_start3A_97 = arith.constant 0 : i32
        %dma_start3A_98 = tpu.memref_slice %arg11[%dma_start3A_96, %dma_start3A_97] : memref<10000x48xf32, #tpu.memory_space<vmem_shared>> -> memref<10000x48xf32, #tpu.memory_space<vmem_shared>>
        tpu.enqueue_indirect_dma source(%arg9 : memref<125x48xf32, #tpu.memory_space<vmem>>) target(%dma_start3A_98 : memref<10000x48xf32, #tpu.memory_space<vmem_shared>>) offsets(%dma_start3A_95 : memref<125xi32, #tpu.memory_space<vmem>>) semaphore(%run_scoped3A : memref<!tpu.dma_semaphore, #tpu.memory_space<semaphore_mem>>) {add = true}
        %dma_wait3A_99 = arith.constant 0 : i32
        %dma_wait3A_100 = tpu.memref_slice %arg8[%scan3A_82, %dma_wait3A_99] : memref<80x125xi32, #tpu.memory_space<vmem>> -> memref<1x125xi32, #tpu.memory_space<vmem>>
        %dma_wait3A_101 = tpu.memref_squeeze %dma_wait3A_100 : memref<1x125xi32, #tpu.memory_space<vmem>> -> memref<125xi32, #tpu.memory_space<vmem>>
        %dma_wait3A_102 = arith.constant 0 : i32
        %dma_wait3A_103 = arith.constant 0 : i32
        %dma_wait3A_104 = tpu.memref_slice %arg11[%dma_wait3A_102, %dma_wait3A_103] : memref<10000x48xf32, #tpu.memory_space<vmem_shared>> -> memref<10000x48xf32, #tpu.memory_space<vmem_shared>>
        tpu.wait_indirect_dma semaphore(%run_scoped3A : memref<!tpu.dma_semaphore, #tpu.memory_space<semaphore_mem>>) src(%arg9 : memref<125x48xf32, #tpu.memory_space<vmem>>) dst(%dma_wait3A_104 : memref<10000x48xf32, #tpu.memory_space<vmem_shared>>)
        tpu.yield
      }) : () -> ()
    }
    %scan3A_34 = arith.constant 80 : i32
    %barrier3A_35 = arith.constant 0 : index
    tpu.barrier barrier_id(%barrier3A_35)
    %add3A_36 = arith.constant 0 : i32
    %add3A_37 = arith.addi %add3A_36, %arg1 : i32
    %mul3A_38 = arith.constant 400 : i32
    %mul3A_39 = arith.muli %add3A_37, %mul3A_38 : i32
    %add3A_40 = arith.constant 0 : i32
    %add3A_41 = arith.addi %add3A_40, %arg1 : i32
    %lt3A_42 = arith.constant 25 : i32
    %lt3A_43 = arith.cmpi slt, %add3A_41, %lt3A_42 : i32
    %eq3A = arith.constant 0 : i32
    %eq3A_44 = arith.cmpi eq, %arg0, %eq3A : i32
    %and3A = arith.andi %lt3A_43, %eq3A_44 : i1
    %convert_element_type3A_45 = arith.extui %and3A : i1 to i32
    %cond3A_46 = arith.constant 0 : i32
    %cond3A_47 = arith.cmpi ne, %convert_element_type3A_45, %cond3A_46 : i32
    scf.if %cond3A_47 {
      "tpu.region"() ({
        %run_scoped3A = tpu.sem_alloc : memref<!tpu.dma_semaphore, #tpu.memory_space<semaphore_mem>>
        %dma_start3A = arith.constant 0 : i32
        %dma_start3A_82 = tpu.memref_slice %arg5[%mul3A_39, %dma_start3A] : memref<10000x48xf32, #tpu.memory_space<hbm>> -> memref<400x48xf32, #tpu.memory_space<hbm>>
        %dma_start3A_83 = arith.constant 0 : i32
        %dma_start3A_84 = tpu.memref_slice %arg11[%mul3A_39, %dma_start3A_83] : memref<10000x48xf32, #tpu.memory_space<vmem_shared>> -> memref<400x48xf32, #tpu.memory_space<vmem_shared>>
        tpu.enqueue_dma source(%dma_start3A_84 : memref<400x48xf32, #tpu.memory_space<vmem_shared>>) target(%dma_start3A_82 : memref<400x48xf32, #tpu.memory_space<hbm>>) target_semaphore(%run_scoped3A : memref<!tpu.dma_semaphore, #tpu.memory_space<semaphore_mem>>)
        %dma_wait3A = arith.constant 0 : i32
        %dma_wait3A_85 = tpu.memref_slice %arg5[%mul3A_39, %dma_wait3A] : memref<10000x48xf32, #tpu.memory_space<hbm>> -> memref<400x48xf32, #tpu.memory_space<hbm>>
        %dma_wait3A_86 = arith.constant 0 : i32
        %dma_wait3A_87 = tpu.memref_slice %arg11[%mul3A_39, %dma_wait3A_86] : memref<10000x48xf32, #tpu.memory_space<vmem_shared>> -> memref<400x48xf32, #tpu.memory_space<vmem_shared>>
        tpu.wait_dma2 semaphore(%run_scoped3A : memref<!tpu.dma_semaphore, #tpu.memory_space<semaphore_mem>>) src(%dma_wait3A_87 : memref<400x48xf32, #tpu.memory_space<vmem_shared>>) dst(%dma_wait3A_85 : memref<400x48xf32, #tpu.memory_space<hbm>>)
        tpu.yield
      }) : () -> ()
    } else {
    }
    %add3A_48 = arith.constant 0 : i32
    %add3A_49 = arith.addi %add3A_48, %arg1 : i32
    %lt3A_50 = arith.constant 25 : i32
    %lt3A_51 = arith.cmpi slt, %add3A_49, %lt3A_50 : i32
    %eq3A_52 = arith.constant 1 : i32
    %eq3A_53 = arith.cmpi eq, %arg0, %eq3A_52 : i32
    %and3A_54 = arith.andi %lt3A_51, %eq3A_53 : i1
    %convert_element_type3A_55 = arith.extui %and3A_54 : i1 to i32
    %cond3A_56 = arith.constant 0 : i32
    %cond3A_57 = arith.cmpi ne, %convert_element_type3A_55, %cond3A_56 : i32
    scf.if %cond3A_57 {
      "tpu.region"() ({
        %run_scoped3A = tpu.sem_alloc : memref<!tpu.dma_semaphore, #tpu.memory_space<semaphore_mem>>
        %dma_start3A = arith.constant 0 : i32
        %dma_start3A_82 = tpu.memref_slice %arg6[%mul3A_39, %dma_start3A] : memref<10000x48xf32, #tpu.memory_space<hbm>> -> memref<400x48xf32, #tpu.memory_space<hbm>>
        %dma_start3A_83 = arith.constant 0 : i32
        %dma_start3A_84 = tpu.memref_slice %arg11[%mul3A_39, %dma_start3A_83] : memref<10000x48xf32, #tpu.memory_space<vmem_shared>> -> memref<400x48xf32, #tpu.memory_space<vmem_shared>>
        tpu.enqueue_dma source(%dma_start3A_84 : memref<400x48xf32, #tpu.memory_space<vmem_shared>>) target(%dma_start3A_82 : memref<400x48xf32, #tpu.memory_space<hbm>>) target_semaphore(%run_scoped3A : memref<!tpu.dma_semaphore, #tpu.memory_space<semaphore_mem>>)
        %dma_wait3A = arith.constant 0 : i32
        %dma_wait3A_85 = tpu.memref_slice %arg6[%mul3A_39, %dma_wait3A] : memref<10000x48xf32, #tpu.memory_space<hbm>> -> memref<400x48xf32, #tpu.memory_space<hbm>>
        %dma_wait3A_86 = arith.constant 0 : i32
        %dma_wait3A_87 = tpu.memref_slice %arg11[%mul3A_39, %dma_wait3A_86] : memref<10000x48xf32, #tpu.memory_space<vmem_shared>> -> memref<400x48xf32, #tpu.memory_space<vmem_shared>>
        tpu.wait_dma2 semaphore(%run_scoped3A : memref<!tpu.dma_semaphore, #tpu.memory_space<semaphore_mem>>) src(%dma_wait3A_87 : memref<400x48xf32, #tpu.memory_space<vmem_shared>>) dst(%dma_wait3A_85 : memref<400x48xf32, #tpu.memory_space<hbm>>)
        tpu.yield
      }) : () -> ()
    } else {
    }
    %add3A_58 = arith.constant 16 : i32
    %add3A_59 = arith.addi %add3A_58, %arg1 : i32
    %mul3A_60 = arith.constant 400 : i32
    %mul3A_61 = arith.muli %add3A_59, %mul3A_60 : i32
    %add3A_62 = arith.constant 16 : i32
    %add3A_63 = arith.addi %add3A_62, %arg1 : i32
    %lt3A_64 = arith.constant 25 : i32
    %lt3A_65 = arith.cmpi slt, %add3A_63, %lt3A_64 : i32
    %eq3A_66 = arith.constant 0 : i32
    %eq3A_67 = arith.cmpi eq, %arg0, %eq3A_66 : i32
    %and3A_68 = arith.andi %lt3A_65, %eq3A_67 : i1
    %convert_element_type3A_69 = arith.extui %and3A_68 : i1 to i32
    %cond3A_70 = arith.constant 0 : i32
    %cond3A_71 = arith.cmpi ne, %convert_element_type3A_69, %cond3A_70 : i32
    scf.if %cond3A_71 {
      "tpu.region"() ({
        %run_scoped3A = tpu.sem_alloc : memref<!tpu.dma_semaphore, #tpu.memory_space<semaphore_mem>>
        %dma_start3A = arith.constant 0 : i32
        %dma_start3A_82 = tpu.memref_slice %arg5[%mul3A_61, %dma_start3A] : memref<10000x48xf32, #tpu.memory_space<hbm>> -> memref<400x48xf32, #tpu.memory_space<hbm>>
        %dma_start3A_83 = arith.constant 0 : i32
        %dma_start3A_84 = tpu.memref_slice %arg11[%mul3A_61, %dma_start3A_83] : memref<10000x48xf32, #tpu.memory_space<vmem_shared>> -> memref<400x48xf32, #tpu.memory_space<vmem_shared>>
        tpu.enqueue_dma source(%dma_start3A_84 : memref<400x48xf32, #tpu.memory_space<vmem_shared>>) target(%dma_start3A_82 : memref<400x48xf32, #tpu.memory_space<hbm>>) target_semaphore(%run_scoped3A : memref<!tpu.dma_semaphore, #tpu.memory_space<semaphore_mem>>)
        %dma_wait3A = arith.constant 0 : i32
        %dma_wait3A_85 = tpu.memref_slice %arg5[%mul3A_61, %dma_wait3A] : memref<10000x48xf32, #tpu.memory_space<hbm>> -> memref<400x48xf32, #tpu.memory_space<hbm>>
        %dma_wait3A_86 = arith.constant 0 : i32
        %dma_wait3A_87 = tpu.memref_slice %arg11[%mul3A_61, %dma_wait3A_86] : memref<10000x48xf32, #tpu.memory_space<vmem_shared>> -> memref<400x48xf32, #tpu.memory_space<vmem_shared>>
        tpu.wait_dma2 semaphore(%run_scoped3A : memref<!tpu.dma_semaphore, #tpu.memory_space<semaphore_mem>>) src(%dma_wait3A_87 : memref<400x48xf32, #tpu.memory_space<vmem_shared>>) dst(%dma_wait3A_85 : memref<400x48xf32, #tpu.memory_space<hbm>>)
        tpu.yield
      }) : () -> ()
    } else {
    }
    %add3A_72 = arith.constant 16 : i32
    %add3A_73 = arith.addi %add3A_72, %arg1 : i32
    %lt3A_74 = arith.constant 25 : i32
    %lt3A_75 = arith.cmpi slt, %add3A_73, %lt3A_74 : i32
    %eq3A_76 = arith.constant 1 : i32
    %eq3A_77 = arith.cmpi eq, %arg0, %eq3A_76 : i32
    %and3A_78 = arith.andi %lt3A_75, %eq3A_77 : i1
    %convert_element_type3A_79 = arith.extui %and3A_78 : i1 to i32
    %cond3A_80 = arith.constant 0 : i32
    %cond3A_81 = arith.cmpi ne, %convert_element_type3A_79, %cond3A_80 : i32
    scf.if %cond3A_81 {
      "tpu.region"() ({
        %run_scoped3A = tpu.sem_alloc : memref<!tpu.dma_semaphore, #tpu.memory_space<semaphore_mem>>
        %dma_start3A = arith.constant 0 : i32
        %dma_start3A_82 = tpu.memref_slice %arg6[%mul3A_61, %dma_start3A] : memref<10000x48xf32, #tpu.memory_space<hbm>> -> memref<400x48xf32, #tpu.memory_space<hbm>>
        %dma_start3A_83 = arith.constant 0 : i32
        %dma_start3A_84 = tpu.memref_slice %arg11[%mul3A_61, %dma_start3A_83] : memref<10000x48xf32, #tpu.memory_space<vmem_shared>> -> memref<400x48xf32, #tpu.memory_space<vmem_shared>>
        tpu.enqueue_dma source(%dma_start3A_84 : memref<400x48xf32, #tpu.memory_space<vmem_shared>>) target(%dma_start3A_82 : memref<400x48xf32, #tpu.memory_space<hbm>>) target_semaphore(%run_scoped3A : memref<!tpu.dma_semaphore, #tpu.memory_space<semaphore_mem>>)
        %dma_wait3A = arith.constant 0 : i32
        %dma_wait3A_85 = tpu.memref_slice %arg6[%mul3A_61, %dma_wait3A] : memref<10000x48xf32, #tpu.memory_space<hbm>> -> memref<400x48xf32, #tpu.memory_space<hbm>>
        %dma_wait3A_86 = arith.constant 0 : i32
        %dma_wait3A_87 = tpu.memref_slice %arg11[%mul3A_61, %dma_wait3A_86] : memref<10000x48xf32, #tpu.memory_space<vmem_shared>> -> memref<400x48xf32, #tpu.memory_space<vmem_shared>>
        tpu.wait_dma2 semaphore(%run_scoped3A : memref<!tpu.dma_semaphore, #tpu.memory_space<semaphore_mem>>) src(%dma_wait3A_87 : memref<400x48xf32, #tpu.memory_space<vmem_shared>>) dst(%dma_wait3A_85 : memref<400x48xf32, #tpu.memory_space<hbm>>)
        tpu.yield
      }) : () -> ()
    } else {
    }
    return
  }
}

#map = affine_map<(d0, d1) -> (0, 0)>
#map1 = affine_map<(d0, d1) -> (0)>
module attributes {stable_mosaic.version = 14 : i64} {
  func.func @g(%arg0: i32, %arg1: i32, %arg2: memref<10000x64xf32, #tpu.memory_space<hbm>>, %arg3: memref<2048xi32, #tpu.memory_space<hbm>>, %arg4: memref<2048xi32, #tpu.memory_space<hbm>>, %arg5: memref<2048x64xf32, #tpu.memory_space<hbm>>, %arg6: memref<2048x64xf32, #tpu.memory_space<hbm>>, %arg7: memref<64xi32, #tpu.memory_space<vmem>>, %arg8: memref<64x64xf32, #tpu.memory_space<vmem>>, %arg9: memref<!tpu.dma_semaphore, #tpu.memory_space<semaphore_mem>>) attributes {dimension_semantics = [#tpu.dimension_semantics<core_parallel>, #tpu.dimension_semantics<subcore_parallel>], iteration_bounds = array<i64: 2, 16>, scalar_prefetch = 0 : i64, scratch_operands = 3 : i64, tpu.core_type = #tpu.core_type<sc_vector_subcore>, window_params = [{transform_indices = #map}, {transform_indices = #map1}, {transform_indices = #map1}, {transform_indices = #map}, {transform_indices = #map}]} {
    %mul3A = arith.constant 16 : i32
    %mul3A_0 = arith.muli %arg0, %mul3A : i32
    %add3A = arith.addi %mul3A_0, %arg1 : i32
    %mul3A_1 = arith.constant 64 : i32
    %mul3A_2 = arith.muli %add3A, %mul3A_1 : i32
    "tpu.region"() ({
      %run_scoped3A = tpu.sem_alloc : memref<!tpu.dma_semaphore, #tpu.memory_space<semaphore_mem>>
      %dma_start3A_13 = tpu.memref_slice %arg3[%mul3A_2] : memref<2048xi32, #tpu.memory_space<hbm>> -> memref<64xi32, #tpu.memory_space<hbm>>
      %dma_start3A_14 = tpu.memref_slice %arg3[%mul3A_2] : memref<2048xi32, #tpu.memory_space<hbm>> -> memref<64xi32, #tpu.memory_space<hbm>>
      tpu.enqueue_dma source(%dma_start3A_14 : memref<64xi32, #tpu.memory_space<hbm>>) target(%arg7 : memref<64xi32, #tpu.memory_space<vmem>>) target_semaphore(%run_scoped3A : memref<!tpu.dma_semaphore, #tpu.memory_space<semaphore_mem>>)
      %dma_wait3A_15 = tpu.memref_slice %arg3[%mul3A_2] : memref<2048xi32, #tpu.memory_space<hbm>> -> memref<64xi32, #tpu.memory_space<hbm>>
      %dma_wait3A_16 = tpu.memref_slice %arg3[%mul3A_2] : memref<2048xi32, #tpu.memory_space<hbm>> -> memref<64xi32, #tpu.memory_space<hbm>>
      tpu.wait_dma2 semaphore(%run_scoped3A : memref<!tpu.dma_semaphore, #tpu.memory_space<semaphore_mem>>) src(%dma_wait3A_16 : memref<64xi32, #tpu.memory_space<hbm>>) dst(%arg7 : memref<64xi32, #tpu.memory_space<vmem>>)
      tpu.yield
    }) : () -> ()
    %dma_start3A = arith.constant 0 : i32
    %dma_start3A_3 = arith.constant 0 : i32
    %dma_start3A_4 = tpu.memref_slice %arg2[%dma_start3A, %dma_start3A_3] : memref<10000x64xf32, #tpu.memory_space<hbm>> -> memref<10000x64xf32, #tpu.memory_space<hbm>>
    tpu.enqueue_indirect_dma source(%dma_start3A_4 : memref<10000x64xf32, #tpu.memory_space<hbm>>) target(%arg8 : memref<64x64xf32, #tpu.memory_space<vmem>>) offsets(%arg7 : memref<64xi32, #tpu.memory_space<vmem>>) semaphore(%arg9 : memref<!tpu.dma_semaphore, #tpu.memory_space<semaphore_mem>>)
    %dma_wait3A = arith.constant 0 : i32
    %dma_wait3A_5 = arith.constant 0 : i32
    %dma_wait3A_6 = tpu.memref_slice %arg2[%dma_wait3A, %dma_wait3A_5] : memref<10000x64xf32, #tpu.memory_space<hbm>> -> memref<10000x64xf32, #tpu.memory_space<hbm>>
    tpu.wait_indirect_dma semaphore(%arg9 : memref<!tpu.dma_semaphore, #tpu.memory_space<semaphore_mem>>) src(%dma_wait3A_6 : memref<10000x64xf32, #tpu.memory_space<hbm>>) dst(%arg8 : memref<64x64xf32, #tpu.memory_space<vmem>>)
    "tpu.region"() ({
      %run_scoped3A = tpu.sem_alloc : memref<!tpu.dma_semaphore, #tpu.memory_space<semaphore_mem>>
      %dma_start3A_13 = arith.constant 0 : i32
      %dma_start3A_14 = tpu.memref_slice %arg5[%mul3A_2, %dma_start3A_13] : memref<2048x64xf32, #tpu.memory_space<hbm>> -> memref<64x64xf32, #tpu.memory_space<hbm>>
      %dma_start3A_15 = arith.constant 0 : i32
      %dma_start3A_16 = tpu.memref_slice %arg5[%mul3A_2, %dma_start3A_15] : memref<2048x64xf32, #tpu.memory_space<hbm>> -> memref<64x64xf32, #tpu.memory_space<hbm>>
      tpu.enqueue_dma source(%arg8 : memref<64x64xf32, #tpu.memory_space<vmem>>) target(%dma_start3A_16 : memref<64x64xf32, #tpu.memory_space<hbm>>) target_semaphore(%run_scoped3A : memref<!tpu.dma_semaphore, #tpu.memory_space<semaphore_mem>>)
      %dma_wait3A_17 = arith.constant 0 : i32
      %dma_wait3A_18 = tpu.memref_slice %arg5[%mul3A_2, %dma_wait3A_17] : memref<2048x64xf32, #tpu.memory_space<hbm>> -> memref<64x64xf32, #tpu.memory_space<hbm>>
      %dma_wait3A_19 = arith.constant 0 : i32
      %dma_wait3A_20 = tpu.memref_slice %arg5[%mul3A_2, %dma_wait3A_19] : memref<2048x64xf32, #tpu.memory_space<hbm>> -> memref<64x64xf32, #tpu.memory_space<hbm>>
      tpu.wait_dma2 semaphore(%run_scoped3A : memref<!tpu.dma_semaphore, #tpu.memory_space<semaphore_mem>>) src(%arg8 : memref<64x64xf32, #tpu.memory_space<vmem>>) dst(%dma_wait3A_20 : memref<64x64xf32, #tpu.memory_space<hbm>>)
      tpu.yield
    }) : () -> ()
    "tpu.region"() ({
      %run_scoped3A = tpu.sem_alloc : memref<!tpu.dma_semaphore, #tpu.memory_space<semaphore_mem>>
      %dma_start3A_13 = tpu.memref_slice %arg4[%mul3A_2] : memref<2048xi32, #tpu.memory_space<hbm>> -> memref<64xi32, #tpu.memory_space<hbm>>
      %dma_start3A_14 = tpu.memref_slice %arg4[%mul3A_2] : memref<2048xi32, #tpu.memory_space<hbm>> -> memref<64xi32, #tpu.memory_space<hbm>>
      tpu.enqueue_dma source(%dma_start3A_14 : memref<64xi32, #tpu.memory_space<hbm>>) target(%arg7 : memref<64xi32, #tpu.memory_space<vmem>>) target_semaphore(%run_scoped3A : memref<!tpu.dma_semaphore, #tpu.memory_space<semaphore_mem>>)
      %dma_wait3A_15 = tpu.memref_slice %arg4[%mul3A_2] : memref<2048xi32, #tpu.memory_space<hbm>> -> memref<64xi32, #tpu.memory_space<hbm>>
      %dma_wait3A_16 = tpu.memref_slice %arg4[%mul3A_2] : memref<2048xi32, #tpu.memory_space<hbm>> -> memref<64xi32, #tpu.memory_space<hbm>>
      tpu.wait_dma2 semaphore(%run_scoped3A : memref<!tpu.dma_semaphore, #tpu.memory_space<semaphore_mem>>) src(%dma_wait3A_16 : memref<64xi32, #tpu.memory_space<hbm>>) dst(%arg7 : memref<64xi32, #tpu.memory_space<vmem>>)
      tpu.yield
    }) : () -> ()
    %dma_start3A_7 = arith.constant 0 : i32
    %dma_start3A_8 = arith.constant 0 : i32
    %dma_start3A_9 = tpu.memref_slice %arg2[%dma_start3A_7, %dma_start3A_8] : memref<10000x64xf32, #tpu.memory_space<hbm>> -> memref<10000x64xf32, #tpu.memory_space<hbm>>
    tpu.enqueue_indirect_dma source(%dma_start3A_9 : memref<10000x64xf32, #tpu.memory_space<hbm>>) target(%arg8 : memref<64x64xf32, #tpu.memory_space<vmem>>) offsets(%arg7 : memref<64xi32, #tpu.memory_space<vmem>>) semaphore(%arg9 : memref<!tpu.dma_semaphore, #tpu.memory_space<semaphore_mem>>)
    %dma_wait3A_10 = arith.constant 0 : i32
    %dma_wait3A_11 = arith.constant 0 : i32
    %dma_wait3A_12 = tpu.memref_slice %arg2[%dma_wait3A_10, %dma_wait3A_11] : memref<10000x64xf32, #tpu.memory_space<hbm>> -> memref<10000x64xf32, #tpu.memory_space<hbm>>
    tpu.wait_indirect_dma semaphore(%arg9 : memref<!tpu.dma_semaphore, #tpu.memory_space<semaphore_mem>>) src(%dma_wait3A_12 : memref<10000x64xf32, #tpu.memory_space<hbm>>) dst(%arg8 : memref<64x64xf32, #tpu.memory_space<vmem>>)
    "tpu.region"() ({
      %run_scoped3A = tpu.sem_alloc : memref<!tpu.dma_semaphore, #tpu.memory_space<semaphore_mem>>
      %dma_start3A_13 = arith.constant 0 : i32
      %dma_start3A_14 = tpu.memref_slice %arg6[%mul3A_2, %dma_start3A_13] : memref<2048x64xf32, #tpu.memory_space<hbm>> -> memref<64x64xf32, #tpu.memory_space<hbm>>
      %dma_start3A_15 = arith.constant 0 : i32
      %dma_start3A_16 = tpu.memref_slice %arg6[%mul3A_2, %dma_start3A_15] : memref<2048x64xf32, #tpu.memory_space<hbm>> -> memref<64x64xf32, #tpu.memory_space<hbm>>
      tpu.enqueue_dma source(%arg8 : memref<64x64xf32, #tpu.memory_space<vmem>>) target(%dma_start3A_16 : memref<64x64xf32, #tpu.memory_space<hbm>>) target_semaphore(%run_scoped3A : memref<!tpu.dma_semaphore, #tpu.memory_space<semaphore_mem>>)
      %dma_wait3A_17 = arith.constant 0 : i32
      %dma_wait3A_18 = tpu.memref_slice %arg6[%mul3A_2, %dma_wait3A_17] : memref<2048x64xf32, #tpu.memory_space<hbm>> -> memref<64x64xf32, #tpu.memory_space<hbm>>
      %dma_wait3A_19 = arith.constant 0 : i32
      %dma_wait3A_20 = tpu.memref_slice %arg6[%mul3A_2, %dma_wait3A_19] : memref<2048x64xf32, #tpu.memory_space<hbm>> -> memref<64x64xf32, #tpu.memory_space<hbm>>
      tpu.wait_dma2 semaphore(%run_scoped3A : memref<!tpu.dma_semaphore, #tpu.memory_space<semaphore_mem>>) src(%arg8 : memref<64x64xf32, #tpu.memory_space<vmem>>) dst(%dma_wait3A_20 : memref<64x64xf32, #tpu.memory_space<hbm>>)
      tpu.yield
    }) : () -> ()
    return
  }
}

#map = affine_map<(d0, d1) -> (0, 0)>
module attributes {stable_mosaic.version = 14 : i64} {
  func.func @seg(%arg0: i32, %arg1: i32, %arg2: memref<10000x64xf32, #tpu.memory_space<hbm>>, %arg3: memref<2560x125xi32, #tpu.memory_space<hbm>>, %arg4: memref<2560x125xi32, #tpu.memory_space<hbm>>, %arg5: memref<10000x64xf32, #tpu.memory_space<hbm>>, %arg6: memref<10000x64xf32, #tpu.memory_space<hbm>>, %arg7: memref<80x125xi32, #tpu.memory_space<vmem>>, %arg8: memref<80x125xi32, #tpu.memory_space<vmem>>, %arg9: memref<125x64xf32, #tpu.memory_space<vmem>>, %arg10: memref<400x64xf32, #tpu.memory_space<vmem>>, %arg11: memref<10000x64xf32, #tpu.memory_space<vmem_shared>>, %arg12: memref<!tpu.dma_semaphore, #tpu.memory_space<semaphore_mem>>) attributes {dimension_semantics = [#tpu.dimension_semantics<core_parallel>, #tpu.dimension_semantics<subcore_parallel>], iteration_bounds = array<i64: 2, 16>, scalar_prefetch = 0 : i64, scratch_operands = 6 : i64, tpu.core_type = #tpu.core_type<sc_vector_subcore>, window_params = [{transform_indices = #map}, {transform_indices = #map}, {transform_indices = #map}, {transform_indices = #map}, {transform_indices = #map}]} {
    %mul3A = arith.constant 16 : i32
    %mul3A_0 = arith.muli %arg0, %mul3A : i32
    %add3A = arith.addi %mul3A_0, %arg1 : i32
    %scan3A = arith.constant 0 : i32
    %scan3A_1 = arith.constant 0 : i32
    %scan3A_2 = arith.constant 1600 : i32
    %scan3A_3 = arith.addi %scan3A_1, %scan3A_2 : i32
    %scan3A_4 = arith.constant 1 : i32
    scf.for %scan3A_82 = %scan3A_1 to %scan3A_3 step %scan3A_4  : i32 {
      %jit3A = arith.constant 4 : i32
      %div3A = arith.divsi %scan3A_82, %jit3A : i32
      %sign3A = arith.constant 0 : i32
      %sign3A_83 = arith.cmpi sgt, %scan3A_82, %sign3A : i32
      %sign3A_84 = arith.extui %sign3A_83 : i1 to i32
      %sign3A_85 = arith.constant 0 : i32
      %sign3A_86 = arith.cmpi slt, %scan3A_82, %sign3A_85 : i32
      %sign3A_87 = arith.extui %sign3A_86 : i1 to i32
      %sign3A_88 = arith.subi %sign3A_84, %sign3A_87 : i32
      %sign3A_89 = arith.constant 0 : i32
      %sign3A_90 = arith.cmpi sgt, %jit3A, %sign3A_89 : i32
      %sign3A_91 = arith.extui %sign3A_90 : i1 to i32
      %sign3A_92 = arith.constant 0 : i32
      %sign3A_93 = arith.cmpi slt, %jit3A, %sign3A_92 : i32
      %sign3A_94 = arith.extui %sign3A_93 : i1 to i32
      %sign3A_95 = arith.subi %sign3A_91, %sign3A_94 : i32
      %ne3A = arith.cmpi ne, %sign3A_88, %sign3A_95 : i32
      %rem3A = arith.remsi %scan3A_82, %jit3A : i32
      %ne3A_96 = arith.constant 0 : i32
      %ne3A_97 = arith.cmpi ne, %rem3A, %ne3A_96 : i32
      %and3A_98 = arith.andi %ne3A, %ne3A_97 : i1
      %sub3A = arith.constant 1 : i32
      %sub3A_99 = arith.subi %div3A, %sub3A : i32
      %select_n3A = arith.select %and3A_98, %sub3A_99, %div3A : i32
      %jit3A_100 = arith.constant 4 : i32
      %eq3A_101 = arith.constant 0 : i32
      %eq3A_102 = arith.cmpi eq, %jit3A_100, %eq3A_101 : i32
      %jit3A_103 = arith.constant 1 : i32
      %select_n3A_104 = arith.select %eq3A_102, %jit3A_103, %jit3A_100 : i32
      %rem3A_105 = arith.remsi %scan3A_82, %select_n3A_104 : i32
      %ne3A_106 = arith.constant 0 : i32
      %ne3A_107 = arith.cmpi ne, %rem3A_105, %ne3A_106 : i32
      %lt3A_108 = arith.constant 0 : i32
      %lt3A_109 = arith.cmpi slt, %rem3A_105, %lt3A_108 : i32
      %lt3A_110 = arith.constant 0 : i32
      %lt3A_111 = arith.cmpi slt, %select_n3A_104, %lt3A_110 : i32
      %ne3A_112 = arith.xori %lt3A_109, %lt3A_111 : i1
      %and3A_113 = arith.andi %ne3A_112, %ne3A_107 : i1
      %add3A_114 = arith.addi %rem3A_105, %select_n3A_104 : i32
      %select_n3A_115 = arith.select %and3A_113, %add3A_114, %rem3A_105 : i32
      %broadcast_in_dim3A = arith.constant 0.000000e+00 : f32
      %broadcast_in_dim3A_116 = vector.broadcast %broadcast_in_dim3A : f32 to vector<16xf32>
      %mul3A_117 = arith.constant 16 : i32
      %mul3A_118 = arith.muli %select_n3A_115, %mul3A_117 : i32
      %swap3A = arith.index_cast %select_n3A : i32 to index
      %swap3A_119 = arith.index_cast %mul3A_118 : i32 to index
      %swap3A_120 = tpu.vector_load %arg10[%swap3A, %swap3A_119] {strides = array<i32>} : memref<400x64xf32, #tpu.memory_space<vmem>>, vector<1x16xf32>,
      %swap3A_121 = vector.shape_cast %swap3A_120 : vector<1x16xf32> to vector<16xf32>
      %swap3A_122 = vector.shape_cast %broadcast_in_dim3A_116 : vector<16xf32> to vector<1x16xf32>
      tpu.vector_store %arg10[%swap3A, %swap3A_119], %swap3A_122 {strides = array<i32>} : memref<400x64xf32, #tpu.memory_space<vmem>>, vector<1x16xf32>,
    }
    %scan3A_5 = arith.constant 1600 : i32
    %add3A_6 = arith.constant 0 : i32
    %add3A_7 = arith.addi %add3A_6, %arg1 : i32
    %mul3A_8 = arith.constant 400 : i32
    %mul3A_9 = arith.muli %add3A_7, %mul3A_8 : i32
    %add3A_10 = arith.constant 0 : i32
    %add3A_11 = arith.addi %add3A_10, %arg1 : i32
    %lt3A = arith.constant 25 : i32
    %lt3A_12 = arith.cmpi slt, %add3A_11, %lt3A : i32
    %convert_element_type3A = arith.extui %lt3A_12 : i1 to i32
    %cond3A = arith.constant 0 : i32
    %cond3A_13 = arith.cmpi ne, %convert_element_type3A, %cond3A : i32
    scf.if %cond3A_13 {
      "tpu.region"() ({
        %run_scoped3A = tpu.sem_alloc : memref<!tpu.dma_semaphore, #tpu.memory_space<semaphore_mem>>
        %dma_start3A = arith.constant 0 : i32
        %dma_start3A_82 = tpu.memref_slice %arg11[%mul3A_9, %dma_start3A] : memref<10000x64xf32, #tpu.memory_space<vmem_shared>> -> memref<400x64xf32, #tpu.memory_space<vmem_shared>>
        %dma_start3A_83 = arith.constant 0 : i32
        %dma_start3A_84 = tpu.memref_slice %arg11[%mul3A_9, %dma_start3A_83] : memref<10000x64xf32, #tpu.memory_space<vmem_shared>> -> memref<400x64xf32, #tpu.memory_space<vmem_shared>>
        tpu.enqueue_dma source(%arg10 : memref<400x64xf32, #tpu.memory_space<vmem>>) target(%dma_start3A_84 : memref<400x64xf32, #tpu.memory_space<vmem_shared>>) target_semaphore(%run_scoped3A : memref<!tpu.dma_semaphore, #tpu.memory_space<semaphore_mem>>)
        %dma_wait3A = arith.constant 0 : i32
        %dma_wait3A_85 = tpu.memref_slice %arg11[%mul3A_9, %dma_wait3A] : memref<10000x64xf32, #tpu.memory_space<vmem_shared>> -> memref<400x64xf32, #tpu.memory_space<vmem_shared>>
        %dma_wait3A_86 = arith.constant 0 : i32
        %dma_wait3A_87 = tpu.memref_slice %arg11[%mul3A_9, %dma_wait3A_86] : memref<10000x64xf32, #tpu.memory_space<vmem_shared>> -> memref<400x64xf32, #tpu.memory_space<vmem_shared>>
        tpu.wait_dma2 semaphore(%run_scoped3A : memref<!tpu.dma_semaphore, #tpu.memory_space<semaphore_mem>>) src(%arg10 : memref<400x64xf32, #tpu.memory_space<vmem>>) dst(%dma_wait3A_87 : memref<400x64xf32, #tpu.memory_space<vmem_shared>>)
        tpu.yield
      }) : () -> ()
    } else {
    }
    %add3A_14 = arith.constant 16 : i32
    %add3A_15 = arith.addi %add3A_14, %arg1 : i32
    %mul3A_16 = arith.constant 400 : i32
    %mul3A_17 = arith.muli %add3A_15, %mul3A_16 : i32
    %add3A_18 = arith.constant 16 : i32
    %add3A_19 = arith.addi %add3A_18, %arg1 : i32
    %lt3A_20 = arith.constant 25 : i32
    %lt3A_21 = arith.cmpi slt, %add3A_19, %lt3A_20 : i32
    %convert_element_type3A_22 = arith.extui %lt3A_21 : i1 to i32
    %cond3A_23 = arith.constant 0 : i32
    %cond3A_24 = arith.cmpi ne, %convert_element_type3A_22, %cond3A_23 : i32
    scf.if %cond3A_24 {
      "tpu.region"() ({
        %run_scoped3A = tpu.sem_alloc : memref<!tpu.dma_semaphore, #tpu.memory_space<semaphore_mem>>
        %dma_start3A = arith.constant 0 : i32
        %dma_start3A_82 = tpu.memref_slice %arg11[%mul3A_17, %dma_start3A] : memref<10000x64xf32, #tpu.memory_space<vmem_shared>> -> memref<400x64xf32, #tpu.memory_space<vmem_shared>>
        %dma_start3A_83 = arith.constant 0 : i32
        %dma_start3A_84 = tpu.memref_slice %arg11[%mul3A_17, %dma_start3A_83] : memref<10000x64xf32, #tpu.memory_space<vmem_shared>> -> memref<400x64xf32, #tpu.memory_space<vmem_shared>>
        tpu.enqueue_dma source(%arg10 : memref<400x64xf32, #tpu.memory_space<vmem>>) target(%dma_start3A_84 : memref<400x64xf32, #tpu.memory_space<vmem_shared>>) target_semaphore(%run_scoped3A : memref<!tpu.dma_semaphore, #tpu.memory_space<semaphore_mem>>)
        %dma_wait3A = arith.constant 0 : i32
        %dma_wait3A_85 = tpu.memref_slice %arg11[%mul3A_17, %dma_wait3A] : memref<10000x64xf32, #tpu.memory_space<vmem_shared>> -> memref<400x64xf32, #tpu.memory_space<vmem_shared>>
        %dma_wait3A_86 = arith.constant 0 : i32
        %dma_wait3A_87 = tpu.memref_slice %arg11[%mul3A_17, %dma_wait3A_86] : memref<10000x64xf32, #tpu.memory_space<vmem_shared>> -> memref<400x64xf32, #tpu.memory_space<vmem_shared>>
        tpu.wait_dma2 semaphore(%run_scoped3A : memref<!tpu.dma_semaphore, #tpu.memory_space<semaphore_mem>>) src(%arg10 : memref<400x64xf32, #tpu.memory_space<vmem>>) dst(%dma_wait3A_87 : memref<400x64xf32, #tpu.memory_space<vmem_shared>>)
        tpu.yield
      }) : () -> ()
    } else {
    }
    %mul3A_25 = arith.constant 80 : i32
    %mul3A_26 = arith.muli %add3A, %mul3A_25 : i32
    "tpu.region"() ({
      %run_scoped3A = tpu.sem_alloc : memref<!tpu.dma_semaphore, #tpu.memory_space<semaphore_mem>>
      %dma_start3A = arith.constant 0 : i32
      %dma_start3A_82 = tpu.memref_slice %arg3[%mul3A_26, %dma_start3A] : memref<2560x125xi32, #tpu.memory_space<hbm>> -> memref<80x125xi32, #tpu.memory_space<hbm>>
      %dma_start3A_83 = arith.constant 0 : i32
      %dma_start3A_84 = tpu.memref_slice %arg3[%mul3A_26, %dma_start3A_83] : memref<2560x125xi32, #tpu.memory_space<hbm>> -> memref<80x125xi32, #tpu.memory_space<hbm>>
      tpu.enqueue_dma source(%dma_start3A_84 : memref<80x125xi32, #tpu.memory_space<hbm>>) target(%arg7 : memref<80x125xi32, #tpu.memory_space<vmem>>) target_semaphore(%run_scoped3A : memref<!tpu.dma_semaphore, #tpu.memory_space<semaphore_mem>>)
      %dma_wait3A = arith.constant 0 : i32
      %dma_wait3A_85 = tpu.memref_slice %arg3[%mul3A_26, %dma_wait3A] : memref<2560x125xi32, #tpu.memory_space<hbm>> -> memref<80x125xi32, #tpu.memory_space<hbm>>
      %dma_wait3A_86 = arith.constant 0 : i32
      %dma_wait3A_87 = tpu.memref_slice %arg3[%mul3A_26, %dma_wait3A_86] : memref<2560x125xi32, #tpu.memory_space<hbm>> -> memref<80x125xi32, #tpu.memory_space<hbm>>
      tpu.wait_dma2 semaphore(%run_scoped3A : memref<!tpu.dma_semaphore, #tpu.memory_space<semaphore_mem>>) src(%dma_wait3A_87 : memref<80x125xi32, #tpu.memory_space<hbm>>) dst(%arg7 : memref<80x125xi32, #tpu.memory_space<vmem>>)
      tpu.yield
    }) : () -> ()
    %mul3A_27 = arith.constant 80 : i32
    %mul3A_28 = arith.muli %add3A, %mul3A_27 : i32
    "tpu.region"() ({
      %run_scoped3A = tpu.sem_alloc : memref<!tpu.dma_semaphore, #tpu.memory_space<semaphore_mem>>
      %dma_start3A = arith.constant 0 : i32
      %dma_start3A_82 = tpu.memref_slice %arg4[%mul3A_28, %dma_start3A] : memref<2560x125xi32, #tpu.memory_space<hbm>> -> memref<80x125xi32, #tpu.memory_space<hbm>>
      %dma_start3A_83 = arith.constant 0 : i32
      %dma_start3A_84 = tpu.memref_slice %arg4[%mul3A_28, %dma_start3A_83] : memref<2560x125xi32, #tpu.memory_space<hbm>> -> memref<80x125xi32, #tpu.memory_space<hbm>>
      tpu.enqueue_dma source(%dma_start3A_84 : memref<80x125xi32, #tpu.memory_space<hbm>>) target(%arg8 : memref<80x125xi32, #tpu.memory_space<vmem>>) target_semaphore(%run_scoped3A : memref<!tpu.dma_semaphore, #tpu.memory_space<semaphore_mem>>)
      %dma_wait3A = arith.constant 0 : i32
      %dma_wait3A_85 = tpu.memref_slice %arg4[%mul3A_28, %dma_wait3A] : memref<2560x125xi32, #tpu.memory_space<hbm>> -> memref<80x125xi32, #tpu.memory_space<hbm>>
      %dma_wait3A_86 = arith.constant 0 : i32
      %dma_wait3A_87 = tpu.memref_slice %arg4[%mul3A_28, %dma_wait3A_86] : memref<2560x125xi32, #tpu.memory_space<hbm>> -> memref<80x125xi32, #tpu.memory_space<hbm>>
      tpu.wait_dma2 semaphore(%run_scoped3A : memref<!tpu.dma_semaphore, #tpu.memory_space<semaphore_mem>>) src(%dma_wait3A_87 : memref<80x125xi32, #tpu.memory_space<hbm>>) dst(%arg8 : memref<80x125xi32, #tpu.memory_space<vmem>>)
      tpu.yield
    }) : () -> ()
    %barrier3A = arith.constant 0 : index
    tpu.barrier barrier_id(%barrier3A)
    %scan3A_29 = arith.constant 0 : i32
    %scan3A_30 = arith.constant 0 : i32
    %scan3A_31 = arith.constant 80 : i32
    %scan3A_32 = arith.addi %scan3A_30, %scan3A_31 : i32
    %scan3A_33 = arith.constant 1 : i32
    scf.for %scan3A_82 = %scan3A_30 to %scan3A_32 step %scan3A_33  : i32 {
      %dma_start3A = arith.constant 0 : i32
      %dma_start3A_83 = tpu.memref_slice %arg7[%scan3A_82, %dma_start3A] : memref<80x125xi32, #tpu.memory_space<vmem>> -> memref<1x125xi32, #tpu.memory_space<vmem>>
      %dma_start3A_84 = tpu.memref_squeeze %dma_start3A_83 : memref<1x125xi32, #tpu.memory_space<vmem>> -> memref<125xi32, #tpu.memory_space<vmem>>
      %dma_start3A_85 = arith.constant 0 : i32
      %dma_start3A_86 = arith.constant 0 : i32
      %dma_start3A_87 = tpu.memref_slice %arg2[%dma_start3A_85, %dma_start3A_86] : memref<10000x64xf32, #tpu.memory_space<hbm>> -> memref<10000x64xf32, #tpu.memory_space<hbm>>
      tpu.enqueue_indirect_dma source(%dma_start3A_87 : memref<10000x64xf32, #tpu.memory_space<hbm>>) target(%arg9 : memref<125x64xf32, #tpu.memory_space<vmem>>) offsets(%dma_start3A_84 : memref<125xi32, #tpu.memory_space<vmem>>) semaphore(%arg12 : memref<!tpu.dma_semaphore, #tpu.memory_space<semaphore_mem>>)
      %dma_wait3A = arith.constant 0 : i32
      %dma_wait3A_88 = tpu.memref_slice %arg7[%scan3A_82, %dma_wait3A] : memref<80x125xi32, #tpu.memory_space<vmem>> -> memref<1x125xi32, #tpu.memory_space<vmem>>
      %dma_wait3A_89 = tpu.memref_squeeze %dma_wait3A_88 : memref<1x125xi32, #tpu.memory_space<vmem>> -> memref<125xi32, #tpu.memory_space<vmem>>
      %dma_wait3A_90 = arith.constant 0 : i32
      %dma_wait3A_91 = arith.constant 0 : i32
      %dma_wait3A_92 = tpu.memref_slice %arg2[%dma_wait3A_90, %dma_wait3A_91] : memref<10000x64xf32, #tpu.memory_space<hbm>> -> memref<10000x64xf32, #tpu.memory_space<hbm>>
      tpu.wait_indirect_dma semaphore(%arg12 : memref<!tpu.dma_semaphore, #tpu.memory_space<semaphore_mem>>) src(%dma_wait3A_92 : memref<10000x64xf32, #tpu.memory_space<hbm>>) dst(%arg9 : memref<125x64xf32, #tpu.memory_space<vmem>>)
      "tpu.region"() ({
        %run_scoped3A = tpu.sem_alloc : memref<!tpu.dma_semaphore, #tpu.memory_space<semaphore_mem>>
        %dma_start3A_93 = arith.constant 0 : i32
        %dma_start3A_94 = tpu.memref_slice %arg8[%scan3A_82, %dma_start3A_93] : memref<80x125xi32, #tpu.memory_space<vmem>> -> memref<1x125xi32, #tpu.memory_space<vmem>>
        %dma_start3A_95 = tpu.memref_squeeze %dma_start3A_94 : memref<1x125xi32, #tpu.memory_space<vmem>> -> memref<125xi32, #tpu.memory_space<vmem>>
        %dma_start3A_96 = arith.constant 0 : i32
        %dma_start3A_97 = arith.constant 0 : i32
        %dma_start3A_98 = tpu.memref_slice %arg11[%dma_start3A_96, %dma_start3A_97] : memref<10000x64xf32, #tpu.memory_space<vmem_shared>> -> memref<10000x64xf32, #tpu.memory_space<vmem_shared>>
        tpu.enqueue_indirect_dma source(%arg9 : memref<125x64xf32, #tpu.memory_space<vmem>>) target(%dma_start3A_98 : memref<10000x64xf32, #tpu.memory_space<vmem_shared>>) offsets(%dma_start3A_95 : memref<125xi32, #tpu.memory_space<vmem>>) semaphore(%run_scoped3A : memref<!tpu.dma_semaphore, #tpu.memory_space<semaphore_mem>>) {add = true}
        %dma_wait3A_99 = arith.constant 0 : i32
        %dma_wait3A_100 = tpu.memref_slice %arg8[%scan3A_82, %dma_wait3A_99] : memref<80x125xi32, #tpu.memory_space<vmem>> -> memref<1x125xi32, #tpu.memory_space<vmem>>
        %dma_wait3A_101 = tpu.memref_squeeze %dma_wait3A_100 : memref<1x125xi32, #tpu.memory_space<vmem>> -> memref<125xi32, #tpu.memory_space<vmem>>
        %dma_wait3A_102 = arith.constant 0 : i32
        %dma_wait3A_103 = arith.constant 0 : i32
        %dma_wait3A_104 = tpu.memref_slice %arg11[%dma_wait3A_102, %dma_wait3A_103] : memref<10000x64xf32, #tpu.memory_space<vmem_shared>> -> memref<10000x64xf32, #tpu.memory_space<vmem_shared>>
        tpu.wait_indirect_dma semaphore(%run_scoped3A : memref<!tpu.dma_semaphore, #tpu.memory_space<semaphore_mem>>) src(%arg9 : memref<125x64xf32, #tpu.memory_space<vmem>>) dst(%dma_wait3A_104 : memref<10000x64xf32, #tpu.memory_space<vmem_shared>>)
        tpu.yield
      }) : () -> ()
    }
    %scan3A_34 = arith.constant 80 : i32
    %barrier3A_35 = arith.constant 0 : index
    tpu.barrier barrier_id(%barrier3A_35)
    %add3A_36 = arith.constant 0 : i32
    %add3A_37 = arith.addi %add3A_36, %arg1 : i32
    %mul3A_38 = arith.constant 400 : i32
    %mul3A_39 = arith.muli %add3A_37, %mul3A_38 : i32
    %add3A_40 = arith.constant 0 : i32
    %add3A_41 = arith.addi %add3A_40, %arg1 : i32
    %lt3A_42 = arith.constant 25 : i32
    %lt3A_43 = arith.cmpi slt, %add3A_41, %lt3A_42 : i32
    %eq3A = arith.constant 0 : i32
    %eq3A_44 = arith.cmpi eq, %arg0, %eq3A : i32
    %and3A = arith.andi %lt3A_43, %eq3A_44 : i1
    %convert_element_type3A_45 = arith.extui %and3A : i1 to i32
    %cond3A_46 = arith.constant 0 : i32
    %cond3A_47 = arith.cmpi ne, %convert_element_type3A_45, %cond3A_46 : i32
    scf.if %cond3A_47 {
      "tpu.region"() ({
        %run_scoped3A = tpu.sem_alloc : memref<!tpu.dma_semaphore, #tpu.memory_space<semaphore_mem>>
        %dma_start3A = arith.constant 0 : i32
        %dma_start3A_82 = tpu.memref_slice %arg5[%mul3A_39, %dma_start3A] : memref<10000x64xf32, #tpu.memory_space<hbm>> -> memref<400x64xf32, #tpu.memory_space<hbm>>
        %dma_start3A_83 = arith.constant 0 : i32
        %dma_start3A_84 = tpu.memref_slice %arg11[%mul3A_39, %dma_start3A_83] : memref<10000x64xf32, #tpu.memory_space<vmem_shared>> -> memref<400x64xf32, #tpu.memory_space<vmem_shared>>
        tpu.enqueue_dma source(%dma_start3A_84 : memref<400x64xf32, #tpu.memory_space<vmem_shared>>) target(%dma_start3A_82 : memref<400x64xf32, #tpu.memory_space<hbm>>) target_semaphore(%run_scoped3A : memref<!tpu.dma_semaphore, #tpu.memory_space<semaphore_mem>>)
        %dma_wait3A = arith.constant 0 : i32
        %dma_wait3A_85 = tpu.memref_slice %arg5[%mul3A_39, %dma_wait3A] : memref<10000x64xf32, #tpu.memory_space<hbm>> -> memref<400x64xf32, #tpu.memory_space<hbm>>
        %dma_wait3A_86 = arith.constant 0 : i32
        %dma_wait3A_87 = tpu.memref_slice %arg11[%mul3A_39, %dma_wait3A_86] : memref<10000x64xf32, #tpu.memory_space<vmem_shared>> -> memref<400x64xf32, #tpu.memory_space<vmem_shared>>
        tpu.wait_dma2 semaphore(%run_scoped3A : memref<!tpu.dma_semaphore, #tpu.memory_space<semaphore_mem>>) src(%dma_wait3A_87 : memref<400x64xf32, #tpu.memory_space<vmem_shared>>) dst(%dma_wait3A_85 : memref<400x64xf32, #tpu.memory_space<hbm>>)
        tpu.yield
      }) : () -> ()
    } else {
    }
    %add3A_48 = arith.constant 0 : i32
    %add3A_49 = arith.addi %add3A_48, %arg1 : i32
    %lt3A_50 = arith.constant 25 : i32
    %lt3A_51 = arith.cmpi slt, %add3A_49, %lt3A_50 : i32
    %eq3A_52 = arith.constant 1 : i32
    %eq3A_53 = arith.cmpi eq, %arg0, %eq3A_52 : i32
    %and3A_54 = arith.andi %lt3A_51, %eq3A_53 : i1
    %convert_element_type3A_55 = arith.extui %and3A_54 : i1 to i32
    %cond3A_56 = arith.constant 0 : i32
    %cond3A_57 = arith.cmpi ne, %convert_element_type3A_55, %cond3A_56 : i32
    scf.if %cond3A_57 {
      "tpu.region"() ({
        %run_scoped3A = tpu.sem_alloc : memref<!tpu.dma_semaphore, #tpu.memory_space<semaphore_mem>>
        %dma_start3A = arith.constant 0 : i32
        %dma_start3A_82 = tpu.memref_slice %arg6[%mul3A_39, %dma_start3A] : memref<10000x64xf32, #tpu.memory_space<hbm>> -> memref<400x64xf32, #tpu.memory_space<hbm>>
        %dma_start3A_83 = arith.constant 0 : i32
        %dma_start3A_84 = tpu.memref_slice %arg11[%mul3A_39, %dma_start3A_83] : memref<10000x64xf32, #tpu.memory_space<vmem_shared>> -> memref<400x64xf32, #tpu.memory_space<vmem_shared>>
        tpu.enqueue_dma source(%dma_start3A_84 : memref<400x64xf32, #tpu.memory_space<vmem_shared>>) target(%dma_start3A_82 : memref<400x64xf32, #tpu.memory_space<hbm>>) target_semaphore(%run_scoped3A : memref<!tpu.dma_semaphore, #tpu.memory_space<semaphore_mem>>)
        %dma_wait3A = arith.constant 0 : i32
        %dma_wait3A_85 = tpu.memref_slice %arg6[%mul3A_39, %dma_wait3A] : memref<10000x64xf32, #tpu.memory_space<hbm>> -> memref<400x64xf32, #tpu.memory_space<hbm>>
        %dma_wait3A_86 = arith.constant 0 : i32
        %dma_wait3A_87 = tpu.memref_slice %arg11[%mul3A_39, %dma_wait3A_86] : memref<10000x64xf32, #tpu.memory_space<vmem_shared>> -> memref<400x64xf32, #tpu.memory_space<vmem_shared>>
        tpu.wait_dma2 semaphore(%run_scoped3A : memref<!tpu.dma_semaphore, #tpu.memory_space<semaphore_mem>>) src(%dma_wait3A_87 : memref<400x64xf32, #tpu.memory_space<vmem_shared>>) dst(%dma_wait3A_85 : memref<400x64xf32, #tpu.memory_space<hbm>>)
        tpu.yield
      }) : () -> ()
    } else {
    }
    %add3A_58 = arith.constant 16 : i32
    %add3A_59 = arith.addi %add3A_58, %arg1 : i32
    %mul3A_60 = arith.constant 400 : i32
    %mul3A_61 = arith.muli %add3A_59, %mul3A_60 : i32
    %add3A_62 = arith.constant 16 : i32
    %add3A_63 = arith.addi %add3A_62, %arg1 : i32
    %lt3A_64 = arith.constant 25 : i32
    %lt3A_65 = arith.cmpi slt, %add3A_63, %lt3A_64 : i32
    %eq3A_66 = arith.constant 0 : i32
    %eq3A_67 = arith.cmpi eq, %arg0, %eq3A_66 : i32
    %and3A_68 = arith.andi %lt3A_65, %eq3A_67 : i1
    %convert_element_type3A_69 = arith.extui %and3A_68 : i1 to i32
    %cond3A_70 = arith.constant 0 : i32
    %cond3A_71 = arith.cmpi ne, %convert_element_type3A_69, %cond3A_70 : i32
    scf.if %cond3A_71 {
      "tpu.region"() ({
        %run_scoped3A = tpu.sem_alloc : memref<!tpu.dma_semaphore, #tpu.memory_space<semaphore_mem>>
        %dma_start3A = arith.constant 0 : i32
        %dma_start3A_82 = tpu.memref_slice %arg5[%mul3A_61, %dma_start3A] : memref<10000x64xf32, #tpu.memory_space<hbm>> -> memref<400x64xf32, #tpu.memory_space<hbm>>
        %dma_start3A_83 = arith.constant 0 : i32
        %dma_start3A_84 = tpu.memref_slice %arg11[%mul3A_61, %dma_start3A_83] : memref<10000x64xf32, #tpu.memory_space<vmem_shared>> -> memref<400x64xf32, #tpu.memory_space<vmem_shared>>
        tpu.enqueue_dma source(%dma_start3A_84 : memref<400x64xf32, #tpu.memory_space<vmem_shared>>) target(%dma_start3A_82 : memref<400x64xf32, #tpu.memory_space<hbm>>) target_semaphore(%run_scoped3A : memref<!tpu.dma_semaphore, #tpu.memory_space<semaphore_mem>>)
        %dma_wait3A = arith.constant 0 : i32
        %dma_wait3A_85 = tpu.memref_slice %arg5[%mul3A_61, %dma_wait3A] : memref<10000x64xf32, #tpu.memory_space<hbm>> -> memref<400x64xf32, #tpu.memory_space<hbm>>
        %dma_wait3A_86 = arith.constant 0 : i32
        %dma_wait3A_87 = tpu.memref_slice %arg11[%mul3A_61, %dma_wait3A_86] : memref<10000x64xf32, #tpu.memory_space<vmem_shared>> -> memref<400x64xf32, #tpu.memory_space<vmem_shared>>
        tpu.wait_dma2 semaphore(%run_scoped3A : memref<!tpu.dma_semaphore, #tpu.memory_space<semaphore_mem>>) src(%dma_wait3A_87 : memref<400x64xf32, #tpu.memory_space<vmem_shared>>) dst(%dma_wait3A_85 : memref<400x64xf32, #tpu.memory_space<hbm>>)
        tpu.yield
      }) : () -> ()
    } else {
    }
    %add3A_72 = arith.constant 16 : i32
    %add3A_73 = arith.addi %add3A_72, %arg1 : i32
    %lt3A_74 = arith.constant 25 : i32
    %lt3A_75 = arith.cmpi slt, %add3A_73, %lt3A_74 : i32
    %eq3A_76 = arith.constant 1 : i32
    %eq3A_77 = arith.cmpi eq, %arg0, %eq3A_76 : i32
    %and3A_78 = arith.andi %lt3A_75, %eq3A_77 : i1
    %convert_element_type3A_79 = arith.extui %and3A_78 : i1 to i32
    %cond3A_80 = arith.constant 0 : i32
    %cond3A_81 = arith.cmpi ne, %convert_element_type3A_79, %cond3A_80 : i32
    scf.if %cond3A_81 {
      "tpu.region"() ({
        %run_scoped3A = tpu.sem_alloc : memref<!tpu.dma_semaphore, #tpu.memory_space<semaphore_mem>>
        %dma_start3A = arith.constant 0 : i32
        %dma_start3A_82 = tpu.memref_slice %arg6[%mul3A_61, %dma_start3A] : memref<10000x64xf32, #tpu.memory_space<hbm>> -> memref<400x64xf32, #tpu.memory_space<hbm>>
        %dma_start3A_83 = arith.constant 0 : i32
        %dma_start3A_84 = tpu.memref_slice %arg11[%mul3A_61, %dma_start3A_83] : memref<10000x64xf32, #tpu.memory_space<vmem_shared>> -> memref<400x64xf32, #tpu.memory_space<vmem_shared>>
        tpu.enqueue_dma source(%dma_start3A_84 : memref<400x64xf32, #tpu.memory_space<vmem_shared>>) target(%dma_start3A_82 : memref<400x64xf32, #tpu.memory_space<hbm>>) target_semaphore(%run_scoped3A : memref<!tpu.dma_semaphore, #tpu.memory_space<semaphore_mem>>)
        %dma_wait3A = arith.constant 0 : i32
        %dma_wait3A_85 = tpu.memref_slice %arg6[%mul3A_61, %dma_wait3A] : memref<10000x64xf32, #tpu.memory_space<hbm>> -> memref<400x64xf32, #tpu.memory_space<hbm>>
        %dma_wait3A_86 = arith.constant 0 : i32
        %dma_wait3A_87 = tpu.memref_slice %arg11[%mul3A_61, %dma_wait3A_86] : memref<10000x64xf32, #tpu.memory_space<vmem_shared>> -> memref<400x64xf32, #tpu.memory_space<vmem_shared>>
        tpu.wait_dma2 semaphore(%run_scoped3A : memref<!tpu.dma_semaphore, #tpu.memory_space<semaphore_mem>>) src(%dma_wait3A_87 : memref<400x64xf32, #tpu.memory_space<vmem_shared>>) dst(%dma_wait3A_85 : memref<400x64xf32, #tpu.memory_space<hbm>>)
        tpu.yield
      }) : () -> ()
    } else {
    }
    return
  }
}

module attributes {stable_mosaic.version = 14 : i64} {
  func.func @_pre_body(%arg0: i32, %arg1: memref<2000x128xf32, #tpu.memory_space<vmem>>, %arg2: memref<2000x128xf32, #tpu.memory_space<vmem>>, %arg3: memref<128x64xf32, #tpu.memory_space<vmem>>, %arg4: memref<2000x64xf32, #tpu.memory_space<vmem>>, %arg5: memref<2000x64xf32, #tpu.memory_space<vmem>>) attributes {dimension_semantics = [#tpu.dimension_semantics<arbitrary>], iteration_bounds = array<i64: 5>, scalar_prefetch = 0 : i64, scratch_operands = 0 : i64, tpu.core_type = #tpu.core_type<tc>, window_params = [{transform_indices = @transform_0, window_bounds = array<i64: 2000, 128>}, {transform_indices = @transform_1, window_bounds = array<i64: 2000, 128>}, {pipeline_mode = #tpu.pipeline_mode<synchronous>, transform_indices = @transform_2, window_bounds = array<i64: 128, 64>}, {transform_indices = @transform_3, window_bounds = array<i64: 2000, 64>}, {transform_indices = @transform_4, window_bounds = array<i64: 2000, 64>}]} {
    %get3A = arith.constant 0 : index
    %get3A_0 = arith.constant 0 : index
    %get3A_1 = vector.load %arg1[%get3A, %get3A_0] : memref<2000x128xf32, #tpu.memory_space<vmem>>, vector<2000x128xf32>
    %get3A_2 = arith.constant 0 : index
    %get3A_3 = arith.constant 0 : index
    %get3A_4 = vector.load %arg3[%get3A_2, %get3A_3] : memref<128x64xf32, #tpu.memory_space<vmem>>, vector<128x64xf32>
    %dot_general3A = arith.constant dense<0.000000e+00> : vector<2000x64xf32>
    %dot_general3A_5 = tpu.matmul %get3A_1, %get3A_4, %dot_general3A {dimension_numbers = #tpu.dot_dimension_numbers<[1], [0], [0], [1], [0, 0, 1, 1], [], []>, transpose_lhs_hint = false} : vector<2000x128xf32>, vector<128x64xf32>, vector<2000x64xf32> -> vector<2000x64xf32>
    %swap3A = arith.constant 0 : index
    %swap3A_6 = arith.constant 0 : index
    %swap3A_7 = vector.load %arg4[%swap3A, %swap3A_6] : memref<2000x64xf32, #tpu.memory_space<vmem>>, vector<2000x64xf32>
    tpu.vector_store %arg4[%swap3A, %swap3A_6], %dot_general3A_5 {strides = array<i32>} : memref<2000x64xf32, #tpu.memory_space<vmem>>, vector<2000x64xf32>,
    %get3A_8 = arith.constant 0 : index
    %get3A_9 = arith.constant 0 : index
    %get3A_10 = vector.load %arg2[%get3A_8, %get3A_9] : memref<2000x128xf32, #tpu.memory_space<vmem>>, vector<2000x128xf32>
    %get3A_11 = arith.constant 0 : index
    %get3A_12 = arith.constant 0 : index
    %get3A_13 = vector.load %arg3[%get3A_11, %get3A_12] : memref<128x64xf32, #tpu.memory_space<vmem>>, vector<128x64xf32>
    %dot_general3A_14 = arith.constant dense<0.000000e+00> : vector<2000x64xf32>
    %dot_general3A_15 = tpu.matmul %get3A_10, %get3A_13, %dot_general3A_14 {dimension_numbers = #tpu.dot_dimension_numbers<[1], [0], [0], [1], [0, 0, 1, 1], [], []>, transpose_lhs_hint = false} : vector<2000x128xf32>, vector<128x64xf32>, vector<2000x64xf32> -> vector<2000x64xf32>
    %swap3A_16 = arith.constant 0 : index
    %swap3A_17 = arith.constant 0 : index
    %swap3A_18 = vector.load %arg5[%swap3A_16, %swap3A_17] : memref<2000x64xf32, #tpu.memory_space<vmem>>, vector<2000x64xf32>
    tpu.vector_store %arg5[%swap3A_16, %swap3A_17], %dot_general3A_15 {strides = array<i32>} : memref<2000x64xf32, #tpu.memory_space<vmem>>, vector<2000x64xf32>,
    return
  }
  func.func @transform_0(%arg0: i32) -> (i32, i32) {
    %c0_i32 = arith.constant 0 : i32
    %c0_i32_0 = arith.constant 0 : i32
    return %arg0, %c0_i32 : i32, i32
  }
  func.func @transform_1(%arg0: i32) -> (i32, i32) {
    %c0_i32 = arith.constant 0 : i32
    %c0_i32_0 = arith.constant 0 : i32
    return %arg0, %c0_i32 : i32, i32
  }
  func.func @transform_2(%arg0: i32) -> (i32, i32) {
    %c0_i32 = arith.constant 0 : i32
    %c0_i32_0 = arith.constant 0 : i32
    %c0_i32_1 = arith.constant 0 : i32
    return %c0_i32, %c0_i32_0 : i32, i32
  }
  func.func @transform_3(%arg0: i32) -> (i32, i32) {
    %c0_i32 = arith.constant 0 : i32
    %c0_i32_0 = arith.constant 0 : i32
    return %arg0, %c0_i32 : i32, i32
  }
  func.func @transform_4(%arg0: i32) -> (i32, i32) {
    %c0_i32 = arith.constant 0 : i32
    %c0_i32_0 = arith.constant 0 : i32
    return %arg0, %c0_i32 : i32, i32
  }
}

module attributes {stable_mosaic.version = 14 : i64} {
  func.func @_mid1_body(%arg0: i32, %arg1: memref<2000x64xf32, #tpu.memory_space<vmem>>, %arg2: memref<2000x64xf32, #tpu.memory_space<vmem>>, %arg3: memref<2000x64xf32, #tpu.memory_space<vmem>>, %arg4: memref<2000x64xf32, #tpu.memory_space<vmem>>, %arg5: memref<2000x64xf32, #tpu.memory_space<vmem>>, %arg6: memref<2000x64xf32, #tpu.memory_space<vmem>>, %arg7: memref<1x64xf32, #tpu.memory_space<vmem>>, %arg8: memref<64x32xf32, #tpu.memory_space<vmem>>, %arg9: memref<2000x64xf32, #tpu.memory_space<vmem>>) attributes {dimension_semantics = [#tpu.dimension_semantics<arbitrary>], iteration_bounds = array<i64: 5>, scalar_prefetch = 0 : i64, scratch_operands = 0 : i64, tpu.core_type = #tpu.core_type<tc>, window_params = [{transform_indices = @transform_0, window_bounds = array<i64: 2000, 64>}, {transform_indices = @transform_1, window_bounds = array<i64: 2000, 64>}, {transform_indices = @transform_2, window_bounds = array<i64: 2000, 64>}, {transform_indices = @transform_3, window_bounds = array<i64: 2000, 64>}, {transform_indices = @transform_4, window_bounds = array<i64: 2000, 64>}, {transform_indices = @transform_5, window_bounds = array<i64: 2000, 64>}, {pipeline_mode = #tpu.pipeline_mode<synchronous>, transform_indices = @transform_6, window_bounds = array<i64: 1, 64>}, {pipeline_mode = #tpu.pipeline_mode<synchronous>, transform_indices = @transform_7, window_bounds = array<i64: 64, 32>}, {transform_indices = @transform_8, window_bounds = array<i64: 2000, 64>}]} {
    %get3A = arith.constant 0 : index
    %get3A_0 = arith.constant 0 : index
    %get3A_1 = vector.load %arg7[%get3A, %get3A_0] : memref<1x64xf32, #tpu.memory_space<vmem>>, vector<1x64xf32>
    %get3A_2 = arith.constant 0 : index
    %get3A_3 = arith.constant 0 : index
    %get3A_4 = vector.load %arg1[%get3A_2, %get3A_3] : memref<2000x64xf32, #tpu.memory_space<vmem>>, vector<2000x64xf32>
    %get3A_5 = arith.constant 0 : index
    %get3A_6 = arith.constant 0 : index
    %get3A_7 = vector.load %arg3[%get3A_5, %get3A_6] : memref<2000x64xf32, #tpu.memory_space<vmem>>, vector<2000x64xf32>
    %add3A = arith.addf %get3A_4, %get3A_7 : vector<2000x64xf32>
    %get3A_8 = arith.constant 0 : index
    %get3A_9 = arith.constant 0 : index
    %get3A_10 = vector.load %arg4[%get3A_8, %get3A_9] : memref<2000x64xf32, #tpu.memory_space<vmem>>, vector<2000x64xf32>
    %add3A_11 = arith.addf %add3A, %get3A_10 : vector<2000x64xf32>
    %add3A_12 = vector.broadcast %get3A_1 : vector<1x64xf32> to vector<2000x64xf32>
    %add3A_13 = arith.addf %add3A_11, %add3A_12 : vector<2000x64xf32>
    %max3A = arith.constant 0.000000e+00 : f32
    %max3A_14 = vector.broadcast %max3A : f32 to vector<2000x64xf32>
    %max3A_15 = arith.maximumf %add3A_13, %max3A_14 : vector<2000x64xf32>
    %get3A_16 = arith.constant 0 : index
    %get3A_17 = arith.constant 0 : index
    %get3A_18 = vector.load %arg2[%get3A_16, %get3A_17] : memref<2000x64xf32, #tpu.memory_space<vmem>>, vector<2000x64xf32>
    %get3A_19 = arith.constant 0 : index
    %get3A_20 = arith.constant 0 : index
    %get3A_21 = vector.load %arg5[%get3A_19, %get3A_20] : memref<2000x64xf32, #tpu.memory_space<vmem>>, vector<2000x64xf32>
    %add3A_22 = arith.addf %get3A_18, %get3A_21 : vector<2000x64xf32>
    %get3A_23 = arith.constant 0 : index
    %get3A_24 = arith.constant 0 : index
    %get3A_25 = vector.load %arg6[%get3A_23, %get3A_24] : memref<2000x64xf32, #tpu.memory_space<vmem>>, vector<2000x64xf32>
    %add3A_26 = arith.addf %add3A_22, %get3A_25 : vector<2000x64xf32>
    %add3A_27 = vector.broadcast %get3A_1 : vector<1x64xf32> to vector<2000x64xf32>
    %add3A_28 = arith.addf %add3A_26, %add3A_27 : vector<2000x64xf32>
    %max3A_29 = arith.constant 0.000000e+00 : f32
    %max3A_30 = vector.broadcast %max3A_29 : f32 to vector<2000x64xf32>
    %max3A_31 = arith.maximumf %add3A_28, %max3A_30 : vector<2000x64xf32>
    %get3A_32 = arith.constant 0 : index
    %get3A_33 = arith.constant 0 : index
    %get3A_34 = vector.load %arg8[%get3A_32, %get3A_33] : memref<64x32xf32, #tpu.memory_space<vmem>>, vector<64x32xf32>
    %dot_general3A = arith.constant dense<0.000000e+00> : vector<2000x32xf32>
    %dot_general3A_35 = tpu.matmul %max3A_15, %get3A_34, %dot_general3A {dimension_numbers = #tpu.dot_dimension_numbers<[1], [0], [0], [1], [0, 0, 1, 1], [], []>, transpose_lhs_hint = false} : vector<2000x64xf32>, vector<64x32xf32>, vector<2000x32xf32> -> vector<2000x32xf32>
    %get3A_36 = arith.constant 0 : index
    %get3A_37 = arith.constant 0 : index
    %get3A_38 = vector.load %arg8[%get3A_36, %get3A_37] : memref<64x32xf32, #tpu.memory_space<vmem>>, vector<64x32xf32>
    %dot_general3A_39 = arith.constant dense<0.000000e+00> : vector<2000x32xf32>
    %dot_general3A_40 = tpu.matmul %max3A_31, %get3A_38, %dot_general3A_39 {dimension_numbers = #tpu.dot_dimension_numbers<[1], [0], [0], [1], [0, 0, 1, 1], [], []>, transpose_lhs_hint = false} : vector<2000x64xf32>, vector<64x32xf32>, vector<2000x32xf32> -> vector<2000x32xf32>
    %concatenate3A = tpu.concatenate %dot_general3A_35, %dot_general3A_40 in 1 : vector<2000x32xf32>, vector<2000x32xf32> -> vector<2000x64xf32>
    %swap3A = arith.constant 0 : index
    %swap3A_41 = arith.constant 0 : index
    %swap3A_42 = vector.load %arg9[%swap3A, %swap3A_41] : memref<2000x64xf32, #tpu.memory_space<vmem>>, vector<2000x64xf32>
    tpu.vector_store %arg9[%swap3A, %swap3A_41], %concatenate3A {strides = array<i32>} : memref<2000x64xf32, #tpu.memory_space<vmem>>, vector<2000x64xf32>,
    return
  }
  func.func @transform_0(%arg0: i32) -> (i32, i32) {
    %c0_i32 = arith.constant 0 : i32
    %c0_i32_0 = arith.constant 0 : i32
    return %arg0, %c0_i32 : i32, i32
  }
  func.func @transform_1(%arg0: i32) -> (i32, i32) {
    %c0_i32 = arith.constant 0 : i32
    %c0_i32_0 = arith.constant 0 : i32
    return %arg0, %c0_i32 : i32, i32
  }
  func.func @transform_2(%arg0: i32) -> (i32, i32) {
    %c0_i32 = arith.constant 0 : i32
    %c0_i32_0 = arith.constant 0 : i32
    return %arg0, %c0_i32 : i32, i32
  }
  func.func @transform_3(%arg0: i32) -> (i32, i32) {
    %c0_i32 = arith.constant 0 : i32
    %c0_i32_0 = arith.constant 0 : i32
    return %arg0, %c0_i32 : i32, i32
  }
  func.func @transform_4(%arg0: i32) -> (i32, i32) {
    %c0_i32 = arith.constant 0 : i32
    %c0_i32_0 = arith.constant 0 : i32
    return %arg0, %c0_i32 : i32, i32
  }
  func.func @transform_5(%arg0: i32) -> (i32, i32) {
    %c0_i32 = arith.constant 0 : i32
    %c0_i32_0 = arith.constant 0 : i32
    return %arg0, %c0_i32 : i32, i32
  }
  func.func @transform_6(%arg0: i32) -> (i32, i32) {
    %c0_i32 = arith.constant 0 : i32
    %c0_i32_0 = arith.constant 0 : i32
    %c0_i32_1 = arith.constant 0 : i32
    return %c0_i32, %c0_i32_0 : i32, i32
  }
  func.func @transform_7(%arg0: i32) -> (i32, i32) {
    %c0_i32 = arith.constant 0 : i32
    %c0_i32_0 = arith.constant 0 : i32
    %c0_i32_1 = arith.constant 0 : i32
    return %c0_i32, %c0_i32_0 : i32, i32
  }
  func.func @transform_8(%arg0: i32) -> (i32, i32) {
    %c0_i32 = arith.constant 0 : i32
    %c0_i32_0 = arith.constant 0 : i32
    return %arg0, %c0_i32 : i32, i32
  }
}

module attributes {stable_mosaic.version = 14 : i64} {
  func.func @_mid2_body(%arg0: i32, %arg1: memref<2000x64xf32, #tpu.memory_space<vmem>>, %arg2: memref<2000x64xf32, #tpu.memory_space<vmem>>, %arg3: memref<2000x64xf32, #tpu.memory_space<vmem>>, %arg4: memref<1x32xf32, #tpu.memory_space<vmem>>, %arg5: memref<2000x8xf32, #tpu.memory_space<vmem>>, %arg6: memref<8x12xf32, #tpu.memory_space<vmem>>, %arg7: memref<1x12xf32, #tpu.memory_space<vmem>>, %arg8: memref<12x16xf32, #tpu.memory_space<vmem>>, %arg9: memref<1x16xf32, #tpu.memory_space<vmem>>, %arg10: memref<2000x64xf32, #tpu.memory_space<vmem>>, %arg11: memref<2000x48xf32, #tpu.memory_space<vmem>>) attributes {dimension_semantics = [#tpu.dimension_semantics<arbitrary>], iteration_bounds = array<i64: 5>, scalar_prefetch = 0 : i64, scratch_operands = 0 : i64, tpu.core_type = #tpu.core_type<tc>, window_params = [{transform_indices = @transform_0, window_bounds = array<i64: 2000, 64>}, {transform_indices = @transform_1, window_bounds = array<i64: 2000, 64>}, {transform_indices = @transform_2, window_bounds = array<i64: 2000, 64>}, {pipeline_mode = #tpu.pipeline_mode<synchronous>, transform_indices = @transform_3, window_bounds = array<i64: 1, 32>}, {transform_indices = @transform_4, window_bounds = array<i64: 2000, 8>}, {pipeline_mode = #tpu.pipeline_mode<synchronous>, transform_indices = @transform_5, window_bounds = array<i64: 8, 12>}, {pipeline_mode = #tpu.pipeline_mode<synchronous>, transform_indices = @transform_6, window_bounds = array<i64: 1, 12>}, {pipeline_mode = #tpu.pipeline_mode<synchronous>, transform_indices = @transform_7, window_bounds = array<i64: 12, 16>}, {pipeline_mode = #tpu.pipeline_mode<synchronous>, transform_indices = @transform_8, window_bounds = array<i64: 1, 16>}, {transform_indices = @transform_9, window_bounds = array<i64: 2000, 64>}, {transform_indices = @transform_10, window_bounds = array<i64: 2000, 48>}]} {
    %get3A = arith.constant 0 : index
    %get3A_0 = arith.constant 0 : index
    %get3A_1 = vector.load %arg4[%get3A, %get3A_0] : memref<1x32xf32, #tpu.memory_space<vmem>>, vector<1x32xf32>
    %get3A_2 = arith.constant 0 : index
    %get3A_3 = arith.constant 0 : index
    %get3A_4 = vector.load %arg1[%get3A_2, %get3A_3] : memref<2000x64xf32, #tpu.memory_space<vmem>>, vector<2000x64xf32>
    %get3A_5 = arith.constant 0 : index
    %get3A_6 = arith.constant 0 : index
    %get3A_7 = vector.load %arg2[%get3A_5, %get3A_6] : memref<2000x64xf32, #tpu.memory_space<vmem>>, vector<2000x64xf32>
    %add3A = arith.addf %get3A_4, %get3A_7 : vector<2000x64xf32>
    %get3A_8 = arith.constant 0 : index
    %get3A_9 = arith.constant 0 : index
    %get3A_10 = vector.load %arg3[%get3A_8, %get3A_9] : memref<2000x64xf32, #tpu.memory_space<vmem>>, vector<2000x64xf32>
    %add3A_11 = arith.addf %add3A, %get3A_10 : vector<2000x64xf32>
    %concatenate3A = tpu.concatenate %get3A_1, %get3A_1 in 1 : vector<1x32xf32>, vector<1x32xf32> -> vector<1x64xf32>
    %add3A_12 = vector.broadcast %concatenate3A : vector<1x64xf32> to vector<2000x64xf32>
    %add3A_13 = arith.addf %add3A_11, %add3A_12 : vector<2000x64xf32>
    %swap3A = arith.constant 0 : index
    %swap3A_14 = arith.constant 0 : index
    %swap3A_15 = vector.load %arg10[%swap3A, %swap3A_14] : memref<2000x64xf32, #tpu.memory_space<vmem>>, vector<2000x64xf32>
    tpu.vector_store %arg10[%swap3A, %swap3A_14], %add3A_13 {strides = array<i32>} : memref<2000x64xf32, #tpu.memory_space<vmem>>, vector<2000x64xf32>,
    %get3A_16 = arith.constant 0 : index
    %get3A_17 = arith.constant 0 : index
    %get3A_18 = vector.load %arg5[%get3A_16, %get3A_17] : memref<2000x8xf32, #tpu.memory_space<vmem>>, vector<2000x8xf32>
    %get3A_19 = arith.constant 0 : index
    %get3A_20 = arith.constant 0 : index
    %get3A_21 = vector.load %arg6[%get3A_19, %get3A_20] : memref<8x12xf32, #tpu.memory_space<vmem>>, vector<8x12xf32>
    %dot_general3A = arith.constant dense<0.000000e+00> : vector<2000x12xf32>
    %dot_general3A_22 = tpu.matmul %get3A_18, %get3A_21, %dot_general3A {dimension_numbers = #tpu.dot_dimension_numbers<[1], [0], [0], [1], [0, 0, 1, 1], [], []>, transpose_lhs_hint = false} : vector<2000x8xf32>, vector<8x12xf32>, vector<2000x12xf32> -> vector<2000x12xf32>
    %get3A_23 = arith.constant 0 : index
    %get3A_24 = arith.constant 0 : index
    %get3A_25 = vector.load %arg7[%get3A_23, %get3A_24] : memref<1x12xf32, #tpu.memory_space<vmem>>, vector<1x12xf32>
    %add3A_26 = vector.broadcast %get3A_25 : vector<1x12xf32> to vector<2000x12xf32>
    %add3A_27 = arith.addf %dot_general3A_22, %add3A_26 : vector<2000x12xf32>
    %max3A = arith.constant 0.000000e+00 : f32
    %max3A_28 = vector.broadcast %max3A : f32 to vector<2000x12xf32>
    %max3A_29 = arith.maximumf %add3A_27, %max3A_28 : vector<2000x12xf32>
    %get3A_30 = arith.constant 0 : index
    %get3A_31 = arith.constant 0 : index
    %get3A_32 = vector.load %arg8[%get3A_30, %get3A_31] : memref<12x16xf32, #tpu.memory_space<vmem>>, vector<12x16xf32>
    %dot_general3A_33 = arith.constant dense<0.000000e+00> : vector<2000x16xf32>
    %dot_general3A_34 = tpu.matmul %max3A_29, %get3A_32, %dot_general3A_33 {dimension_numbers = #tpu.dot_dimension_numbers<[1], [0], [0], [1], [0, 0, 1, 1], [], []>, transpose_lhs_hint = false} : vector<2000x12xf32>, vector<12x16xf32>, vector<2000x16xf32> -> vector<2000x16xf32>
    %get3A_35 = arith.constant 0 : index
    %get3A_36 = arith.constant 0 : index
    %get3A_37 = vector.load %arg9[%get3A_35, %get3A_36] : memref<1x16xf32, #tpu.memory_space<vmem>>, vector<1x16xf32>
    %add3A_38 = vector.broadcast %get3A_37 : vector<1x16xf32> to vector<2000x16xf32>
    %add3A_39 = arith.addf %dot_general3A_34, %add3A_38 : vector<2000x16xf32>
    %slice3A = vector.extract_strided_slice %add3A_13 {offsets = [0, 0], sizes = [2000, 32], strides = [1, 1]} : vector<2000x64xf32> to vector<2000x32xf32>
    %concatenate3A_40 = tpu.concatenate %slice3A, %add3A_39 in 1 : vector<2000x32xf32>, vector<2000x16xf32> -> vector<2000x48xf32>
    %swap3A_41 = arith.constant 0 : index
    %swap3A_42 = arith.constant 0 : index
    %swap3A_43 = vector.load %arg11[%swap3A_41, %swap3A_42] : memref<2000x48xf32, #tpu.memory_space<vmem>>, vector<2000x48xf32>
    tpu.vector_store %arg11[%swap3A_41, %swap3A_42], %concatenate3A_40 {strides = array<i32>} : memref<2000x48xf32, #tpu.memory_space<vmem>>, vector<2000x48xf32>,
    return
  }
  func.func @transform_0(%arg0: i32) -> (i32, i32) {
    %c0_i32 = arith.constant 0 : i32
    %c0_i32_0 = arith.constant 0 : i32
    return %arg0, %c0_i32 : i32, i32
  }
  func.func @transform_1(%arg0: i32) -> (i32, i32) {
    %c0_i32 = arith.constant 0 : i32
    %c0_i32_0 = arith.constant 0 : i32
    return %arg0, %c0_i32 : i32, i32
  }
  func.func @transform_2(%arg0: i32) -> (i32, i32) {
    %c0_i32 = arith.constant 0 : i32
    %c0_i32_0 = arith.constant 0 : i32
    return %arg0, %c0_i32 : i32, i32
  }
  func.func @transform_3(%arg0: i32) -> (i32, i32) {
    %c0_i32 = arith.constant 0 : i32
    %c0_i32_0 = arith.constant 0 : i32
    %c0_i32_1 = arith.constant 0 : i32
    return %c0_i32, %c0_i32_0 : i32, i32
  }
  func.func @transform_4(%arg0: i32) -> (i32, i32) {
    %c0_i32 = arith.constant 0 : i32
    %c0_i32_0 = arith.constant 0 : i32
    return %arg0, %c0_i32 : i32, i32
  }
  func.func @transform_5(%arg0: i32) -> (i32, i32) {
    %c0_i32 = arith.constant 0 : i32
    %c0_i32_0 = arith.constant 0 : i32
    %c0_i32_1 = arith.constant 0 : i32
    return %c0_i32, %c0_i32_0 : i32, i32
  }
  func.func @transform_6(%arg0: i32) -> (i32, i32) {
    %c0_i32 = arith.constant 0 : i32
    %c0_i32_0 = arith.constant 0 : i32
    %c0_i32_1 = arith.constant 0 : i32
    return %c0_i32, %c0_i32_0 : i32, i32
  }
  func.func @transform_7(%arg0: i32) -> (i32, i32) {
    %c0_i32 = arith.constant 0 : i32
    %c0_i32_0 = arith.constant 0 : i32
    %c0_i32_1 = arith.constant 0 : i32
    return %c0_i32, %c0_i32_0 : i32, i32
  }
  func.func @transform_8(%arg0: i32) -> (i32, i32) {
    %c0_i32 = arith.constant 0 : i32
    %c0_i32_0 = arith.constant 0 : i32
    %c0_i32_1 = arith.constant 0 : i32
    return %c0_i32, %c0_i32_0 : i32, i32
  }
  func.func @transform_9(%arg0: i32) -> (i32, i32) {
    %c0_i32 = arith.constant 0 : i32
    %c0_i32_0 = arith.constant 0 : i32
    return %arg0, %c0_i32 : i32, i32
  }
  func.func @transform_10(%arg0: i32) -> (i32, i32) {
    %c0_i32 = arith.constant 0 : i32
    %c0_i32_0 = arith.constant 0 : i32
    return %arg0, %c0_i32 : i32, i32
  }
}

module attributes {stable_mosaic.version = 14 : i64} {
  func.func @_poolfin_body(%arg0: i32, %arg1: memref<2000x64xf32, #tpu.memory_space<vmem>>, %arg2: memref<2000x64xf32, #tpu.memory_space<vmem>>, %arg3: memref<32x16xf32, #tpu.memory_space<vmem>>, %arg4: memref<1x16xf32, #tpu.memory_space<vmem>>, %arg5: memref<16x8xf32, #tpu.memory_space<vmem>>, %arg6: memref<1x8xf32, #tpu.memory_space<vmem>>, %arg7: memref<2000x64xf32, #tpu.memory_space<vmem>>, %arg8: memref<2000x8xf32, #tpu.memory_space<vmem>>) attributes {dimension_semantics = [#tpu.dimension_semantics<arbitrary>], iteration_bounds = array<i64: 5>, scalar_prefetch = 0 : i64, scratch_operands = 0 : i64, tpu.core_type = #tpu.core_type<tc>, window_params = [{transform_indices = @transform_0, window_bounds = array<i64: 2000, 64>}, {transform_indices = @transform_1, window_bounds = array<i64: 2000, 64>}, {pipeline_mode = #tpu.pipeline_mode<synchronous>, transform_indices = @transform_2, window_bounds = array<i64: 32, 16>}, {pipeline_mode = #tpu.pipeline_mode<synchronous>, transform_indices = @transform_3, window_bounds = array<i64: 1, 16>}, {pipeline_mode = #tpu.pipeline_mode<synchronous>, transform_indices = @transform_4, window_bounds = array<i64: 16, 8>}, {pipeline_mode = #tpu.pipeline_mode<synchronous>, transform_indices = @transform_5, window_bounds = array<i64: 1, 8>}, {transform_indices = @transform_6, window_bounds = array<i64: 2000, 64>}, {transform_indices = @transform_7, window_bounds = array<i64: 2000, 8>}]} {
    %get3A = arith.constant 0 : index
    %get3A_0 = arith.constant 0 : index
    %get3A_1 = vector.load %arg1[%get3A, %get3A_0] : memref<2000x64xf32, #tpu.memory_space<vmem>>, vector<2000x64xf32>
    %get3A_2 = arith.constant 0 : index
    %get3A_3 = arith.constant 0 : index
    %get3A_4 = vector.load %arg2[%get3A_2, %get3A_3] : memref<2000x64xf32, #tpu.memory_space<vmem>>, vector<2000x64xf32>
    %add3A = arith.addf %get3A_1, %get3A_4 : vector<2000x64xf32>
    %mul3A = arith.constant 3.125000e-02 : f32
    %mul3A_5 = vector.broadcast %mul3A : f32 to vector<2000x64xf32>
    %mul3A_6 = arith.mulf %add3A, %mul3A_5 : vector<2000x64xf32>
    %swap3A = arith.constant 0 : index
    %swap3A_7 = arith.constant 0 : index
    %swap3A_8 = vector.load %arg7[%swap3A, %swap3A_7] : memref<2000x64xf32, #tpu.memory_space<vmem>>, vector<2000x64xf32>
    tpu.vector_store %arg7[%swap3A, %swap3A_7], %mul3A_6 {strides = array<i32>} : memref<2000x64xf32, #tpu.memory_space<vmem>>, vector<2000x64xf32>,
    %slice3A = vector.extract_strided_slice %mul3A_6 {offsets = [0, 0], sizes = [2000, 32], strides = [1, 1]} : vector<2000x64xf32> to vector<2000x32xf32>
    %get3A_9 = arith.constant 0 : index
    %get3A_10 = arith.constant 0 : index
    %get3A_11 = vector.load %arg3[%get3A_9, %get3A_10] : memref<32x16xf32, #tpu.memory_space<vmem>>, vector<32x16xf32>
    %dot_general3A = arith.constant dense<0.000000e+00> : vector<2000x16xf32>
    %dot_general3A_12 = tpu.matmul %slice3A, %get3A_11, %dot_general3A {dimension_numbers = #tpu.dot_dimension_numbers<[1], [0], [0], [1], [0, 0, 1, 1], [], []>, transpose_lhs_hint = false} : vector<2000x32xf32>, vector<32x16xf32>, vector<2000x16xf32> -> vector<2000x16xf32>
    %get3A_13 = arith.constant 0 : index
    %get3A_14 = arith.constant 0 : index
    %get3A_15 = vector.load %arg4[%get3A_13, %get3A_14] : memref<1x16xf32, #tpu.memory_space<vmem>>, vector<1x16xf32>
    %add3A_16 = vector.broadcast %get3A_15 : vector<1x16xf32> to vector<2000x16xf32>
    %add3A_17 = arith.addf %dot_general3A_12, %add3A_16 : vector<2000x16xf32>
    %max3A = arith.constant 0.000000e+00 : f32
    %max3A_18 = vector.broadcast %max3A : f32 to vector<2000x16xf32>
    %max3A_19 = arith.maximumf %add3A_17, %max3A_18 : vector<2000x16xf32>
    %get3A_20 = arith.constant 0 : index
    %get3A_21 = arith.constant 0 : index
    %get3A_22 = vector.load %arg5[%get3A_20, %get3A_21] : memref<16x8xf32, #tpu.memory_space<vmem>>, vector<16x8xf32>
    %dot_general3A_23 = arith.constant dense<0.000000e+00> : vector<2000x8xf32>
    %dot_general3A_24 = tpu.matmul %max3A_19, %get3A_22, %dot_general3A_23 {dimension_numbers = #tpu.dot_dimension_numbers<[1], [0], [0], [1], [0, 0, 1, 1], [], []>, transpose_lhs_hint = false} : vector<2000x16xf32>, vector<16x8xf32>, vector<2000x8xf32> -> vector<2000x8xf32>
    %get3A_25 = arith.constant 0 : index
    %get3A_26 = arith.constant 0 : index
    %get3A_27 = vector.load %arg6[%get3A_25, %get3A_26] : memref<1x8xf32, #tpu.memory_space<vmem>>, vector<1x8xf32>
    %add3A_28 = vector.broadcast %get3A_27 : vector<1x8xf32> to vector<2000x8xf32>
    %add3A_29 = arith.addf %dot_general3A_24, %add3A_28 : vector<2000x8xf32>
    %swap3A_30 = arith.constant 0 : index
    %swap3A_31 = arith.constant 0 : index
    %swap3A_32 = vector.load %arg8[%swap3A_30, %swap3A_31] : memref<2000x8xf32, #tpu.memory_space<vmem>>, vector<2000x8xf32>
    tpu.vector_store %arg8[%swap3A_30, %swap3A_31], %add3A_29 {strides = array<i32>} : memref<2000x8xf32, #tpu.memory_space<vmem>>, vector<2000x8xf32>,
    return
  }
  func.func @transform_0(%arg0: i32) -> (i32, i32) {
    %c0_i32 = arith.constant 0 : i32
    %c0_i32_0 = arith.constant 0 : i32
    return %arg0, %c0_i32 : i32, i32
  }
  func.func @transform_1(%arg0: i32) -> (i32, i32) {
    %c0_i32 = arith.constant 0 : i32
    %c0_i32_0 = arith.constant 0 : i32
    return %arg0, %c0_i32 : i32, i32
  }
  func.func @transform_2(%arg0: i32) -> (i32, i32) {
    %c0_i32 = arith.constant 0 : i32
    %c0_i32_0 = arith.constant 0 : i32
    %c0_i32_1 = arith.constant 0 : i32
    return %c0_i32, %c0_i32_0 : i32, i32
  }
  func.func @transform_3(%arg0: i32) -> (i32, i32) {
    %c0_i32 = arith.constant 0 : i32
    %c0_i32_0 = arith.constant 0 : i32
    %c0_i32_1 = arith.constant 0 : i32
    return %c0_i32, %c0_i32_0 : i32, i32
  }
  func.func @transform_4(%arg0: i32) -> (i32, i32) {
    %c0_i32 = arith.constant 0 : i32
    %c0_i32_0 = arith.constant 0 : i32
    %c0_i32_1 = arith.constant 0 : i32
    return %c0_i32, %c0_i32_0 : i32, i32
  }
  func.func @transform_5(%arg0: i32) -> (i32, i32) {
    %c0_i32 = arith.constant 0 : i32
    %c0_i32_0 = arith.constant 0 : i32
    %c0_i32_1 = arith.constant 0 : i32
    return %c0_i32, %c0_i32_0 : i32, i32
  }
  func.func @transform_6(%arg0: i32) -> (i32, i32) {
    %c0_i32 = arith.constant 0 : i32
    %c0_i32_0 = arith.constant 0 : i32
    return %arg0, %c0_i32 : i32, i32
  }
  func.func @transform_7(%arg0: i32) -> (i32, i32) {
    %c0_i32 = arith.constant 0 : i32
    %c0_i32_0 = arith.constant 0 : i32
    return %arg0, %c0_i32 : i32, i32
  }
}

module attributes {stable_mosaic.version = 14 : i64} {
  func.func @_mid3_body(%arg0: i32, %arg1: memref<2000x48xf32, #tpu.memory_space<vmem>>, %arg2: memref<2000x48xf32, #tpu.memory_space<vmem>>, %arg3: memref<2000x48xf32, #tpu.memory_space<vmem>>, %arg4: memref<48x64xf32, #tpu.memory_space<vmem>>, %arg5: memref<1x64xf32, #tpu.memory_space<vmem>>, %arg6: memref<2000x64xf32, #tpu.memory_space<vmem>>) attributes {dimension_semantics = [#tpu.dimension_semantics<arbitrary>], iteration_bounds = array<i64: 5>, scalar_prefetch = 0 : i64, scratch_operands = 0 : i64, tpu.core_type = #tpu.core_type<tc>, window_params = [{transform_indices = @transform_0, window_bounds = array<i64: 2000, 48>}, {transform_indices = @transform_1, window_bounds = array<i64: 2000, 48>}, {transform_indices = @transform_2, window_bounds = array<i64: 2000, 48>}, {pipeline_mode = #tpu.pipeline_mode<synchronous>, transform_indices = @transform_3, window_bounds = array<i64: 48, 64>}, {pipeline_mode = #tpu.pipeline_mode<synchronous>, transform_indices = @transform_4, window_bounds = array<i64: 1, 64>}, {transform_indices = @transform_5, window_bounds = array<i64: 2000, 64>}]} {
    %get3A = arith.constant 0 : index
    %get3A_0 = arith.constant 0 : index
    %get3A_1 = vector.load %arg1[%get3A, %get3A_0] : memref<2000x48xf32, #tpu.memory_space<vmem>>, vector<2000x48xf32>
    %get3A_2 = arith.constant 0 : index
    %get3A_3 = arith.constant 0 : index
    %get3A_4 = vector.load %arg2[%get3A_2, %get3A_3] : memref<2000x48xf32, #tpu.memory_space<vmem>>, vector<2000x48xf32>
    %add3A = arith.addf %get3A_1, %get3A_4 : vector<2000x48xf32>
    %get3A_5 = arith.constant 0 : index
    %get3A_6 = arith.constant 0 : index
    %get3A_7 = vector.load %arg3[%get3A_5, %get3A_6] : memref<2000x48xf32, #tpu.memory_space<vmem>>, vector<2000x48xf32>
    %add3A_8 = arith.addf %add3A, %get3A_7 : vector<2000x48xf32>
    %get3A_9 = arith.constant 0 : index
    %get3A_10 = arith.constant 0 : index
    %get3A_11 = vector.load %arg4[%get3A_9, %get3A_10] : memref<48x64xf32, #tpu.memory_space<vmem>>, vector<48x64xf32>
    %dot_general3A = arith.constant dense<0.000000e+00> : vector<2000x64xf32>
    %dot_general3A_12 = tpu.matmul %add3A_8, %get3A_11, %dot_general3A {dimension_numbers = #tpu.dot_dimension_numbers<[1], [0], [0], [1], [0, 0, 1, 1], [], []>, transpose_lhs_hint = false} : vector<2000x48xf32>, vector<48x64xf32>, vector<2000x64xf32> -> vector<2000x64xf32>
    %get3A_13 = arith.constant 0 : index
    %get3A_14 = arith.constant 0 : index
    %get3A_15 = vector.load %arg5[%get3A_13, %get3A_14] : memref<1x64xf32, #tpu.memory_space<vmem>>, vector<1x64xf32>
    %add3A_16 = vector.broadcast %get3A_15 : vector<1x64xf32> to vector<2000x64xf32>
    %add3A_17 = arith.addf %dot_general3A_12, %add3A_16 : vector<2000x64xf32>
    %max3A = arith.constant 0.000000e+00 : f32
    %max3A_18 = vector.broadcast %max3A : f32 to vector<2000x64xf32>
    %max3A_19 = arith.maximumf %add3A_17, %max3A_18 : vector<2000x64xf32>
    %swap3A = arith.constant 0 : index
    %swap3A_20 = arith.constant 0 : index
    %swap3A_21 = vector.load %arg6[%swap3A, %swap3A_20] : memref<2000x64xf32, #tpu.memory_space<vmem>>, vector<2000x64xf32>
    tpu.vector_store %arg6[%swap3A, %swap3A_20], %max3A_19 {strides = array<i32>} : memref<2000x64xf32, #tpu.memory_space<vmem>>, vector<2000x64xf32>,
    return
  }
  func.func @transform_0(%arg0: i32) -> (i32, i32) {
    %c0_i32 = arith.constant 0 : i32
    %c0_i32_0 = arith.constant 0 : i32
    return %arg0, %c0_i32 : i32, i32
  }
  func.func @transform_1(%arg0: i32) -> (i32, i32) {
    %c0_i32 = arith.constant 0 : i32
    %c0_i32_0 = arith.constant 0 : i32
    return %arg0, %c0_i32 : i32, i32
  }
  func.func @transform_2(%arg0: i32) -> (i32, i32) {
    %c0_i32 = arith.constant 0 : i32
    %c0_i32_0 = arith.constant 0 : i32
    return %arg0, %c0_i32 : i32, i32
  }
  func.func @transform_3(%arg0: i32) -> (i32, i32) {
    %c0_i32 = arith.constant 0 : i32
    %c0_i32_0 = arith.constant 0 : i32
    %c0_i32_1 = arith.constant 0 : i32
    return %c0_i32, %c0_i32_0 : i32, i32
  }
  func.func @transform_4(%arg0: i32) -> (i32, i32) {
    %c0_i32 = arith.constant 0 : i32
    %c0_i32_0 = arith.constant 0 : i32
    %c0_i32_1 = arith.constant 0 : i32
    return %c0_i32, %c0_i32_0 : i32, i32
  }
  func.func @transform_5(%arg0: i32) -> (i32, i32) {
    %c0_i32 = arith.constant 0 : i32
    %c0_i32_0 = arith.constant 0 : i32
    return %arg0, %c0_i32 : i32, i32
  }
}

module attributes {stable_mosaic.version = 14 : i64} {
  func.func @_bil_body(%arg0: i32, %arg1: memref<2048x64xf32, #tpu.memory_space<vmem>>, %arg2: memref<2048x64xf32, #tpu.memory_space<vmem>>, %arg3: memref<32x32xf32, #tpu.memory_space<vmem>>, %arg4: memref<1x1xf32, #tpu.memory_space<vmem>>, %arg5: memref<2048x1xf32, #tpu.memory_space<vmem>>, %arg6: memref<2048x1xf32, #tpu.memory_space<vmem>>) attributes {dimension_semantics = [#tpu.dimension_semantics<arbitrary>], iteration_bounds = array<i64: 1>, scalar_prefetch = 0 : i64, scratch_operands = 0 : i64, tpu.core_type = #tpu.core_type<tc>, window_params = [{pipeline_mode = #tpu.pipeline_mode<synchronous>, transform_indices = @transform_0, window_bounds = array<i64: 2048, 64>}, {pipeline_mode = #tpu.pipeline_mode<synchronous>, transform_indices = @transform_1, window_bounds = array<i64: 2048, 64>}, {pipeline_mode = #tpu.pipeline_mode<synchronous>, transform_indices = @transform_2, window_bounds = array<i64: 32, 32>}, {pipeline_mode = #tpu.pipeline_mode<synchronous>, transform_indices = @transform_3, window_bounds = array<i64: 1, 1>}, {pipeline_mode = #tpu.pipeline_mode<synchronous>, transform_indices = @transform_4, window_bounds = array<i64: 2048, 1>}, {pipeline_mode = #tpu.pipeline_mode<synchronous>, transform_indices = @transform_5, window_bounds = array<i64: 2048, 1>}]} {
    %get3A = arith.constant 0 : index
    %get3A_0 = arith.constant 0 : index
    %get3A_1 = vector.load %arg1[%get3A, %get3A_0] : memref<2048x64xf32, #tpu.memory_space<vmem>>, vector<2048x64xf32>
    %get3A_2 = arith.constant 0 : index
    %get3A_3 = arith.constant 0 : index
    %get3A_4 = vector.load %arg2[%get3A_2, %get3A_3] : memref<2048x64xf32, #tpu.memory_space<vmem>>, vector<2048x64xf32>
    %slice3A = vector.extract_strided_slice %get3A_1 {offsets = [0, 0], sizes = [2048, 32], strides = [1, 1]} : vector<2048x64xf32> to vector<2048x32xf32>
    %get3A_5 = arith.constant 0 : index
    %get3A_6 = arith.constant 0 : index
    %get3A_7 = vector.load %arg3[%get3A_5, %get3A_6] : memref<32x32xf32, #tpu.memory_space<vmem>>, vector<32x32xf32>
    %dot_general3A = arith.constant dense<0.000000e+00> : vector<2048x32xf32>
    %dot_general3A_8 = tpu.matmul %slice3A, %get3A_7, %dot_general3A {dimension_numbers = #tpu.dot_dimension_numbers<[1], [0], [0], [1], [0, 0, 1, 1], [], []>, transpose_lhs_hint = false} : vector<2048x32xf32>, vector<32x32xf32>, vector<2048x32xf32> -> vector<2048x32xf32>
    %slice3A_9 = vector.extract_strided_slice %get3A_1 {offsets = [0, 32], sizes = [2048, 32], strides = [1, 1]} : vector<2048x64xf32> to vector<2048x32xf32>
    %mul3A = arith.mulf %dot_general3A_8, %slice3A_9 : vector<2048x32xf32>
    %reduce_sum3A = arith.constant dense<0.000000e+00> : vector<2048xf32>
    %reduce_sum3A_10 = vector.multi_reduction <add>, %mul3A, %reduce_sum3A [1] : vector<2048x32xf32> to vector<2048xf32>
    %broadcast_in_dim3A = vector.shape_cast %reduce_sum3A_10 : vector<2048xf32> to vector<2048x1xf32>
    %get3A_11 = arith.constant 0 : index
    %get3A_12 = arith.constant 0 : index
    %get3A_13 = vector.load %arg4[%get3A_11, %get3A_12] : memref<1x1xf32, #tpu.memory_space<vmem>>, vector<1x1xf32>
    %add3A = vector.broadcast %get3A_13 : vector<1x1xf32> to vector<2048x1xf32>
    %add3A_14 = arith.addf %broadcast_in_dim3A, %add3A : vector<2048x1xf32>
    %swap3A = arith.constant 0 : index
    %swap3A_15 = arith.constant 0 : index
    %swap3A_16 = vector.load %arg5[%swap3A, %swap3A_15] : memref<2048x1xf32, #tpu.memory_space<vmem>>, vector<2048x1xf32>
    tpu.vector_store %arg5[%swap3A, %swap3A_15], %add3A_14 {strides = array<i32>} : memref<2048x1xf32, #tpu.memory_space<vmem>>, vector<2048x1xf32>,
    %slice3A_17 = vector.extract_strided_slice %get3A_4 {offsets = [0, 32], sizes = [2048, 32], strides = [1, 1]} : vector<2048x64xf32> to vector<2048x32xf32>
    %mul3A_18 = arith.mulf %dot_general3A_8, %slice3A_17 : vector<2048x32xf32>
    %reduce_sum3A_19 = arith.constant dense<0.000000e+00> : vector<2048xf32>
    %reduce_sum3A_20 = vector.multi_reduction <add>, %mul3A_18, %reduce_sum3A_19 [1] : vector<2048x32xf32> to vector<2048xf32>
    %broadcast_in_dim3A_21 = vector.shape_cast %reduce_sum3A_20 : vector<2048xf32> to vector<2048x1xf32>
    %get3A_22 = arith.constant 0 : index
    %get3A_23 = arith.constant 0 : index
    %get3A_24 = vector.load %arg4[%get3A_22, %get3A_23] : memref<1x1xf32, #tpu.memory_space<vmem>>, vector<1x1xf32>
    %add3A_25 = vector.broadcast %get3A_24 : vector<1x1xf32> to vector<2048x1xf32>
    %add3A_26 = arith.addf %broadcast_in_dim3A_21, %add3A_25 : vector<2048x1xf32>
    %swap3A_27 = arith.constant 0 : index
    %swap3A_28 = arith.constant 0 : index
    %swap3A_29 = vector.load %arg6[%swap3A_27, %swap3A_28] : memref<2048x1xf32, #tpu.memory_space<vmem>>, vector<2048x1xf32>
    tpu.vector_store %arg6[%swap3A_27, %swap3A_28], %add3A_26 {strides = array<i32>} : memref<2048x1xf32, #tpu.memory_space<vmem>>, vector<2048x1xf32>,
    return
  }
  func.func @transform_0(%arg0: i32) -> (i32, i32) {
    %c0_i32 = arith.constant 0 : i32
    %c0_i32_0 = arith.constant 0 : i32
    %c0_i32_1 = arith.constant 0 : i32
    return %c0_i32, %c0_i32_0 : i32, i32
  }
  func.func @transform_1(%arg0: i32) -> (i32, i32) {
    %c0_i32 = arith.constant 0 : i32
    %c0_i32_0 = arith.constant 0 : i32
    %c0_i32_1 = arith.constant 0 : i32
    return %c0_i32, %c0_i32_0 : i32, i32
  }
  func.func @transform_2(%arg0: i32) -> (i32, i32) {
    %c0_i32 = arith.constant 0 : i32
    %c0_i32_0 = arith.constant 0 : i32
    %c0_i32_1 = arith.constant 0 : i32
    return %c0_i32, %c0_i32_0 : i32, i32
  }
  func.func @transform_3(%arg0: i32) -> (i32, i32) {
    %c0_i32 = arith.constant 0 : i32
    %c0_i32_0 = arith.constant 0 : i32
    %c0_i32_1 = arith.constant 0 : i32
    return %c0_i32, %c0_i32_0 : i32, i32
  }
  func.func @transform_4(%arg0: i32) -> (i32, i32) {
    %c0_i32 = arith.constant 0 : i32
    %c0_i32_0 = arith.constant 0 : i32
    %c0_i32_1 = arith.constant 0 : i32
    return %c0_i32, %c0_i32_0 : i32, i32
  }
  func.func @transform_5(%arg0: i32) -> (i32, i32) {
    %c0_i32 = arith.constant 0 : i32
    %c0_i32_0 = arith.constant 0 : i32
    %c0_i32_1 = arith.constant 0 : i32
    return %c0_i32, %c0_i32_0 : i32, i32
  }
}

module attributes {stable_mosaic.version = 14 : i64} {
  func.func @_fin_body(%arg0: i32, %arg1: memref<2000x64xf32, #tpu.memory_space<vmem>>, %arg2: memref<2000x64xf32, #tpu.memory_space<vmem>>, %arg3: memref<2000x64xf32, #tpu.memory_space<vmem>>, %arg4: memref<64x128xf32, #tpu.memory_space<vmem>>, %arg5: memref<1x128xf32, #tpu.memory_space<vmem>>, %arg6: memref<2000x128xf32, #tpu.memory_space<vmem>>) attributes {dimension_semantics = [#tpu.dimension_semantics<arbitrary>], iteration_bounds = array<i64: 5>, scalar_prefetch = 0 : i64, scratch_operands = 0 : i64, tpu.core_type = #tpu.core_type<tc>, window_params = [{transform_indices = @transform_0, window_bounds = array<i64: 2000, 64>}, {transform_indices = @transform_1, window_bounds = array<i64: 2000, 64>}, {transform_indices = @transform_2, window_bounds = array<i64: 2000, 64>}, {pipeline_mode = #tpu.pipeline_mode<synchronous>, transform_indices = @transform_3, window_bounds = array<i64: 64, 128>}, {pipeline_mode = #tpu.pipeline_mode<synchronous>, transform_indices = @transform_4, window_bounds = array<i64: 1, 128>}, {transform_indices = @transform_5, window_bounds = array<i64: 2000, 128>}]} {
    %get3A = arith.constant 0 : index
    %get3A_0 = arith.constant 0 : index
    %get3A_1 = vector.load %arg1[%get3A, %get3A_0] : memref<2000x64xf32, #tpu.memory_space<vmem>>, vector<2000x64xf32>
    %get3A_2 = arith.constant 0 : index
    %get3A_3 = arith.constant 0 : index
    %get3A_4 = vector.load %arg2[%get3A_2, %get3A_3] : memref<2000x64xf32, #tpu.memory_space<vmem>>, vector<2000x64xf32>
    %add3A = arith.addf %get3A_1, %get3A_4 : vector<2000x64xf32>
    %get3A_5 = arith.constant 0 : index
    %get3A_6 = arith.constant 0 : index
    %get3A_7 = vector.load %arg3[%get3A_5, %get3A_6] : memref<2000x64xf32, #tpu.memory_space<vmem>>, vector<2000x64xf32>
    %add3A_8 = arith.addf %add3A, %get3A_7 : vector<2000x64xf32>
    %get3A_9 = arith.constant 0 : index
    %get3A_10 = arith.constant 0 : index
    %get3A_11 = vector.load %arg4[%get3A_9, %get3A_10] : memref<64x128xf32, #tpu.memory_space<vmem>>, vector<64x128xf32>
    %dot_general3A = arith.constant dense<0.000000e+00> : vector<2000x128xf32>
    %dot_general3A_12 = tpu.matmul %add3A_8, %get3A_11, %dot_general3A {dimension_numbers = #tpu.dot_dimension_numbers<[1], [0], [0], [1], [0, 0, 1, 1], [], []>, transpose_lhs_hint = false} : vector<2000x64xf32>, vector<64x128xf32>, vector<2000x128xf32> -> vector<2000x128xf32>
    %get3A_13 = arith.constant 0 : index
    %get3A_14 = arith.constant 0 : index
    %get3A_15 = vector.load %arg5[%get3A_13, %get3A_14] : memref<1x128xf32, #tpu.memory_space<vmem>>, vector<1x128xf32>
    %add3A_16 = vector.broadcast %get3A_15 : vector<1x128xf32> to vector<2000x128xf32>
    %add3A_17 = arith.addf %dot_general3A_12, %add3A_16 : vector<2000x128xf32>
    %swap3A = arith.constant 0 : index
    %swap3A_18 = arith.constant 0 : index
    %swap3A_19 = vector.load %arg6[%swap3A, %swap3A_18] : memref<2000x128xf32, #tpu.memory_space<vmem>>, vector<2000x128xf32>
    tpu.vector_store %arg6[%swap3A, %swap3A_18], %add3A_17 {strides = array<i32>} : memref<2000x128xf32, #tpu.memory_space<vmem>>, vector<2000x128xf32>,
    return
  }
  func.func @transform_0(%arg0: i32) -> (i32, i32) {
    %c0_i32 = arith.constant 0 : i32
    %c0_i32_0 = arith.constant 0 : i32
    return %arg0, %c0_i32 : i32, i32
  }
  func.func @transform_1(%arg0: i32) -> (i32, i32) {
    %c0_i32 = arith.constant 0 : i32
    %c0_i32_0 = arith.constant 0 : i32
    return %arg0, %c0_i32 : i32, i32
  }
  func.func @transform_2(%arg0: i32) -> (i32, i32) {
    %c0_i32 = arith.constant 0 : i32
    %c0_i32_0 = arith.constant 0 : i32
    return %arg0, %c0_i32 : i32, i32
  }
  func.func @transform_3(%arg0: i32) -> (i32, i32) {
    %c0_i32 = arith.constant 0 : i32
    %c0_i32_0 = arith.constant 0 : i32
    %c0_i32_1 = arith.constant 0 : i32
    return %c0_i32, %c0_i32_0 : i32, i32
  }
  func.func @transform_4(%arg0: i32) -> (i32, i32) {
    %c0_i32 = arith.constant 0 : i32
    %c0_i32_0 = arith.constant 0 : i32
    %c0_i32_1 = arith.constant 0 : i32
    return %c0_i32, %c0_i32_0 : i32, i32
  }
  func.func @transform_5(%arg0: i32) -> (i32, i32) {
    %c0_i32 = arith.constant 0 : i32
    %c0_i32_0 = arith.constant 0 : i32
    return %arg0, %c0_i32 : i32, i32
  }
}

</mosaic_0001>

<sc_bundles>
// kernel: kernel.16.cloned.1.call-start
scs
__scs_entry_jumppad:
0x0: {  	(pc) =	sbr.rel $0x88, $3  }
0x1: {  	(tag) =	ssettag $0x0;
	lr =	simm.s32 $0x1  }
0x2: {  	[smem:$0x3F88] =	sst lr;
	_ =	strace $0xD0000000  }
0x3: {  	_ = 	snop  }
0x4: {  	_ = 	snop  }
0x5: {  	_ = 	snop  }
0x6: {  	_ = 	snop  }
0x7: {  	_ = 	snop  }
__scs_overlays_trampoline_lowered:
0x8: {  	[smem:$0x3F97] =	sst s0  }
0x9: {  	[smem:$0x3F98] =	sst s1  }
0xa: {  	[smem:$0x3F99] =	sst s2  }
0xb: {  	[smem:$0x3F9A] =	sst s3  }
0xc: {  	[smem:$0x3F9B] =	sst s4  }
0xd: {  	[smem:$0x3F9C] =	sst s5  }
0xe: {  	[smem:$0x3F9D] =	sst s6  }
0xf: {  	[smem:$0x3F9E] =	sst s7  }
0x10: {  	[smem:$0x3F9F] =	sst s8  }
0x11: {  	[smem:$0x3FA0] =	sst s9;
	s0 =	simm.s32 @!p0 $0x0  }
0x12: {  	s1 =	sld [smem:$0x3F86];
	s0 =	simm.s32 @p0 $0x1  }
0x13: {  	[smem:$0x3FA1] =	sst s0;
	s0 =	simm.s32 @!p1 $0x0  }
0x14: {  	s2 =	sld [smem:$0x3F85];
	s0 =	simm.s32 @p1 $0x1  }
0x15: {  	[smem:$0x3FA2] =	sst s0;
	s0 =	simm.s32 @!p2 $0x0  }
0x16: {  	s3 =	sld [smem:$0x3FDB];
	s0 =	simm.s32 @p2 $0x1  }
0x17: {  	s4 =	simm.s32 $0x1BF5;
	[smem:$0x3FA4] =	sst s0  }
0x18: {  	s0 =	sld [smem:$0x3F87];
	_ =	swait.ge [sflag:s4], $0x0  }
0x19: {  	s7 =	sld [smem:$0x3F88]  }
0x1a: {  	s8 =	sadd.s32 $0xFFFFE003, lr  }
0x1b: {  	s9 =	sadd.s32 $0xFFFFFEF7, lr;
	s5 =	simm.s32 $0xFFFFFFFF;
	p2 =	slt.u32 s8, $0xFFFFF086  }
0x1c: {  	p1 =	slt.u32 s9, $0xF7A;
	s5 =	simm.s32 @!p2 $0x0  }
0x1d: {  	s5 =	simm.s32 @p1 $0x1;
	p0 =	seq.s32 s7, s2  }
0x1e: {  	s7 =	smul.u32 @!p0 $0xF7A, s2;
	p2 =	seq.s32 @!p0 s5, $0x0  }
0x1f: {  	s9 =	smul.u32 $0xF7A, s1;
	s8 =	simm.s32 @!p0 $0x1BF5;
	p2 =	por !p2, p0  }
0x20: {  	[sflag:s8] =	ssyncset.s32 @!p0 $0xFFFFF086;
	s6 =	sadd.s32 @!p0 s3, s7;
	s7 =	simm.s32 @!p0 $0x108  }
0x21: {  	s3 =	sadd.s32 s3, s9;
	s6 =	sadd.s32 @!p0 $0x88, s6;
	s7 =	simm.s32 @p2 $0x1082  }
0x22: {  	[simem:s7], [sflag:s8] =	dma.local @!p0 [hbm:s6], $0xF7A  }
0x23: {  	s9 =	sor.u32 $0xD0000000, s2;
	s6 =	simm.s32 $0x108;
	_ =	swait.ge @!p0 [sflag:s8], $0x0  }
0x24: {  	s3 =	sadd.s32 $0x88, s3;
	s6 =	simm.s32 @!p1 $0x1082;
	[sflag:s4] =	ssyncset.s32 $0xFFFFF086  }
0x25: {  	[simem:s6], [sflag:s4] =	dma.local [hbm:s3], $0xF7A  }
0x26: {  	[smem:$0x3F88] =	sst s1;
	(tag) =	ssettag s2;
	_ =	strace s9  }
0x27: {  	s1 =	sld [smem:$0x3F98]  }
0x28: {  	s2 =	sld [smem:$0x3F99]  }
0x29: {  	s4 =	sld [smem:$0x3F9B]  }
0x2a: {  	p0 =	seq.s32 s5, $0x0;
	s5 =	sld [smem:$0x3F9C]  }
0x2b: {  	s6 =	sld [smem:$0x3F9D]  }
0x2c: {  	s7 =	sld [smem:$0x3F9E]  }
0x2d: {  	s3 =	simm.s32 $0x108;
	s8 =	sld [smem:$0x3F9F]  }
0x2e: {  	s3 =	simm.s32 @!p0 $0x1082;
	s9 =	sld [smem:$0x3FA0]  }
0x2f: {  	lr =	sadd.s32 s0, s3;
	s0 =	sld [smem:$0x3F97]  }
0x30: {  	s3 =	sld [smem:$0x3F9A]  }
0x31: {  	[smem:$0x3FA3] =	sst s10  }
0x32: {  	s10 =	sld [smem:$0x3FA1];
	_ =	sdelay $0x3  }
0x33: {  	p0 =	seq.s32 s10, $0x1;
	s10 =	sld [smem:$0x3FA3];
	_ =	sdelay $0x3  }
0x34: {  	[smem:$0x3FA3] =	sst s10  }
0x35: {  	s10 =	sld [smem:$0x3FA2];
	_ =	sdelay $0x3  }
0x36: {  	p1 =	seq.s32 s10, $0x1;
	s10 =	sld [smem:$0x3FA3];
	_ =	sdelay $0x3  }
0x37: {  	[smem:$0x3FA3] =	sst s10  }
0x38: {  	s10 =	sld [smem:$0x3FA4]  }
0x39: {  	_ = 	snop;
	(pc) =	sbr.ind lr, $3  }
0x3a: {  	_ = 	snop  }
0x3b: {  	_ = 	snop  }
0x3c: {  	p2 =	seq.s32 s10, $0x1;
	s10 =	sld [smem:$0x3FA3]  }
0x3d: {  	_ =	shalt  }
0x3e: {  	_ =	shalt  }
0x3f: {  	_ =	shalt  }
0x40: {  	_ =	shalt  }
0x41: {  	_ =	shalt  }
0x42: {  	_ =	shalt  }
0x43: {  	_ =	shalt  }
0x44: {  	_ =	shalt  }
0x45: {  	_ =	shalt  }
0x46: {  	_ =	shalt  }
0x47: {  	_ =	shalt  }
0x48: {  	_ =	shalt  }
0x49: {  	_ =	shalt  }
0x4a: {  	_ =	shalt  }
0x4b: {  	_ =	shalt  }
0x4c: {  	_ =	shalt  }
0x4d: {  	_ =	shalt  }
0x4e: {  	_ =	shalt  }
0x4f: {  	_ =	shalt  }
0x50: {  	_ =	shalt  }
0x51: {  	_ =	shalt  }
0x52: {  	_ =	shalt  }
0x53: {  	_ =	shalt  }
0x54: {  	_ =	shalt  }
0x55: {  	_ =	shalt  }
0x56: {  	_ =	shalt  }
0x57: {  	_ =	shalt  }
0x58: {  	_ =	shalt  }
0x59: {  	_ =	shalt  }
0x5a: {  	_ =	shalt  }
0x5b: {  	_ =	shalt  }
0x5c: {  	_ =	shalt  }
0x5d: {  	_ =	shalt  }
0x5e: {  	_ =	shalt  }
0x5f: {  	_ =	shalt  }
0x60: {  	_ =	shalt  }
0x61: {  	_ =	shalt  }
0x62: {  	_ =	shalt  }
0x63: {  	_ =	shalt  }
0x64: {  	_ =	shalt  }
0x65: {  	_ =	shalt  }
0x66: {  	_ =	shalt  }
0x67: {  	_ =	shalt  }
0x68: {  	_ =	shalt  }
0x69: {  	_ =	shalt  }
0x6a: {  	_ =	shalt  }
0x6b: {  	_ =	shalt  }
0x6c: {  	_ =	shalt  }
0x6d: {  	_ =	shalt  }
0x6e: {  	_ =	shalt  }
0x6f: {  	_ =	shalt  }
0x70: {  	_ =	shalt  }
0x71: {  	_ =	shalt  }
0x72: {  	_ =	shalt  }
0x73: {  	_ =	shalt  }
0x74: {  	_ =	shalt  }
0x75: {  	_ =	shalt  }
0x76: {  	_ =	shalt  }
0x77: {  	_ =	shalt  }
0x78: {  	_ =	shalt  }
0x79: {  	_ =	shalt  }
0x7a: {  	_ =	shalt  }
0x7b: {  	_ =	shalt  }
0x7c: {  	_ =	shalt  }
0x7d: {  	_ =	shalt  }
0x7e: {  	_ =	shalt  }
0x7f: {  	_ =	shalt  }
0x80: {  	_ =	shalt  }
0x81: {  	_ =	shalt  }
0x82: {  	_ =	shalt  }
0x83: {  	_ =	shalt  }
0x84: {  	_ =	shalt  }
0x85: {  	_ =	shalt  }
0x86: {  	_ =	shalt  }
0x87: {  	_ =	shalt  }
.Lfunc_end0:
.L_simem_size_0:
called_computation_lowered:
.L_overlay_start_0:
0x88: {  	s2 =	sld [smem:$0x3FD9]  }
0x89: {  	s3 =	sld [smem:$0x3FFE];
	_ =	sdelay $0x1  }
0x8a: {  	s1 =	srdreg.scid  }
0x8b: {  	s0 =	sand.u32 $0x1, s1  }
0x8c: {  	s17 =	sshll.u32 s0, $0xA;
	s2 =	sadd.s32 s3, s2  }
0x8d: {  	s2 =	sadd.s32 s2, s17  }
0x8e: {  	[smem:$0x3FAF] =	sst s2  }
0x8f: {  	_ = 	snop  }
0x90: {  	(tm) =	ssettm $0x1  }
0x91: {  	s18 =	sld [smem:$0x3FFB];
	_ =	sdelay $0x3  }
0x92: {  	_ =	strace s18  }
0x93: {  	s2 =	sld [smem:$0x3FFC];
	_ =	sdelay $0x3  }
0x94: {  	_ =	strace s2  }
0x95: {  	s2 =	sld [smem:$0x3FFD];
	_ =	sdelay $0x3  }
0x96: {  	_ =	strace s2  }
0x97: {  	_ =	strace $0x8FFFFFFF  }
0x98: {  	s19 =	sld [smem:$0x3FDB];
	_ =	sdelay $0x1  }
0x99: {  	s20 =	simm.s32 $_scs_section_size  }
0x9a: {  	s4 =	simm.s32 $_size__tile_overlayer_lowered;
	s5 =	simm.s32 $_tile_overlayer_lowered  }
0x9b: {  	s6 =	simm.s32 $0x1BFF;
	s21 =	sshll.u32 s5, $0x1;
	s3 =	sadd.s32 s20, s19  }
0x9c: {  	s22 =	simm.s32 $0x0;
	s4 =	sshll.u32 s4, $0x1;
	s5 =	sadd.s32 s21, s3  }
0x9d: {  	[timem:s22], [sflag:s6] =	dma.local [hbm:s5], s4  }
0x9e: {  	_ =	swait.ge [sflag:s6], s4  }
0x9f: {  	s4 =	ssub.s32 $0x0, s4;
	[sflag:s6] =	ssyncset.done $0x0  }
0xa0: {  	[sflag:s6] =	ssyncadd.s32 s4;
	_ =	sdelay $0x1  }
0xa1: {  	s23 =	simm.s32 $0x1B8B  }
0xa2: {  	_ =	swait.ge [sflag:s23], $0x1  }
0xa3: {  	[sflag:s23] =	ssyncset.done $0x0  }
0xa4: {  	[sflag:s23] =	ssyncadd.s32 $0xFFFFFFFF  }
0xa5: {  	s4 =	sld [smem:$0x0]  }
0xa6: {  	s5 =	sand.u32 $0xFFFFFFFE, s1  }
0xa7: {  	p0 =	sne.s32 s1, s5  }
0xa8: {  	s5 =	sshll.u32 @p0 s5, $0xE  }
0xa9: {  	s5 =	sadd.s32 @p0 $0x11B8D, s5;
	s6 =	sshll.u32 @p0 s4, $0x11  }
0xaa: {  	s5 =	sor.u32 @p0 s6, s5  }
0xab: {  	[sflag:s5] =	ssyncadd.remote.s32 @p0 $0x1;
	_ =	sdelay $0x1  }
0xac: {  	s5 =	simm.s32 @p0 $0x1B8D  }
0xad: {  	_ =	swait.eq @p0 [sflag:s5], $0x1  }
0xae: {  	[sflag:s5] =	ssyncadd.s32 @p0 $0xFFFFFFFF  }
0xaf: {  	s6 =	sshll.u32 @!p0 s1, $0xE  }
0xb0: {  	s6 =	sor.u32 @!p0 $0x4000, s6;
	s5 =	simm.s32 @!p0 $0x1B8D  }
0xb1: {  	s4 =	sshll.u32 @!p0 s4, $0x11;
	s6 =	sadd.s32 @!p0 $0x11B8D, s6;
	_ =	swait.eq @!p0 [sflag:s5], $0x1  }
0xb2: {  	s4 =	sor.u32 @!p0 s4, s6;
	[sflag:s5] =	ssyncadd.s32 @!p0 $0xFFFFFFFF  }
0xb3: {  	s25 =	simm.s32 $0x1B8E;
	s24 =	sld [smem:$0x3FFE];
	[sflag:s4] =	ssyncadd.remote.s32 @!p0 $0x1  }
0xb4: {  	s26 =	simm.s32 $execute0_lowered;
	[smem:$0x3FD2] =	sst s25  }
0xb5: {  	s5 =	sshll.u32 s26, $0x1;
	_ =	strace $0x80000049;
	[dreg:$0x1] =	wrdreg $0xFFFFFFFF  }
0xb6: {  	s28 =	simm.s32 $_size_execute0_lowered;
	s3 =	sadd.s32 s3, s5;
	[dreg:$0x0] =	wrdreg $0x0  }
0xb7: {  	s5 =	sshll.u32 s28, $0x1;
	[dreg:$0x2] =	wrdreg s3  }
0xb8: {  	[dreg:$0x3] =	wrdreg s5  }
0xb9: {  	[dreg:$0x4] =	wrdreg $0xC0  }
0xba: {  	_ =	task [dreg:s22], $0x5FFFF  }
0xbb: {  	[dreg:$0x1] =	wrdreg $0xFFFFFFFF  }
0xbc: {  	[dreg:$0x0] =	wrdreg $0x60  }
0xbd: {  	[dreg:$0x2] =	wrdreg s24  }
0xbe: {  	[dreg:$0x3] =	wrdreg $0xD3400  }
0xbf: {  	[dreg:$0x4] =	wrdreg $0x9  }
0xc0: {  	_ =	task.clear_ibuf [dreg:s22], $0x5FFFF;
	_ =	strace $0x90000049  }
0xc1: {  	s29 =	simm.s32 $0x9;
	_ =	strace $0x8000004B  }
0xc2: {  	_ =	swait.ge [sflag:s29], $0x1  }
0xc3: {  	[sflag:s29] =	ssyncadd.s32 $0xFFFFFFFF  }
0xc4: {  	_ =	strace $0x9000004B  }
0xc5: {  	_ =	sfence  }
0xc6: {  	s30 =	sld [smem:$0x0];
	_ =	sdelay $0x2  }
0xc7: {  	s31 =	sshll.u32 s1, $0xD;
	s1 =	sshrl.u32 s1, $0x2  }
0xc8: {  	s4 =	sand.u32 $0x4000, s31;
	s1 =	sadd.s32 s1, s30  }
0xc9: {  	s0 =	sor.u32 s4, s0;
	s1 =	sshll.u32 s1, $0x11  }
0xca: {  	s0 =	sor.u32 s1, s0  }
0xcb: {  	s0 =	sadd.s32 $0x8F2B, s0  }
0xcc: {  	[sflag:s0] =	ssyncadd.remote.s32 $0x1  }
0xcd: {  	_ =	sfence.sel $0xFFFF  }
0xce: {  	[dreg:$0x0] =	wrdreg $0xFFFFFFFF;
	(pc) =	sbr.abs _section_cstart, $3  }
0xcf: {  	[dreg:$0x1] =	wrdreg $0xFFFFFFFF  }
0xd0: {  	_ =	task.clear_ibuf [dreg:s22], $0x2FFFF;
	_ =	strace $0x9FFFFFFF  }
0xd1: {  	(tm) =	ssettm $0x7FFFFFFF  }
tec
execute0_lowered:
.L_overlay_start_1:
0x0: {  	(tag) =	ssettag $0x1  }
0x1: {  	s5 =	rddreg [dreg:$0x0]  }
0x2: {  	s1 =	rddreg [dreg:$0x1]  }
0x3: {  	s2 =	srdreg.scid;
	s0 =	rddreg [dreg:$0x2]  }
0x4: {  	s3 =	simm.s32 $0x0;
	s18 =	simm.s32 $0x2800;
	s19 =	simm.s32 $0x7D  }
0x5: {  	s20 =	simm.s32 $0x5000;
	s21 =	simm.s32 $0x1;
	s22 =	sand.u32 $0x1, s2  }
0x6: {  	s2 =	stileid.u32;
	[smem:$0x7FF] =	sst s3;
	s12 =	sadd.s32 $0x7E000, s5  }
0x7: {  	s14 =	sadd.s32 $0x6A600, s5;
	s4 =	sshll.u32 s22, $0x4;
	_ =	strace $0x8000004A  }
0x8: {  	s7 =	ssub.s32 $0x2, s22;
	s8 =	smul.u32 $0x19000, s2;
	s10 =	sor.u32 $0x10, s2  }
0x9: {  	s31 =	smul.u32 $0x6400, s2;
	p2 =	slt.u32 s2, $0x9;
	p1 =	seq.s32 s22, $0x0  }
0xa: {  	p0 =	seq.s32 s22, $0x1;
	p3 =	sgt.u32 s2, $0x8;
	p4 =	sne.s32 s22, $0x0  }
0xb: {  	s22 =	simm.s32 $0x0;
	s6 =	sor.u32 s2, s4;
	s11 =	smul.u32 $0x19000, s10  }
0xc: {  	s4 =	sadd.s32 $0x56C00, s5;
	s28 =	sshrl.u32 s7, $0x1;
	s16 =	smul.u32 $0x6400, s10  }
0xd: {  	p1 =	por !p2, !p1;
	p2 =	por !p2, !p0;
	s6 =	smul.u32 $0x500, s6  }
0xe: {  	s15 =	ssub.s32 s7, s28;
	s29 =	sshrl.u32 s8, $0x2;
	s13 =	sshrl.u32 s31, $0x3  }
0xf: {  	s10 =	sadd.s32 s31, s1;
	p1 =	por !p1, !p1;
	p2 =	por !p2, !p2  }
0x10: {  	s30 =	sshrl.u32 s11, $0x2;
	s11 =	sadd.s32 s14, s13;
	s17 =	sshrl.u32 s16, $0x3  }
0x11: {  	s15 =	smax.u32 s15, $0x1;
	s9 =	sadd.s32 s6, s5;
	s5 =	sadd.s32 s29, s1  }
0x12: {  	s6 =	sadd.s32 s30, s1;
	s14 =	sadd.s32 s14, s17;
	s7 =	sadd.s32 $0x11E00, s9  }
0x13: {  	s8 =	sadd.s32 $0x7E00, s9;
	s9 =	sadd.s32 s12, s13;
	s12 =	sadd.s32 s12, s17  }
0x14: {  	v0 =	vimm.f32 $0.0e+00;
	s13 =	sadd.s32 s16, s1;
	s16 =	simm.s32 $0x6F40;
	s17 =	simm.s32 $0x2  }
.LBB2_1:
0x15: {  	s23 =	sand.u32 $0x1FF00, s3  }
0x16: {  	s24 =	sand.u32 $0x30, s3;
	s25 =	sshrl.u32 s23, $0x2  }
0x17: {  	s23 =	simm.s32 $0x40;
	s25 =	sor.u32 s24, s25;
	s24 =	simm.s32 $0x0  }
.LBB2_2:
0x18: {  	p5 =	sne.s32 s23, $0x18FC0  }
0x19: {  	[tilespmem:s25+$0x6F40] =	vst v0;
	s24 =	sadd.s32 $0x10, s24;
	s25 =	smov.u32 s23;
	s23 =	sadd.s32 $0x40, s23  }
.Ltmp0:
0x1a: {  	(pc) =	sbr.rel @p5 .LBB2_2-.Ltmp0, $4  }
0x1b: {  	_ = 	snop  }
0x1c: {  	s25 =	sand.u32 $0x1FF00, s25  }
0x1d: {  	s26 =	sand.u32 $0x30, s24;
	s25 =	sshrl.u32 s25, $0x2  }
0x1e: {  	s25 =	sor.u32 s26, s25  }
0x1f: {  	[tilespmem:s25+$0x6F40] =	vst v0  }
0x20: {  	[spmem:s5] =	stream.linear.scatter [tilespmem:s16], [sflag:$0x2], $0x6400, $0x38;
	[tilespmem:$0x16F80] =	vst v63  }
0x21: {  	_ =	swait.ge [sflag:s17], $0x6400  }
0x22: {  	[sflag:s17] =	ssyncset.done $0x0  }
0x23: {  	s23 =	simm.s32 @!p3 $0x6F40;
	[sflag:s17] =	ssyncadd.s32 $0xFFFF9C00  }
0x24: {  	[spmem:s6] =	stream.linear.scatter @!p3 [tilespmem:s23], [sflag:$0x2], $0x6400, $0x38;
	[tilespmem:$0x16F80] =	vst v63  }
0x25: {  	s23 =	simm.s32 @!p3 $0x2  }
0x26: {  	_ =	swait.ge @!p3 [sflag:s23], $0x6400  }
0x27: {  	[sflag:s23] =	ssyncset.done @!p3 $0x0  }
0x28: {  	s29 =	simm.s32 $0x0;
	[sflag:s23] =	ssyncadd.s32 @!p3 $0xFFFF9C00  }
0x29: {  	[tilespmem:s29], [sflag:$0x2] =	stream.linear.gather [hbm4b:s7+s29], $0x2800, $0x38;
	[tilespmem:$0x16F80] =	vst v63  }
0x2a: {  	_ =	swait.ge [sflag:s17], $0x2800  }
0x2b: {  	[sflag:s17] =	ssyncset.done $0x0  }
0x2c: {  	[sflag:s17] =	ssyncadd.s32 $0xFFFFD800  }
0x2d: {  	[tilespmem:s18], [sflag:$0x2] =	stream.linear.gather [hbm4b:s8+s29], $0x2800, $0x38;
	[tilespmem:$0x16F80] =	vst v63  }
0x2e: {  	_ =	swait.ge [sflag:s17], $0x2800  }
0x2f: {  	[sflag:s17] =	ssyncset.done $0x0  }
0x30: {  	[sflag:s17] =	ssyncadd.s32 $0xFFFFD800  }
0x31: {  	s30 =	simm.s32 $0x0;
	[bflag:$0x0] =	sbarrier.arrive $0xFFFF  }
0x32: {  	[tilespmem:s20], [sflag:$0x1] =	stream.indirect.gather [hbm4b:s4+s19], $0x40, s30, s19, $0xb8;
	[tilespmem:$0x16F80] =	vst v63  }
0x33: {  	_ =	swait.ge [sflag:s21], $0x1F40  }
0x34: {  	[sflag:s21] =	ssyncset.done $0x0  }
0x35: {  	s31 =	simm.s32 $0x2800;
	[sflag:s21] =	ssyncadd.s32 $0xFFFFE0C0  }
0x36: {  	[spmem:s1] =	stream.indirect.scatter.add.f32 [tilespmem:s20], [sflag:$0x2], $0x40, s31, s19, $0xb8;
	[tilespmem:$0x16F80] =	vst v63  }
0x37: {  	_ =	swait.ge [sflag:s17], $0x1F40  }
0x38: {  	s24 =	simm.s32 $0x400;
	s23 =	simm.s32 $0x200;
	[sflag:s17] =	ssyncset.done $0x0  }
.LBB2_4:
0x39: {  	s25 =	sshra.s32 s23, $0x2  }
0x3a: {  	[sflag:s17] =	ssyncadd.s32 $0xFFFFE0C0;
	s23 =	smov.u32 s24;
	s26 =	sadd.s32 $0x200, s24  }
0x3b: {  	[tilespmem:s20], [sflag:$0x1] =	stream.indirect.gather [hbm4b:s4+s19], $0x40, s25, s19, $0xb8;
	[tilespmem:$0x16F80] =	vst v63  }
0x3c: {  	p5 =	sne.s32 s24, $0x9E00;
	_ =	swait.ge [sflag:s21], $0x1F40  }
.Ltmp1:
0x3d: {  	[sflag:s21] =	ssyncset.done $0x0;
	(pc) =	sbr.rel @p5 .LBB2_4-.Ltmp1, $4  }
0x3e: {  	s24 =	sadd.s32 $0x2800, s25;
	[sflag:s21] =	ssyncadd.s32 $0xFFFFE0C0  }
0x3f: {  	[spmem:s1] =	stream.indirect.scatter.add.f32 [tilespmem:s20], [sflag:$0x2], $0x40, s24, s19, $0xb8;
	[tilespmem:$0x16F80] =	vst v63  }
0x40: {  	_ =	swait.ge [sflag:s17], $0x1F40  }
0x41: {  	s24 =	smov.u32 s26;
	[sflag:s17] =	ssyncset.done $0x0  }
0x42: {  	s23 =	sshra.s32 s23, $0x2;
	[sflag:s17] =	ssyncadd.s32 $0xFFFFE0C0  }
0x43: {  	[tilespmem:s20], [sflag:$0x1] =	stream.indirect.gather [hbm4b:s4+s19], $0x40, s23, s19, $0xb8;
	[tilespmem:$0x16F80] =	vst v63  }
0x44: {  	_ =	swait.ge [sflag:s21], $0x1F40  }
0x45: {  	[sflag:s21] =	ssyncset.done $0x0  }
0x46: {  	s23 =	sadd.s32 $0x2800, s23;
	[sflag:s21] =	ssyncadd.s32 $0xFFFFE0C0  }
0x47: {  	[spmem:s1] =	stream.indirect.scatter.add.f32 [tilespmem:s20], [sflag:$0x2], $0x40, s23, s19, $0xb8;
	[tilespmem:$0x16F80] =	vst v63  }
0x48: {  	_ =	swait.ge [sflag:s17], $0x1F40  }
0x49: {  	[sflag:s17] =	ssyncset.done $0x0  }
0x4a: {  	s23 =	sshll.u32 @!p4 s2, $0x6;
	[sflag:s17] =	ssyncadd.s32 $0xFFFFE0C0  }
0x4b: {  	s24 =	sshrl.u32 @!p4 s10, $0x3;
	s23 =	sor.u32 @!p4 $0x1C02, s23;
	[bflag:$0x0] =	sbarrier.arrive $0xFFFF  }
0x4c: {  	[hbm:s9], [sflag:s23] =	dma.local @!p4 [spmem:s24], $0xC80  }
0x4d: {  	s23 =	simm.s32 @!p4 $0x2  }
0x4e: {  	_ =	swait.ge @!p4 [sflag:s23], $0xC80  }
0x4f: {  	s24 =	sshll.u32 @p0 s2, $0x6;
	[sflag:s23] =	ssyncset.done @!p4 $0x0  }
0x50: {  	[sflag:s23] =	ssyncadd.s32 @!p4 $0xFFFFF380;
	s23 =	sor.u32 @p0 $0x1C02, s24;
	s24 =	sshrl.u32 @p0 s10, $0x3  }
0x51: {  	[hbm:s11], [sflag:s23] =	dma.local @p0 [spmem:s24], $0xC80  }
0x52: {  	s23 =	simm.s32 @p0 $0x2  }
0x53: {  	_ =	swait.ge @p0 [sflag:s23], $0xC80  }
0x54: {  	s24 =	sshll.u32 @p1 s2, $0x6;
	[sflag:s23] =	ssyncset.done @p0 $0x0  }
0x55: {  	[sflag:s23] =	ssyncadd.s32 @p0 $0xFFFFF380;
	s23 =	sor.u32 @p1 $0x1C02, s24;
	s24 =	sshrl.u32 @p1 s13, $0x3  }
0x56: {  	[hbm:s12], [sflag:s23] =	dma.local @p1 [spmem:s24], $0xC80  }
0x57: {  	s23 =	simm.s32 @p1 $0x2  }
0x58: {  	s22 =	sadd.s32 $0x1, s22;
	_ =	swait.ge @p1 [sflag:s23], $0xC80  }
0x59: {  	p5 =	sne.s32 s22, s15;
	s24 =	sshll.u32 @p2 s2, $0x6;
	[sflag:s23] =	ssyncset.done @p1 $0x0  }
0x5a: {  	[sflag:s23] =	ssyncadd.s32 @p1 $0xFFFFF380;
	s23 =	sor.u32 @p2 $0x1C02, s24;
	s24 =	sshrl.u32 @p2 s13, $0x3  }
0x5b: {  	[hbm:s14], [sflag:s23] =	dma.local @p2 [spmem:s24], $0xC80  }
.Ltmp2:
0x5c: {  	_ = 	snop;
	(pc) =	sbr.rel @p5 .LBB2_1-.Ltmp2, $4  }
0x5d: {  	s23 =	simm.s32 @p2 $0x2  }
0x5e: {  	_ =	swait.ge @p2 [sflag:s23], $0xC80  }
0x5f: {  	[sflag:s23] =	ssyncset.done @p2 $0x0  }
0x60: {  	[sflag:s23] =	ssyncadd.s32 @p2 $0xFFFFF380  }
0x61: {  	_ =	sfence.sel $0x180000  }
0x62: {  	[bflag:$0x0] =	sbarrier.arrive $0xFFFF  }
0x63: {  	p0 =	sne.s32 s2, $0x0;
	_ =	strace $0x9000004A  }
0x64: {  	s0 =	sadd.s32 @!p0 $0x100000, s0;
	[bflag:$0x2] =	sbarrier.arrive $0xFFFF  }
0x65: {  	[sflag:s0] =	ssyncadd.tile.s32 @!p0 $0x1;
	_ =	shalt  }
.Lfunc_end2:
_tile_overlayer_lowered:
.L_overlay_start_2:
0x66: {  	(tag) =	ssettag $0x2  }
0x67: {  	s0 =	rddreg [dreg:$0x0];
	s2 =	stileid.u32  }
0x68: {  	s1 =	rddreg [dreg:$0x1];
	p0 =	sne.s32 s2, $0x0  }
0x69: {  	s3 =	rddreg [dreg:$0x2];
	[bflag:$0x3] =	sbarrier.arrive $0xFFFF;
	s2 =	simm.s32 @!p0 $0x1C02  }
0x6a: {  	[timem:s3], [sflag:s2] =	dma.local @!p0 [hbm:s0], s1  }
0x6b: {  	s0 =	simm.s32 @!p0 $0x2  }
0x6c: {  	_ =	swait.ge @!p0 [sflag:s0], s1  }
0x6d: {  	s1 =	ssub.s32 @!p0 $0x0, s1;
	[sflag:s0] =	ssyncset.done @!p0 $0x0  }
0x6e: {  	[sflag:s0] =	ssyncadd.s32 @!p0 s1  }
0x6f: {  	[bflag:$0x3] =	sbarrier.arrive $0xFFFF  }
0x70: {  	_ =	shalt  }

// kernel: kernel.19.cloned.1.call-start
scs
__scs_entry_jumppad:
0x0: {  	(pc) =	sbr.rel $0x88, $3  }
0x1: {  	(tag) =	ssettag $0x0;
	lr =	simm.s32 $0x1  }
0x2: {  	[smem:$0x3F88] =	sst lr;
	_ =	strace $0xD0000000  }
0x3: {  	_ = 	snop  }
0x4: {  	_ = 	snop  }
0x5: {  	_ = 	snop  }
0x6: {  	_ = 	snop  }
0x7: {  	_ = 	snop  }
__scs_overlays_trampoline_lowered:
0x8: {  	[smem:$0x3F97] =	sst s0  }
0x9: {  	[smem:$0x3F98] =	sst s1  }
0xa: {  	[smem:$0x3F99] =	sst s2  }
0xb: {  	[smem:$0x3F9A] =	sst s3  }
0xc: {  	[smem:$0x3F9B] =	sst s4  }
0xd: {  	[smem:$0x3F9C] =	sst s5  }
0xe: {  	[smem:$0x3F9D] =	sst s6  }
0xf: {  	[smem:$0x3F9E] =	sst s7  }
0x10: {  	[smem:$0x3F9F] =	sst s8  }
0x11: {  	[smem:$0x3FA0] =	sst s9;
	s0 =	simm.s32 @!p0 $0x0  }
0x12: {  	s1 =	sld [smem:$0x3F86];
	s0 =	simm.s32 @p0 $0x1  }
0x13: {  	[smem:$0x3FA1] =	sst s0;
	s0 =	simm.s32 @!p1 $0x0  }
0x14: {  	s2 =	sld [smem:$0x3F85];
	s0 =	simm.s32 @p1 $0x1  }
0x15: {  	[smem:$0x3FA2] =	sst s0;
	s0 =	simm.s32 @!p2 $0x0  }
0x16: {  	s3 =	sld [smem:$0x3FDB];
	s0 =	simm.s32 @p2 $0x1  }
0x17: {  	s4 =	simm.s32 $0x1BF5;
	[smem:$0x3FA4] =	sst s0  }
0x18: {  	s0 =	sld [smem:$0x3F87];
	_ =	swait.ge [sflag:s4], $0x0  }
0x19: {  	s7 =	sld [smem:$0x3F88]  }
0x1a: {  	s8 =	sadd.s32 $0xFFFFE003, lr  }
0x1b: {  	s9 =	sadd.s32 $0xFFFFFEF7, lr;
	s5 =	simm.s32 $0xFFFFFFFF;
	p2 =	slt.u32 s8, $0xFFFFF086  }
0x1c: {  	p1 =	slt.u32 s9, $0xF7A;
	s5 =	simm.s32 @!p2 $0x0  }
0x1d: {  	s5 =	simm.s32 @p1 $0x1;
	p0 =	seq.s32 s7, s2  }
0x1e: {  	s7 =	smul.u32 @!p0 $0xF7A, s2;
	p2 =	seq.s32 @!p0 s5, $0x0  }
0x1f: {  	s9 =	smul.u32 $0xF7A, s1;
	s8 =	simm.s32 @!p0 $0x1BF5;
	p2 =	por !p2, p0  }
0x20: {  	[sflag:s8] =	ssyncset.s32 @!p0 $0xFFFFF086;
	s6 =	sadd.s32 @!p0 s3, s7;
	s7 =	simm.s32 @!p0 $0x108  }
0x21: {  	s3 =	sadd.s32 s3, s9;
	s6 =	sadd.s32 @!p0 $0x88, s6;
	s7 =	simm.s32 @p2 $0x1082  }
0x22: {  	[simem:s7], [sflag:s8] =	dma.local @!p0 [hbm:s6], $0xF7A  }
0x23: {  	s9 =	sor.u32 $0xD0000000, s2;
	s6 =	simm.s32 $0x108;
	_ =	swait.ge @!p0 [sflag:s8], $0x0  }
0x24: {  	s3 =	sadd.s32 $0x88, s3;
	s6 =	simm.s32 @!p1 $0x1082;
	[sflag:s4] =	ssyncset.s32 $0xFFFFF086  }
0x25: {  	[simem:s6], [sflag:s4] =	dma.local [hbm:s3], $0xF7A  }
0x26: {  	[smem:$0x3F88] =	sst s1;
	(tag) =	ssettag s2;
	_ =	strace s9  }
0x27: {  	s1 =	sld [smem:$0x3F98]  }
0x28: {  	s2 =	sld [smem:$0x3F99]  }
0x29: {  	s4 =	sld [smem:$0x3F9B]  }
0x2a: {  	p0 =	seq.s32 s5, $0x0;
	s5 =	sld [smem:$0x3F9C]  }
0x2b: {  	s6 =	sld [smem:$0x3F9D]  }
0x2c: {  	s7 =	sld [smem:$0x3F9E]  }
0x2d: {  	s3 =	simm.s32 $0x108;
	s8 =	sld [smem:$0x3F9F]  }
0x2e: {  	s3 =	simm.s32 @!p0 $0x1082;
	s9 =	sld [smem:$0x3FA0]  }
0x2f: {  	lr =	sadd.s32 s0, s3;
	s0 =	sld [smem:$0x3F97]  }
0x30: {  	s3 =	sld [smem:$0x3F9A]  }
0x31: {  	[smem:$0x3FA3] =	sst s10  }
0x32: {  	s10 =	sld [smem:$0x3FA1];
	_ =	sdelay $0x3  }
0x33: {  	p0 =	seq.s32 s10, $0x1;
	s10 =	sld [smem:$0x3FA3];
	_ =	sdelay $0x3  }
0x34: {  	[smem:$0x3FA3] =	sst s10  }
0x35: {  	s10 =	sld [smem:$0x3FA2];
	_ =	sdelay $0x3  }
0x36: {  	p1 =	seq.s32 s10, $0x1;
	s10 =	sld [smem:$0x3FA3];
	_ =	sdelay $0x3  }
0x37: {  	[smem:$0x3FA3] =	sst s10  }
0x38: {  	s10 =	sld [smem:$0x3FA4]  }
0x39: {  	_ = 	snop;
	(pc) =	sbr.ind lr, $3  }
0x3a: {  	_ = 	snop  }
0x3b: {  	_ = 	snop  }
0x3c: {  	p2 =	seq.s32 s10, $0x1;
	s10 =	sld [smem:$0x3FA3]  }
0x3d: {  	_ =	shalt  }
0x3e: {  	_ =	shalt  }
0x3f: {  	_ =	shalt  }
0x40: {  	_ =	shalt  }
0x41: {  	_ =	shalt  }
0x42: {  	_ =	shalt  }
0x43: {  	_ =	shalt  }
0x44: {  	_ =	shalt  }
0x45: {  	_ =	shalt  }
0x46: {  	_ =	shalt  }
0x47: {  	_ =	shalt  }
0x48: {  	_ =	shalt  }
0x49: {  	_ =	shalt  }
0x4a: {  	_ =	shalt  }
0x4b: {  	_ =	shalt  }
0x4c: {  	_ =	shalt  }
0x4d: {  	_ =	shalt  }
0x4e: {  	_ =	shalt  }
0x4f: {  	_ =	shalt  }
0x50: {  	_ =	shalt  }
0x51: {  	_ =	shalt  }
0x52: {  	_ =	shalt  }
0x53: {  	_ =	shalt  }
0x54: {  	_ =	shalt  }
0x55: {  	_ =	shalt  }
0x56: {  	_ =	shalt  }
0x57: {  	_ =	shalt  }
0x58: {  	_ =	shalt  }
0x59: {  	_ =	shalt  }
0x5a: {  	_ =	shalt  }
0x5b: {  	_ =	shalt  }
0x5c: {  	_ =	shalt  }
0x5d: {  	_ =	shalt  }
0x5e: {  	_ =	shalt  }
0x5f: {  	_ =	shalt  }
0x60: {  	_ =	shalt  }
0x61: {  	_ =	shalt  }
0x62: {  	_ =	shalt  }
0x63: {  	_ =	shalt  }
0x64: {  	_ =	shalt  }
0x65: {  	_ =	shalt  }
0x66: {  	_ =	shalt  }
0x67: {  	_ =	shalt  }
0x68: {  	_ =	shalt  }
0x69: {  	_ =	shalt  }
0x6a: {  	_ =	shalt  }
0x6b: {  	_ =	shalt  }
0x6c: {  	_ =	shalt  }
0x6d: {  	_ =	shalt  }
0x6e: {  	_ =	shalt  }
0x6f: {  	_ =	shalt  }
0x70: {  	_ =	shalt  }
0x71: {  	_ =	shalt  }
0x72: {  	_ =	shalt  }
0x73: {  	_ =	shalt  }
0x74: {  	_ =	shalt  }
0x75: {  	_ =	shalt  }
0x76: {  	_ =	shalt  }
0x77: {  	_ =	shalt  }
0x78: {  	_ =	shalt  }
0x79: {  	_ =	shalt  }
0x7a: {  	_ =	shalt  }
0x7b: {  	_ =	shalt  }
0x7c: {  	_ =	shalt  }
0x7d: {  	_ =	shalt  }
0x7e: {  	_ =	shalt  }
0x7f: {  	_ =	shalt  }
0x80: {  	_ =	shalt  }
0x81: {  	_ =	shalt  }
0x82: {  	_ =	shalt  }
0x83: {  	_ =	shalt  }
0x84: {  	_ =	shalt  }
0x85: {  	_ =	shalt  }
0x86: {  	_ =	shalt  }
0x87: {  	_ =	shalt  }
.Lfunc_end0:
.L_simem_size_0:
called_computation.1_lowered:
.L_overlay_start_0:
0x88: {  	s2 =	sld [smem:$0x3FD9]  }
0x89: {  	s3 =	sld [smem:$0x3FFE];
	_ =	sdelay $0x1  }
0x8a: {  	s1 =	srdreg.scid  }
0x8b: {  	s0 =	sand.u32 $0x1, s1  }
0x8c: {  	s16 =	sshll.u32 s0, $0xA;
	s2 =	sadd.s32 s3, s2  }
0x8d: {  	s2 =	sadd.s32 s2, s16  }
0x8e: {  	[smem:$0x3FAF] =	sst s2  }
0x8f: {  	_ = 	snop  }
0x90: {  	(tm) =	ssettm $0x1  }
0x91: {  	s17 =	sld [smem:$0x3FFB];
	_ =	sdelay $0x3  }
0x92: {  	_ =	strace s17  }
0x93: {  	s2 =	sld [smem:$0x3FFC];
	_ =	sdelay $0x3  }
0x94: {  	_ =	strace s2  }
0x95: {  	s2 =	sld [smem:$0x3FFD];
	_ =	sdelay $0x3  }
0x96: {  	_ =	strace s2  }
0x97: {  	_ =	strace $0x8FFFFFFF  }
0x98: {  	s18 =	sld [smem:$0x3FDB];
	_ =	sdelay $0x1  }
0x99: {  	s19 =	simm.s32 $_scs_section_size  }
0x9a: {  	s4 =	simm.s32 $_size__tile_overlayer_lowered;
	s5 =	simm.s32 $_tile_overlayer_lowered  }
0x9b: {  	s22 =	simm.s32 $0x1BFF;
	s21 =	sshll.u32 s5, $0x1;
	s2 =	sadd.s32 s19, s18  }
0x9c: {  	s6 =	simm.s32 $0x0;
	s20 =	sshll.u32 s4, $0x1;
	s4 =	sadd.s32 s21, s2  }
0x9d: {  	[timem:s6], [sflag:s22] =	dma.local [hbm:s4], s20  }
0x9e: {  	_ =	swait.ge [sflag:s22], s20  }
0x9f: {  	s3 =	ssub.s32 $0x0, s20;
	[sflag:s22] =	ssyncset.done $0x0  }
0xa0: {  	[sflag:s22] =	ssyncadd.s32 s3;
	_ =	sdelay $0x1  }
0xa1: {  	s23 =	simm.s32 $0x1B8B  }
0xa2: {  	_ =	swait.ge [sflag:s23], $0x1  }
0xa3: {  	[sflag:s23] =	ssyncset.done $0x0  }
0xa4: {  	s25 =	simm.s32 $0x1B8E;
	s24 =	sld [smem:$0x3FFE];
	[sflag:s23] =	ssyncadd.s32 $0xFFFFFFFF  }
0xa5: {  	s26 =	simm.s32 $execute0_lowered;
	[smem:$0x3FD2] =	sst s25  }
0xa6: {  	s4 =	sshll.u32 s26, $0x1;
	_ =	strace $0x80000046;
	[dreg:$0x1] =	wrdreg $0xFFFFFFFF  }
0xa7: {  	s28 =	simm.s32 $_size_execute0_lowered;
	s2 =	sadd.s32 s2, s4;
	[dreg:$0x0] =	wrdreg $0x0  }
0xa8: {  	s4 =	sshll.u32 s28, $0x1;
	[dreg:$0x2] =	wrdreg s2  }
0xa9: {  	[dreg:$0x3] =	wrdreg s4  }
0xaa: {  	[dreg:$0x4] =	wrdreg $0xC0  }
0xab: {  	_ =	task [dreg:s6], $0x5FFFF  }
0xac: {  	[dreg:$0x1] =	wrdreg $0xFFFFFFFF  }
0xad: {  	[dreg:$0x0] =	wrdreg $0x60  }
0xae: {  	[dreg:$0x2] =	wrdreg s24  }
0xaf: {  	[dreg:$0x3] =	wrdreg $0xD3400  }
0xb0: {  	[dreg:$0x4] =	wrdreg $0xA  }
0xb1: {  	_ =	task.clear_ibuf [dreg:s6], $0x5FFFF;
	_ =	strace $0x90000046  }
0xb2: {  	s29 =	simm.s32 $0xA;
	_ =	strace $0x80000048  }
0xb3: {  	_ =	swait.ge [sflag:s29], $0x1  }
0xb4: {  	[sflag:s29] =	ssyncadd.s32 $0xFFFFFFFF  }
0xb5: {  	_ =	strace $0x90000048  }
0xb6: {  	_ =	sfence  }
0xb7: {  	s30 =	sld [smem:$0x0];
	_ =	sdelay $0x2  }
0xb8: {  	s31 =	sshll.u32 s1, $0xD;
	s1 =	sshrl.u32 s1, $0x2  }
0xb9: {  	s3 =	sand.u32 $0x4000, s31;
	s1 =	sadd.s32 s1, s30  }
0xba: {  	s0 =	sor.u32 s3, s0;
	s1 =	sshll.u32 s1, $0x11  }
0xbb: {  	s0 =	sor.u32 s1, s0  }
0xbc: {  	s0 =	sadd.s32 $0x8F2B, s0  }
0xbd: {  	[sflag:s0] =	ssyncadd.remote.s32 $0x1  }
0xbe: {  	_ =	sfence.sel $0xFFFF  }
0xbf: {  	[dreg:$0x0] =	wrdreg $0xFFFFFFFF;
	(pc) =	sbr.abs _section_cstart, $3  }
0xc0: {  	[dreg:$0x1] =	wrdreg $0xFFFFFFFF  }
0xc1: {  	_ =	task.clear_ibuf [dreg:s6], $0x2FFFF;
	_ =	strace $0x9FFFFFFF  }
0xc2: {  	(tm) =	ssettm $0x7FFFFFFF  }
0xc3: {  	_ =	shalt  }
tec
execute0_lowered:
.L_overlay_start_1:
0x0: {  	(tag) =	ssettag $0x1  }
0x1: {  	s5 =	rddreg [dreg:$0x0]  }
0x2: {  	s1 =	rddreg [dreg:$0x1]  }
0x3: {  	s2 =	srdreg.scid;
	s0 =	rddreg [dreg:$0x2]  }
0x4: {  	s3 =	simm.s32 $0x0;
	s18 =	simm.s32 $0x2800;
	s19 =	simm.s32 $0x7D  }
0x5: {  	s20 =	simm.s32 $0x5000;
	s21 =	simm.s32 $0x1;
	s22 =	sand.u32 $0x1, s2  }
0x6: {  	s2 =	stileid.u32;
	[smem:$0x7FF] =	sst s3;
	s12 =	sadd.s32 $0x43200, s5  }
0x7: {  	s14 =	sadd.s32 $0x2F800, s5;
	s4 =	sshll.u32 s22, $0x4;
	_ =	strace $0x80000047  }
0x8: {  	s7 =	ssub.s32 $0x2, s22;
	s8 =	smul.u32 $0x19000, s2;
	s10 =	sor.u32 $0x10, s2  }
0x9: {  	s31 =	smul.u32 $0x6400, s2;
	p2 =	slt.u32 s2, $0x9;
	p1 =	seq.s32 s22, $0x0  }
0xa: {  	p0 =	seq.s32 s22, $0x1;
	p3 =	sgt.u32 s2, $0x8;
	p4 =	sne.s32 s22, $0x0  }
0xb: {  	s22 =	simm.s32 $0x0;
	s6 =	sor.u32 s2, s4;
	s11 =	smul.u32 $0x19000, s10  }
0xc: {  	s4 =	sadd.s32 $0x1BE00, s5;
	s28 =	sshrl.u32 s7, $0x1;
	s16 =	smul.u32 $0x6400, s10  }
0xd: {  	p1 =	por !p2, !p1;
	p2 =	por !p2, !p0;
	s6 =	smul.u32 $0x500, s6  }
0xe: {  	s15 =	ssub.s32 s7, s28;
	s29 =	sshrl.u32 s8, $0x2;
	s13 =	sshrl.u32 s31, $0x3  }
0xf: {  	s10 =	sadd.s32 s31, s1;
	p1 =	por !p1, !p1;
	p2 =	por !p2, !p2  }
0x10: {  	s30 =	sshrl.u32 s11, $0x2;
	s11 =	sadd.s32 s14, s13;
	s17 =	sshrl.u32 s16, $0x3  }
0x11: {  	s15 =	smax.u32 s15, $0x1;
	s9 =	sadd.s32 s6, s5;
	s5 =	sadd.s32 s29, s1  }
0x12: {  	s6 =	sadd.s32 s30, s1;
	s14 =	sadd.s32 s14, s17;
	s7 =	sadd.s32 $0x11E00, s9  }
0x13: {  	s8 =	sadd.s32 $0x7E00, s9;
	s9 =	sadd.s32 s12, s13;
	s12 =	sadd.s32 s12, s17  }
0x14: {  	v0 =	vimm.f32 $0.0e+00;
	s13 =	sadd.s32 s16, s1;
	s16 =	simm.s32 $0x6F40;
	s17 =	simm.s32 $0x2  }
.LBB2_1:
0x15: {  	s23 =	sand.u32 $0x1FF00, s3  }
0x16: {  	s24 =	sand.u32 $0x30, s3;
	s25 =	sshrl.u32 s23, $0x2  }
0x17: {  	s23 =	simm.s32 $0x40;
	s25 =	sor.u32 s24, s25;
	s24 =	simm.s32 $0x0  }
.LBB2_2:
0x18: {  	p5 =	sne.s32 s23, $0x18FC0  }
0x19: {  	[tilespmem:s25+$0x6F40] =	vst v0;
	s24 =	sadd.s32 $0x10, s24;
	s25 =	smov.u32 s23;
	s23 =	sadd.s32 $0x40, s23  }
.Ltmp0:
0x1a: {  	(pc) =	sbr.rel @p5 .LBB2_2-.Ltmp0, $4  }
0x1b: {  	_ = 	snop  }
0x1c: {  	s25 =	sand.u32 $0x1FF00, s25  }
0x1d: {  	s26 =	sand.u32 $0x30, s24;
	s25 =	sshrl.u32 s25, $0x2  }
0x1e: {  	s25 =	sor.u32 s26, s25  }
0x1f: {  	[tilespmem:s25+$0x6F40] =	vst v0  }
0x20: {  	[spmem:s5] =	stream.linear.scatter [tilespmem:s16], [sflag:$0x2], $0x6400, $0x38;
	[tilespmem:$0x16F80] =	vst v63  }
0x21: {  	_ =	swait.ge [sflag:s17], $0x6400  }
0x22: {  	[sflag:s17] =	ssyncset.done $0x0  }
0x23: {  	s23 =	simm.s32 @!p3 $0x6F40;
	[sflag:s17] =	ssyncadd.s32 $0xFFFF9C00  }
0x24: {  	[spmem:s6] =	stream.linear.scatter @!p3 [tilespmem:s23], [sflag:$0x2], $0x6400, $0x38;
	[tilespmem:$0x16F80] =	vst v63  }
0x25: {  	s23 =	simm.s32 @!p3 $0x2  }
0x26: {  	_ =	swait.ge @!p3 [sflag:s23], $0x6400  }
0x27: {  	[sflag:s23] =	ssyncset.done @!p3 $0x0  }
0x28: {  	s29 =	simm.s32 $0x0;
	[sflag:s23] =	ssyncadd.s32 @!p3 $0xFFFF9C00  }
0x29: {  	[tilespmem:s29], [sflag:$0x2] =	stream.linear.gather [hbm4b:s7+s29], $0x2800, $0x38;
	[tilespmem:$0x16F80] =	vst v63  }
0x2a: {  	_ =	swait.ge [sflag:s17], $0x2800  }
0x2b: {  	[sflag:s17] =	ssyncset.done $0x0  }
0x2c: {  	[sflag:s17] =	ssyncadd.s32 $0xFFFFD800  }
0x2d: {  	[tilespmem:s18], [sflag:$0x2] =	stream.linear.gather [hbm4b:s8+s29], $0x2800, $0x38;
	[tilespmem:$0x16F80] =	vst v63  }
0x2e: {  	_ =	swait.ge [sflag:s17], $0x2800  }
0x2f: {  	[sflag:s17] =	ssyncset.done $0x0  }
0x30: {  	[sflag:s17] =	ssyncadd.s32 $0xFFFFD800  }
0x31: {  	s30 =	simm.s32 $0x0;
	[bflag:$0x0] =	sbarrier.arrive $0xFFFF  }
0x32: {  	[tilespmem:s20], [sflag:$0x1] =	stream.indirect.gather [hbm4b:s4+s19], $0x40, s30, s19, $0xb8;
	[tilespmem:$0x16F80] =	vst v63  }
0x33: {  	_ =	swait.ge [sflag:s21], $0x1F40  }
0x34: {  	[sflag:s21] =	ssyncset.done $0x0  }
0x35: {  	s31 =	simm.s32 $0x2800;
	[sflag:s21] =	ssyncadd.s32 $0xFFFFE0C0  }
0x36: {  	[spmem:s1] =	stream.indirect.scatter.add.f32 [tilespmem:s20], [sflag:$0x2], $0x40, s31, s19, $0xb8;
	[tilespmem:$0x16F80] =	vst v63  }
0x37: {  	_ =	swait.ge [sflag:s17], $0x1F40  }
0x38: {  	s24 =	simm.s32 $0x400;
	s23 =	simm.s32 $0x200;
	[sflag:s17] =	ssyncset.done $0x0  }
.LBB2_4:
0x39: {  	s25 =	sshra.s32 s23, $0x2  }
0x3a: {  	[sflag:s17] =	ssyncadd.s32 $0xFFFFE0C0;
	s23 =	smov.u32 s24;
	s26 =	sadd.s32 $0x200, s24  }
0x3b: {  	[tilespmem:s20], [sflag:$0x1] =	stream.indirect.gather [hbm4b:s4+s19], $0x40, s25, s19, $0xb8;
	[tilespmem:$0x16F80] =	vst v63  }
0x3c: {  	p5 =	sne.s32 s24, $0x9E00;
	_ =	swait.ge [sflag:s21], $0x1F40  }
.Ltmp1:
0x3d: {  	[sflag:s21] =	ssyncset.done $0x0;
	(pc) =	sbr.rel @p5 .LBB2_4-.Ltmp1, $4  }
0x3e: {  	s24 =	sadd.s32 $0x2800, s25;
	[sflag:s21] =	ssyncadd.s32 $0xFFFFE0C0  }
0x3f: {  	[spmem:s1] =	stream.indirect.scatter.add.f32 [tilespmem:s20], [sflag:$0x2], $0x40, s24, s19, $0xb8;
	[tilespmem:$0x16F80] =	vst v63  }
0x40: {  	_ =	swait.ge [sflag:s17], $0x1F40  }
0x41: {  	s24 =	smov.u32 s26;
	[sflag:s17] =	ssyncset.done $0x0  }
0x42: {  	s23 =	sshra.s32 s23, $0x2;
	[sflag:s17] =	ssyncadd.s32 $0xFFFFE0C0  }
0x43: {  	[tilespmem:s20], [sflag:$0x1] =	stream.indirect.gather [hbm4b:s4+s19], $0x40, s23, s19, $0xb8;
	[tilespmem:$0x16F80] =	vst v63  }
0x44: {  	_ =	swait.ge [sflag:s21], $0x1F40  }
0x45: {  	[sflag:s21] =	ssyncset.done $0x0  }
0x46: {  	s23 =	sadd.s32 $0x2800, s23;
	[sflag:s21] =	ssyncadd.s32 $0xFFFFE0C0  }
0x47: {  	[spmem:s1] =	stream.indirect.scatter.add.f32 [tilespmem:s20], [sflag:$0x2], $0x40, s23, s19, $0xb8;
	[tilespmem:$0x16F80] =	vst v63  }
0x48: {  	_ =	swait.ge [sflag:s17], $0x1F40  }
0x49: {  	[sflag:s17] =	ssyncset.done $0x0  }
0x4a: {  	s23 =	sshll.u32 @!p4 s2, $0x6;
	[sflag:s17] =	ssyncadd.s32 $0xFFFFE0C0  }
0x4b: {  	s24 =	sshrl.u32 @!p4 s10, $0x3;
	s23 =	sor.u32 @!p4 $0x1C02, s23;
	[bflag:$0x0] =	sbarrier.arrive $0xFFFF  }
0x4c: {  	[hbm:s9], [sflag:s23] =	dma.local @!p4 [spmem:s24], $0xC80  }
0x4d: {  	s23 =	simm.s32 @!p4 $0x2  }
0x4e: {  	_ =	swait.ge @!p4 [sflag:s23], $0xC80  }
0x4f: {  	s24 =	sshll.u32 @p0 s2, $0x6;
	[sflag:s23] =	ssyncset.done @!p4 $0x0  }
0x50: {  	[sflag:s23] =	ssyncadd.s32 @!p4 $0xFFFFF380;
	s23 =	sor.u32 @p0 $0x1C02, s24;
	s24 =	sshrl.u32 @p0 s10, $0x3  }
0x51: {  	[hbm:s11], [sflag:s23] =	dma.local @p0 [spmem:s24], $0xC80  }
0x52: {  	s23 =	simm.s32 @p0 $0x2  }
0x53: {  	_ =	swait.ge @p0 [sflag:s23], $0xC80  }
0x54: {  	s24 =	sshll.u32 @p1 s2, $0x6;
	[sflag:s23] =	ssyncset.done @p0 $0x0  }
0x55: {  	[sflag:s23] =	ssyncadd.s32 @p0 $0xFFFFF380;
	s23 =	sor.u32 @p1 $0x1C02, s24;
	s24 =	sshrl.u32 @p1 s13, $0x3  }
0x56: {  	[hbm:s12], [sflag:s23] =	dma.local @p1 [spmem:s24], $0xC80  }
0x57: {  	s23 =	simm.s32 @p1 $0x2  }
0x58: {  	s22 =	sadd.s32 $0x1, s22;
	_ =	swait.ge @p1 [sflag:s23], $0xC80  }
0x59: {  	p5 =	sne.s32 s22, s15;
	s24 =	sshll.u32 @p2 s2, $0x6;
	[sflag:s23] =	ssyncset.done @p1 $0x0  }
0x5a: {  	[sflag:s23] =	ssyncadd.s32 @p1 $0xFFFFF380;
	s23 =	sor.u32 @p2 $0x1C02, s24;
	s24 =	sshrl.u32 @p2 s13, $0x3  }
0x5b: {  	[hbm:s14], [sflag:s23] =	dma.local @p2 [spmem:s24], $0xC80  }
.Ltmp2:
0x5c: {  	_ = 	snop;
	(pc) =	sbr.rel @p5 .LBB2_1-.Ltmp2, $4  }
0x5d: {  	s23 =	simm.s32 @p2 $0x2  }
0x5e: {  	_ =	swait.ge @p2 [sflag:s23], $0xC80  }
0x5f: {  	[sflag:s23] =	ssyncset.done @p2 $0x0  }
0x60: {  	[sflag:s23] =	ssyncadd.s32 @p2 $0xFFFFF380  }
0x61: {  	_ =	sfence.sel $0x180000  }
0x62: {  	[bflag:$0x0] =	sbarrier.arrive $0xFFFF  }
0x63: {  	p0 =	sne.s32 s2, $0x0;
	_ =	strace $0x90000047  }
0x64: {  	s0 =	sadd.s32 @!p0 $0x100000, s0;
	[bflag:$0x2] =	sbarrier.arrive $0xFFFF  }
0x65: {  	[sflag:s0] =	ssyncadd.tile.s32 @!p0 $0x1;
	_ =	shalt  }
.Lfunc_end2:
_tile_overlayer_lowered:
.L_overlay_start_2:
0x66: {  	(tag) =	ssettag $0x2  }
0x67: {  	s0 =	rddreg [dreg:$0x0];
	s2 =	stileid.u32  }
0x68: {  	s1 =	rddreg [dreg:$0x1];
	p0 =	sne.s32 s2, $0x0  }
0x69: {  	s3 =	rddreg [dreg:$0x2];
	[bflag:$0x3] =	sbarrier.arrive $0xFFFF;
	s2 =	simm.s32 @!p0 $0x1C02  }
0x6a: {  	[timem:s3], [sflag:s2] =	dma.local @!p0 [hbm:s0], s1  }
0x6b: {  	s0 =	simm.s32 @!p0 $0x2  }
0x6c: {  	_ =	swait.ge @!p0 [sflag:s0], s1  }
0x6d: {  	s1 =	ssub.s32 @!p0 $0x0, s1;
	[sflag:s0] =	ssyncset.done @!p0 $0x0  }
0x6e: {  	[sflag:s0] =	ssyncadd.s32 @!p0 s1  }
0x6f: {  	[bflag:$0x3] =	sbarrier.arrive $0xFFFF  }
0x70: {  	_ =	shalt  }

// kernel: kernel.22.cloned.1.call-start
scs
__scs_entry_jumppad:
0x0: {  	(pc) =	sbr.rel $0x88, $3  }
0x1: {  	(tag) =	ssettag $0x0;
	lr =	simm.s32 $0x1  }
0x2: {  	[smem:$0x3F88] =	sst lr;
	_ =	strace $0xD0000000  }
0x3: {  	_ = 	snop  }
0x4: {  	_ = 	snop  }
0x5: {  	_ = 	snop  }
0x6: {  	_ = 	snop  }
0x7: {  	_ = 	snop  }
__scs_overlays_trampoline_lowered:
0x8: {  	[smem:$0x3F97] =	sst s0  }
0x9: {  	[smem:$0x3F98] =	sst s1  }
0xa: {  	[smem:$0x3F99] =	sst s2  }
0xb: {  	[smem:$0x3F9A] =	sst s3  }
0xc: {  	[smem:$0x3F9B] =	sst s4  }
0xd: {  	[smem:$0x3F9C] =	sst s5  }
0xe: {  	[smem:$0x3F9D] =	sst s6  }
0xf: {  	[smem:$0x3F9E] =	sst s7  }
0x10: {  	[smem:$0x3F9F] =	sst s8  }
0x11: {  	[smem:$0x3FA0] =	sst s9;
	s0 =	simm.s32 @!p0 $0x0  }
0x12: {  	s1 =	sld [smem:$0x3F86];
	s0 =	simm.s32 @p0 $0x1  }
0x13: {  	[smem:$0x3FA1] =	sst s0;
	s0 =	simm.s32 @!p1 $0x0  }
0x14: {  	s2 =	sld [smem:$0x3F85];
	s0 =	simm.s32 @p1 $0x1  }
0x15: {  	[smem:$0x3FA2] =	sst s0;
	s0 =	simm.s32 @!p2 $0x0  }
0x16: {  	s3 =	sld [smem:$0x3FDB];
	s0 =	simm.s32 @p2 $0x1  }
0x17: {  	s4 =	simm.s32 $0x1BF5;
	[smem:$0x3FA4] =	sst s0  }
0x18: {  	s0 =	sld [smem:$0x3F87];
	_ =	swait.ge [sflag:s4], $0x0  }
0x19: {  	s7 =	sld [smem:$0x3F88]  }
0x1a: {  	s8 =	sadd.s32 $0xFFFFE003, lr  }
0x1b: {  	s9 =	sadd.s32 $0xFFFFFEF7, lr;
	s5 =	simm.s32 $0xFFFFFFFF;
	p2 =	slt.u32 s8, $0xFFFFF086  }
0x1c: {  	p1 =	slt.u32 s9, $0xF7A;
	s5 =	simm.s32 @!p2 $0x0  }
0x1d: {  	s5 =	simm.s32 @p1 $0x1;
	p0 =	seq.s32 s7, s2  }
0x1e: {  	s7 =	smul.u32 @!p0 $0xF7A, s2;
	p2 =	seq.s32 @!p0 s5, $0x0  }
0x1f: {  	s9 =	smul.u32 $0xF7A, s1;
	s8 =	simm.s32 @!p0 $0x1BF5;
	p2 =	por !p2, p0  }
0x20: {  	[sflag:s8] =	ssyncset.s32 @!p0 $0xFFFFF086;
	s6 =	sadd.s32 @!p0 s3, s7;
	s7 =	simm.s32 @!p0 $0x108  }
0x21: {  	s3 =	sadd.s32 s3, s9;
	s6 =	sadd.s32 @!p0 $0x88, s6;
	s7 =	simm.s32 @p2 $0x1082  }
0x22: {  	[simem:s7], [sflag:s8] =	dma.local @!p0 [hbm:s6], $0xF7A  }
0x23: {  	s9 =	sor.u32 $0xD0000000, s2;
	s6 =	simm.s32 $0x108;
	_ =	swait.ge @!p0 [sflag:s8], $0x0  }
0x24: {  	s3 =	sadd.s32 $0x88, s3;
	s6 =	simm.s32 @!p1 $0x1082;
	[sflag:s4] =	ssyncset.s32 $0xFFFFF086  }
0x25: {  	[simem:s6], [sflag:s4] =	dma.local [hbm:s3], $0xF7A  }
0x26: {  	[smem:$0x3F88] =	sst s1;
	(tag) =	ssettag s2;
	_ =	strace s9  }
0x27: {  	s1 =	sld [smem:$0x3F98]  }
0x28: {  	s2 =	sld [smem:$0x3F99]  }
0x29: {  	s4 =	sld [smem:$0x3F9B]  }
0x2a: {  	p0 =	seq.s32 s5, $0x0;
	s5 =	sld [smem:$0x3F9C]  }
0x2b: {  	s6 =	sld [smem:$0x3F9D]  }
0x2c: {  	s7 =	sld [smem:$0x3F9E]  }
0x2d: {  	s3 =	simm.s32 $0x108;
	s8 =	sld [smem:$0x3F9F]  }
0x2e: {  	s3 =	simm.s32 @!p0 $0x1082;
	s9 =	sld [smem:$0x3FA0]  }
0x2f: {  	lr =	sadd.s32 s0, s3;
	s0 =	sld [smem:$0x3F97]  }
0x30: {  	s3 =	sld [smem:$0x3F9A]  }
0x31: {  	[smem:$0x3FA3] =	sst s10  }
0x32: {  	s10 =	sld [smem:$0x3FA1];
	_ =	sdelay $0x3  }
0x33: {  	p0 =	seq.s32 s10, $0x1;
	s10 =	sld [smem:$0x3FA3];
	_ =	sdelay $0x3  }
0x34: {  	[smem:$0x3FA3] =	sst s10  }
0x35: {  	s10 =	sld [smem:$0x3FA2];
	_ =	sdelay $0x3  }
0x36: {  	p1 =	seq.s32 s10, $0x1;
	s10 =	sld [smem:$0x3FA3];
	_ =	sdelay $0x3  }
0x37: {  	[smem:$0x3FA3] =	sst s10  }
0x38: {  	s10 =	sld [smem:$0x3FA4]  }
0x39: {  	_ = 	snop;
	(pc) =	sbr.ind lr, $3  }
0x3a: {  	_ = 	snop  }
0x3b: {  	_ = 	snop  }
0x3c: {  	p2 =	seq.s32 s10, $0x1;
	s10 =	sld [smem:$0x3FA3]  }
0x3d: {  	_ =	shalt  }
0x3e: {  	_ =	shalt  }
0x3f: {  	_ =	shalt  }
0x40: {  	_ =	shalt  }
0x41: {  	_ =	shalt  }
0x42: {  	_ =	shalt  }
0x43: {  	_ =	shalt  }
0x44: {  	_ =	shalt  }
0x45: {  	_ =	shalt  }
0x46: {  	_ =	shalt  }
0x47: {  	_ =	shalt  }
0x48: {  	_ =	shalt  }
0x49: {  	_ =	shalt  }
0x4a: {  	_ =	shalt  }
0x4b: {  	_ =	shalt  }
0x4c: {  	_ =	shalt  }
0x4d: {  	_ =	shalt  }
0x4e: {  	_ =	shalt  }
0x4f: {  	_ =	shalt  }
0x50: {  	_ =	shalt  }
0x51: {  	_ =	shalt  }
0x52: {  	_ =	shalt  }
0x53: {  	_ =	shalt  }
0x54: {  	_ =	shalt  }
0x55: {  	_ =	shalt  }
0x56: {  	_ =	shalt  }
0x57: {  	_ =	shalt  }
0x58: {  	_ =	shalt  }
0x59: {  	_ =	shalt  }
0x5a: {  	_ =	shalt  }
0x5b: {  	_ =	shalt  }
0x5c: {  	_ =	shalt  }
0x5d: {  	_ =	shalt  }
0x5e: {  	_ =	shalt  }
0x5f: {  	_ =	shalt  }
0x60: {  	_ =	shalt  }
0x61: {  	_ =	shalt  }
0x62: {  	_ =	shalt  }
0x63: {  	_ =	shalt  }
0x64: {  	_ =	shalt  }
0x65: {  	_ =	shalt  }
0x66: {  	_ =	shalt  }
0x67: {  	_ =	shalt  }
0x68: {  	_ =	shalt  }
0x69: {  	_ =	shalt  }
0x6a: {  	_ =	shalt  }
0x6b: {  	_ =	shalt  }
0x6c: {  	_ =	shalt  }
0x6d: {  	_ =	shalt  }
0x6e: {  	_ =	shalt  }
0x6f: {  	_ =	shalt  }
0x70: {  	_ =	shalt  }
0x71: {  	_ =	shalt  }
0x72: {  	_ =	shalt  }
0x73: {  	_ =	shalt  }
0x74: {  	_ =	shalt  }
0x75: {  	_ =	shalt  }
0x76: {  	_ =	shalt  }
0x77: {  	_ =	shalt  }
0x78: {  	_ =	shalt  }
0x79: {  	_ =	shalt  }
0x7a: {  	_ =	shalt  }
0x7b: {  	_ =	shalt  }
0x7c: {  	_ =	shalt  }
0x7d: {  	_ =	shalt  }
0x7e: {  	_ =	shalt  }
0x7f: {  	_ =	shalt  }
0x80: {  	_ =	shalt  }
0x81: {  	_ =	shalt  }
0x82: {  	_ =	shalt  }
0x83: {  	_ =	shalt  }
0x84: {  	_ =	shalt  }
0x85: {  	_ =	shalt  }
0x86: {  	_ =	shalt  }
0x87: {  	_ =	shalt  }
.Lfunc_end0:
.L_simem_size_0:
called_computation.2_lowered:
.L_overlay_start_0:
0x88: {  	s2 =	sld [smem:$0x3FD9]  }
0x89: {  	s3 =	sld [smem:$0x3FFE];
	_ =	sdelay $0x1  }
0x8a: {  	s1 =	srdreg.scid  }
0x8b: {  	s0 =	sand.u32 $0x1, s1  }
0x8c: {  	s14 =	sshll.u32 s0, $0xA;
	s2 =	sadd.s32 s3, s2  }
0x8d: {  	s2 =	sadd.s32 s2, s14  }
0x8e: {  	[smem:$0x3FAF] =	sst s2  }
0x8f: {  	_ = 	snop  }
0x90: {  	s2 =	sld [smem:$0x3FD0];
	_ =	sdelay $0x2  }
0x91: {  	s15 =	simm.s32 $0xB;
	s4 =	simm.s32 $0x10  }
0x92: {  	[smem:s4], [sflag:s15] =	dma.local [hbm:s2], $0x1  }
0x93: {  	_ =	swait.eq [sflag:s15], $0x1  }
0x94: {  	[sflag:s15] =	ssyncset.done $0x0  }
0x95: {  	[sflag:s15] =	ssyncadd.s32 $0xFFFFFFFF  }
0x96: {  	s16 =	sld [smem:$0x12];
	(tm) =	ssettm $0x1  }
0x97: {  	s17 =	sld [smem:$0x3FFB];
	_ =	sdelay $0x3  }
0x98: {  	_ =	strace s17  }
0x99: {  	s3 =	sld [smem:$0x3FFC];
	_ =	sdelay $0x3  }
0x9a: {  	_ =	strace s3  }
0x9b: {  	s3 =	sld [smem:$0x3FFD];
	_ =	sdelay $0x3  }
0x9c: {  	_ =	strace s3  }
0x9d: {  	_ =	strace $0x8FFFFFFF  }
0x9e: {  	s18 =	sld [smem:$0x3FDB];
	_ =	sdelay $0x1  }
0x9f: {  	s19 =	simm.s32 $_scs_section_size  }
0xa0: {  	s5 =	simm.s32 $_size__tile_overlayer_lowered;
	s6 =	simm.s32 $_tile_overlayer_lowered  }
0xa1: {  	s22 =	simm.s32 $0x1BFF;
	s21 =	sshll.u32 s6, $0x1;
	s3 =	sadd.s32 s19, s18  }
0xa2: {  	s7 =	simm.s32 $0x0;
	s20 =	sshll.u32 s5, $0x1;
	s5 =	sadd.s32 s21, s3  }
0xa3: {  	[timem:s7], [sflag:s22] =	dma.local [hbm:s5], s20  }
0xa4: {  	_ =	swait.ge [sflag:s22], s20  }
0xa5: {  	s4 =	ssub.s32 $0x0, s20;
	[sflag:s22] =	ssyncset.done $0x0  }
0xa6: {  	[sflag:s22] =	ssyncadd.s32 s4;
	_ =	sdelay $0x1  }
0xa7: {  	s23 =	simm.s32 $0x1B8B  }
0xa8: {  	_ =	swait.ge [sflag:s23], $0x1  }
0xa9: {  	[sflag:s23] =	ssyncset.done $0x0  }
0xaa: {  	s25 =	simm.s32 $0x1B8E;
	s24 =	sld [smem:$0x3FFE];
	[sflag:s23] =	ssyncadd.s32 $0xFFFFFFFF  }
0xab: {  	s26 =	simm.s32 $execute0_lowered;
	[smem:$0x3FD2] =	sst s25  }
0xac: {  	s5 =	sshll.u32 s26, $0x1;
	_ =	strace $0x8000004C;
	[dreg:$0x1] =	wrdreg $0xFFFFFFFF  }
0xad: {  	s28 =	simm.s32 $_size_execute0_lowered;
	s3 =	sadd.s32 s3, s5;
	[dreg:$0x0] =	wrdreg $0x0  }
0xae: {  	s5 =	sshll.u32 s28, $0x1;
	[dreg:$0x2] =	wrdreg s3  }
0xaf: {  	[dreg:$0x3] =	wrdreg s5  }
0xb0: {  	[dreg:$0x4] =	wrdreg $0xC0  }
0xb1: {  	_ =	task [dreg:s7], $0x5FFFF  }
0xb2: {  	[dreg:$0x1] =	wrdreg $0xFFFFFFFF  }
0xb3: {  	[dreg:$0x0] =	wrdreg $0x60  }
0xb4: {  	[dreg:$0x2] =	wrdreg s16  }
0xb5: {  	[dreg:$0x3] =	wrdreg s24  }
0xb6: {  	[dreg:$0x4] =	wrdreg $0xD3400  }
0xb7: {  	[dreg:$0x5] =	wrdreg $0x9  }
0xb8: {  	_ =	task.clear_ibuf [dreg:s7], $0x6FFFF;
	_ =	strace $0x9000004C  }
0xb9: {  	s29 =	simm.s32 $0x9;
	_ =	strace $0x8000004E  }
0xba: {  	_ =	swait.ge [sflag:s29], $0x1  }
0xbb: {  	[sflag:s29] =	ssyncadd.s32 $0xFFFFFFFF  }
0xbc: {  	_ =	strace $0x9000004E  }
0xbd: {  	_ =	sfence  }
0xbe: {  	s30 =	sld [smem:$0x0];
	_ =	sdelay $0x2  }
0xbf: {  	s31 =	sshll.u32 s1, $0xD;
	s1 =	sshrl.u32 s1, $0x2  }
0xc0: {  	s3 =	sand.u32 $0x4000, s31;
	s1 =	sadd.s32 s1, s30  }
0xc1: {  	s0 =	sor.u32 s3, s0;
	s1 =	sshll.u32 s1, $0x11  }
0xc2: {  	s0 =	sor.u32 s1, s0  }
0xc3: {  	s0 =	sadd.s32 $0x8F2B, s0  }
0xc4: {  	[sflag:s0] =	ssyncadd.remote.s32 $0x1  }
0xc5: {  	_ =	sfence.sel $0xFFFF  }
0xc6: {  	[dreg:$0x0] =	wrdreg $0xFFFFFFFF;
	(pc) =	sbr.abs _section_cstart, $3  }
0xc7: {  	[dreg:$0x1] =	wrdreg $0xFFFFFFFF  }
0xc8: {  	_ =	task.clear_ibuf [dreg:s7], $0x2FFFF;
	_ =	strace $0x9FFFFFFF  }
0xc9: {  	(tm) =	ssettm $0x7FFFFFFF  }
tec
execute0_lowered:
.L_overlay_start_1:
0x0: {  	(tag) =	ssettag $0x1  }
0x1: {  	s1 =	rddreg [dreg:$0x0]  }
0x2: {  	s5 =	rddreg [dreg:$0x1]  }
0x3: {  	s2 =	rddreg [dreg:$0x2];
	s3 =	srdreg.scid  }
0x4: {  	s0 =	rddreg [dreg:$0x3];
	s4 =	simm.s32 $0x0;
	s18 =	simm.s32 $0x2800  }
0x5: {  	s19 =	simm.s32 $0x7D;
	s20 =	simm.s32 $0x5000;
	s21 =	simm.s32 $0x1  }
0x6: {  	s22 =	sand.u32 $0x1, s3;
	s3 =	stileid.u32;
	[smem:$0x7FF] =	sst s4  }
0x7: {  	s12 =	sadd.s32 $0x2F800, s5;
	s14 =	sadd.s32 $0x1BE00, s5;
	s6 =	sshll.u32 s22, $0x4  }
0x8: {  	_ =	strace $0x8000004D;
	s7 =	ssub.s32 $0x2, s22;
	s8 =	smul.u32 $0x19000, s3  }
0x9: {  	s10 =	sor.u32 $0x10, s3;
	s31 =	smul.u32 $0x6400, s3;
	p2 =	slt.u32 s3, $0x9  }
0xa: {  	p1 =	seq.s32 s22, $0x0;
	p0 =	seq.s32 s22, $0x1;
	p3 =	sgt.u32 s3, $0x8  }
0xb: {  	p4 =	sne.s32 s22, $0x0;
	s22 =	simm.s32 $0x0;
	s11 =	smul.u32 $0x19000, s10  }
0xc: {  	s6 =	sor.u32 s3, s6;
	s28 =	sshrl.u32 s7, $0x1;
	s16 =	smul.u32 $0x6400, s10  }
0xd: {  	p1 =	por !p2, !p1;
	p2 =	por !p2, !p0;
	s6 =	smul.u32 $0x500, s6  }
0xe: {  	s15 =	ssub.s32 s7, s28;
	s29 =	sshrl.u32 s8, $0x2;
	s13 =	sshrl.u32 s31, $0x3  }
0xf: {  	s10 =	sadd.s32 s31, s2;
	p1 =	por !p1, !p1;
	p2 =	por !p2, !p2  }
0x10: {  	s30 =	sshrl.u32 s11, $0x2;
	s11 =	sadd.s32 s14, s13;
	s17 =	sshrl.u32 s16, $0x3  }
0x11: {  	s15 =	smax.u32 s15, $0x1;
	s9 =	sadd.s32 s6, s5;
	s5 =	sadd.s32 s29, s2  }
0x12: {  	s6 =	sadd.s32 s30, s2;
	s14 =	sadd.s32 s14, s17;
	s7 =	sadd.s32 $0x11E00, s9  }
0x13: {  	s8 =	sadd.s32 $0x7E00, s9;
	s9 =	sadd.s32 s12, s13;
	s12 =	sadd.s32 s12, s17  }
0x14: {  	v0 =	vimm.f32 $0.0e+00;
	s13 =	sadd.s32 s16, s2;
	s16 =	simm.s32 $0x6F40;
	s17 =	simm.s32 $0x2  }
.LBB2_1:
0x15: {  	s23 =	sand.u32 $0x1FF00, s4  }
0x16: {  	s24 =	sand.u32 $0x30, s4;
	s25 =	sshrl.u32 s23, $0x2  }
0x17: {  	s23 =	simm.s32 $0x40;
	s25 =	sor.u32 s24, s25;
	s24 =	simm.s32 $0x0  }
.LBB2_2:
0x18: {  	p5 =	sne.s32 s23, $0x18FC0  }
0x19: {  	[tilespmem:s25+$0x6F40] =	vst v0;
	s24 =	sadd.s32 $0x10, s24;
	s25 =	smov.u32 s23;
	s23 =	sadd.s32 $0x40, s23  }
.Ltmp0:
0x1a: {  	(pc) =	sbr.rel @p5 .LBB2_2-.Ltmp0, $4  }
0x1b: {  	_ = 	snop  }
0x1c: {  	s25 =	sand.u32 $0x1FF00, s25  }
0x1d: {  	s26 =	sand.u32 $0x30, s24;
	s25 =	sshrl.u32 s25, $0x2  }
0x1e: {  	s25 =	sor.u32 s26, s25  }
0x1f: {  	[tilespmem:s25+$0x6F40] =	vst v0  }
0x20: {  	[spmem:s5] =	stream.linear.scatter [tilespmem:s16], [sflag:$0x2], $0x6400, $0x38;
	[tilespmem:$0x16F80] =	vst v63  }
0x21: {  	_ =	swait.ge [sflag:s17], $0x6400  }
0x22: {  	[sflag:s17] =	ssyncset.done $0x0  }
0x23: {  	s23 =	simm.s32 @!p3 $0x6F40;
	[sflag:s17] =	ssyncadd.s32 $0xFFFF9C00  }
0x24: {  	[spmem:s6] =	stream.linear.scatter @!p3 [tilespmem:s23], [sflag:$0x2], $0x6400, $0x38;
	[tilespmem:$0x16F80] =	vst v63  }
0x25: {  	s23 =	simm.s32 @!p3 $0x2  }
0x26: {  	_ =	swait.ge @!p3 [sflag:s23], $0x6400  }
0x27: {  	[sflag:s23] =	ssyncset.done @!p3 $0x0  }
0x28: {  	s29 =	simm.s32 $0x0;
	[sflag:s23] =	ssyncadd.s32 @!p3 $0xFFFF9C00  }
0x29: {  	[tilespmem:s29], [sflag:$0x2] =	stream.linear.gather [hbm4b:s7+s29], $0x2800, $0x38;
	[tilespmem:$0x16F80] =	vst v63  }
0x2a: {  	_ =	swait.ge [sflag:s17], $0x2800  }
0x2b: {  	[sflag:s17] =	ssyncset.done $0x0  }
0x2c: {  	[sflag:s17] =	ssyncadd.s32 $0xFFFFD800  }
0x2d: {  	[tilespmem:s18], [sflag:$0x2] =	stream.linear.gather [hbm4b:s8+s29], $0x2800, $0x38;
	[tilespmem:$0x16F80] =	vst v63  }
0x2e: {  	_ =	swait.ge [sflag:s17], $0x2800  }
0x2f: {  	[sflag:s17] =	ssyncset.done $0x0  }
0x30: {  	[sflag:s17] =	ssyncadd.s32 $0xFFFFD800  }
0x31: {  	s30 =	simm.s32 $0x0;
	[bflag:$0x0] =	sbarrier.arrive $0xFFFF  }
0x32: {  	[tilespmem:s20], [sflag:$0x1] =	stream.indirect.gather [hbm4b:s1+s19], $0x40, s30, s19, $0xb8;
	[tilespmem:$0x16F80] =	vst v63  }
0x33: {  	_ =	swait.ge [sflag:s21], $0x1F40  }
0x34: {  	[sflag:s21] =	ssyncset.done $0x0  }
0x35: {  	s31 =	simm.s32 $0x2800;
	[sflag:s21] =	ssyncadd.s32 $0xFFFFE0C0  }
0x36: {  	[spmem:s2] =	stream.indirect.scatter.add.f32 [tilespmem:s20], [sflag:$0x2], $0x40, s31, s19, $0xb8;
	[tilespmem:$0x16F80] =	vst v63  }
0x37: {  	_ =	swait.ge [sflag:s17], $0x1F40  }
0x38: {  	s24 =	simm.s32 $0x400;
	s23 =	simm.s32 $0x200;
	[sflag:s17] =	ssyncset.done $0x0  }
.LBB2_4:
0x39: {  	s25 =	sshra.s32 s23, $0x2  }
0x3a: {  	[sflag:s17] =	ssyncadd.s32 $0xFFFFE0C0;
	s23 =	smov.u32 s24;
	s26 =	sadd.s32 $0x200, s24  }
0x3b: {  	[tilespmem:s20], [sflag:$0x1] =	stream.indirect.gather [hbm4b:s1+s19], $0x40, s25, s19, $0xb8;
	[tilespmem:$0x16F80] =	vst v63  }
0x3c: {  	p5 =	sne.s32 s24, $0x9E00;
	_ =	swait.ge [sflag:s21], $0x1F40  }
.Ltmp1:
0x3d: {  	[sflag:s21] =	ssyncset.done $0x0;
	(pc) =	sbr.rel @p5 .LBB2_4-.Ltmp1, $4  }
0x3e: {  	s24 =	sadd.s32 $0x2800, s25;
	[sflag:s21] =	ssyncadd.s32 $0xFFFFE0C0  }
0x3f: {  	[spmem:s2] =	stream.indirect.scatter.add.f32 [tilespmem:s20], [sflag:$0x2], $0x40, s24, s19, $0xb8;
	[tilespmem:$0x16F80] =	vst v63  }
0x40: {  	_ =	swait.ge [sflag:s17], $0x1F40  }
0x41: {  	s24 =	smov.u32 s26;
	[sflag:s17] =	ssyncset.done $0x0  }
0x42: {  	s23 =	sshra.s32 s23, $0x2;
	[sflag:s17] =	ssyncadd.s32 $0xFFFFE0C0  }
0x43: {  	[tilespmem:s20], [sflag:$0x1] =	stream.indirect.gather [hbm4b:s1+s19], $0x40, s23, s19, $0xb8;
	[tilespmem:$0x16F80] =	vst v63  }
0x44: {  	_ =	swait.ge [sflag:s21], $0x1F40  }
0x45: {  	[sflag:s21] =	ssyncset.done $0x0  }
0x46: {  	s23 =	sadd.s32 $0x2800, s23;
	[sflag:s21] =	ssyncadd.s32 $0xFFFFE0C0  }
0x47: {  	[spmem:s2] =	stream.indirect.scatter.add.f32 [tilespmem:s20], [sflag:$0x2], $0x40, s23, s19, $0xb8;
	[tilespmem:$0x16F80] =	vst v63  }
0x48: {  	_ =	swait.ge [sflag:s17], $0x1F40  }
0x49: {  	[sflag:s17] =	ssyncset.done $0x0  }
0x4a: {  	s23 =	sshll.u32 @!p4 s3, $0x6;
	[sflag:s17] =	ssyncadd.s32 $0xFFFFE0C0  }
0x4b: {  	s24 =	sshrl.u32 @!p4 s10, $0x3;
	s23 =	sor.u32 @!p4 $0x1C02, s23;
	[bflag:$0x0] =	sbarrier.arrive $0xFFFF  }
0x4c: {  	[hbm:s9], [sflag:s23] =	dma.local @!p4 [spmem:s24], $0xC80  }
0x4d: {  	s23 =	simm.s32 @!p4 $0x2  }
0x4e: {  	_ =	swait.ge @!p4 [sflag:s23], $0xC80  }
0x4f: {  	s24 =	sshll.u32 @p0 s3, $0x6;
	[sflag:s23] =	ssyncset.done @!p4 $0x0  }
0x50: {  	[sflag:s23] =	ssyncadd.s32 @!p4 $0xFFFFF380;
	s23 =	sor.u32 @p0 $0x1C02, s24;
	s24 =	sshrl.u32 @p0 s10, $0x3  }
0x51: {  	[hbm:s11], [sflag:s23] =	dma.local @p0 [spmem:s24], $0xC80  }
0x52: {  	s23 =	simm.s32 @p0 $0x2  }
0x53: {  	_ =	swait.ge @p0 [sflag:s23], $0xC80  }
0x54: {  	s24 =	sshll.u32 @p1 s3, $0x6;
	[sflag:s23] =	ssyncset.done @p0 $0x0  }
0x55: {  	[sflag:s23] =	ssyncadd.s32 @p0 $0xFFFFF380;
	s23 =	sor.u32 @p1 $0x1C02, s24;
	s24 =	sshrl.u32 @p1 s13, $0x3  }
0x56: {  	[hbm:s12], [sflag:s23] =	dma.local @p1 [spmem:s24], $0xC80  }
0x57: {  	s23 =	simm.s32 @p1 $0x2  }
0x58: {  	s22 =	sadd.s32 $0x1, s22;
	_ =	swait.ge @p1 [sflag:s23], $0xC80  }
0x59: {  	p5 =	sne.s32 s22, s15;
	s24 =	sshll.u32 @p2 s3, $0x6;
	[sflag:s23] =	ssyncset.done @p1 $0x0  }
0x5a: {  	[sflag:s23] =	ssyncadd.s32 @p1 $0xFFFFF380;
	s23 =	sor.u32 @p2 $0x1C02, s24;
	s24 =	sshrl.u32 @p2 s13, $0x3  }
0x5b: {  	[hbm:s14], [sflag:s23] =	dma.local @p2 [spmem:s24], $0xC80  }
.Ltmp2:
0x5c: {  	_ = 	snop;
	(pc) =	sbr.rel @p5 .LBB2_1-.Ltmp2, $4  }
0x5d: {  	s23 =	simm.s32 @p2 $0x2  }
0x5e: {  	_ =	swait.ge @p2 [sflag:s23], $0xC80  }
0x5f: {  	[sflag:s23] =	ssyncset.done @p2 $0x0  }
0x60: {  	[sflag:s23] =	ssyncadd.s32 @p2 $0xFFFFF380  }
0x61: {  	_ =	sfence.sel $0x180000  }
0x62: {  	[bflag:$0x0] =	sbarrier.arrive $0xFFFF  }
0x63: {  	p0 =	sne.s32 s3, $0x0;
	_ =	strace $0x9000004D  }
0x64: {  	s0 =	sadd.s32 @!p0 $0x100000, s0;
	[bflag:$0x2] =	sbarrier.arrive $0xFFFF  }
0x65: {  	[sflag:s0] =	ssyncadd.tile.s32 @!p0 $0x1;
	_ =	shalt  }
.Lfunc_end2:
_tile_overlayer_lowered:
.L_overlay_start_2:
0x66: {  	(tag) =	ssettag $0x2  }
0x67: {  	s0 =	rddreg [dreg:$0x0];
	s2 =	stileid.u32  }
0x68: {  	s1 =	rddreg [dreg:$0x1];
	p0 =	sne.s32 s2, $0x0  }
0x69: {  	s3 =	rddreg [dreg:$0x2];
	[bflag:$0x3] =	sbarrier.arrive $0xFFFF;
	s2 =	simm.s32 @!p0 $0x1C02  }
0x6a: {  	[timem:s3], [sflag:s2] =	dma.local @!p0 [hbm:s0], s1  }
0x6b: {  	s0 =	simm.s32 @!p0 $0x2  }
0x6c: {  	_ =	swait.ge @!p0 [sflag:s0], s1  }
0x6d: {  	s1 =	ssub.s32 @!p0 $0x0, s1;
	[sflag:s0] =	ssyncset.done @!p0 $0x0  }
0x6e: {  	[sflag:s0] =	ssyncadd.s32 @!p0 s1  }
0x6f: {  	[bflag:$0x3] =	sbarrier.arrive $0xFFFF  }
0x70: {  	_ =	shalt  }

// kernel: kernel.25.cloned.1.call-start
scs
__scs_entry_jumppad:
0x0: {  	(pc) =	sbr.rel $0x88, $3  }
0x1: {  	(tag) =	ssettag $0x0;
	lr =	simm.s32 $0x1  }
0x2: {  	[smem:$0x3F88] =	sst lr;
	_ =	strace $0xD0000000  }
0x3: {  	_ = 	snop  }
0x4: {  	_ = 	snop  }
0x5: {  	_ = 	snop  }
0x6: {  	_ = 	snop  }
0x7: {  	_ = 	snop  }
__scs_overlays_trampoline_lowered:
0x8: {  	[smem:$0x3F97] =	sst s0  }
0x9: {  	[smem:$0x3F98] =	sst s1  }
0xa: {  	[smem:$0x3F99] =	sst s2  }
0xb: {  	[smem:$0x3F9A] =	sst s3  }
0xc: {  	[smem:$0x3F9B] =	sst s4  }
0xd: {  	[smem:$0x3F9C] =	sst s5  }
0xe: {  	[smem:$0x3F9D] =	sst s6  }
0xf: {  	[smem:$0x3F9E] =	sst s7  }
0x10: {  	[smem:$0x3F9F] =	sst s8  }
0x11: {  	[smem:$0x3FA0] =	sst s9;
	s0 =	simm.s32 @!p0 $0x0  }
0x12: {  	s1 =	sld [smem:$0x3F86];
	s0 =	simm.s32 @p0 $0x1  }
0x13: {  	[smem:$0x3FA1] =	sst s0;
	s0 =	simm.s32 @!p1 $0x0  }
0x14: {  	s2 =	sld [smem:$0x3F85];
	s0 =	simm.s32 @p1 $0x1  }
0x15: {  	[smem:$0x3FA2] =	sst s0;
	s0 =	simm.s32 @!p2 $0x0  }
0x16: {  	s3 =	sld [smem:$0x3FDB];
	s0 =	simm.s32 @p2 $0x1  }
0x17: {  	s4 =	simm.s32 $0x1BF5;
	[smem:$0x3FA4] =	sst s0  }
0x18: {  	s0 =	sld [smem:$0x3F87];
	_ =	swait.ge [sflag:s4], $0x0  }
0x19: {  	s7 =	sld [smem:$0x3F88]  }
0x1a: {  	s8 =	sadd.s32 $0xFFFFE003, lr  }
0x1b: {  	s9 =	sadd.s32 $0xFFFFFEF7, lr;
	s5 =	simm.s32 $0xFFFFFFFF;
	p2 =	slt.u32 s8, $0xFFFFF086  }
0x1c: {  	p1 =	slt.u32 s9, $0xF7A;
	s5 =	simm.s32 @!p2 $0x0  }
0x1d: {  	s5 =	simm.s32 @p1 $0x1;
	p0 =	seq.s32 s7, s2  }
0x1e: {  	s7 =	smul.u32 @!p0 $0xF7A, s2;
	p2 =	seq.s32 @!p0 s5, $0x0  }
0x1f: {  	s9 =	smul.u32 $0xF7A, s1;
	s8 =	simm.s32 @!p0 $0x1BF5;
	p2 =	por !p2, p0  }
0x20: {  	[sflag:s8] =	ssyncset.s32 @!p0 $0xFFFFF086;
	s6 =	sadd.s32 @!p0 s3, s7;
	s7 =	simm.s32 @!p0 $0x108  }
0x21: {  	s3 =	sadd.s32 s3, s9;
	s6 =	sadd.s32 @!p0 $0x88, s6;
	s7 =	simm.s32 @p2 $0x1082  }
0x22: {  	[simem:s7], [sflag:s8] =	dma.local @!p0 [hbm:s6], $0xF7A  }
0x23: {  	s9 =	sor.u32 $0xD0000000, s2;
	s6 =	simm.s32 $0x108;
	_ =	swait.ge @!p0 [sflag:s8], $0x0  }
0x24: {  	s3 =	sadd.s32 $0x88, s3;
	s6 =	simm.s32 @!p1 $0x1082;
	[sflag:s4] =	ssyncset.s32 $0xFFFFF086  }
0x25: {  	[simem:s6], [sflag:s4] =	dma.local [hbm:s3], $0xF7A  }
0x26: {  	[smem:$0x3F88] =	sst s1;
	(tag) =	ssettag s2;
	_ =	strace s9  }
0x27: {  	s1 =	sld [smem:$0x3F98]  }
0x28: {  	s2 =	sld [smem:$0x3F99]  }
0x29: {  	s4 =	sld [smem:$0x3F9B]  }
0x2a: {  	p0 =	seq.s32 s5, $0x0;
	s5 =	sld [smem:$0x3F9C]  }
0x2b: {  	s6 =	sld [smem:$0x3F9D]  }
0x2c: {  	s7 =	sld [smem:$0x3F9E]  }
0x2d: {  	s3 =	simm.s32 $0x108;
	s8 =	sld [smem:$0x3F9F]  }
0x2e: {  	s3 =	simm.s32 @!p0 $0x1082;
	s9 =	sld [smem:$0x3FA0]  }
0x2f: {  	lr =	sadd.s32 s0, s3;
	s0 =	sld [smem:$0x3F97]  }
0x30: {  	s3 =	sld [smem:$0x3F9A]  }
0x31: {  	[smem:$0x3FA3] =	sst s10  }
0x32: {  	s10 =	sld [smem:$0x3FA1];
	_ =	sdelay $0x3  }
0x33: {  	p0 =	seq.s32 s10, $0x1;
	s10 =	sld [smem:$0x3FA3];
	_ =	sdelay $0x3  }
0x34: {  	[smem:$0x3FA3] =	sst s10  }
0x35: {  	s10 =	sld [smem:$0x3FA2];
	_ =	sdelay $0x3  }
0x36: {  	p1 =	seq.s32 s10, $0x1;
	s10 =	sld [smem:$0x3FA3];
	_ =	sdelay $0x3  }
0x37: {  	[smem:$0x3FA3] =	sst s10  }
0x38: {  	s10 =	sld [smem:$0x3FA4]  }
0x39: {  	_ = 	snop;
	(pc) =	sbr.ind lr, $3  }
0x3a: {  	_ = 	snop  }
0x3b: {  	_ = 	snop  }
0x3c: {  	p2 =	seq.s32 s10, $0x1;
	s10 =	sld [smem:$0x3FA3]  }
0x3d: {  	_ =	shalt  }
0x3e: {  	_ =	shalt  }
0x3f: {  	_ =	shalt  }
0x40: {  	_ =	shalt  }
0x41: {  	_ =	shalt  }
0x42: {  	_ =	shalt  }
0x43: {  	_ =	shalt  }
0x44: {  	_ =	shalt  }
0x45: {  	_ =	shalt  }
0x46: {  	_ =	shalt  }
0x47: {  	_ =	shalt  }
0x48: {  	_ =	shalt  }
0x49: {  	_ =	shalt  }
0x4a: {  	_ =	shalt  }
0x4b: {  	_ =	shalt  }
0x4c: {  	_ =	shalt  }
0x4d: {  	_ =	shalt  }
0x4e: {  	_ =	shalt  }
0x4f: {  	_ =	shalt  }
0x50: {  	_ =	shalt  }
0x51: {  	_ =	shalt  }
0x52: {  	_ =	shalt  }
0x53: {  	_ =	shalt  }
0x54: {  	_ =	shalt  }
0x55: {  	_ =	shalt  }
0x56: {  	_ =	shalt  }
0x57: {  	_ =	shalt  }
0x58: {  	_ =	shalt  }
0x59: {  	_ =	shalt  }
0x5a: {  	_ =	shalt  }
0x5b: {  	_ =	shalt  }
0x5c: {  	_ =	shalt  }
0x5d: {  	_ =	shalt  }
0x5e: {  	_ =	shalt  }
0x5f: {  	_ =	shalt  }
0x60: {  	_ =	shalt  }
0x61: {  	_ =	shalt  }
0x62: {  	_ =	shalt  }
0x63: {  	_ =	shalt  }
0x64: {  	_ =	shalt  }
0x65: {  	_ =	shalt  }
0x66: {  	_ =	shalt  }
0x67: {  	_ =	shalt  }
0x68: {  	_ =	shalt  }
0x69: {  	_ =	shalt  }
0x6a: {  	_ =	shalt  }
0x6b: {  	_ =	shalt  }
0x6c: {  	_ =	shalt  }
0x6d: {  	_ =	shalt  }
0x6e: {  	_ =	shalt  }
0x6f: {  	_ =	shalt  }
0x70: {  	_ =	shalt  }
0x71: {  	_ =	shalt  }
0x72: {  	_ =	shalt  }
0x73: {  	_ =	shalt  }
0x74: {  	_ =	shalt  }
0x75: {  	_ =	shalt  }
0x76: {  	_ =	shalt  }
0x77: {  	_ =	shalt  }
0x78: {  	_ =	shalt  }
0x79: {  	_ =	shalt  }
0x7a: {  	_ =	shalt  }
0x7b: {  	_ =	shalt  }
0x7c: {  	_ =	shalt  }
0x7d: {  	_ =	shalt  }
0x7e: {  	_ =	shalt  }
0x7f: {  	_ =	shalt  }
0x80: {  	_ =	shalt  }
0x81: {  	_ =	shalt  }
0x82: {  	_ =	shalt  }
0x83: {  	_ =	shalt  }
0x84: {  	_ =	shalt  }
0x85: {  	_ =	shalt  }
0x86: {  	_ =	shalt  }
0x87: {  	_ =	shalt  }
.Lfunc_end0:
.L_simem_size_0:
called_computation.3_lowered:
.L_overlay_start_0:
0x88: {  	s2 =	sld [smem:$0x3FD9]  }
0x89: {  	s3 =	sld [smem:$0x3FFE];
	_ =	sdelay $0x1  }
0x8a: {  	s1 =	srdreg.scid  }
0x8b: {  	s0 =	sand.u32 $0x1, s1  }
0x8c: {  	s16 =	sshll.u32 s0, $0xA;
	s2 =	sadd.s32 s3, s2  }
0x8d: {  	s2 =	sadd.s32 s2, s16  }
0x8e: {  	[smem:$0x3FAF] =	sst s2  }
0x8f: {  	_ = 	snop  }
0x90: {  	(tm) =	ssettm $0x1  }
0x91: {  	s17 =	sld [smem:$0x3FFB];
	_ =	sdelay $0x3  }
0x92: {  	_ =	strace s17  }
0x93: {  	s2 =	sld [smem:$0x3FFC];
	_ =	sdelay $0x3  }
0x94: {  	_ =	strace s2  }
0x95: {  	s2 =	sld [smem:$0x3FFD];
	_ =	sdelay $0x3  }
0x96: {  	_ =	strace s2  }
0x97: {  	_ =	strace $0x8FFFFFFF  }
0x98: {  	s18 =	sld [smem:$0x3FDB];
	_ =	sdelay $0x1  }
0x99: {  	s19 =	simm.s32 $_scs_section_size  }
0x9a: {  	s4 =	simm.s32 $_size__tile_overlayer_lowered;
	s5 =	simm.s32 $_tile_overlayer_lowered  }
0x9b: {  	s22 =	simm.s32 $0x1BFF;
	s21 =	sshll.u32 s5, $0x1;
	s2 =	sadd.s32 s19, s18  }
0x9c: {  	s6 =	simm.s32 $0x0;
	s20 =	sshll.u32 s4, $0x1;
	s4 =	sadd.s32 s21, s2  }
0x9d: {  	[timem:s6], [sflag:s22] =	dma.local [hbm:s4], s20  }
0x9e: {  	_ =	swait.ge [sflag:s22], s20  }
0x9f: {  	s3 =	ssub.s32 $0x0, s20;
	[sflag:s22] =	ssyncset.done $0x0  }
0xa0: {  	[sflag:s22] =	ssyncadd.s32 s3;
	_ =	sdelay $0x1  }
0xa1: {  	s23 =	simm.s32 $0x1B8B  }
0xa2: {  	_ =	swait.ge [sflag:s23], $0x1  }
0xa3: {  	[sflag:s23] =	ssyncset.done $0x0  }
0xa4: {  	s25 =	simm.s32 $0x1B8E;
	s24 =	sld [smem:$0x3FFE];
	[sflag:s23] =	ssyncadd.s32 $0xFFFFFFFF  }
0xa5: {  	s26 =	simm.s32 $execute0_lowered;
	[smem:$0x3FD2] =	sst s25  }
0xa6: {  	s4 =	sshll.u32 s26, $0x1;
	_ =	strace $0x8000004F;
	[dreg:$0x1] =	wrdreg $0xFFFFFFFF  }
0xa7: {  	s28 =	simm.s32 $_size_execute0_lowered;
	s2 =	sadd.s32 s2, s4;
	[dreg:$0x0] =	wrdreg $0x0  }
0xa8: {  	s4 =	sshll.u32 s28, $0x1;
	[dreg:$0x2] =	wrdreg s2  }
0xa9: {  	[dreg:$0x3] =	wrdreg s4  }
0xaa: {  	[dreg:$0x4] =	wrdreg $0xC0  }
0xab: {  	_ =	task [dreg:s6], $0x5FFFF  }
0xac: {  	[dreg:$0x1] =	wrdreg $0xFFFFFFFF  }
0xad: {  	[dreg:$0x0] =	wrdreg $0x60  }
0xae: {  	[dreg:$0x2] =	wrdreg s24  }
0xaf: {  	[dreg:$0x3] =	wrdreg $0xD3400  }
0xb0: {  	[dreg:$0x4] =	wrdreg $0xA  }
0xb1: {  	_ =	task.clear_ibuf [dreg:s6], $0x5FFFF;
	_ =	strace $0x9000004F  }
0xb2: {  	s29 =	simm.s32 $0xA;
	_ =	strace $0x80000051  }
0xb3: {  	_ =	swait.ge [sflag:s29], $0x1  }
0xb4: {  	[sflag:s29] =	ssyncadd.s32 $0xFFFFFFFF  }
0xb5: {  	_ =	strace $0x90000051  }
0xb6: {  	_ =	sfence  }
0xb7: {  	s30 =	sld [smem:$0x0];
	_ =	sdelay $0x2  }
0xb8: {  	s31 =	sshll.u32 s1, $0xD;
	s1 =	sshrl.u32 s1, $0x2  }
0xb9: {  	s3 =	sand.u32 $0x4000, s31;
	s1 =	sadd.s32 s1, s30  }
0xba: {  	s0 =	sor.u32 s3, s0;
	s1 =	sshll.u32 s1, $0x11  }
0xbb: {  	s0 =	sor.u32 s1, s0  }
0xbc: {  	s0 =	sadd.s32 $0x8F2B, s0  }
0xbd: {  	[sflag:s0] =	ssyncadd.remote.s32 $0x1  }
0xbe: {  	_ =	sfence.sel $0xFFFF  }
0xbf: {  	[dreg:$0x0] =	wrdreg $0xFFFFFFFF;
	(pc) =	sbr.abs _section_cstart, $3  }
0xc0: {  	[dreg:$0x1] =	wrdreg $0xFFFFFFFF  }
0xc1: {  	_ =	task.clear_ibuf [dreg:s6], $0x2FFFF;
	_ =	strace $0x9FFFFFFF  }
0xc2: {  	(tm) =	ssettm $0x7FFFFFFF  }
0xc3: {  	_ =	shalt  }
tec
execute0_lowered:
.L_overlay_start_1:
0x0: {  	(tag) =	ssettag $0x1  }
0x1: {  	s5 =	rddreg [dreg:$0x0]  }
0x2: {  	s1 =	rddreg [dreg:$0x1]  }
0x3: {  	s2 =	srdreg.scid;
	s0 =	rddreg [dreg:$0x2]  }
0x4: {  	s3 =	simm.s32 $0x0;
	s18 =	simm.s32 $0x2800;
	s19 =	simm.s32 $0x7D  }
0x5: {  	s20 =	simm.s32 $0x5000;
	s21 =	simm.s32 $0x1;
	s22 =	sand.u32 $0x1, s2  }
0x6: {  	s2 =	stileid.u32;
	[smem:$0x7FF] =	sst s3;
	s12 =	sadd.s32 $0x43200, s5  }
0x7: {  	s14 =	sadd.s32 $0x2F800, s5;
	s4 =	sshll.u32 s22, $0x4;
	_ =	strace $0x80000050  }
0x8: {  	s7 =	ssub.s32 $0x2, s22;
	s8 =	smul.u32 $0x19000, s2;
	s10 =	sor.u32 $0x10, s2  }
0x9: {  	s31 =	smul.u32 $0x6400, s2;
	p2 =	slt.u32 s2, $0x9;
	p1 =	seq.s32 s22, $0x0  }
0xa: {  	p0 =	seq.s32 s22, $0x1;
	p3 =	sgt.u32 s2, $0x8;
	p4 =	sne.s32 s22, $0x0  }
0xb: {  	s22 =	simm.s32 $0x0;
	s6 =	sor.u32 s2, s4;
	s11 =	smul.u32 $0x19000, s10  }
0xc: {  	s4 =	sadd.s32 $0x1BE00, s5;
	s28 =	sshrl.u32 s7, $0x1;
	s16 =	smul.u32 $0x6400, s10  }
0xd: {  	p1 =	por !p2, !p1;
	p2 =	por !p2, !p0;
	s6 =	smul.u32 $0x500, s6  }
0xe: {  	s15 =	ssub.s32 s7, s28;
	s29 =	sshrl.u32 s8, $0x2;
	s13 =	sshrl.u32 s31, $0x3  }
0xf: {  	s10 =	sadd.s32 s31, s1;
	p1 =	por !p1, !p1;
	p2 =	por !p2, !p2  }
0x10: {  	s30 =	sshrl.u32 s11, $0x2;
	s11 =	sadd.s32 s14, s13;
	s17 =	sshrl.u32 s16, $0x3  }
0x11: {  	s15 =	smax.u32 s15, $0x1;
	s9 =	sadd.s32 s6, s5;
	s5 =	sadd.s32 s29, s1  }
0x12: {  	s6 =	sadd.s32 s30, s1;
	s14 =	sadd.s32 s14, s17;
	s7 =	sadd.s32 $0x74400, s9  }
0x13: {  	s8 =	sadd.s32 $0x6A400, s9;
	s9 =	sadd.s32 s12, s13;
	s12 =	sadd.s32 s12, s17  }
0x14: {  	v0 =	vimm.f32 $0.0e+00;
	s13 =	sadd.s32 s16, s1;
	s16 =	simm.s32 $0x6F40;
	s17 =	simm.s32 $0x2  }
.LBB2_1:
0x15: {  	s23 =	sand.u32 $0x1FF00, s3  }
0x16: {  	s24 =	sand.u32 $0x30, s3;
	s25 =	sshrl.u32 s23, $0x2  }
0x17: {  	s23 =	simm.s32 $0x40;
	s25 =	sor.u32 s24, s25;
	s24 =	simm.s32 $0x0  }
.LBB2_2:
0x18: {  	p5 =	sne.s32 s23, $0x18FC0  }
0x19: {  	[tilespmem:s25+$0x6F40] =	vst v0;
	s24 =	sadd.s32 $0x10, s24;
	s25 =	smov.u32 s23;
	s23 =	sadd.s32 $0x40, s23  }
.Ltmp0:
0x1a: {  	(pc) =	sbr.rel @p5 .LBB2_2-.Ltmp0, $4  }
0x1b: {  	_ = 	snop  }
0x1c: {  	s25 =	sand.u32 $0x1FF00, s25  }
0x1d: {  	s26 =	sand.u32 $0x30, s24;
	s25 =	sshrl.u32 s25, $0x2  }
0x1e: {  	s25 =	sor.u32 s26, s25  }
0x1f: {  	[tilespmem:s25+$0x6F40] =	vst v0  }
0x20: {  	[spmem:s5] =	stream.linear.scatter [tilespmem:s16], [sflag:$0x2], $0x6400, $0x38;
	[tilespmem:$0x16F80] =	vst v63  }
0x21: {  	_ =	swait.ge [sflag:s17], $0x6400  }
0x22: {  	[sflag:s17] =	ssyncset.done $0x0  }
0x23: {  	s23 =	simm.s32 @!p3 $0x6F40;
	[sflag:s17] =	ssyncadd.s32 $0xFFFF9C00  }
0x24: {  	[spmem:s6] =	stream.linear.scatter @!p3 [tilespmem:s23], [sflag:$0x2], $0x6400, $0x38;
	[tilespmem:$0x16F80] =	vst v63  }
0x25: {  	s23 =	simm.s32 @!p3 $0x2  }
0x26: {  	_ =	swait.ge @!p3 [sflag:s23], $0x6400  }
0x27: {  	[sflag:s23] =	ssyncset.done @!p3 $0x0  }
0x28: {  	s29 =	simm.s32 $0x0;
	[sflag:s23] =	ssyncadd.s32 @!p3 $0xFFFF9C00  }
0x29: {  	[tilespmem:s29], [sflag:$0x2] =	stream.linear.gather [hbm4b:s7+s29], $0x2800, $0x38;
	[tilespmem:$0x16F80] =	vst v63  }
0x2a: {  	_ =	swait.ge [sflag:s17], $0x2800  }
0x2b: {  	[sflag:s17] =	ssyncset.done $0x0  }
0x2c: {  	[sflag:s17] =	ssyncadd.s32 $0xFFFFD800  }
0x2d: {  	[tilespmem:s18], [sflag:$0x2] =	stream.linear.gather [hbm4b:s8+s29], $0x2800, $0x38;
	[tilespmem:$0x16F80] =	vst v63  }
0x2e: {  	_ =	swait.ge [sflag:s17], $0x2800  }
0x2f: {  	[sflag:s17] =	ssyncset.done $0x0  }
0x30: {  	[sflag:s17] =	ssyncadd.s32 $0xFFFFD800  }
0x31: {  	s30 =	simm.s32 $0x0;
	[bflag:$0x0] =	sbarrier.arrive $0xFFFF  }
0x32: {  	[tilespmem:s20], [sflag:$0x1] =	stream.indirect.gather [hbm4b:s4+s19], $0x40, s30, s19, $0xb8;
	[tilespmem:$0x16F80] =	vst v63  }
0x33: {  	_ =	swait.ge [sflag:s21], $0x1F40  }
0x34: {  	[sflag:s21] =	ssyncset.done $0x0  }
0x35: {  	s31 =	simm.s32 $0x2800;
	[sflag:s21] =	ssyncadd.s32 $0xFFFFE0C0  }
0x36: {  	[spmem:s1] =	stream.indirect.scatter.add.f32 [tilespmem:s20], [sflag:$0x2], $0x40, s31, s19, $0xb8;
	[tilespmem:$0x16F80] =	vst v63  }
0x37: {  	_ =	swait.ge [sflag:s17], $0x1F40  }
0x38: {  	s24 =	simm.s32 $0x400;
	s23 =	simm.s32 $0x200;
	[sflag:s17] =	ssyncset.done $0x0  }
.LBB2_4:
0x39: {  	s25 =	sshra.s32 s23, $0x2  }
0x3a: {  	[sflag:s17] =	ssyncadd.s32 $0xFFFFE0C0;
	s23 =	smov.u32 s24;
	s26 =	sadd.s32 $0x200, s24  }
0x3b: {  	[tilespmem:s20], [sflag:$0x1] =	stream.indirect.gather [hbm4b:s4+s19], $0x40, s25, s19, $0xb8;
	[tilespmem:$0x16F80] =	vst v63  }
0x3c: {  	p5 =	sne.s32 s24, $0x9E00;
	_ =	swait.ge [sflag:s21], $0x1F40  }
.Ltmp1:
0x3d: {  	[sflag:s21] =	ssyncset.done $0x0;
	(pc) =	sbr.rel @p5 .LBB2_4-.Ltmp1, $4  }
0x3e: {  	s24 =	sadd.s32 $0x2800, s25;
	[sflag:s21] =	ssyncadd.s32 $0xFFFFE0C0  }
0x3f: {  	[spmem:s1] =	stream.indirect.scatter.add.f32 [tilespmem:s20], [sflag:$0x2], $0x40, s24, s19, $0xb8;
	[tilespmem:$0x16F80] =	vst v63  }
0x40: {  	_ =	swait.ge [sflag:s17], $0x1F40  }
0x41: {  	s24 =	smov.u32 s26;
	[sflag:s17] =	ssyncset.done $0x0  }
0x42: {  	s23 =	sshra.s32 s23, $0x2;
	[sflag:s17] =	ssyncadd.s32 $0xFFFFE0C0  }
0x43: {  	[tilespmem:s20], [sflag:$0x1] =	stream.indirect.gather [hbm4b:s4+s19], $0x40, s23, s19, $0xb8;
	[tilespmem:$0x16F80] =	vst v63  }
0x44: {  	_ =	swait.ge [sflag:s21], $0x1F40  }
0x45: {  	[sflag:s21] =	ssyncset.done $0x0  }
0x46: {  	s23 =	sadd.s32 $0x2800, s23;
	[sflag:s21] =	ssyncadd.s32 $0xFFFFE0C0  }
0x47: {  	[spmem:s1] =	stream.indirect.scatter.add.f32 [tilespmem:s20], [sflag:$0x2], $0x40, s23, s19, $0xb8;
	[tilespmem:$0x16F80] =	vst v63  }
0x48: {  	_ =	swait.ge [sflag:s17], $0x1F40  }
0x49: {  	[sflag:s17] =	ssyncset.done $0x0  }
0x4a: {  	s23 =	sshll.u32 @!p4 s2, $0x6;
	[sflag:s17] =	ssyncadd.s32 $0xFFFFE0C0  }
0x4b: {  	s24 =	sshrl.u32 @!p4 s10, $0x3;
	s23 =	sor.u32 @!p4 $0x1C02, s23;
	[bflag:$0x0] =	sbarrier.arrive $0xFFFF  }
0x4c: {  	[hbm:s9], [sflag:s23] =	dma.local @!p4 [spmem:s24], $0xC80  }
0x4d: {  	s23 =	simm.s32 @!p4 $0x2  }
0x4e: {  	_ =	swait.ge @!p4 [sflag:s23], $0xC80  }
0x4f: {  	s24 =	sshll.u32 @p0 s2, $0x6;
	[sflag:s23] =	ssyncset.done @!p4 $0x0  }
0x50: {  	[sflag:s23] =	ssyncadd.s32 @!p4 $0xFFFFF380;
	s23 =	sor.u32 @p0 $0x1C02, s24;
	s24 =	sshrl.u32 @p0 s10, $0x3  }
0x51: {  	[hbm:s11], [sflag:s23] =	dma.local @p0 [spmem:s24], $0xC80  }
0x52: {  	s23 =	simm.s32 @p0 $0x2  }
0x53: {  	_ =	swait.ge @p0 [sflag:s23], $0xC80  }
0x54: {  	s24 =	sshll.u32 @p1 s2, $0x6;
	[sflag:s23] =	ssyncset.done @p0 $0x0  }
0x55: {  	[sflag:s23] =	ssyncadd.s32 @p0 $0xFFFFF380;
	s23 =	sor.u32 @p1 $0x1C02, s24;
	s24 =	sshrl.u32 @p1 s13, $0x3  }
0x56: {  	[hbm:s12], [sflag:s23] =	dma.local @p1 [spmem:s24], $0xC80  }
0x57: {  	s23 =	simm.s32 @p1 $0x2  }
0x58: {  	s22 =	sadd.s32 $0x1, s22;
	_ =	swait.ge @p1 [sflag:s23], $0xC80  }
0x59: {  	p5 =	sne.s32 s22, s15;
	s24 =	sshll.u32 @p2 s2, $0x6;
	[sflag:s23] =	ssyncset.done @p1 $0x0  }
0x5a: {  	[sflag:s23] =	ssyncadd.s32 @p1 $0xFFFFF380;
	s23 =	sor.u32 @p2 $0x1C02, s24;
	s24 =	sshrl.u32 @p2 s13, $0x3  }
0x5b: {  	[hbm:s14], [sflag:s23] =	dma.local @p2 [spmem:s24], $0xC80  }
.Ltmp2:
0x5c: {  	_ = 	snop;
	(pc) =	sbr.rel @p5 .LBB2_1-.Ltmp2, $4  }
0x5d: {  	s23 =	simm.s32 @p2 $0x2  }
0x5e: {  	_ =	swait.ge @p2 [sflag:s23], $0xC80  }
0x5f: {  	[sflag:s23] =	ssyncset.done @p2 $0x0  }
0x60: {  	[sflag:s23] =	ssyncadd.s32 @p2 $0xFFFFF380  }
0x61: {  	_ =	sfence.sel $0x180000  }
0x62: {  	[bflag:$0x0] =	sbarrier.arrive $0xFFFF  }
0x63: {  	p0 =	sne.s32 s2, $0x0;
	_ =	strace $0x90000050  }
0x64: {  	s0 =	sadd.s32 @!p0 $0x100000, s0;
	[bflag:$0x2] =	sbarrier.arrive $0xFFFF  }
0x65: {  	[sflag:s0] =	ssyncadd.tile.s32 @!p0 $0x1;
	_ =	shalt  }
.Lfunc_end2:
_tile_overlayer_lowered:
.L_overlay_start_2:
0x66: {  	(tag) =	ssettag $0x2  }
0x67: {  	s0 =	rddreg [dreg:$0x0];
	s2 =	stileid.u32  }
0x68: {  	s1 =	rddreg [dreg:$0x1];
	p0 =	sne.s32 s2, $0x0  }
0x69: {  	s3 =	rddreg [dreg:$0x2];
	[bflag:$0x3] =	sbarrier.arrive $0xFFFF;
	s2 =	simm.s32 @!p0 $0x1C02  }
0x6a: {  	[timem:s3], [sflag:s2] =	dma.local @!p0 [hbm:s0], s1  }
0x6b: {  	s0 =	simm.s32 @!p0 $0x2  }
0x6c: {  	_ =	swait.ge @!p0 [sflag:s0], s1  }
0x6d: {  	s1 =	ssub.s32 @!p0 $0x0, s1;
	[sflag:s0] =	ssyncset.done @!p0 $0x0  }
0x6e: {  	[sflag:s0] =	ssyncadd.s32 @!p0 s1  }
0x6f: {  	[bflag:$0x3] =	sbarrier.arrive $0xFFFF  }
0x70: {  	_ =	shalt  }

// kernel: kernel.28.cloned.1.call-start
scs
__scs_entry_jumppad:
0x0: {  	(pc) =	sbr.rel $0x88, $3  }
0x1: {  	(tag) =	ssettag $0x0;
	lr =	simm.s32 $0x1  }
0x2: {  	[smem:$0x3F88] =	sst lr;
	_ =	strace $0xD0000000  }
0x3: {  	_ = 	snop  }
0x4: {  	_ = 	snop  }
0x5: {  	_ = 	snop  }
0x6: {  	_ = 	snop  }
0x7: {  	_ = 	snop  }
__scs_overlays_trampoline_lowered:
0x8: {  	[smem:$0x3F97] =	sst s0  }
0x9: {  	[smem:$0x3F98] =	sst s1  }
0xa: {  	[smem:$0x3F99] =	sst s2  }
0xb: {  	[smem:$0x3F9A] =	sst s3  }
0xc: {  	[smem:$0x3F9B] =	sst s4  }
0xd: {  	[smem:$0x3F9C] =	sst s5  }
0xe: {  	[smem:$0x3F9D] =	sst s6  }
0xf: {  	[smem:$0x3F9E] =	sst s7  }
0x10: {  	[smem:$0x3F9F] =	sst s8  }
0x11: {  	[smem:$0x3FA0] =	sst s9;
	s0 =	simm.s32 @!p0 $0x0  }
0x12: {  	s1 =	sld [smem:$0x3F86];
	s0 =	simm.s32 @p0 $0x1  }
0x13: {  	[smem:$0x3FA1] =	sst s0;
	s0 =	simm.s32 @!p1 $0x0  }
0x14: {  	s2 =	sld [smem:$0x3F85];
	s0 =	simm.s32 @p1 $0x1  }
0x15: {  	[smem:$0x3FA2] =	sst s0;
	s0 =	simm.s32 @!p2 $0x0  }
0x16: {  	s3 =	sld [smem:$0x3FDB];
	s0 =	simm.s32 @p2 $0x1  }
0x17: {  	s4 =	simm.s32 $0x1BF5;
	[smem:$0x3FA4] =	sst s0  }
0x18: {  	s0 =	sld [smem:$0x3F87];
	_ =	swait.ge [sflag:s4], $0x0  }
0x19: {  	s7 =	sld [smem:$0x3F88]  }
0x1a: {  	s8 =	sadd.s32 $0xFFFFE003, lr  }
0x1b: {  	s9 =	sadd.s32 $0xFFFFFEF7, lr;
	s5 =	simm.s32 $0xFFFFFFFF;
	p2 =	slt.u32 s8, $0xFFFFF086  }
0x1c: {  	p1 =	slt.u32 s9, $0xF7A;
	s5 =	simm.s32 @!p2 $0x0  }
0x1d: {  	s5 =	simm.s32 @p1 $0x1;
	p0 =	seq.s32 s7, s2  }
0x1e: {  	s7 =	smul.u32 @!p0 $0xF7A, s2;
	p2 =	seq.s32 @!p0 s5, $0x0  }
0x1f: {  	s9 =	smul.u32 $0xF7A, s1;
	s8 =	simm.s32 @!p0 $0x1BF5;
	p2 =	por !p2, p0  }
0x20: {  	[sflag:s8] =	ssyncset.s32 @!p0 $0xFFFFF086;
	s6 =	sadd.s32 @!p0 s3, s7;
	s7 =	simm.s32 @!p0 $0x108  }
0x21: {  	s3 =	sadd.s32 s3, s9;
	s6 =	sadd.s32 @!p0 $0x88, s6;
	s7 =	simm.s32 @p2 $0x1082  }
0x22: {  	[simem:s7], [sflag:s8] =	dma.local @!p0 [hbm:s6], $0xF7A  }
0x23: {  	s9 =	sor.u32 $0xD0000000, s2;
	s6 =	simm.s32 $0x108;
	_ =	swait.ge @!p0 [sflag:s8], $0x0  }
0x24: {  	s3 =	sadd.s32 $0x88, s3;
	s6 =	simm.s32 @!p1 $0x1082;
	[sflag:s4] =	ssyncset.s32 $0xFFFFF086  }
0x25: {  	[simem:s6], [sflag:s4] =	dma.local [hbm:s3], $0xF7A  }
0x26: {  	[smem:$0x3F88] =	sst s1;
	(tag) =	ssettag s2;
	_ =	strace s9  }
0x27: {  	s1 =	sld [smem:$0x3F98]  }
0x28: {  	s2 =	sld [smem:$0x3F99]  }
0x29: {  	s4 =	sld [smem:$0x3F9B]  }
0x2a: {  	p0 =	seq.s32 s5, $0x0;
	s5 =	sld [smem:$0x3F9C]  }
0x2b: {  	s6 =	sld [smem:$0x3F9D]  }
0x2c: {  	s7 =	sld [smem:$0x3F9E]  }
0x2d: {  	s3 =	simm.s32 $0x108;
	s8 =	sld [smem:$0x3F9F]  }
0x2e: {  	s3 =	simm.s32 @!p0 $0x1082;
	s9 =	sld [smem:$0x3FA0]  }
0x2f: {  	lr =	sadd.s32 s0, s3;
	s0 =	sld [smem:$0x3F97]  }
0x30: {  	s3 =	sld [smem:$0x3F9A]  }
0x31: {  	[smem:$0x3FA3] =	sst s10  }
0x32: {  	s10 =	sld [smem:$0x3FA1];
	_ =	sdelay $0x3  }
0x33: {  	p0 =	seq.s32 s10, $0x1;
	s10 =	sld [smem:$0x3FA3];
	_ =	sdelay $0x3  }
0x34: {  	[smem:$0x3FA3] =	sst s10  }
0x35: {  	s10 =	sld [smem:$0x3FA2];
	_ =	sdelay $0x3  }
0x36: {  	p1 =	seq.s32 s10, $0x1;
	s10 =	sld [smem:$0x3FA3];
	_ =	sdelay $0x3  }
0x37: {  	[smem:$0x3FA3] =	sst s10  }
0x38: {  	s10 =	sld [smem:$0x3FA4]  }
0x39: {  	_ = 	snop;
	(pc) =	sbr.ind lr, $3  }
0x3a: {  	_ = 	snop  }
0x3b: {  	_ = 	snop  }
0x3c: {  	p2 =	seq.s32 s10, $0x1;
	s10 =	sld [smem:$0x3FA3]  }
0x3d: {  	_ =	shalt  }
0x3e: {  	_ =	shalt  }
0x3f: {  	_ =	shalt  }
0x40: {  	_ =	shalt  }
0x41: {  	_ =	shalt  }
0x42: {  	_ =	shalt  }
0x43: {  	_ =	shalt  }
0x44: {  	_ =	shalt  }
0x45: {  	_ =	shalt  }
0x46: {  	_ =	shalt  }
0x47: {  	_ =	shalt  }
0x48: {  	_ =	shalt  }
0x49: {  	_ =	shalt  }
0x4a: {  	_ =	shalt  }
0x4b: {  	_ =	shalt  }
0x4c: {  	_ =	shalt  }
0x4d: {  	_ =	shalt  }
0x4e: {  	_ =	shalt  }
0x4f: {  	_ =	shalt  }
0x50: {  	_ =	shalt  }
0x51: {  	_ =	shalt  }
0x52: {  	_ =	shalt  }
0x53: {  	_ =	shalt  }
0x54: {  	_ =	shalt  }
0x55: {  	_ =	shalt  }
0x56: {  	_ =	shalt  }
0x57: {  	_ =	shalt  }
0x58: {  	_ =	shalt  }
0x59: {  	_ =	shalt  }
0x5a: {  	_ =	shalt  }
0x5b: {  	_ =	shalt  }
0x5c: {  	_ =	shalt  }
0x5d: {  	_ =	shalt  }
0x5e: {  	_ =	shalt  }
0x5f: {  	_ =	shalt  }
0x60: {  	_ =	shalt  }
0x61: {  	_ =	shalt  }
0x62: {  	_ =	shalt  }
0x63: {  	_ =	shalt  }
0x64: {  	_ =	shalt  }
0x65: {  	_ =	shalt  }
0x66: {  	_ =	shalt  }
0x67: {  	_ =	shalt  }
0x68: {  	_ =	shalt  }
0x69: {  	_ =	shalt  }
0x6a: {  	_ =	shalt  }
0x6b: {  	_ =	shalt  }
0x6c: {  	_ =	shalt  }
0x6d: {  	_ =	shalt  }
0x6e: {  	_ =	shalt  }
0x6f: {  	_ =	shalt  }
0x70: {  	_ =	shalt  }
0x71: {  	_ =	shalt  }
0x72: {  	_ =	shalt  }
0x73: {  	_ =	shalt  }
0x74: {  	_ =	shalt  }
0x75: {  	_ =	shalt  }
0x76: {  	_ =	shalt  }
0x77: {  	_ =	shalt  }
0x78: {  	_ =	shalt  }
0x79: {  	_ =	shalt  }
0x7a: {  	_ =	shalt  }
0x7b: {  	_ =	shalt  }
0x7c: {  	_ =	shalt  }
0x7d: {  	_ =	shalt  }
0x7e: {  	_ =	shalt  }
0x7f: {  	_ =	shalt  }
0x80: {  	_ =	shalt  }
0x81: {  	_ =	shalt  }
0x82: {  	_ =	shalt  }
0x83: {  	_ =	shalt  }
0x84: {  	_ =	shalt  }
0x85: {  	_ =	shalt  }
0x86: {  	_ =	shalt  }
0x87: {  	_ =	shalt  }
.Lfunc_end0:
.L_simem_size_0:
called_computation.4_lowered:
.L_overlay_start_0:
0x88: {  	s2 =	sld [smem:$0x3FD9]  }
0x89: {  	s3 =	sld [smem:$0x3FFE];
	_ =	sdelay $0x1  }
0x8a: {  	s1 =	srdreg.scid  }
0x8b: {  	s0 =	sand.u32 $0x1, s1  }
0x8c: {  	s17 =	sshll.u32 s0, $0xA;
	s2 =	sadd.s32 s3, s2  }
0x8d: {  	s2 =	sadd.s32 s2, s17  }
0x8e: {  	[smem:$0x3FAF] =	sst s2  }
0x8f: {  	_ = 	snop  }
0x90: {  	(tm) =	ssettm $0x1  }
0x91: {  	s18 =	sld [smem:$0x3FFB];
	_ =	sdelay $0x3  }
0x92: {  	_ =	strace s18  }
0x93: {  	s2 =	sld [smem:$0x3FFC];
	_ =	sdelay $0x3  }
0x94: {  	_ =	strace s2  }
0x95: {  	s2 =	sld [smem:$0x3FFD];
	_ =	sdelay $0x3  }
0x96: {  	_ =	strace s2  }
0x97: {  	_ =	strace $0x8FFFFFFF  }
0x98: {  	s19 =	sld [smem:$0x3FDB];
	_ =	sdelay $0x1  }
0x99: {  	s20 =	simm.s32 $_scs_section_size  }
0x9a: {  	s4 =	simm.s32 $_size__tile_overlayer_lowered;
	s5 =	simm.s32 $_tile_overlayer_lowered  }
0x9b: {  	s6 =	simm.s32 $0x1BFF;
	s21 =	sshll.u32 s5, $0x1;
	s3 =	sadd.s32 s20, s19  }
0x9c: {  	s22 =	simm.s32 $0x0;
	s4 =	sshll.u32 s4, $0x1;
	s5 =	sadd.s32 s21, s3  }
0x9d: {  	[timem:s22], [sflag:s6] =	dma.local [hbm:s5], s4  }
0x9e: {  	_ =	swait.ge [sflag:s6], s4  }
0x9f: {  	s4 =	ssub.s32 $0x0, s4;
	[sflag:s6] =	ssyncset.done $0x0  }
0xa0: {  	[sflag:s6] =	ssyncadd.s32 s4;
	_ =	sdelay $0x1  }
0xa1: {  	s23 =	simm.s32 $0x1B8B  }
0xa2: {  	_ =	swait.ge [sflag:s23], $0x1  }
0xa3: {  	[sflag:s23] =	ssyncset.done $0x0  }
0xa4: {  	[sflag:s23] =	ssyncadd.s32 $0xFFFFFFFF  }
0xa5: {  	s4 =	sld [smem:$0x0]  }
0xa6: {  	s5 =	sand.u32 $0xFFFFFFFE, s1  }
0xa7: {  	p0 =	sne.s32 s1, s5  }
0xa8: {  	s5 =	sshll.u32 @p0 s5, $0xE  }
0xa9: {  	s5 =	sadd.s32 @p0 $0x11B8D, s5;
	s6 =	sshll.u32 @p0 s4, $0x11  }
0xaa: {  	s5 =	sor.u32 @p0 s6, s5  }
0xab: {  	[sflag:s5] =	ssyncadd.remote.s32 @p0 $0x1;
	_ =	sdelay $0x1  }
0xac: {  	s5 =	simm.s32 @p0 $0x1B8D  }
0xad: {  	_ =	swait.eq @p0 [sflag:s5], $0x1  }
0xae: {  	[sflag:s5] =	ssyncadd.s32 @p0 $0xFFFFFFFF  }
0xaf: {  	s6 =	sshll.u32 @!p0 s1, $0xE  }
0xb0: {  	s6 =	sor.u32 @!p0 $0x4000, s6;
	s5 =	simm.s32 @!p0 $0x1B8D  }
0xb1: {  	s4 =	sshll.u32 @!p0 s4, $0x11;
	s6 =	sadd.s32 @!p0 $0x11B8D, s6;
	_ =	swait.eq @!p0 [sflag:s5], $0x1  }
0xb2: {  	s4 =	sor.u32 @!p0 s4, s6;
	[sflag:s5] =	ssyncadd.s32 @!p0 $0xFFFFFFFF  }
0xb3: {  	s25 =	simm.s32 $0x1B8E;
	s24 =	sld [smem:$0x3FFE];
	[sflag:s4] =	ssyncadd.remote.s32 @!p0 $0x1  }
0xb4: {  	s26 =	simm.s32 $execute0_lowered;
	[smem:$0x3FD2] =	sst s25  }
0xb5: {  	s5 =	sshll.u32 s26, $0x1;
	_ =	strace $0x80000052;
	[dreg:$0x1] =	wrdreg $0xFFFFFFFF  }
0xb6: {  	s28 =	simm.s32 $_size_execute0_lowered;
	s3 =	sadd.s32 s3, s5;
	[dreg:$0x0] =	wrdreg $0x0  }
0xb7: {  	s5 =	sshll.u32 s28, $0x1;
	[dreg:$0x2] =	wrdreg s3  }
0xb8: {  	[dreg:$0x3] =	wrdreg s5  }
0xb9: {  	[dreg:$0x4] =	wrdreg $0xC0  }
0xba: {  	_ =	task [dreg:s22], $0x5FFFF  }
0xbb: {  	[dreg:$0x1] =	wrdreg $0xFFFFFFFF  }
0xbc: {  	[dreg:$0x0] =	wrdreg $0x60  }
0xbd: {  	[dreg:$0x2] =	wrdreg s24  }
0xbe: {  	[dreg:$0x3] =	wrdreg $0xB2700  }
0xbf: {  	[dreg:$0x4] =	wrdreg $0x9  }
0xc0: {  	_ =	task.clear_ibuf [dreg:s22], $0x5FFFF;
	_ =	strace $0x90000052  }
0xc1: {  	s29 =	simm.s32 $0x9;
	_ =	strace $0x80000054  }
0xc2: {  	_ =	swait.ge [sflag:s29], $0x1  }
0xc3: {  	[sflag:s29] =	ssyncadd.s32 $0xFFFFFFFF  }
0xc4: {  	_ =	strace $0x90000054  }
0xc5: {  	_ =	sfence  }
0xc6: {  	s30 =	sld [smem:$0x0];
	_ =	sdelay $0x2  }
0xc7: {  	s31 =	sshll.u32 s1, $0xD;
	s1 =	sshrl.u32 s1, $0x2  }
0xc8: {  	s4 =	sand.u32 $0x4000, s31;
	s1 =	sadd.s32 s1, s30  }
0xc9: {  	s0 =	sor.u32 s4, s0;
	s1 =	sshll.u32 s1, $0x11  }
0xca: {  	s0 =	sor.u32 s1, s0  }
0xcb: {  	s0 =	sadd.s32 $0x8F2B, s0  }
0xcc: {  	[sflag:s0] =	ssyncadd.remote.s32 $0x1  }
0xcd: {  	_ =	sfence.sel $0xFFFF  }
0xce: {  	[dreg:$0x0] =	wrdreg $0xFFFFFFFF;
	(pc) =	sbr.abs _section_cstart, $3  }
0xcf: {  	[dreg:$0x1] =	wrdreg $0xFFFFFFFF  }
0xd0: {  	_ =	task.clear_ibuf [dreg:s22], $0x2FFFF;
	_ =	strace $0x9FFFFFFF  }
0xd1: {  	(tm) =	ssettm $0x7FFFFFFF  }
tec
execute0_lowered:
.L_overlay_start_1:
0x0: {  	(tag) =	ssettag $0x1  }
0x1: {  	s5 =	rddreg [dreg:$0x0]  }
0x2: {  	s1 =	rddreg [dreg:$0x1]  }
0x3: {  	s2 =	srdreg.scid;
	s0 =	rddreg [dreg:$0x2]  }
0x4: {  	s3 =	simm.s32 $0x0;
	s18 =	simm.s32 $0x2800;
	s19 =	simm.s32 $0x7D  }
0x5: {  	s20 =	simm.s32 $0x5000;
	s21 =	simm.s32 $0x1;
	s22 =	sand.u32 $0x1, s2  }
0x6: {  	s2 =	stileid.u32;
	[smem:$0x7FF] =	sst s3;
	s12 =	sadd.s32 $0x8D000, s5  }
0x7: {  	s14 =	sadd.s32 $0x7E400, s5;
	s4 =	sshll.u32 s22, $0x4;
	_ =	strace $0x80000053  }
0x8: {  	s7 =	ssub.s32 $0x2, s22;
	s8 =	smul.u32 $0x12C00, s2;
	s10 =	sor.u32 $0x10, s2  }
0x9: {  	s31 =	smul.u32 $0x4B00, s2;
	p2 =	slt.u32 s2, $0x9;
	p1 =	seq.s32 s22, $0x0  }
0xa: {  	p0 =	seq.s32 s22, $0x1;
	p3 =	sgt.u32 s2, $0x8;
	p4 =	sne.s32 s22, $0x0  }
0xb: {  	s22 =	simm.s32 $0x0;
	s6 =	sor.u32 s2, s4;
	s11 =	smul.u32 $0x12C00, s10  }
0xc: {  	s4 =	sadd.s32 $0x56C00, s5;
	s28 =	sshrl.u32 s7, $0x1;
	s16 =	smul.u32 $0x4B00, s10  }
0xd: {  	p1 =	por !p2, !p1;
	p2 =	por !p2, !p0;
	s6 =	smul.u32 $0x500, s6  }
0xe: {  	s15 =	ssub.s32 s7, s28;
	s29 =	sshrl.u32 s8, $0x2;
	s13 =	sshrl.u32 s31, $0x3  }
0xf: {  	s10 =	sadd.s32 s31, s1;
	p1 =	por !p1, !p1;
	p2 =	por !p2, !p2  }
0x10: {  	s30 =	sshrl.u32 s11, $0x2;
	s11 =	sadd.s32 s14, s13;
	s17 =	sshrl.u32 s16, $0x3  }
0x11: {  	s15 =	smax.u32 s15, $0x1;
	s9 =	sadd.s32 s6, s5;
	s5 =	sadd.s32 s29, s1  }
0x12: {  	s6 =	sadd.s32 s30, s1;
	s14 =	sadd.s32 s14, s17;
	s7 =	sadd.s32 $0x11E00, s9  }
0x13: {  	s8 =	sadd.s32 $0x7E00, s9;
	s9 =	sadd.s32 s12, s13;
	s12 =	sadd.s32 s12, s17  }
0x14: {  	v0 =	vimm.f32 $0.0e+00;
	s13 =	sadd.s32 s16, s1;
	s16 =	simm.s32 $0x6770;
	s17 =	simm.s32 $0x2  }
.LBB2_1:
0x15: {  	s23 =	smul.u32 $0xAAAB, s3;
	_ =	sdelay $0x1  }
0x16: {  	s24 =	sshrl.u32 s23, $0x11  }
0x17: {  	s25 =	simm.s32 $0x0;
	s23 =	simm.s32 $0x1;
	s26 =	smul.u32 $0x3, s24  }
.LBB2_2:
0x18: {  	s28 =	smul.u32 $0xAAAB, s23  }
0x19: {  	s29 =	smov.u32 s23;
	s24 =	smul.u32 $0xC0, s24;
	p5 =	sne.s32 s23, $0x4AF  }
.Ltmp0:
0x1a: {  	s25 =	ssub.s32 s25, s26;
	(pc) =	sbr.rel @p5 .LBB2_2-.Ltmp0, $4  }
0x1b: {  	s23 =	sadd.s32 $0x1, s23;
	s25 =	sand.u32 $0xFFFF, s25  }
0x1c: {  	s26 =	sshrl.u32 s24, $0x2;
	s30 =	sshll.u32 s25, $0x4;
	s25 =	smov.u32 s29  }
0x1d: {  	s24 =	sshrl.u32 s28, $0x11;
	s28 =	sadd.s32 s30, s26  }
0x1e: {  	s26 =	smul.u32 $0x3, s24;
	[tilespmem:s28+$0x6770] =	vst v0  }
0x1f: {  	_ = 	snop  }
0x20: {  	s24 =	smul.u32 $0xC0, s24;
	s23 =	ssub.s32 s25, s26  }
0x21: {  	s23 =	sand.u32 $0xFFFF, s23  }
0x22: {  	s24 =	sshrl.u32 s24, $0x2;
	s23 =	sshll.u32 s23, $0x4  }
0x23: {  	s23 =	sadd.s32 s23, s24  }
0x24: {  	[tilespmem:s23+$0x6770] =	vst v0  }
0x25: {  	[spmem:s5] =	stream.linear.scatter [tilespmem:s16], [sflag:$0x2], $0x4B00, $0x38;
	[tilespmem:$0x127A0] =	vst v63  }
0x26: {  	_ =	swait.ge [sflag:s17], $0x4B00  }
0x27: {  	[sflag:s17] =	ssyncset.done $0x0  }
0x28: {  	s23 =	simm.s32 @!p3 $0x6770;
	[sflag:s17] =	ssyncadd.s32 $0xFFFFB500  }
0x29: {  	[spmem:s6] =	stream.linear.scatter @!p3 [tilespmem:s23], [sflag:$0x2], $0x4B00, $0x38;
	[tilespmem:$0x127A0] =	vst v63  }
0x2a: {  	s23 =	simm.s32 @!p3 $0x2  }
0x2b: {  	_ =	swait.ge @!p3 [sflag:s23], $0x4B00  }
0x2c: {  	[sflag:s23] =	ssyncset.done @!p3 $0x0  }
0x2d: {  	s29 =	simm.s32 $0x0;
	[sflag:s23] =	ssyncadd.s32 @!p3 $0xFFFFB500  }
0x2e: {  	[tilespmem:s29], [sflag:$0x2] =	stream.linear.gather [hbm4b:s7+s29], $0x2800, $0x38;
	[tilespmem:$0x127A0] =	vst v63  }
0x2f: {  	_ =	swait.ge [sflag:s17], $0x2800  }
0x30: {  	[sflag:s17] =	ssyncset.done $0x0  }
0x31: {  	[sflag:s17] =	ssyncadd.s32 $0xFFFFD800  }
0x32: {  	[tilespmem:s18], [sflag:$0x2] =	stream.linear.gather [hbm4b:s8+s29], $0x2800, $0x38;
	[tilespmem:$0x127A0] =	vst v63  }
0x33: {  	_ =	swait.ge [sflag:s17], $0x2800  }
0x34: {  	[sflag:s17] =	ssyncset.done $0x0  }
0x35: {  	[sflag:s17] =	ssyncadd.s32 $0xFFFFD800  }
0x36: {  	s30 =	simm.s32 $0x0;
	[bflag:$0x0] =	sbarrier.arrive $0xFFFF  }
0x37: {  	[tilespmem:s20], [sflag:$0x1] =	stream.indirect.gather [hbm4b:s4+s19], $0x30, s30, s19, $0xb8;
	[tilespmem:$0x127A0] =	vst v63  }
0x38: {  	_ =	swait.ge [sflag:s21], $0x1770  }
0x39: {  	[sflag:s21] =	ssyncset.done $0x0  }
0x3a: {  	s31 =	simm.s32 $0x2800;
	[sflag:s21] =	ssyncadd.s32 $0xFFFFE890  }
0x3b: {  	[spmem:s1] =	stream.indirect.scatter.add.f32 [tilespmem:s20], [sflag:$0x2], $0x30, s31, s19, $0xb8;
	[tilespmem:$0x127A0] =	vst v63  }
0x3c: {  	_ =	swait.ge [sflag:s17], $0x1770  }
0x3d: {  	s24 =	simm.s32 $0x400;
	s23 =	simm.s32 $0x200;
	[sflag:s17] =	ssyncset.done $0x0  }
.LBB2_4:
0x3e: {  	s25 =	sshra.s32 s23, $0x2  }
0x3f: {  	[sflag:s17] =	ssyncadd.s32 $0xFFFFE890;
	s23 =	smov.u32 s24;
	s26 =	sadd.s32 $0x200, s24  }
0x40: {  	[tilespmem:s20], [sflag:$0x1] =	stream.indirect.gather [hbm4b:s4+s19], $0x30, s25, s19, $0xb8;
	[tilespmem:$0x127A0] =	vst v63  }
0x41: {  	p5 =	sne.s32 s24, $0x9E00;
	_ =	swait.ge [sflag:s21], $0x1770  }
.Ltmp1:
0x42: {  	[sflag:s21] =	ssyncset.done $0x0;
	(pc) =	sbr.rel @p5 .LBB2_4-.Ltmp1, $4  }
0x43: {  	s24 =	sadd.s32 $0x2800, s25;
	[sflag:s21] =	ssyncadd.s32 $0xFFFFE890  }
0x44: {  	[spmem:s1] =	stream.indirect.scatter.add.f32 [tilespmem:s20], [sflag:$0x2], $0x30, s24, s19, $0xb8;
	[tilespmem:$0x127A0] =	vst v63  }
0x45: {  	_ =	swait.ge [sflag:s17], $0x1770  }
0x46: {  	s24 =	smov.u32 s26;
	[sflag:s17] =	ssyncset.done $0x0  }
0x47: {  	s23 =	sshra.s32 s23, $0x2;
	[sflag:s17] =	ssyncadd.s32 $0xFFFFE890  }
0x48: {  	[tilespmem:s20], [sflag:$0x1] =	stream.indirect.gather [hbm4b:s4+s19], $0x30, s23, s19, $0xb8;
	[tilespmem:$0x127A0] =	vst v63  }
0x49: {  	_ =	swait.ge [sflag:s21], $0x1770  }
0x4a: {  	[sflag:s21] =	ssyncset.done $0x0  }
0x4b: {  	s23 =	sadd.s32 $0x2800, s23;
	[sflag:s21] =	ssyncadd.s32 $0xFFFFE890  }
0x4c: {  	[spmem:s1] =	stream.indirect.scatter.add.f32 [tilespmem:s20], [sflag:$0x2], $0x30, s23, s19, $0xb8;
	[tilespmem:$0x127A0] =	vst v63  }
0x4d: {  	_ =	swait.ge [sflag:s17], $0x1770  }
0x4e: {  	[sflag:s17] =	ssyncset.done $0x0  }
0x4f: {  	s23 =	sshll.u32 @!p4 s2, $0x6;
	[sflag:s17] =	ssyncadd.s32 $0xFFFFE890  }
0x50: {  	s24 =	sshrl.u32 @!p4 s10, $0x3;
	s23 =	sor.u32 @!p4 $0x1C02, s23;
	[bflag:$0x0] =	sbarrier.arrive $0xFFFF  }
0x51: {  	[hbm:s9], [sflag:s23] =	dma.local @!p4 [spmem:s24], $0x960  }
0x52: {  	s23 =	simm.s32 @!p4 $0x2  }
0x53: {  	_ =	swait.ge @!p4 [sflag:s23], $0x960  }
0x54: {  	s24 =	sshll.u32 @p0 s2, $0x6;
	[sflag:s23] =	ssyncset.done @!p4 $0x0  }
0x55: {  	[sflag:s23] =	ssyncadd.s32 @!p4 $0xFFFFF6A0;
	s23 =	sor.u32 @p0 $0x1C02, s24;
	s24 =	sshrl.u32 @p0 s10, $0x3  }
0x56: {  	[hbm:s11], [sflag:s23] =	dma.local @p0 [spmem:s24], $0x960  }
0x57: {  	s23 =	simm.s32 @p0 $0x2  }
0x58: {  	_ =	swait.ge @p0 [sflag:s23], $0x960  }
0x59: {  	s24 =	sshll.u32 @p1 s2, $0x6;
	[sflag:s23] =	ssyncset.done @p0 $0x0  }
0x5a: {  	[sflag:s23] =	ssyncadd.s32 @p0 $0xFFFFF6A0;
	s23 =	sor.u32 @p1 $0x1C02, s24;
	s24 =	sshrl.u32 @p1 s13, $0x3  }
0x5b: {  	[hbm:s12], [sflag:s23] =	dma.local @p1 [spmem:s24], $0x960  }
0x5c: {  	s23 =	simm.s32 @p1 $0x2  }
0x5d: {  	s22 =	sadd.s32 $0x1, s22;
	_ =	swait.ge @p1 [sflag:s23], $0x960  }
0x5e: {  	p5 =	sne.s32 s22, s15;
	s24 =	sshll.u32 @p2 s2, $0x6;
	[sflag:s23] =	ssyncset.done @p1 $0x0  }
0x5f: {  	[sflag:s23] =	ssyncadd.s32 @p1 $0xFFFFF6A0;
	s23 =	sor.u32 @p2 $0x1C02, s24;
	s24 =	sshrl.u32 @p2 s13, $0x3  }
0x60: {  	[hbm:s14], [sflag:s23] =	dma.local @p2 [spmem:s24], $0x960  }
.Ltmp2:
0x61: {  	_ = 	snop;
	(pc) =	sbr.rel @p5 .LBB2_1-.Ltmp2, $4  }
0x62: {  	s23 =	simm.s32 @p2 $0x2  }
0x63: {  	_ =	swait.ge @p2 [sflag:s23], $0x960  }
0x64: {  	[sflag:s23] =	ssyncset.done @p2 $0x0  }
0x65: {  	[sflag:s23] =	ssyncadd.s32 @p2 $0xFFFFF6A0  }
0x66: {  	_ =	sfence.sel $0x180000  }
0x67: {  	[bflag:$0x0] =	sbarrier.arrive $0xFFFF  }
0x68: {  	p0 =	sne.s32 s2, $0x0;
	_ =	strace $0x90000053  }
0x69: {  	s0 =	sadd.s32 @!p0 $0x100000, s0;
	[bflag:$0x2] =	sbarrier.arrive $0xFFFF  }
0x6a: {  	[sflag:s0] =	ssyncadd.tile.s32 @!p0 $0x1;
	_ =	shalt  }
.Lfunc_end2:
_tile_overlayer_lowered:
.L_overlay_start_2:
0x6b: {  	(tag) =	ssettag $0x2  }
0x6c: {  	s0 =	rddreg [dreg:$0x0];
	s2 =	stileid.u32  }
0x6d: {  	s1 =	rddreg [dreg:$0x1];
	p0 =	sne.s32 s2, $0x0  }
0x6e: {  	s3 =	rddreg [dreg:$0x2];
	[bflag:$0x3] =	sbarrier.arrive $0xFFFF;
	s2 =	simm.s32 @!p0 $0x1C02  }
0x6f: {  	[timem:s3], [sflag:s2] =	dma.local @!p0 [hbm:s0], s1  }
0x70: {  	s0 =	simm.s32 @!p0 $0x2  }
0x71: {  	_ =	swait.ge @!p0 [sflag:s0], s1  }
0x72: {  	s1 =	ssub.s32 @!p0 $0x0, s1;
	[sflag:s0] =	ssyncset.done @!p0 $0x0  }
0x73: {  	[sflag:s0] =	ssyncadd.s32 @!p0 s1  }
0x74: {  	[bflag:$0x3] =	sbarrier.arrive $0xFFFF  }
0x75: {  	_ =	shalt  }

// kernel: kernel.31.cloned.1.call-start
scs
__scs_entry_jumppad:
0x0: {  	(pc) =	sbr.rel $0x88, $3  }
0x1: {  	(tag) =	ssettag $0x0;
	lr =	simm.s32 $0x1  }
0x2: {  	[smem:$0x3F88] =	sst lr;
	_ =	strace $0xD0000000  }
0x3: {  	_ = 	snop  }
0x4: {  	_ = 	snop  }
0x5: {  	_ = 	snop  }
0x6: {  	_ = 	snop  }
0x7: {  	_ = 	snop  }
__scs_overlays_trampoline_lowered:
0x8: {  	[smem:$0x3F97] =	sst s0  }
0x9: {  	[smem:$0x3F98] =	sst s1  }
0xa: {  	[smem:$0x3F99] =	sst s2  }
0xb: {  	[smem:$0x3F9A] =	sst s3  }
0xc: {  	[smem:$0x3F9B] =	sst s4  }
0xd: {  	[smem:$0x3F9C] =	sst s5  }
0xe: {  	[smem:$0x3F9D] =	sst s6  }
0xf: {  	[smem:$0x3F9E] =	sst s7  }
0x10: {  	[smem:$0x3F9F] =	sst s8  }
0x11: {  	[smem:$0x3FA0] =	sst s9;
	s0 =	simm.s32 @!p0 $0x0  }
0x12: {  	s1 =	sld [smem:$0x3F86];
	s0 =	simm.s32 @p0 $0x1  }
0x13: {  	[smem:$0x3FA1] =	sst s0;
	s0 =	simm.s32 @!p1 $0x0  }
0x14: {  	s2 =	sld [smem:$0x3F85];
	s0 =	simm.s32 @p1 $0x1  }
0x15: {  	[smem:$0x3FA2] =	sst s0;
	s0 =	simm.s32 @!p2 $0x0  }
0x16: {  	s3 =	sld [smem:$0x3FDB];
	s0 =	simm.s32 @p2 $0x1  }
0x17: {  	s4 =	simm.s32 $0x1BF5;
	[smem:$0x3FA4] =	sst s0  }
0x18: {  	s0 =	sld [smem:$0x3F87];
	_ =	swait.ge [sflag:s4], $0x0  }
0x19: {  	s7 =	sld [smem:$0x3F88]  }
0x1a: {  	s8 =	sadd.s32 $0xFFFFE003, lr  }
0x1b: {  	s9 =	sadd.s32 $0xFFFFFEF7, lr;
	s5 =	simm.s32 $0xFFFFFFFF;
	p2 =	slt.u32 s8, $0xFFFFF086  }
0x1c: {  	p1 =	slt.u32 s9, $0xF7A;
	s5 =	simm.s32 @!p2 $0x0  }
0x1d: {  	s5 =	simm.s32 @p1 $0x1;
	p0 =	seq.s32 s7, s2  }
0x1e: {  	s7 =	smul.u32 @!p0 $0xF7A, s2;
	p2 =	seq.s32 @!p0 s5, $0x0  }
0x1f: {  	s9 =	smul.u32 $0xF7A, s1;
	s8 =	simm.s32 @!p0 $0x1BF5;
	p2 =	por !p2, p0  }
0x20: {  	[sflag:s8] =	ssyncset.s32 @!p0 $0xFFFFF086;
	s6 =	sadd.s32 @!p0 s3, s7;
	s7 =	simm.s32 @!p0 $0x108  }
0x21: {  	s3 =	sadd.s32 s3, s9;
	s6 =	sadd.s32 @!p0 $0x88, s6;
	s7 =	simm.s32 @p2 $0x1082  }
0x22: {  	[simem:s7], [sflag:s8] =	dma.local @!p0 [hbm:s6], $0xF7A  }
0x23: {  	s9 =	sor.u32 $0xD0000000, s2;
	s6 =	simm.s32 $0x108;
	_ =	swait.ge @!p0 [sflag:s8], $0x0  }
0x24: {  	s3 =	sadd.s32 $0x88, s3;
	s6 =	simm.s32 @!p1 $0x1082;
	[sflag:s4] =	ssyncset.s32 $0xFFFFF086  }
0x25: {  	[simem:s6], [sflag:s4] =	dma.local [hbm:s3], $0xF7A  }
0x26: {  	[smem:$0x3F88] =	sst s1;
	(tag) =	ssettag s2;
	_ =	strace s9  }
0x27: {  	s1 =	sld [smem:$0x3F98]  }
0x28: {  	s2 =	sld [smem:$0x3F99]  }
0x29: {  	s4 =	sld [smem:$0x3F9B]  }
0x2a: {  	p0 =	seq.s32 s5, $0x0;
	s5 =	sld [smem:$0x3F9C]  }
0x2b: {  	s6 =	sld [smem:$0x3F9D]  }
0x2c: {  	s7 =	sld [smem:$0x3F9E]  }
0x2d: {  	s3 =	simm.s32 $0x108;
	s8 =	sld [smem:$0x3F9F]  }
0x2e: {  	s3 =	simm.s32 @!p0 $0x1082;
	s9 =	sld [smem:$0x3FA0]  }
0x2f: {  	lr =	sadd.s32 s0, s3;
	s0 =	sld [smem:$0x3F97]  }
0x30: {  	s3 =	sld [smem:$0x3F9A]  }
0x31: {  	[smem:$0x3FA3] =	sst s10  }
0x32: {  	s10 =	sld [smem:$0x3FA1];
	_ =	sdelay $0x3  }
0x33: {  	p0 =	seq.s32 s10, $0x1;
	s10 =	sld [smem:$0x3FA3];
	_ =	sdelay $0x3  }
0x34: {  	[smem:$0x3FA3] =	sst s10  }
0x35: {  	s10 =	sld [smem:$0x3FA2];
	_ =	sdelay $0x3  }
0x36: {  	p1 =	seq.s32 s10, $0x1;
	s10 =	sld [smem:$0x3FA3];
	_ =	sdelay $0x3  }
0x37: {  	[smem:$0x3FA3] =	sst s10  }
0x38: {  	s10 =	sld [smem:$0x3FA4]  }
0x39: {  	_ = 	snop;
	(pc) =	sbr.ind lr, $3  }
0x3a: {  	_ = 	snop  }
0x3b: {  	_ = 	snop  }
0x3c: {  	p2 =	seq.s32 s10, $0x1;
	s10 =	sld [smem:$0x3FA3]  }
0x3d: {  	_ =	shalt  }
0x3e: {  	_ =	shalt  }
0x3f: {  	_ =	shalt  }
0x40: {  	_ =	shalt  }
0x41: {  	_ =	shalt  }
0x42: {  	_ =	shalt  }
0x43: {  	_ =	shalt  }
0x44: {  	_ =	shalt  }
0x45: {  	_ =	shalt  }
0x46: {  	_ =	shalt  }
0x47: {  	_ =	shalt  }
0x48: {  	_ =	shalt  }
0x49: {  	_ =	shalt  }
0x4a: {  	_ =	shalt  }
0x4b: {  	_ =	shalt  }
0x4c: {  	_ =	shalt  }
0x4d: {  	_ =	shalt  }
0x4e: {  	_ =	shalt  }
0x4f: {  	_ =	shalt  }
0x50: {  	_ =	shalt  }
0x51: {  	_ =	shalt  }
0x52: {  	_ =	shalt  }
0x53: {  	_ =	shalt  }
0x54: {  	_ =	shalt  }
0x55: {  	_ =	shalt  }
0x56: {  	_ =	shalt  }
0x57: {  	_ =	shalt  }
0x58: {  	_ =	shalt  }
0x59: {  	_ =	shalt  }
0x5a: {  	_ =	shalt  }
0x5b: {  	_ =	shalt  }
0x5c: {  	_ =	shalt  }
0x5d: {  	_ =	shalt  }
0x5e: {  	_ =	shalt  }
0x5f: {  	_ =	shalt  }
0x60: {  	_ =	shalt  }
0x61: {  	_ =	shalt  }
0x62: {  	_ =	shalt  }
0x63: {  	_ =	shalt  }
0x64: {  	_ =	shalt  }
0x65: {  	_ =	shalt  }
0x66: {  	_ =	shalt  }
0x67: {  	_ =	shalt  }
0x68: {  	_ =	shalt  }
0x69: {  	_ =	shalt  }
0x6a: {  	_ =	shalt  }
0x6b: {  	_ =	shalt  }
0x6c: {  	_ =	shalt  }
0x6d: {  	_ =	shalt  }
0x6e: {  	_ =	shalt  }
0x6f: {  	_ =	shalt  }
0x70: {  	_ =	shalt  }
0x71: {  	_ =	shalt  }
0x72: {  	_ =	shalt  }
0x73: {  	_ =	shalt  }
0x74: {  	_ =	shalt  }
0x75: {  	_ =	shalt  }
0x76: {  	_ =	shalt  }
0x77: {  	_ =	shalt  }
0x78: {  	_ =	shalt  }
0x79: {  	_ =	shalt  }
0x7a: {  	_ =	shalt  }
0x7b: {  	_ =	shalt  }
0x7c: {  	_ =	shalt  }
0x7d: {  	_ =	shalt  }
0x7e: {  	_ =	shalt  }
0x7f: {  	_ =	shalt  }
0x80: {  	_ =	shalt  }
0x81: {  	_ =	shalt  }
0x82: {  	_ =	shalt  }
0x83: {  	_ =	shalt  }
0x84: {  	_ =	shalt  }
0x85: {  	_ =	shalt  }
0x86: {  	_ =	shalt  }
0x87: {  	_ =	shalt  }
.Lfunc_end0:
.L_simem_size_0:
called_computation.5_lowered:
.L_overlay_start_0:
0x88: {  	s2 =	sld [smem:$0x3FD9]  }
0x89: {  	s3 =	sld [smem:$0x3FFE];
	_ =	sdelay $0x1  }
0x8a: {  	s1 =	srdreg.scid  }
0x8b: {  	s0 =	sand.u32 $0x1, s1  }
0x8c: {  	s15 =	sshll.u32 s0, $0xA;
	s2 =	sadd.s32 s3, s2  }
0x8d: {  	s2 =	sadd.s32 s2, s15  }
0x8e: {  	[smem:$0x3FAF] =	sst s2  }
0x8f: {  	_ = 	snop  }
0x90: {  	s2 =	sld [smem:$0x3FD0];
	_ =	sdelay $0x2  }
0x91: {  	s16 =	simm.s32 $0xB;
	s4 =	simm.s32 $0x10  }
0x92: {  	[smem:s4], [sflag:s16] =	dma.local [hbm:s2], $0x1  }
0x93: {  	_ =	swait.eq [sflag:s16], $0x1  }
0x94: {  	[sflag:s16] =	ssyncset.done $0x0  }
0x95: {  	[sflag:s16] =	ssyncadd.s32 $0xFFFFFFFF  }
0x96: {  	s17 =	sld [smem:$0x12];
	(tm) =	ssettm $0x1  }
0x97: {  	s18 =	sld [smem:$0x3FFB];
	_ =	sdelay $0x3  }
0x98: {  	_ =	strace s18  }
0x99: {  	s2 =	sld [smem:$0x3FFC];
	_ =	sdelay $0x3  }
0x9a: {  	_ =	strace s2  }
0x9b: {  	s2 =	sld [smem:$0x3FFD];
	_ =	sdelay $0x3  }
0x9c: {  	_ =	strace s2  }
0x9d: {  	_ =	strace $0x8FFFFFFF  }
0x9e: {  	s19 =	sld [smem:$0x3FDB];
	_ =	sdelay $0x1  }
0x9f: {  	s20 =	simm.s32 $_scs_section_size  }
0xa0: {  	s5 =	simm.s32 $_size__tile_overlayer_lowered;
	s6 =	simm.s32 $_tile_overlayer_lowered  }
0xa1: {  	s7 =	simm.s32 $0x1BFF;
	s21 =	sshll.u32 s6, $0x1;
	s4 =	sadd.s32 s20, s19  }
0xa2: {  	s22 =	simm.s32 $0x0;
	s5 =	sshll.u32 s5, $0x1;
	s6 =	sadd.s32 s21, s4  }
0xa3: {  	[timem:s22], [sflag:s7] =	dma.local [hbm:s6], s5  }
0xa4: {  	_ =	swait.ge [sflag:s7], s5  }
0xa5: {  	s5 =	ssub.s32 $0x0, s5;
	[sflag:s7] =	ssyncset.done $0x0  }
0xa6: {  	[sflag:s7] =	ssyncadd.s32 s5;
	_ =	sdelay $0x1  }
0xa7: {  	s23 =	simm.s32 $0x1B8B  }
0xa8: {  	_ =	swait.ge [sflag:s23], $0x1  }
0xa9: {  	[sflag:s23] =	ssyncset.done $0x0  }
0xaa: {  	[sflag:s23] =	ssyncadd.s32 $0xFFFFFFFF  }
0xab: {  	s5 =	sld [smem:$0x0]  }
0xac: {  	s6 =	sand.u32 $0xFFFFFFFE, s1  }
0xad: {  	p0 =	sne.s32 s1, s6  }
0xae: {  	s6 =	sshll.u32 @p0 s6, $0xE  }
0xaf: {  	s6 =	sadd.s32 @p0 $0x11B8D, s6;
	s7 =	sshll.u32 @p0 s5, $0x11  }
0xb0: {  	s6 =	sor.u32 @p0 s7, s6  }
0xb1: {  	[sflag:s6] =	ssyncadd.remote.s32 @p0 $0x1;
	_ =	sdelay $0x1  }
0xb2: {  	s6 =	simm.s32 @p0 $0x1B8D  }
0xb3: {  	_ =	swait.eq @p0 [sflag:s6], $0x1  }
0xb4: {  	[sflag:s6] =	ssyncadd.s32 @p0 $0xFFFFFFFF  }
0xb5: {  	s7 =	sshll.u32 @!p0 s1, $0xE  }
0xb6: {  	s7 =	sor.u32 @!p0 $0x4000, s7;
	s6 =	simm.s32 @!p0 $0x1B8D  }
0xb7: {  	s5 =	sshll.u32 @!p0 s5, $0x11;
	s7 =	sadd.s32 @!p0 $0x11B8D, s7;
	_ =	swait.eq @!p0 [sflag:s6], $0x1  }
0xb8: {  	s5 =	sor.u32 @!p0 s5, s7;
	[sflag:s6] =	ssyncadd.s32 @!p0 $0xFFFFFFFF  }
0xb9: {  	s25 =	simm.s32 $0x1B8E;
	s24 =	sld [smem:$0x3FFE];
	[sflag:s5] =	ssyncadd.remote.s32 @!p0 $0x1  }
0xba: {  	s26 =	simm.s32 $execute0_lowered;
	[smem:$0x3FD2] =	sst s25  }
0xbb: {  	s6 =	sshll.u32 s26, $0x1;
	_ =	strace $0x80000058;
	[dreg:$0x1] =	wrdreg $0xFFFFFFFF  }
0xbc: {  	s28 =	simm.s32 $_size_execute0_lowered;
	s4 =	sadd.s32 s4, s6;
	[dreg:$0x0] =	wrdreg $0x0  }
0xbd: {  	s6 =	sshll.u32 s28, $0x1;
	[dreg:$0x2] =	wrdreg s4  }
0xbe: {  	[dreg:$0x3] =	wrdreg s6  }
0xbf: {  	[dreg:$0x4] =	wrdreg $0xC0  }
0xc0: {  	_ =	task [dreg:s22], $0x5FFFF  }
0xc1: {  	[dreg:$0x1] =	wrdreg $0xFFFFFFFF  }
0xc2: {  	[dreg:$0x0] =	wrdreg $0x60  }
0xc3: {  	[dreg:$0x2] =	wrdreg s17  }
0xc4: {  	[dreg:$0x3] =	wrdreg s24  }
0xc5: {  	[dreg:$0x4] =	wrdreg $0xD3400  }
0xc6: {  	[dreg:$0x5] =	wrdreg $0x9  }
0xc7: {  	_ =	task.clear_ibuf [dreg:s22], $0x6FFFF;
	_ =	strace $0x90000058  }
0xc8: {  	s29 =	simm.s32 $0x9;
	_ =	strace $0x8000005A  }
0xc9: {  	_ =	swait.ge [sflag:s29], $0x1  }
0xca: {  	[sflag:s29] =	ssyncadd.s32 $0xFFFFFFFF  }
0xcb: {  	_ =	strace $0x9000005A  }
0xcc: {  	_ =	sfence  }
0xcd: {  	s30 =	sld [smem:$0x0];
	_ =	sdelay $0x2  }
0xce: {  	s31 =	sshll.u32 s1, $0xD;
	s1 =	sshrl.u32 s1, $0x2  }
0xcf: {  	s4 =	sand.u32 $0x4000, s31;
	s1 =	sadd.s32 s1, s30  }
0xd0: {  	s0 =	sor.u32 s4, s0;
	s1 =	sshll.u32 s1, $0x11  }
0xd1: {  	s0 =	sor.u32 s1, s0  }
0xd2: {  	s0 =	sadd.s32 $0x8F2B, s0  }
0xd3: {  	[sflag:s0] =	ssyncadd.remote.s32 $0x1  }
0xd4: {  	_ =	sfence.sel $0xFFFF  }
0xd5: {  	[dreg:$0x0] =	wrdreg $0xFFFFFFFF;
	(pc) =	sbr.abs _section_cstart, $3  }
0xd6: {  	[dreg:$0x1] =	wrdreg $0xFFFFFFFF  }
0xd7: {  	_ =	task.clear_ibuf [dreg:s22], $0x2FFFF;
	_ =	strace $0x9FFFFFFF  }
0xd8: {  	(tm) =	ssettm $0x7FFFFFFF  }
0xd9: {  	_ =	shalt  }
tec
execute0_lowered:
.L_overlay_start_1:
0x0: {  	(tag) =	ssettag $0x1  }
0x1: {  	s1 =	rddreg [dreg:$0x0]  }
0x2: {  	s5 =	rddreg [dreg:$0x1]  }
0x3: {  	s2 =	rddreg [dreg:$0x2];
	s3 =	srdreg.scid  }
0x4: {  	s0 =	rddreg [dreg:$0x3];
	s4 =	simm.s32 $0x0;
	s18 =	simm.s32 $0x2800  }
0x5: {  	s19 =	simm.s32 $0x7D;
	s20 =	simm.s32 $0x5000;
	s21 =	simm.s32 $0x1  }
0x6: {  	s22 =	sand.u32 $0x1, s3;
	s3 =	stileid.u32;
	[smem:$0x7FF] =	sst s4  }
0x7: {  	s12 =	sadd.s32 $0x33800, s5;
	s14 =	sadd.s32 $0x1FE00, s5;
	s6 =	sshll.u32 s22, $0x4  }
0x8: {  	_ =	strace $0x80000059;
	s7 =	ssub.s32 $0x2, s22;
	s8 =	smul.u32 $0x19000, s3  }
0x9: {  	s10 =	sor.u32 $0x10, s3;
	s31 =	smul.u32 $0x6400, s3;
	p2 =	slt.u32 s3, $0x9  }
0xa: {  	p1 =	seq.s32 s22, $0x0;
	p0 =	seq.s32 s22, $0x1;
	p3 =	sgt.u32 s3, $0x8  }
0xb: {  	p4 =	sne.s32 s22, $0x0;
	s22 =	simm.s32 $0x0;
	s11 =	smul.u32 $0x19000, s10  }
0xc: {  	s6 =	sor.u32 s3, s6;
	s28 =	sshrl.u32 s7, $0x1;
	s16 =	smul.u32 $0x6400, s10  }
0xd: {  	p1 =	por !p2, !p1;
	p2 =	por !p2, !p0;
	s6 =	smul.u32 $0x500, s6  }
0xe: {  	s15 =	ssub.s32 s7, s28;
	s29 =	sshrl.u32 s8, $0x2;
	s13 =	sshrl.u32 s31, $0x3  }
0xf: {  	s10 =	sadd.s32 s31, s2;
	p1 =	por !p1, !p1;
	p2 =	por !p2, !p2  }
0x10: {  	s30 =	sshrl.u32 s11, $0x2;
	s11 =	sadd.s32 s14, s13;
	s17 =	sshrl.u32 s16, $0x3  }
0x11: {  	s15 =	smax.u32 s15, $0x1;
	s9 =	sadd.s32 s6, s5;
	s5 =	sadd.s32 s29, s2  }
0x12: {  	s6 =	sadd.s32 s30, s2;
	s14 =	sadd.s32 s14, s17;
	s7 =	sadd.s32 $0x11E00, s9  }
0x13: {  	s8 =	sadd.s32 $0x7E00, s9;
	s9 =	sadd.s32 s12, s13;
	s12 =	sadd.s32 s12, s17  }
0x14: {  	v0 =	vimm.f32 $0.0e+00;
	s13 =	sadd.s32 s16, s2;
	s16 =	simm.s32 $0x6F40;
	s17 =	simm.s32 $0x2  }
.LBB2_1:
0x15: {  	s23 =	sand.u32 $0x1FF00, s4  }
0x16: {  	s24 =	sand.u32 $0x30, s4;
	s25 =	sshrl.u32 s23, $0x2  }
0x17: {  	s23 =	simm.s32 $0x40;
	s25 =	sor.u32 s24, s25;
	s24 =	simm.s32 $0x0  }
.LBB2_2:
0x18: {  	p5 =	sne.s32 s23, $0x18FC0  }
0x19: {  	[tilespmem:s25+$0x6F40] =	vst v0;
	s24 =	sadd.s32 $0x10, s24;
	s25 =	smov.u32 s23;
	s23 =	sadd.s32 $0x40, s23  }
.Ltmp0:
0x1a: {  	(pc) =	sbr.rel @p5 .LBB2_2-.Ltmp0, $4  }
0x1b: {  	_ = 	snop  }
0x1c: {  	s25 =	sand.u32 $0x1FF00, s25  }
0x1d: {  	s26 =	sand.u32 $0x30, s24;
	s25 =	sshrl.u32 s25, $0x2  }
0x1e: {  	s25 =	sor.u32 s26, s25  }
0x1f: {  	[tilespmem:s25+$0x6F40] =	vst v0  }
0x20: {  	[spmem:s5] =	stream.linear.scatter [tilespmem:s16], [sflag:$0x2], $0x6400, $0x38;
	[tilespmem:$0x16F80] =	vst v63  }
0x21: {  	_ =	swait.ge [sflag:s17], $0x6400  }
0x22: {  	[sflag:s17] =	ssyncset.done $0x0  }
0x23: {  	s23 =	simm.s32 @!p3 $0x6F40;
	[sflag:s17] =	ssyncadd.s32 $0xFFFF9C00  }
0x24: {  	[spmem:s6] =	stream.linear.scatter @!p3 [tilespmem:s23], [sflag:$0x2], $0x6400, $0x38;
	[tilespmem:$0x16F80] =	vst v63  }
0x25: {  	s23 =	simm.s32 @!p3 $0x2  }
0x26: {  	_ =	swait.ge @!p3 [sflag:s23], $0x6400  }
0x27: {  	[sflag:s23] =	ssyncset.done @!p3 $0x0  }
0x28: {  	s29 =	simm.s32 $0x0;
	[sflag:s23] =	ssyncadd.s32 @!p3 $0xFFFF9C00  }
0x29: {  	[tilespmem:s29], [sflag:$0x2] =	stream.linear.gather [hbm4b:s7+s29], $0x2800, $0x38;
	[tilespmem:$0x16F80] =	vst v63  }
0x2a: {  	_ =	swait.ge [sflag:s17], $0x2800  }
0x2b: {  	[sflag:s17] =	ssyncset.done $0x0  }
0x2c: {  	[sflag:s17] =	ssyncadd.s32 $0xFFFFD800  }
0x2d: {  	[tilespmem:s18], [sflag:$0x2] =	stream.linear.gather [hbm4b:s8+s29], $0x2800, $0x38;
	[tilespmem:$0x16F80] =	vst v63  }
0x2e: {  	_ =	swait.ge [sflag:s17], $0x2800  }
0x2f: {  	[sflag:s17] =	ssyncset.done $0x0  }
0x30: {  	[sflag:s17] =	ssyncadd.s32 $0xFFFFD800  }
0x31: {  	s30 =	simm.s32 $0x0;
	[bflag:$0x0] =	sbarrier.arrive $0xFFFF  }
0x32: {  	[tilespmem:s20], [sflag:$0x1] =	stream.indirect.gather [hbm4b:s1+s19], $0x40, s30, s19, $0xb8;
	[tilespmem:$0x16F80] =	vst v63  }
0x33: {  	_ =	swait.ge [sflag:s21], $0x1F40  }
0x34: {  	[sflag:s21] =	ssyncset.done $0x0  }
0x35: {  	s31 =	simm.s32 $0x2800;
	[sflag:s21] =	ssyncadd.s32 $0xFFFFE0C0  }
0x36: {  	[spmem:s2] =	stream.indirect.scatter.add.f32 [tilespmem:s20], [sflag:$0x2], $0x40, s31, s19, $0xb8;
	[tilespmem:$0x16F80] =	vst v63  }
0x37: {  	_ =	swait.ge [sflag:s17], $0x1F40  }
0x38: {  	s24 =	simm.s32 $0x400;
	s23 =	simm.s32 $0x200;
	[sflag:s17] =	ssyncset.done $0x0  }
.LBB2_4:
0x39: {  	s25 =	sshra.s32 s23, $0x2  }
0x3a: {  	[sflag:s17] =	ssyncadd.s32 $0xFFFFE0C0;
	s23 =	smov.u32 s24;
	s26 =	sadd.s32 $0x200, s24  }
0x3b: {  	[tilespmem:s20], [sflag:$0x1] =	stream.indirect.gather [hbm4b:s1+s19], $0x40, s25, s19, $0xb8;
	[tilespmem:$0x16F80] =	vst v63  }
0x3c: {  	p5 =	sne.s32 s24, $0x9E00;
	_ =	swait.ge [sflag:s21], $0x1F40  }
.Ltmp1:
0x3d: {  	[sflag:s21] =	ssyncset.done $0x0;
	(pc) =	sbr.rel @p5 .LBB2_4-.Ltmp1, $4  }
0x3e: {  	s24 =	sadd.s32 $0x2800, s25;
	[sflag:s21] =	ssyncadd.s32 $0xFFFFE0C0  }
0x3f: {  	[spmem:s2] =	stream.indirect.scatter.add.f32 [tilespmem:s20], [sflag:$0x2], $0x40, s24, s19, $0xb8;
	[tilespmem:$0x16F80] =	vst v63  }
0x40: {  	_ =	swait.ge [sflag:s17], $0x1F40  }
0x41: {  	s24 =	smov.u32 s26;
	[sflag:s17] =	ssyncset.done $0x0  }
0x42: {  	s23 =	sshra.s32 s23, $0x2;
	[sflag:s17] =	ssyncadd.s32 $0xFFFFE0C0  }
0x43: {  	[tilespmem:s20], [sflag:$0x1] =	stream.indirect.gather [hbm4b:s1+s19], $0x40, s23, s19, $0xb8;
	[tilespmem:$0x16F80] =	vst v63  }
0x44: {  	_ =	swait.ge [sflag:s21], $0x1F40  }
0x45: {  	[sflag:s21] =	ssyncset.done $0x0  }
0x46: {  	s23 =	sadd.s32 $0x2800, s23;
	[sflag:s21] =	ssyncadd.s32 $0xFFFFE0C0  }
0x47: {  	[spmem:s2] =	stream.indirect.scatter.add.f32 [tilespmem:s20], [sflag:$0x2], $0x40, s23, s19, $0xb8;
	[tilespmem:$0x16F80] =	vst v63  }
0x48: {  	_ =	swait.ge [sflag:s17], $0x1F40  }
0x49: {  	[sflag:s17] =	ssyncset.done $0x0  }
0x4a: {  	s23 =	sshll.u32 @!p4 s3, $0x6;
	[sflag:s17] =	ssyncadd.s32 $0xFFFFE0C0  }
0x4b: {  	s24 =	sshrl.u32 @!p4 s10, $0x3;
	s23 =	sor.u32 @!p4 $0x1C02, s23;
	[bflag:$0x0] =	sbarrier.arrive $0xFFFF  }
0x4c: {  	[hbm:s9], [sflag:s23] =	dma.local @!p4 [spmem:s24], $0xC80  }
0x4d: {  	s23 =	simm.s32 @!p4 $0x2  }
0x4e: {  	_ =	swait.ge @!p4 [sflag:s23], $0xC80  }
0x4f: {  	s24 =	sshll.u32 @p0 s3, $0x6;
	[sflag:s23] =	ssyncset.done @!p4 $0x0  }
0x50: {  	[sflag:s23] =	ssyncadd.s32 @!p4 $0xFFFFF380;
	s23 =	sor.u32 @p0 $0x1C02, s24;
	s24 =	sshrl.u32 @p0 s10, $0x3  }
0x51: {  	[hbm:s11], [sflag:s23] =	dma.local @p0 [spmem:s24], $0xC80  }
0x52: {  	s23 =	simm.s32 @p0 $0x2  }
0x53: {  	_ =	swait.ge @p0 [sflag:s23], $0xC80  }
0x54: {  	s24 =	sshll.u32 @p1 s3, $0x6;
	[sflag:s23] =	ssyncset.done @p0 $0x0  }
0x55: {  	[sflag:s23] =	ssyncadd.s32 @p0 $0xFFFFF380;
	s23 =	sor.u32 @p1 $0x1C02, s24;
	s24 =	sshrl.u32 @p1 s13, $0x3  }
0x56: {  	[hbm:s12], [sflag:s23] =	dma.local @p1 [spmem:s24], $0xC80  }
0x57: {  	s23 =	simm.s32 @p1 $0x2  }
0x58: {  	s22 =	sadd.s32 $0x1, s22;
	_ =	swait.ge @p1 [sflag:s23], $0xC80  }
0x59: {  	p5 =	sne.s32 s22, s15;
	s24 =	sshll.u32 @p2 s3, $0x6;
	[sflag:s23] =	ssyncset.done @p1 $0x0  }
0x5a: {  	[sflag:s23] =	ssyncadd.s32 @p1 $0xFFFFF380;
	s23 =	sor.u32 @p2 $0x1C02, s24;
	s24 =	sshrl.u32 @p2 s13, $0x3  }
0x5b: {  	[hbm:s14], [sflag:s23] =	dma.local @p2 [spmem:s24], $0xC80  }
.Ltmp2:
0x5c: {  	_ = 	snop;
	(pc) =	sbr.rel @p5 .LBB2_1-.Ltmp2, $4  }
0x5d: {  	s23 =	simm.s32 @p2 $0x2  }
0x5e: {  	_ =	swait.ge @p2 [sflag:s23], $0xC80  }
0x5f: {  	[sflag:s23] =	ssyncset.done @p2 $0x0  }
0x60: {  	[sflag:s23] =	ssyncadd.s32 @p2 $0xFFFFF380  }
0x61: {  	_ =	sfence.sel $0x180000  }
0x62: {  	[bflag:$0x0] =	sbarrier.arrive $0xFFFF  }
0x63: {  	p0 =	sne.s32 s3, $0x0;
	_ =	strace $0x90000059  }
0x64: {  	s0 =	sadd.s32 @!p0 $0x100000, s0;
	[bflag:$0x2] =	sbarrier.arrive $0xFFFF  }
0x65: {  	[sflag:s0] =	ssyncadd.tile.s32 @!p0 $0x1;
	_ =	shalt  }
.Lfunc_end2:
_tile_overlayer_lowered:
.L_overlay_start_2:
0x66: {  	(tag) =	ssettag $0x2  }
0x67: {  	s0 =	rddreg [dreg:$0x0];
	s2 =	stileid.u32  }
0x68: {  	s1 =	rddreg [dreg:$0x1];
	p0 =	sne.s32 s2, $0x0  }
0x69: {  	s3 =	rddreg [dreg:$0x2];
	[bflag:$0x3] =	sbarrier.arrive $0xFFFF;
	s2 =	simm.s32 @!p0 $0x1C02  }
0x6a: {  	[timem:s3], [sflag:s2] =	dma.local @!p0 [hbm:s0], s1  }
0x6b: {  	s0 =	simm.s32 @!p0 $0x2  }
0x6c: {  	_ =	swait.ge @!p0 [sflag:s0], s1  }
0x6d: {  	s1 =	ssub.s32 @!p0 $0x0, s1;
	[sflag:s0] =	ssyncset.done @!p0 $0x0  }
0x6e: {  	[sflag:s0] =	ssyncadd.s32 @!p0 s1  }
0x6f: {  	[bflag:$0x3] =	sbarrier.arrive $0xFFFF  }
0x70: {  	_ =	shalt  }

// kernel: kernel.34.cloned.1.call-start
scs
__scs_entry_jumppad:
0x0: {  	(pc) =	sbr.rel $0x88, $3  }
0x1: {  	(tag) =	ssettag $0x0;
	lr =	simm.s32 $0x1  }
0x2: {  	[smem:$0x3F88] =	sst lr;
	_ =	strace $0xD0000000  }
0x3: {  	_ = 	snop  }
0x4: {  	_ = 	snop  }
0x5: {  	_ = 	snop  }
0x6: {  	_ = 	snop  }
0x7: {  	_ = 	snop  }
__scs_overlays_trampoline_lowered:
0x8: {  	[smem:$0x3F97] =	sst s0  }
0x9: {  	[smem:$0x3F98] =	sst s1  }
0xa: {  	[smem:$0x3F99] =	sst s2  }
0xb: {  	[smem:$0x3F9A] =	sst s3  }
0xc: {  	[smem:$0x3F9B] =	sst s4  }
0xd: {  	[smem:$0x3F9C] =	sst s5  }
0xe: {  	[smem:$0x3F9D] =	sst s6  }
0xf: {  	[smem:$0x3F9E] =	sst s7  }
0x10: {  	[smem:$0x3F9F] =	sst s8  }
0x11: {  	[smem:$0x3FA0] =	sst s9;
	s0 =	simm.s32 @!p0 $0x0  }
0x12: {  	s1 =	sld [smem:$0x3F86];
	s0 =	simm.s32 @p0 $0x1  }
0x13: {  	[smem:$0x3FA1] =	sst s0;
	s0 =	simm.s32 @!p1 $0x0  }
0x14: {  	s2 =	sld [smem:$0x3F85];
	s0 =	simm.s32 @p1 $0x1  }
0x15: {  	[smem:$0x3FA2] =	sst s0;
	s0 =	simm.s32 @!p2 $0x0  }
0x16: {  	s3 =	sld [smem:$0x3FDB];
	s0 =	simm.s32 @p2 $0x1  }
0x17: {  	s4 =	simm.s32 $0x1BF5;
	[smem:$0x3FA4] =	sst s0  }
0x18: {  	s0 =	sld [smem:$0x3F87];
	_ =	swait.ge [sflag:s4], $0x0  }
0x19: {  	s7 =	sld [smem:$0x3F88]  }
0x1a: {  	s8 =	sadd.s32 $0xFFFFE003, lr  }
0x1b: {  	s9 =	sadd.s32 $0xFFFFFEF7, lr;
	s5 =	simm.s32 $0xFFFFFFFF;
	p2 =	slt.u32 s8, $0xFFFFF086  }
0x1c: {  	p1 =	slt.u32 s9, $0xF7A;
	s5 =	simm.s32 @!p2 $0x0  }
0x1d: {  	s5 =	simm.s32 @p1 $0x1;
	p0 =	seq.s32 s7, s2  }
0x1e: {  	s7 =	smul.u32 @!p0 $0xF7A, s2;
	p2 =	seq.s32 @!p0 s5, $0x0  }
0x1f: {  	s9 =	smul.u32 $0xF7A, s1;
	s8 =	simm.s32 @!p0 $0x1BF5;
	p2 =	por !p2, p0  }
0x20: {  	[sflag:s8] =	ssyncset.s32 @!p0 $0xFFFFF086;
	s6 =	sadd.s32 @!p0 s3, s7;
	s7 =	simm.s32 @!p0 $0x108  }
0x21: {  	s3 =	sadd.s32 s3, s9;
	s6 =	sadd.s32 @!p0 $0x88, s6;
	s7 =	simm.s32 @p2 $0x1082  }
0x22: {  	[simem:s7], [sflag:s8] =	dma.local @!p0 [hbm:s6], $0xF7A  }
0x23: {  	s9 =	sor.u32 $0xD0000000, s2;
	s6 =	simm.s32 $0x108;
	_ =	swait.ge @!p0 [sflag:s8], $0x0  }
0x24: {  	s3 =	sadd.s32 $0x88, s3;
	s6 =	simm.s32 @!p1 $0x1082;
	[sflag:s4] =	ssyncset.s32 $0xFFFFF086  }
0x25: {  	[simem:s6], [sflag:s4] =	dma.local [hbm:s3], $0xF7A  }
0x26: {  	[smem:$0x3F88] =	sst s1;
	(tag) =	ssettag s2;
	_ =	strace s9  }
0x27: {  	s1 =	sld [smem:$0x3F98]  }
0x28: {  	s2 =	sld [smem:$0x3F99]  }
0x29: {  	s4 =	sld [smem:$0x3F9B]  }
0x2a: {  	p0 =	seq.s32 s5, $0x0;
	s5 =	sld [smem:$0x3F9C]  }
0x2b: {  	s6 =	sld [smem:$0x3F9D]  }
0x2c: {  	s7 =	sld [smem:$0x3F9E]  }
0x2d: {  	s3 =	simm.s32 $0x108;
	s8 =	sld [smem:$0x3F9F]  }
0x2e: {  	s3 =	simm.s32 @!p0 $0x1082;
	s9 =	sld [smem:$0x3FA0]  }
0x2f: {  	lr =	sadd.s32 s0, s3;
	s0 =	sld [smem:$0x3F97]  }
0x30: {  	s3 =	sld [smem:$0x3F9A]  }
0x31: {  	[smem:$0x3FA3] =	sst s10  }
0x32: {  	s10 =	sld [smem:$0x3FA1];
	_ =	sdelay $0x3  }
0x33: {  	p0 =	seq.s32 s10, $0x1;
	s10 =	sld [smem:$0x3FA3];
	_ =	sdelay $0x3  }
0x34: {  	[smem:$0x3FA3] =	sst s10  }
0x35: {  	s10 =	sld [smem:$0x3FA2];
	_ =	sdelay $0x3  }
0x36: {  	p1 =	seq.s32 s10, $0x1;
	s10 =	sld [smem:$0x3FA3];
	_ =	sdelay $0x3  }
0x37: {  	[smem:$0x3FA3] =	sst s10  }
0x38: {  	s10 =	sld [smem:$0x3FA4]  }
0x39: {  	_ = 	snop;
	(pc) =	sbr.ind lr, $3  }
0x3a: {  	_ = 	snop  }
0x3b: {  	_ = 	snop  }
0x3c: {  	p2 =	seq.s32 s10, $0x1;
	s10 =	sld [smem:$0x3FA3]  }
0x3d: {  	_ =	shalt  }
0x3e: {  	_ =	shalt  }
0x3f: {  	_ =	shalt  }
0x40: {  	_ =	shalt  }
0x41: {  	_ =	shalt  }
0x42: {  	_ =	shalt  }
0x43: {  	_ =	shalt  }
0x44: {  	_ =	shalt  }
0x45: {  	_ =	shalt  }
0x46: {  	_ =	shalt  }
0x47: {  	_ =	shalt  }
0x48: {  	_ =	shalt  }
0x49: {  	_ =	shalt  }
0x4a: {  	_ =	shalt  }
0x4b: {  	_ =	shalt  }
0x4c: {  	_ =	shalt  }
0x4d: {  	_ =	shalt  }
0x4e: {  	_ =	shalt  }
0x4f: {  	_ =	shalt  }
0x50: {  	_ =	shalt  }
0x51: {  	_ =	shalt  }
0x52: {  	_ =	shalt  }
0x53: {  	_ =	shalt  }
0x54: {  	_ =	shalt  }
0x55: {  	_ =	shalt  }
0x56: {  	_ =	shalt  }
0x57: {  	_ =	shalt  }
0x58: {  	_ =	shalt  }
0x59: {  	_ =	shalt  }
0x5a: {  	_ =	shalt  }
0x5b: {  	_ =	shalt  }
0x5c: {  	_ =	shalt  }
0x5d: {  	_ =	shalt  }
0x5e: {  	_ =	shalt  }
0x5f: {  	_ =	shalt  }
0x60: {  	_ =	shalt  }
0x61: {  	_ =	shalt  }
0x62: {  	_ =	shalt  }
0x63: {  	_ =	shalt  }
0x64: {  	_ =	shalt  }
0x65: {  	_ =	shalt  }
0x66: {  	_ =	shalt  }
0x67: {  	_ =	shalt  }
0x68: {  	_ =	shalt  }
0x69: {  	_ =	shalt  }
0x6a: {  	_ =	shalt  }
0x6b: {  	_ =	shalt  }
0x6c: {  	_ =	shalt  }
0x6d: {  	_ =	shalt  }
0x6e: {  	_ =	shalt  }
0x6f: {  	_ =	shalt  }
0x70: {  	_ =	shalt  }
0x71: {  	_ =	shalt  }
0x72: {  	_ =	shalt  }
0x73: {  	_ =	shalt  }
0x74: {  	_ =	shalt  }
0x75: {  	_ =	shalt  }
0x76: {  	_ =	shalt  }
0x77: {  	_ =	shalt  }
0x78: {  	_ =	shalt  }
0x79: {  	_ =	shalt  }
0x7a: {  	_ =	shalt  }
0x7b: {  	_ =	shalt  }
0x7c: {  	_ =	shalt  }
0x7d: {  	_ =	shalt  }
0x7e: {  	_ =	shalt  }
0x7f: {  	_ =	shalt  }
0x80: {  	_ =	shalt  }
0x81: {  	_ =	shalt  }
0x82: {  	_ =	shalt  }
0x83: {  	_ =	shalt  }
0x84: {  	_ =	shalt  }
0x85: {  	_ =	shalt  }
0x86: {  	_ =	shalt  }
0x87: {  	_ =	shalt  }
.Lfunc_end0:
.L_simem_size_0:
called_computation.6_lowered:
.L_overlay_start_0:
0x88: {  	s2 =	sld [smem:$0x3FD9]  }
0x89: {  	s3 =	sld [smem:$0x3FFE];
	_ =	sdelay $0x1  }
0x8a: {  	s1 =	srdreg.scid  }
0x8b: {  	s0 =	sand.u32 $0x1, s1  }
0x8c: {  	s17 =	sshll.u32 s0, $0xA;
	s2 =	sadd.s32 s3, s2  }
0x8d: {  	s2 =	sadd.s32 s2, s17  }
0x8e: {  	[smem:$0x3FAF] =	sst s2  }
0x8f: {  	_ = 	snop  }
0x90: {  	s18 =	sld [smem:$0x3FC5]  }
0x91: {  	s4 =	sld [smem:$0x3FC4];
	(tm) =	ssettm $0x1  }
0x92: {  	s19 =	sld [smem:$0x3FFB];
	_ =	sdelay $0x3  }
0x93: {  	_ =	strace s19  }
0x94: {  	s2 =	sld [smem:$0x3FFC];
	_ =	sdelay $0x3  }
0x95: {  	_ =	strace s2  }
0x96: {  	s2 =	sld [smem:$0x3FFD];
	_ =	sdelay $0x3  }
0x97: {  	_ =	strace s2  }
0x98: {  	_ =	strace $0x8FFFFFFF  }
0x99: {  	s20 =	sld [smem:$0x3FDB];
	_ =	sdelay $0x1  }
0x9a: {  	s5 =	simm.s32 $_scs_section_size  }
0x9b: {  	s6 =	simm.s32 $_size__tile_overlayer_lowered;
	s7 =	simm.s32 $_tile_overlayer_lowered  }
0x9c: {  	s8 =	simm.s32 $0x1BFF;
	s21 =	sshll.u32 s7, $0x1;
	s5 =	sadd.s32 s5, s20  }
0x9d: {  	s22 =	simm.s32 $0x0;
	s6 =	sshll.u32 s6, $0x1;
	s7 =	sadd.s32 s21, s5  }
0x9e: {  	[timem:s22], [sflag:s8] =	dma.local [hbm:s7], s6  }
0x9f: {  	_ =	swait.ge [sflag:s8], s6  }
0xa0: {  	s6 =	ssub.s32 $0x0, s6;
	[sflag:s8] =	ssyncset.done $0x0  }
0xa1: {  	[sflag:s8] =	ssyncadd.s32 s6;
	_ =	sdelay $0x1  }
0xa2: {  	s23 =	simm.s32 $0x1B8B  }
0xa3: {  	_ =	swait.ge [sflag:s23], $0x1  }
0xa4: {  	[sflag:s23] =	ssyncset.done $0x0  }
0xa5: {  	[sflag:s23] =	ssyncadd.s32 $0xFFFFFFFF  }
0xa6: {  	s6 =	sld [smem:$0x0]  }
0xa7: {  	s7 =	sand.u32 $0xFFFFFFFE, s1  }
0xa8: {  	p0 =	sne.s32 s1, s7  }
0xa9: {  	s7 =	sshll.u32 @p0 s7, $0xE  }
0xaa: {  	s7 =	sadd.s32 @p0 $0x11B8D, s7;
	s8 =	sshll.u32 @p0 s6, $0x11  }
0xab: {  	s7 =	sor.u32 @p0 s8, s7  }
0xac: {  	[sflag:s7] =	ssyncadd.remote.s32 @p0 $0x1;
	_ =	sdelay $0x1  }
0xad: {  	s7 =	simm.s32 @p0 $0x1B8D  }
0xae: {  	_ =	swait.eq @p0 [sflag:s7], $0x1  }
0xaf: {  	[sflag:s7] =	ssyncadd.s32 @p0 $0xFFFFFFFF  }
0xb0: {  	s8 =	sshll.u32 @!p0 s1, $0xE  }
0xb1: {  	s8 =	sor.u32 @!p0 $0x4000, s8;
	s7 =	simm.s32 @!p0 $0x1B8D  }
0xb2: {  	s6 =	sshll.u32 @!p0 s6, $0x11;
	s8 =	sadd.s32 @!p0 $0x11B8D, s8;
	_ =	swait.eq @!p0 [sflag:s7], $0x1  }
0xb3: {  	s6 =	sor.u32 @!p0 s6, s8;
	[sflag:s7] =	ssyncadd.s32 @!p0 $0xFFFFFFFF  }
0xb4: {  	s25 =	simm.s32 $0x1B8E;
	s24 =	sld [smem:$0x3FFE];
	[sflag:s6] =	ssyncadd.remote.s32 @!p0 $0x1  }
0xb5: {  	s26 =	simm.s32 $execute0_lowered;
	[smem:$0x3FD2] =	sst s25  }
0xb6: {  	s7 =	sshll.u32 s26, $0x1;
	_ =	strace $0x80000055;
	[dreg:$0x1] =	wrdreg $0xFFFFFFFF  }
0xb7: {  	s28 =	simm.s32 $_size_execute0_lowered;
	s5 =	sadd.s32 s5, s7;
	[dreg:$0x0] =	wrdreg $0x0  }
0xb8: {  	s7 =	sshll.u32 s28, $0x1;
	[dreg:$0x2] =	wrdreg s5  }
0xb9: {  	[dreg:$0x3] =	wrdreg s7  }
0xba: {  	[dreg:$0x4] =	wrdreg $0xC0  }
0xbb: {  	_ =	task [dreg:s22], $0x5FFFF  }
0xbc: {  	[dreg:$0x1] =	wrdreg $0xFFFFFFFF  }
0xbd: {  	[dreg:$0x0] =	wrdreg $0x60  }
0xbe: {  	[dreg:$0x2] =	wrdreg s24  }
0xbf: {  	[dreg:$0x3] =	wrdreg s18  }
0xc0: {  	[dreg:$0x4] =	wrdreg s4  }
0xc1: {  	[dreg:$0x5] =	wrdreg $0xA  }
0xc2: {  	_ =	task.clear_ibuf [dreg:s22], $0x6FFFF;
	_ =	strace $0x90000055  }
0xc3: {  	s29 =	simm.s32 $0xA;
	_ =	strace $0x80000057  }
0xc4: {  	_ =	swait.ge [sflag:s29], $0x1  }
0xc5: {  	[sflag:s29] =	ssyncadd.s32 $0xFFFFFFFF  }
0xc6: {  	_ =	strace $0x90000057  }
0xc7: {  	_ =	sfence  }
0xc8: {  	s30 =	sld [smem:$0x0];
	_ =	sdelay $0x2  }
0xc9: {  	s31 =	sshll.u32 s1, $0xD;
	s1 =	sshrl.u32 s1, $0x2  }
0xca: {  	s4 =	sand.u32 $0x4000, s31;
	s1 =	sadd.s32 s1, s30  }
0xcb: {  	s0 =	sor.u32 s4, s0;
	s1 =	sshll.u32 s1, $0x11  }
0xcc: {  	s0 =	sor.u32 s1, s0  }
0xcd: {  	s0 =	sadd.s32 $0x8F2B, s0  }
0xce: {  	[sflag:s0] =	ssyncadd.remote.s32 $0x1  }
0xcf: {  	_ =	sfence.sel $0xFFFF  }
0xd0: {  	[dreg:$0x0] =	wrdreg $0xFFFFFFFF;
	(pc) =	sbr.abs _section_cstart, $3  }
0xd1: {  	[dreg:$0x1] =	wrdreg $0xFFFFFFFF  }
0xd2: {  	_ =	task.clear_ibuf [dreg:s22], $0x2FFFF;
	_ =	strace $0x9FFFFFFF  }
0xd3: {  	(tm) =	ssettm $0x7FFFFFFF  }
tec
execute0_lowered:
.L_overlay_start_1:
0x0: {  	(tag) =	ssettag $0x1  }
0x1: {  	s8 =	rddreg [dreg:$0x0];
	s1 =	srdreg.scid  }
0x2: {  	s3 =	rddreg [dreg:$0x1];
	s0 =	stileid.u32;
	s10 =	sand.u32 $0x1, s1  }
0x3: {  	s9 =	rddreg [dreg:$0x2];
	s5 =	sshll.u32 s0, $0x6;
	s4 =	sshll.u32 s10, $0xA  }
0x4: {  	s2 =	simm.s32 $0x0;
	s1 =	rddreg [dreg:$0x3];
	s11 =	sor.u32 s5, s4  }
0x5: {  	[smem:$0x7FF] =	sst s2;
	s12 =	sshrl.u32 s11, $0x3  }
0x6: {  	_ =	strace $0x80000056;
	s4 =	sadd.s32 s3, s12;
	s3 =	simm.s32 $0x2  }
0x7: {  	[tilespmem:s2], [sflag:$0x2] =	stream.linear.gather [hbm4b:s4+s2], $0x40, $0x38;
	[tilespmem:$0x1040] =	vst v63  }
0x8: {  	_ =	swait.ge [sflag:s3], $0x40  }
0x9: {  	s6 =	simm.s32 $0x40;
	[sflag:s3] =	ssyncset.done $0x0  }
0xa: {  	s7 =	simm.s32 $0x1;
	s5 =	sadd.s32 $0x65800, s8;
	[sflag:s3] =	ssyncadd.s32 $0xFFFFFFC0  }
0xb: {  	[tilespmem:s6], [sflag:$0x1] =	stream.indirect.gather [hbm4b:s5+s6], $0x40, s2, s6, $0xb8;
	[tilespmem:$0x1040] =	vst v63  }
0xc: {  	s11 =	sshll.u32 s11, $0x3;
	_ =	swait.ge [sflag:s7], $0x1000  }
0xd: {  	s11 =	sadd.s32 s11, s8;
	[sflag:s7] =	ssyncset.done $0x0  }
0xe: {  	s8 =	sadd.s32 $0x1BE00, s11;
	[sflag:s7] =	ssyncadd.s32 $0xFFFFF000  }
0xf: {  	[hbm4b:s8+s2] =	stream.linear.scatter [tilespmem:s6], [sflag:$0x2], $0x1000, $0x38;
	[tilespmem:$0x1040] =	vst v63  }
0x10: {  	_ =	swait.ge [sflag:s3], $0x1000  }
0x11: {  	[sflag:s3] =	ssyncset.done $0x0  }
0x12: {  	s10 =	ssub.s32 $0x2, s10;
	s9 =	sadd.s32 s9, s12;
	[sflag:s3] =	ssyncadd.s32 $0xFFFFF000  }
0x13: {  	[tilespmem:s2], [sflag:$0x2] =	stream.linear.gather [hbm4b:s9+s2], $0x40, $0x38;
	[tilespmem:$0x1040] =	vst v63  }
0x14: {  	s30 =	sshrl.u32 s10, $0x1;
	_ =	swait.ge [sflag:s3], $0x40  }
0x15: {  	s12 =	ssub.s32 s10, s30;
	[sflag:s3] =	ssyncset.done $0x0  }
0x16: {  	s31 =	smax.u32 s12, $0x1;
	[sflag:s3] =	ssyncadd.s32 $0xFFFFFFC0  }
0x17: {  	[tilespmem:s6], [sflag:$0x1] =	stream.indirect.gather [hbm4b:s5+s6], $0x40, s2, s6, $0xb8;
	[tilespmem:$0x1040] =	vst v63  }
0x18: {  	p0 =	sne.s32 s31, $0x1;
	_ =	swait.ge [sflag:s7], $0x1000  }
.Ltmp0:
0x19: {  	[sflag:s7] =	ssyncset.done $0x0;
	(pc) =	sbr.rel @!p0 .LBB2_2-.Ltmp0, $4  }
0x1a: {  	s10 =	sadd.s32 $0x79200, s11;
	[sflag:s7] =	ssyncadd.s32 $0xFFFFF000  }
0x1b: {  	[hbm4b:s10+s2] =	stream.linear.scatter [tilespmem:s6], [sflag:$0x2], $0x1000, $0x38;
	[tilespmem:$0x1040] =	vst v63  }
0x1c: {  	_ =	swait.ge [sflag:s3], $0x1000  }
0x1d: {  	s11 =	sadd.s32 $0xFFFFFFFF, s31;
	[sflag:s3] =	ssyncset.done $0x0  }
.LBB2_1:
0x1e: {  	p0 =	sne.s32 s11, $0x1;
	s11 =	sadd.s32 $0xFFFFFFFF, s11;
	[sflag:s3] =	ssyncadd.s32 $0xFFFFF000  }
0x1f: {  	[tilespmem:s2], [sflag:$0x2] =	stream.linear.gather [hbm4b:s4+s2], $0x40, $0x38;
	[tilespmem:$0x1040] =	vst v63  }
0x20: {  	_ =	swait.ge [sflag:s3], $0x40  }
0x21: {  	[sflag:s3] =	ssyncset.done $0x0  }
0x22: {  	[sflag:s3] =	ssyncadd.s32 $0xFFFFFFC0  }
0x23: {  	[tilespmem:s6], [sflag:$0x1] =	stream.indirect.gather [hbm4b:s5+s6], $0x40, s2, s6, $0xb8;
	[tilespmem:$0x1040] =	vst v63  }
0x24: {  	_ =	swait.ge [sflag:s7], $0x1000  }
0x25: {  	[sflag:s7] =	ssyncset.done $0x0  }
0x26: {  	[sflag:s7] =	ssyncadd.s32 $0xFFFFF000  }
0x27: {  	[hbm4b:s8+s2] =	stream.linear.scatter [tilespmem:s6], [sflag:$0x2], $0x1000, $0x38;
	[tilespmem:$0x1040] =	vst v63  }
0x28: {  	_ =	swait.ge [sflag:s3], $0x1000  }
0x29: {  	[sflag:s3] =	ssyncset.done $0x0  }
0x2a: {  	[sflag:s3] =	ssyncadd.s32 $0xFFFFF000  }
0x2b: {  	[tilespmem:s2], [sflag:$0x2] =	stream.linear.gather [hbm4b:s9+s2], $0x40, $0x38;
	[tilespmem:$0x1040] =	vst v63  }
0x2c: {  	_ =	swait.ge [sflag:s3], $0x40  }
0x2d: {  	[sflag:s3] =	ssyncset.done $0x0  }
0x2e: {  	[sflag:s3] =	ssyncadd.s32 $0xFFFFFFC0  }
0x2f: {  	[tilespmem:s6], [sflag:$0x1] =	stream.indirect.gather [hbm4b:s5+s6], $0x40, s2, s6, $0xb8;
	[tilespmem:$0x1040] =	vst v63  }
0x30: {  	_ =	swait.ge [sflag:s7], $0x1000  }
.Ltmp1:
0x31: {  	[sflag:s7] =	ssyncset.done $0x0;
	(pc) =	sbr.rel @p0 .LBB2_1-.Ltmp1, $4  }
0x32: {  	[sflag:s7] =	ssyncadd.s32 $0xFFFFF000  }
0x33: {  	[hbm4b:s10+s2] =	stream.linear.scatter [tilespmem:s6], [sflag:$0x2], $0x1000, $0x38;
	[tilespmem:$0x1040] =	vst v63  }
0x34: {  	_ =	swait.ge [sflag:s3], $0x1000  }
0x35: {  	[sflag:s3] =	ssyncset.done $0x0  }
.LBB2_2:
0x36: {  	[sflag:s3] =	ssyncadd.s32 $0xFFFFF000  }
0x37: {  	_ =	sfence.sel $0x180000  }
0x38: {  	[bflag:$0x0] =	sbarrier.arrive $0xFFFF  }
0x39: {  	p0 =	sne.s32 s0, $0x0;
	_ =	strace $0x90000056  }
0x3a: {  	s0 =	sadd.s32 @!p0 $0x100000, s1;
	[bflag:$0x2] =	sbarrier.arrive $0xFFFF  }
0x3b: {  	[sflag:s0] =	ssyncadd.tile.s32 @!p0 $0x1;
	_ =	shalt  }
.Lfunc_end2:
_tile_overlayer_lowered:
.L_overlay_start_2:
0x3c: {  	(tag) =	ssettag $0x2  }
0x3d: {  	s0 =	rddreg [dreg:$0x0];
	s2 =	stileid.u32  }
0x3e: {  	s1 =	rddreg [dreg:$0x1];
	p0 =	sne.s32 s2, $0x0  }
0x3f: {  	s3 =	rddreg [dreg:$0x2];
	[bflag:$0x3] =	sbarrier.arrive $0xFFFF;
	s2 =	simm.s32 @!p0 $0x1C02  }
0x40: {  	[timem:s3], [sflag:s2] =	dma.local @!p0 [hbm:s0], s1  }
0x41: {  	s0 =	simm.s32 @!p0 $0x2  }
0x42: {  	_ =	swait.ge @!p0 [sflag:s0], s1  }
0x43: {  	s1 =	ssub.s32 @!p0 $0x0, s1;
	[sflag:s0] =	ssyncset.done @!p0 $0x0  }
0x44: {  	[sflag:s0] =	ssyncadd.s32 @!p0 s1  }
0x45: {  	[bflag:$0x3] =	sbarrier.arrive $0xFFFF  }
0x46: {  	_ =	shalt  }

</sc_bundles>
